<compile_context>
chip_gen: v7x
topology: tpu7x:2x2x1
jax: 0.10.2.dev20260603
libtpu: 0.0.44.dev20260713+nightly
codegen_flags: <defaults>
</compile_context>

<pallas_src>
import jax
import numpy as np
import jax.numpy as jnp
from jax import lax
from jax.experimental import pallas as pl
from jax.experimental.pallas import tpu as pltpu
from jax.experimental.pallas import tpu_sc as plsc

T = 4096
NCH = T // 16
NEG = np.float32("-inf")
CLAMP = np.float32(-87.0)


def _iota():
    return lax.iota(jnp.int32, 16)


def _bi(x):
    return jnp.full((16,), x, jnp.int32)


def _bf(x):
    return jnp.full((16,), x, jnp.float32)


def _build_log_table():
    idx = np.arange(256)
    lo = (0x3F800000 + (idx << 16)).astype(np.uint32).view(np.float32)
    hi = (0x3F800000 + ((idx + 1) << 16)).astype(np.uint32).view(np.float32)
    m = ((lo.astype(np.float64) + hi.astype(np.float64)) / 2).astype(np.float32)
    md = m.astype(np.float64)
    c0 = np.log(md).astype(np.float32)
    c1 = (1.0 / md).astype(np.float32)
    c2 = (-0.5 / (md * md)).astype(np.float32)
    return np.concatenate([m, c0, c1, c2]).astype(np.float32)


_LOGT = _build_log_table()


def _log_tab(s, lt):
    sb = plsc.bitcast(s, jnp.int32)
    i0 = lax.shift_right_logical(sb + np.int32((256 << 16) - 0x3F800000), 16)
    m = plsc.bitcast((sb & np.int32(~0xFFFF)) | np.int32(0x8000), jnp.float32)
    c0 = plsc.load_gather(lt, [i0])
    c1 = plsc.load_gather(lt, [i0 + 256])
    c2 = plsc.load_gather(lt, [i0 + 512])
    x = s - m
    return ((c2 * x) * x + (c1 * x + c0))


def _lse3(v1, v2, v3, lt):
    mx = jnp.maximum(v1, jnp.maximum(v2, v3))
    e1 = jnp.exp(v1 - mx)
    e2 = jnp.exp(jnp.maximum(v2 - mx, CLAMP))
    e3 = jnp.exp(jnp.maximum(v3 - mx, CLAMP))
    return mx + _log_tab((e1 + e2) + e3, lt)


def _body(seq_hbm, pieces_hbm, plen_hbm, logp_hbm, logt_hbm, out_hbm,
          seqv, tb1, tb2, tb3, pcode, pmask, plenv, lpv, piecv,
          lc1, lc2, lc3, emit, aloc, bloc, nloc, pblk, ltv, ash, bsh):
    iota = _iota()
    s_id = lax.axis_index("s")
    c_id = lax.axis_index("c")

    pltpu.sync_copy(seq_hbm, seqv.at[pl.ds(0, T)])
    seqv[pl.ds(T, 16)] = jnp.zeros((16,), jnp.int32)
    pltpu.sync_copy(pieces_hbm, piecv.at[pl.ds(0, 96)])
    pltpu.sync_copy(plen_hbm, plenv.at[pl.ds(0, 32)])
    pltpu.sync_copy(logp_hbm, lpv.at[pl.ds(0, 32)])
    pltpu.sync_copy(logt_hbm, ltv)

    neg16 = _bf(NEG)
    for k in range(8):
        tb1[pl.ds(k * 16, 16)] = neg16
        tb2[pl.ds(k * 16, 16)] = neg16
    for k in range(32):
        tb3[pl.ds(k * 16, 16)] = neg16
    for h in range(2):
        l = plenv[pl.ds(h * 16, 16)]
        lp = lpv[pl.ds(h * 16, 16)]
        r3 = (_bi(h * 16) + iota) * 3
        p0 = plsc.load_gather(piecv, [r3])
        p1 = plsc.load_gather(piecv, [r3 + 1])
        p2 = plsc.load_gather(piecv, [r3 + 2])
        code = (p0 + jnp.where(l >= 2, p1 * 8, 0)) + jnp.where(l >= 3, p2 * 64, 0)
        mask = (_bi(1) << (l * 3)) - 1
        pcode[pl.ds(h * 16, 16)] = code
        pmask[pl.ds(h * 16, 16)] = mask
        plsc.store_scatter(tb1, [code & 7], lp, mask=l == 1)
        plsc.store_scatter(tb2, [code & 63], lp, mask=l == 2)
        plsc.store_scatter(tb3, [code & 511], lp, mask=l == 3)

    @pl.when(s_id == 0)
    def _():
        def lc_body(i, carry):
            j = _bi(i * 16) + iota
            gm2 = plsc.load_gather(seqv, [jnp.maximum(j - 2, 0)])
            gm1 = plsc.load_gather(seqv, [jnp.maximum(j - 1, 0)])
            g0 = plsc.load_gather(seqv, [j])
            g1 = plsc.load_gather(seqv, [j + 1])
            g2 = plsc.load_gather(seqv, [j + 2])
            plsc.store_scatter(lc1, [j], plsc.load_gather(tb1, [g0]))
            c2 = gm1 + 8 * g0
            v2 = plsc.load_gather(tb2, [c2])
            plsc.store_scatter(lc2, [j], jnp.where(j >= 1, v2, NEG))
            c3 = (gm2 + 8 * gm1) + 64 * g0
            v3 = plsc.load_gather(tb3, [c3])
            plsc.store_scatter(lc3, [j], jnp.where(j >= 2, v3, NEG))
            return carry

        lax.fori_loop(0, NCH, lc_body, 0)

        def scan_body(i, carry):
            a1, a2, a3 = carry
            acc = jnp.zeros((16,), jnp.float32)
            for u in range(16):
                jv = _bi(i * 16 + u)
                v1 = a1 + plsc.load_gather(lc1, [jv])
                v2 = a2 + plsc.load_gather(lc2, [jv])
                v3 = a3 + plsc.load_gather(lc3, [jv])
                an = _lse3(v1, v2, v3, ltv)
                acc = jnp.where(iota == u, an, acc)
                a3, a2, a1 = a2, a1, an
            plsc.store_scatter(emit, [_bi(i * 16) + iota], acc)
            return (a1, a2, a3)

        lax.fori_loop(0, NCH, scan_body, (_bf(0.0), neg16, neg16))
        pltpu.sync_copy(emit, ash)

    @pl.when(s_id == 1)
    def _():
        def lc_body(i, carry):
            t = _bi(i * 16) + iota
            g0 = plsc.load_gather(seqv, [t])
            g1 = plsc.load_gather(seqv, [t + 1])
            g2 = plsc.load_gather(seqv, [t + 2])
            plsc.store_scatter(lc1, [t], plsc.load_gather(tb1, [g0]))
            v2 = plsc.load_gather(tb2, [g0 + 8 * g1])
            plsc.store_scatter(lc2, [t], jnp.where(t <= T - 2, v2, NEG))
            v3 = plsc.load_gather(tb3, [(g0 + 8 * g1) + 64 * g2])
            plsc.store_scatter(lc3, [t], jnp.where(t <= T - 3, v3, NEG))
            return carry

        lax.fori_loop(0, NCH, lc_body, 0)

        def scan_body(i, carry):
            b1, b2, b3 = carry
            c = NCH - 1 - i
            acc = jnp.zeros((16,), jnp.float32)
            for u in range(15, -1, -1):
                tv = _bi(c * 16 + u)
                v1 = plsc.load_gather(lc1, [tv]) + b1
                v2 = plsc.load_gather(lc2, [tv]) + b2
                v3 = plsc.load_gather(lc3, [tv]) + b3
                bn = _lse3(v1, v2, v3, ltv)
                acc = jnp.where(iota == u, bn, acc)
                b3, b2, b1 = b2, b1, bn
            plsc.store_scatter(emit, [_bi(c * 16) + iota], acc)
            return (b1, b2, b3)

        lax.fori_loop(0, NCH, scan_body, (_bf(0.0), neg16, neg16))
        emit[pl.ds(T, 16)] = jnp.where(iota == 0, np.float32(0.0), NEG)
        pltpu.sync_copy(emit, bsh)

    plsc.subcore_barrier()

    base = c_id * 2048 + s_id * 128
    s0a = pl.multiple_of(jnp.maximum(base - 8, 0), 8)
    basem = pl.multiple_of(base, 128)
    pltpu.sync_copy(ash.at[pl.ds(s0a, 160)], aloc.at[pl.ds(0, 160)])
    pltpu.sync_copy(bsh.at[pl.ds(basem, 160)], bloc.at[pl.ds(0, 160)])
    pltpu.sync_copy(ash.at[pl.ds(T - 16, 16)], nloc.at[pl.ds(0, 16)])
    normv = plsc.load_gather(nloc, [_bi(15)])
    for ch in range(8):
        tv = _bi(base + ch * 16) + iota
        g0 = plsc.load_gather(seqv, [tv])
        g1 = plsc.load_gather(seqv, [tv + 1])
        g2 = plsc.load_gather(seqv, [tv + 2])
        codev = (g0 + 8 * g1) + 64 * g2
        ja = jnp.maximum(tv - 1 - s0a, 0)
        av = plsc.load_gather(aloc, [ja])
        av = jnp.where(tv == 0, np.float32(0.0), av)

        def pbody(v, carry):
            vv = _bi(v)
            cv = plsc.load_gather(pcode, [vv])
            mk = plsc.load_gather(pmask, [vv])
            ln = plsc.load_gather(plenv, [vv])
            lpb = plsc.load_gather(lpv, [vv])
            match = jnp.logical_and((codev & mk) == cv, tv <= T - ln)
            bv = plsc.load_gather(bloc, [(tv + ln) - base])
            logp_tv = ((av + lpb) + bv) - normv
            pv = jnp.exp(jnp.maximum(logp_tv, CLAMP))
            pv = jnp.where(match, pv, np.float32(0.0))
            plsc.store_scatter(pblk, [(_bi(ch * 16) + iota) * 32 + vv], pv)
            return carry

        lax.fori_loop(0, 32, pbody, 0)
    ob = pl.multiple_of(basem * 32, 4096)
    pltpu.sync_copy(pblk, out_hbm.at[pl.ds(ob, 4096)])


_kernel_call = pl.kernel(
    _body,
    out_type=jax.ShapeDtypeStruct((T * 32,), jnp.float32),
    mesh=plsc.VectorSubcoreMesh(core_axis_name="c", subcore_axis_name="s"),
    compiler_params=pltpu.CompilerParams(needs_layout_passes=False),
    scratch_types=[
        pltpu.VMEM((T + 128,), jnp.int32),
        pltpu.VMEM((128,), jnp.float32),
        pltpu.VMEM((128,), jnp.float32),
        pltpu.VMEM((512,), jnp.float32),
        pltpu.VMEM((128,), jnp.int32),
        pltpu.VMEM((128,), jnp.int32),
        pltpu.VMEM((128,), jnp.int32),
        pltpu.VMEM((128,), jnp.float32),
        pltpu.VMEM((128,), jnp.int32),
        pltpu.VMEM((T,), jnp.float32),
        pltpu.VMEM((T,), jnp.float32),
        pltpu.VMEM((T,), jnp.float32),
        pltpu.VMEM((T + 128,), jnp.float32),
        pltpu.VMEM((256,), jnp.float32),
        pltpu.VMEM((256,), jnp.float32),
        pltpu.VMEM((128,), jnp.float32),
        pltpu.VMEM((T,), jnp.float32),
        pltpu.VMEM((1024,), jnp.float32),
        pltpu.VMEM_SHARED((T + 128,), jnp.float32),
        pltpu.VMEM_SHARED((T + 128,), jnp.float32),
    ],
)


def kernel(sequence, pieces, piece_len, log_piece_probs):
    out = _kernel_call(sequence, pieces.reshape(96), piece_len,
                       log_piece_probs, jnp.asarray(_LOGT))
    return out.reshape(T, 32)

# --- scband reference (transcript-rebuilt; emitter-appended) ---
"""Pipeline reference for scband-unigram-lm-36034775613665 (READ-ONLY COPY).

The authoritative reference and input builder live on the scoring server;
editing this copy changes nothing except your own understanding.
"""

import jax, jax.numpy as jnp
import numpy as np

T = 4096
A = 8
L_MAX = 3

def build_vocab():
    pieces = []
    probs = []
    for i in range(A):
        pieces.append([i]); probs.append(0.05)
    for i in range(A):
        pieces.append([i, (i + 1) % A]); probs.append(0.025)
    for i in range(A):
        pieces.append([i, (i + 2) % A]); probs.append(0.025)
    for i in range(A):
        pieces.append([i, (i + 1) % A, (i + 2) % A]); probs.append(0.025)
    V = len(pieces)
    padded = np.full((V, L_MAX), -1, dtype=np.int32)
    lens = np.zeros((V,), dtype=np.int32)
    for idx, p in enumerate(pieces):
        lens[idx] = len(p)
        padded[idx, :len(p)] = np.array(p, dtype=np.int32)
    logp = np.log(np.array(probs, dtype=np.float64)).astype(np.float32)
    return padded, lens, logp

def setup_inputs(seed: int = 0):
    key = jax.random.key(seed)
    seq = jax.random.randint(key, (T,), 0, A, dtype=jnp.int32)
    padded, lens, logp = build_vocab()
    return {"sequence": seq, "pieces": jnp.asarray(padded), "piece_len": jnp.asarray(lens), "log_piece_probs": jnp.asarray(logp)}

def _lse(vals):
    m = jnp.max(vals)
    safe = jnp.where(jnp.isfinite(m), m, 0.0)
    return safe + jnp.log(jnp.sum(jnp.exp(vals - safe)))

def _forward(log_piece_probs, sequence, pieces, piece_len):
    Tn = sequence.shape[0]
    V, L = pieces.shape
    seq_pad = jnp.concatenate([sequence, jnp.full((L,), -2, dtype=sequence.dtype)])
    win = seq_pad[jnp.arange(Tn)[:, None] + jnp.arange(L)[None, :]]
    pad_ok = jnp.arange(L)[None, None, :] >= piece_len[None, :, None]
    eq = (win[:, None, :] == pieces[None, :, :]) | pad_ok
    fits = (jnp.arange(Tn)[:, None] + piece_len[None, :]) <= Tn
    match = jnp.all(eq, axis=-1) & fits
    logp = log_piece_probs
    n_idx = jnp.arange(1, Tn + 1)[:, None] - piece_len[None, :]
    mshift = jnp.take_along_axis(match, jnp.clip(n_idx, 0, Tn - 1), axis=0) & (n_idx >= 0)
    widx = L - piece_len
    def alpha_step(w, m_row):
        vals = jnp.where(m_row, w[widx] + logp, -jnp.inf)
        a_n = _lse(vals)
        w_new = jnp.concatenate([w[1:], a_n[None]])
        return w_new, a_n
    w0 = jnp.concatenate([jnp.full((L - 1,), -jnp.inf, dtype=jnp.float32), jnp.zeros((1,), dtype=jnp.float32)])
    _, alpha_rest = jax.lax.scan(alpha_step, w0, mshift)
    alpha = jnp.concatenate([jnp.zeros((1,), dtype=jnp.float32), alpha_rest])
    def beta_step(w, m_row):
        vals = jnp.where(m_row, logp + w[piece_len - 1], -jnp.inf)
        b_t = _lse(vals)
        w_new = jnp.concatenate([b_t[None], w[:-1]])
        return w_new, b_t
    wb0 = jnp.concatenate([jnp.zeros((1,), dtype=jnp.float32), jnp.full((L - 1,), -jnp.inf, dtype=jnp.float32)])
    _, beta_main = jax.lax.scan(beta_step, wb0, match, reverse=True)
    beta = jnp.concatenate([beta_main, jnp.zeros((1,), dtype=jnp.float32)])
    norm = alpha[Tn]
    nxt = jnp.clip(jnp.arange(Tn)[:, None] + piece_len[None, :], 0, Tn)
    beta_at = beta[nxt]
    logP = alpha[:Tn][:, None] + logp[None, :] + beta_at - norm
    P = jnp.where(match, jnp.exp(logP), 0.0)
    P = jnp.where(jnp.isfinite(norm), P, jnp.zeros_like(P))
    return P

def reference(sequence, pieces, piece_len, log_piece_probs):
    return _forward(log_piece_probs, sequence, pieces, piece_len)

if __name__ == "__main__":
    import jax
    _d = setup_inputs()
    print(jax.jit(kernel)(*tuple(_d.values())))

</pallas_src>

<mosaic_0001>
#map = affine_map<(d0, d1) -> (0)>
module attributes {stable_mosaic.version = 14 : i64} {
  func.func @_body(%arg0: i32, %arg1: i32, %arg2: memref<4096xi32, #tpu.memory_space<hbm>>, %arg3: memref<96xi32, #tpu.memory_space<hbm>>, %arg4: memref<32xi32, #tpu.memory_space<hbm>>, %arg5: memref<32xf32, #tpu.memory_space<hbm>>, %arg6: memref<1024xf32, #tpu.memory_space<hbm>>, %arg7: memref<131072xf32, #tpu.memory_space<hbm>>, %arg8: memref<4224xi32, #tpu.memory_space<vmem>>, %arg9: memref<128xf32, #tpu.memory_space<vmem>>, %arg10: memref<128xf32, #tpu.memory_space<vmem>>, %arg11: memref<512xf32, #tpu.memory_space<vmem>>, %arg12: memref<128xi32, #tpu.memory_space<vmem>>, %arg13: memref<128xi32, #tpu.memory_space<vmem>>, %arg14: memref<128xi32, #tpu.memory_space<vmem>>, %arg15: memref<128xf32, #tpu.memory_space<vmem>>, %arg16: memref<128xi32, #tpu.memory_space<vmem>>, %arg17: memref<4096xf32, #tpu.memory_space<vmem>>, %arg18: memref<4096xf32, #tpu.memory_space<vmem>>, %arg19: memref<4096xf32, #tpu.memory_space<vmem>>, %arg20: memref<4224xf32, #tpu.memory_space<vmem>>, %arg21: memref<256xf32, #tpu.memory_space<vmem>>, %arg22: memref<256xf32, #tpu.memory_space<vmem>>, %arg23: memref<128xf32, #tpu.memory_space<vmem>>, %arg24: memref<4096xf32, #tpu.memory_space<vmem>>, %arg25: memref<1024xf32, #tpu.memory_space<vmem>>, %arg26: memref<4224xf32, #tpu.memory_space<vmem_shared>>, %arg27: memref<4224xf32, #tpu.memory_space<vmem_shared>>) attributes {dimension_semantics = [#tpu.dimension_semantics<core_parallel>, #tpu.dimension_semantics<subcore_parallel>], iteration_bounds = array<i64: 2, 16>, scalar_prefetch = 0 : i64, scratch_operands = 20 : i64, tpu.core_type = #tpu.core_type<sc_vector_subcore>, window_params = [{transform_indices = #map}, {transform_indices = #map}, {transform_indices = #map}, {transform_indices = #map}, {transform_indices = #map}, {transform_indices = #map}]} {
    %iota3A = tpu.iota {dimensions = array<i32: 0>} : vector<16xi32>
    "tpu.region"() ({
      %run_scoped3A = tpu.sem_alloc : memref<!tpu.dma_semaphore, #tpu.memory_space<semaphore_mem>>
      %dma_start3A = arith.constant 0 : i32
      %dma_start3A_587 = tpu.memref_slice %arg8[%dma_start3A] : memref<4224xi32, #tpu.memory_space<vmem>> -> memref<4096xi32, #tpu.memory_space<vmem>>
      %dma_start3A_588 = arith.constant 0 : i32
      %dma_start3A_589 = tpu.memref_slice %arg8[%dma_start3A_588] : memref<4224xi32, #tpu.memory_space<vmem>> -> memref<4096xi32, #tpu.memory_space<vmem>>
      tpu.enqueue_dma source(%arg2 : memref<4096xi32, #tpu.memory_space<hbm>>) target(%dma_start3A_589 : memref<4096xi32, #tpu.memory_space<vmem>>) target_semaphore(%run_scoped3A : memref<!tpu.dma_semaphore, #tpu.memory_space<semaphore_mem>>)
      %dma_wait3A = arith.constant 0 : i32
      %dma_wait3A_590 = tpu.memref_slice %arg8[%dma_wait3A] : memref<4224xi32, #tpu.memory_space<vmem>> -> memref<4096xi32, #tpu.memory_space<vmem>>
      %dma_wait3A_591 = arith.constant 0 : i32
      %dma_wait3A_592 = tpu.memref_slice %arg8[%dma_wait3A_591] : memref<4224xi32, #tpu.memory_space<vmem>> -> memref<4096xi32, #tpu.memory_space<vmem>>
      tpu.wait_dma2 semaphore(%run_scoped3A : memref<!tpu.dma_semaphore, #tpu.memory_space<semaphore_mem>>) src(%arg2 : memref<4096xi32, #tpu.memory_space<hbm>>) dst(%dma_wait3A_592 : memref<4096xi32, #tpu.memory_space<vmem>>)
      tpu.yield
    }) : () -> ()
    %broadcast_in_dim3A = arith.constant 0 : i32
    %broadcast_in_dim3A_0 = vector.broadcast %broadcast_in_dim3A : i32 to vector<16xi32>
    %swap3A = arith.constant 4096 : index
    %swap3A_1 = tpu.vector_load %arg8[%swap3A] {strides = array<i32>} : memref<4224xi32, #tpu.memory_space<vmem>>, vector<16xi32>,
    tpu.vector_store %arg8[%swap3A], %broadcast_in_dim3A_0 {strides = array<i32>} : memref<4224xi32, #tpu.memory_space<vmem>>, vector<16xi32>,
    "tpu.region"() ({
      %run_scoped3A = tpu.sem_alloc : memref<!tpu.dma_semaphore, #tpu.memory_space<semaphore_mem>>
      %dma_start3A = arith.constant 0 : i32
      %dma_start3A_587 = tpu.memref_slice %arg16[%dma_start3A] : memref<128xi32, #tpu.memory_space<vmem>> -> memref<96xi32, #tpu.memory_space<vmem>>
      %dma_start3A_588 = arith.constant 0 : i32
      %dma_start3A_589 = tpu.memref_slice %arg16[%dma_start3A_588] : memref<128xi32, #tpu.memory_space<vmem>> -> memref<96xi32, #tpu.memory_space<vmem>>
      tpu.enqueue_dma source(%arg3 : memref<96xi32, #tpu.memory_space<hbm>>) target(%dma_start3A_589 : memref<96xi32, #tpu.memory_space<vmem>>) target_semaphore(%run_scoped3A : memref<!tpu.dma_semaphore, #tpu.memory_space<semaphore_mem>>)
      %dma_wait3A = arith.constant 0 : i32
      %dma_wait3A_590 = tpu.memref_slice %arg16[%dma_wait3A] : memref<128xi32, #tpu.memory_space<vmem>> -> memref<96xi32, #tpu.memory_space<vmem>>
      %dma_wait3A_591 = arith.constant 0 : i32
      %dma_wait3A_592 = tpu.memref_slice %arg16[%dma_wait3A_591] : memref<128xi32, #tpu.memory_space<vmem>> -> memref<96xi32, #tpu.memory_space<vmem>>
      tpu.wait_dma2 semaphore(%run_scoped3A : memref<!tpu.dma_semaphore, #tpu.memory_space<semaphore_mem>>) src(%arg3 : memref<96xi32, #tpu.memory_space<hbm>>) dst(%dma_wait3A_592 : memref<96xi32, #tpu.memory_space<vmem>>)
      tpu.yield
    }) : () -> ()
    "tpu.region"() ({
      %run_scoped3A = tpu.sem_alloc : memref<!tpu.dma_semaphore, #tpu.memory_space<semaphore_mem>>
      %dma_start3A = arith.constant 0 : i32
      %dma_start3A_587 = tpu.memref_slice %arg14[%dma_start3A] : memref<128xi32, #tpu.memory_space<vmem>> -> memref<32xi32, #tpu.memory_space<vmem>>
      %dma_start3A_588 = arith.constant 0 : i32
      %dma_start3A_589 = tpu.memref_slice %arg14[%dma_start3A_588] : memref<128xi32, #tpu.memory_space<vmem>> -> memref<32xi32, #tpu.memory_space<vmem>>
      tpu.enqueue_dma source(%arg4 : memref<32xi32, #tpu.memory_space<hbm>>) target(%dma_start3A_589 : memref<32xi32, #tpu.memory_space<vmem>>) target_semaphore(%run_scoped3A : memref<!tpu.dma_semaphore, #tpu.memory_space<semaphore_mem>>)
      %dma_wait3A = arith.constant 0 : i32
      %dma_wait3A_590 = tpu.memref_slice %arg14[%dma_wait3A] : memref<128xi32, #tpu.memory_space<vmem>> -> memref<32xi32, #tpu.memory_space<vmem>>
      %dma_wait3A_591 = arith.constant 0 : i32
      %dma_wait3A_592 = tpu.memref_slice %arg14[%dma_wait3A_591] : memref<128xi32, #tpu.memory_space<vmem>> -> memref<32xi32, #tpu.memory_space<vmem>>
      tpu.wait_dma2 semaphore(%run_scoped3A : memref<!tpu.dma_semaphore, #tpu.memory_space<semaphore_mem>>) src(%arg4 : memref<32xi32, #tpu.memory_space<hbm>>) dst(%dma_wait3A_592 : memref<32xi32, #tpu.memory_space<vmem>>)
      tpu.yield
    }) : () -> ()
    "tpu.region"() ({
      %run_scoped3A = tpu.sem_alloc : memref<!tpu.dma_semaphore, #tpu.memory_space<semaphore_mem>>
      %dma_start3A = arith.constant 0 : i32
      %dma_start3A_587 = tpu.memref_slice %arg15[%dma_start3A] : memref<128xf32, #tpu.memory_space<vmem>> -> memref<32xf32, #tpu.memory_space<vmem>>
      %dma_start3A_588 = arith.constant 0 : i32
      %dma_start3A_589 = tpu.memref_slice %arg15[%dma_start3A_588] : memref<128xf32, #tpu.memory_space<vmem>> -> memref<32xf32, #tpu.memory_space<vmem>>
      tpu.enqueue_dma source(%arg5 : memref<32xf32, #tpu.memory_space<hbm>>) target(%dma_start3A_589 : memref<32xf32, #tpu.memory_space<vmem>>) target_semaphore(%run_scoped3A : memref<!tpu.dma_semaphore, #tpu.memory_space<semaphore_mem>>)
      %dma_wait3A = arith.constant 0 : i32
      %dma_wait3A_590 = tpu.memref_slice %arg15[%dma_wait3A] : memref<128xf32, #tpu.memory_space<vmem>> -> memref<32xf32, #tpu.memory_space<vmem>>
      %dma_wait3A_591 = arith.constant 0 : i32
      %dma_wait3A_592 = tpu.memref_slice %arg15[%dma_wait3A_591] : memref<128xf32, #tpu.memory_space<vmem>> -> memref<32xf32, #tpu.memory_space<vmem>>
      tpu.wait_dma2 semaphore(%run_scoped3A : memref<!tpu.dma_semaphore, #tpu.memory_space<semaphore_mem>>) src(%arg5 : memref<32xf32, #tpu.memory_space<hbm>>) dst(%dma_wait3A_592 : memref<32xf32, #tpu.memory_space<vmem>>)
      tpu.yield
    }) : () -> ()
    "tpu.region"() ({
      %run_scoped3A = tpu.sem_alloc : memref<!tpu.dma_semaphore, #tpu.memory_space<semaphore_mem>>
      tpu.enqueue_dma source(%arg6 : memref<1024xf32, #tpu.memory_space<hbm>>) target(%arg25 : memref<1024xf32, #tpu.memory_space<vmem>>) target_semaphore(%run_scoped3A : memref<!tpu.dma_semaphore, #tpu.memory_space<semaphore_mem>>)
      tpu.wait_dma2 semaphore(%run_scoped3A : memref<!tpu.dma_semaphore, #tpu.memory_space<semaphore_mem>>) src(%arg6 : memref<1024xf32, #tpu.memory_space<hbm>>) dst(%arg25 : memref<1024xf32, #tpu.memory_space<vmem>>)
      tpu.yield
    }) : () -> ()
    %broadcast_in_dim3A_2 = arith.constant 0xFF800000 : f32
    %broadcast_in_dim3A_3 = vector.broadcast %broadcast_in_dim3A_2 : f32 to vector<16xf32>
    %swap3A_4 = arith.constant 0 : index
    %swap3A_5 = tpu.vector_load %arg9[%swap3A_4] {strides = array<i32>} : memref<128xf32, #tpu.memory_space<vmem>>, vector<16xf32>,
    tpu.vector_store %arg9[%swap3A_4], %broadcast_in_dim3A_3 {strides = array<i32>} : memref<128xf32, #tpu.memory_space<vmem>>, vector<16xf32>,
    %swap3A_6 = arith.constant 0 : index
    %swap3A_7 = tpu.vector_load %arg10[%swap3A_6] {strides = array<i32>} : memref<128xf32, #tpu.memory_space<vmem>>, vector<16xf32>,
    tpu.vector_store %arg10[%swap3A_6], %broadcast_in_dim3A_3 {strides = array<i32>} : memref<128xf32, #tpu.memory_space<vmem>>, vector<16xf32>,
    %swap3A_8 = arith.constant 16 : index
    %swap3A_9 = tpu.vector_load %arg9[%swap3A_8] {strides = array<i32>} : memref<128xf32, #tpu.memory_space<vmem>>, vector<16xf32>,
    tpu.vector_store %arg9[%swap3A_8], %broadcast_in_dim3A_3 {strides = array<i32>} : memref<128xf32, #tpu.memory_space<vmem>>, vector<16xf32>,
    %swap3A_10 = arith.constant 16 : index
    %swap3A_11 = tpu.vector_load %arg10[%swap3A_10] {strides = array<i32>} : memref<128xf32, #tpu.memory_space<vmem>>, vector<16xf32>,
    tpu.vector_store %arg10[%swap3A_10], %broadcast_in_dim3A_3 {strides = array<i32>} : memref<128xf32, #tpu.memory_space<vmem>>, vector<16xf32>,
    %swap3A_12 = arith.constant 32 : index
    %swap3A_13 = tpu.vector_load %arg9[%swap3A_12] {strides = array<i32>} : memref<128xf32, #tpu.memory_space<vmem>>, vector<16xf32>,
    tpu.vector_store %arg9[%swap3A_12], %broadcast_in_dim3A_3 {strides = array<i32>} : memref<128xf32, #tpu.memory_space<vmem>>, vector<16xf32>,
    %swap3A_14 = arith.constant 32 : index
    %swap3A_15 = tpu.vector_load %arg10[%swap3A_14] {strides = array<i32>} : memref<128xf32, #tpu.memory_space<vmem>>, vector<16xf32>,
    tpu.vector_store %arg10[%swap3A_14], %broadcast_in_dim3A_3 {strides = array<i32>} : memref<128xf32, #tpu.memory_space<vmem>>, vector<16xf32>,
    %swap3A_16 = arith.constant 48 : index
    %swap3A_17 = tpu.vector_load %arg9[%swap3A_16] {strides = array<i32>} : memref<128xf32, #tpu.memory_space<vmem>>, vector<16xf32>,
    tpu.vector_store %arg9[%swap3A_16], %broadcast_in_dim3A_3 {strides = array<i32>} : memref<128xf32, #tpu.memory_space<vmem>>, vector<16xf32>,
    %swap3A_18 = arith.constant 48 : index
    %swap3A_19 = tpu.vector_load %arg10[%swap3A_18] {strides = array<i32>} : memref<128xf32, #tpu.memory_space<vmem>>, vector<16xf32>,
    tpu.vector_store %arg10[%swap3A_18], %broadcast_in_dim3A_3 {strides = array<i32>} : memref<128xf32, #tpu.memory_space<vmem>>, vector<16xf32>,
    %swap3A_20 = arith.constant 64 : index
    %swap3A_21 = tpu.vector_load %arg9[%swap3A_20] {strides = array<i32>} : memref<128xf32, #tpu.memory_space<vmem>>, vector<16xf32>,
    tpu.vector_store %arg9[%swap3A_20], %broadcast_in_dim3A_3 {strides = array<i32>} : memref<128xf32, #tpu.memory_space<vmem>>, vector<16xf32>,
    %swap3A_22 = arith.constant 64 : index
    %swap3A_23 = tpu.vector_load %arg10[%swap3A_22] {strides = array<i32>} : memref<128xf32, #tpu.memory_space<vmem>>, vector<16xf32>,
    tpu.vector_store %arg10[%swap3A_22], %broadcast_in_dim3A_3 {strides = array<i32>} : memref<128xf32, #tpu.memory_space<vmem>>, vector<16xf32>,
    %swap3A_24 = arith.constant 80 : index
    %swap3A_25 = tpu.vector_load %arg9[%swap3A_24] {strides = array<i32>} : memref<128xf32, #tpu.memory_space<vmem>>, vector<16xf32>,
    tpu.vector_store %arg9[%swap3A_24], %broadcast_in_dim3A_3 {strides = array<i32>} : memref<128xf32, #tpu.memory_space<vmem>>, vector<16xf32>,
    %swap3A_26 = arith.constant 80 : index
    %swap3A_27 = tpu.vector_load %arg10[%swap3A_26] {strides = array<i32>} : memref<128xf32, #tpu.memory_space<vmem>>, vector<16xf32>,
    tpu.vector_store %arg10[%swap3A_26], %broadcast_in_dim3A_3 {strides = array<i32>} : memref<128xf32, #tpu.memory_space<vmem>>, vector<16xf32>,
    %swap3A_28 = arith.constant 96 : index
    %swap3A_29 = tpu.vector_load %arg9[%swap3A_28] {strides = array<i32>} : memref<128xf32, #tpu.memory_space<vmem>>, vector<16xf32>,
    tpu.vector_store %arg9[%swap3A_28], %broadcast_in_dim3A_3 {strides = array<i32>} : memref<128xf32, #tpu.memory_space<vmem>>, vector<16xf32>,
    %swap3A_30 = arith.constant 96 : index
    %swap3A_31 = tpu.vector_load %arg10[%swap3A_30] {strides = array<i32>} : memref<128xf32, #tpu.memory_space<vmem>>, vector<16xf32>,
    tpu.vector_store %arg10[%swap3A_30], %broadcast_in_dim3A_3 {strides = array<i32>} : memref<128xf32, #tpu.memory_space<vmem>>, vector<16xf32>,
    %swap3A_32 = arith.constant 112 : index
    %swap3A_33 = tpu.vector_load %arg9[%swap3A_32] {strides = array<i32>} : memref<128xf32, #tpu.memory_space<vmem>>, vector<16xf32>,
    tpu.vector_store %arg9[%swap3A_32], %broadcast_in_dim3A_3 {strides = array<i32>} : memref<128xf32, #tpu.memory_space<vmem>>, vector<16xf32>,
    %swap3A_34 = arith.constant 112 : index
    %swap3A_35 = tpu.vector_load %arg10[%swap3A_34] {strides = array<i32>} : memref<128xf32, #tpu.memory_space<vmem>>, vector<16xf32>,
    tpu.vector_store %arg10[%swap3A_34], %broadcast_in_dim3A_3 {strides = array<i32>} : memref<128xf32, #tpu.memory_space<vmem>>, vector<16xf32>,
    %swap3A_36 = arith.constant 0 : index
    %swap3A_37 = tpu.vector_load %arg11[%swap3A_36] {strides = array<i32>} : memref<512xf32, #tpu.memory_space<vmem>>, vector<16xf32>,
    tpu.vector_store %arg11[%swap3A_36], %broadcast_in_dim3A_3 {strides = array<i32>} : memref<512xf32, #tpu.memory_space<vmem>>, vector<16xf32>,
    %swap3A_38 = arith.constant 16 : index
    %swap3A_39 = tpu.vector_load %arg11[%swap3A_38] {strides = array<i32>} : memref<512xf32, #tpu.memory_space<vmem>>, vector<16xf32>,
    tpu.vector_store %arg11[%swap3A_38], %broadcast_in_dim3A_3 {strides = array<i32>} : memref<512xf32, #tpu.memory_space<vmem>>, vector<16xf32>,
    %swap3A_40 = arith.constant 32 : index
    %swap3A_41 = tpu.vector_load %arg11[%swap3A_40] {strides = array<i32>} : memref<512xf32, #tpu.memory_space<vmem>>, vector<16xf32>,
    tpu.vector_store %arg11[%swap3A_40], %broadcast_in_dim3A_3 {strides = array<i32>} : memref<512xf32, #tpu.memory_space<vmem>>, vector<16xf32>,
    %swap3A_42 = arith.constant 48 : index
    %swap3A_43 = tpu.vector_load %arg11[%swap3A_42] {strides = array<i32>} : memref<512xf32, #tpu.memory_space<vmem>>, vector<16xf32>,
    tpu.vector_store %arg11[%swap3A_42], %broadcast_in_dim3A_3 {strides = array<i32>} : memref<512xf32, #tpu.memory_space<vmem>>, vector<16xf32>,
    %swap3A_44 = arith.constant 64 : index
    %swap3A_45 = tpu.vector_load %arg11[%swap3A_44] {strides = array<i32>} : memref<512xf32, #tpu.memory_space<vmem>>, vector<16xf32>,
    tpu.vector_store %arg11[%swap3A_44], %broadcast_in_dim3A_3 {strides = array<i32>} : memref<512xf32, #tpu.memory_space<vmem>>, vector<16xf32>,
    %swap3A_46 = arith.constant 80 : index
    %swap3A_47 = tpu.vector_load %arg11[%swap3A_46] {strides = array<i32>} : memref<512xf32, #tpu.memory_space<vmem>>, vector<16xf32>,
    tpu.vector_store %arg11[%swap3A_46], %broadcast_in_dim3A_3 {strides = array<i32>} : memref<512xf32, #tpu.memory_space<vmem>>, vector<16xf32>,
    %swap3A_48 = arith.constant 96 : index
    %swap3A_49 = tpu.vector_load %arg11[%swap3A_48] {strides = array<i32>} : memref<512xf32, #tpu.memory_space<vmem>>, vector<16xf32>,
    tpu.vector_store %arg11[%swap3A_48], %broadcast_in_dim3A_3 {strides = array<i32>} : memref<512xf32, #tpu.memory_space<vmem>>, vector<16xf32>,
    %swap3A_50 = arith.constant 112 : index
    %swap3A_51 = tpu.vector_load %arg11[%swap3A_50] {strides = array<i32>} : memref<512xf32, #tpu.memory_space<vmem>>, vector<16xf32>,
    tpu.vector_store %arg11[%swap3A_50], %broadcast_in_dim3A_3 {strides = array<i32>} : memref<512xf32, #tpu.memory_space<vmem>>, vector<16xf32>,
    %swap3A_52 = arith.constant 128 : index
    %swap3A_53 = tpu.vector_load %arg11[%swap3A_52] {strides = array<i32>} : memref<512xf32, #tpu.memory_space<vmem>>, vector<16xf32>,
    tpu.vector_store %arg11[%swap3A_52], %broadcast_in_dim3A_3 {strides = array<i32>} : memref<512xf32, #tpu.memory_space<vmem>>, vector<16xf32>,
    %swap3A_54 = arith.constant 144 : index
    %swap3A_55 = tpu.vector_load %arg11[%swap3A_54] {strides = array<i32>} : memref<512xf32, #tpu.memory_space<vmem>>, vector<16xf32>,
    tpu.vector_store %arg11[%swap3A_54], %broadcast_in_dim3A_3 {strides = array<i32>} : memref<512xf32, #tpu.memory_space<vmem>>, vector<16xf32>,
    %swap3A_56 = arith.constant 160 : index
    %swap3A_57 = tpu.vector_load %arg11[%swap3A_56] {strides = array<i32>} : memref<512xf32, #tpu.memory_space<vmem>>, vector<16xf32>,
    tpu.vector_store %arg11[%swap3A_56], %broadcast_in_dim3A_3 {strides = array<i32>} : memref<512xf32, #tpu.memory_space<vmem>>, vector<16xf32>,
    %swap3A_58 = arith.constant 176 : index
    %swap3A_59 = tpu.vector_load %arg11[%swap3A_58] {strides = array<i32>} : memref<512xf32, #tpu.memory_space<vmem>>, vector<16xf32>,
    tpu.vector_store %arg11[%swap3A_58], %broadcast_in_dim3A_3 {strides = array<i32>} : memref<512xf32, #tpu.memory_space<vmem>>, vector<16xf32>,
    %swap3A_60 = arith.constant 192 : index
    %swap3A_61 = tpu.vector_load %arg11[%swap3A_60] {strides = array<i32>} : memref<512xf32, #tpu.memory_space<vmem>>, vector<16xf32>,
    tpu.vector_store %arg11[%swap3A_60], %broadcast_in_dim3A_3 {strides = array<i32>} : memref<512xf32, #tpu.memory_space<vmem>>, vector<16xf32>,
    %swap3A_62 = arith.constant 208 : index
    %swap3A_63 = tpu.vector_load %arg11[%swap3A_62] {strides = array<i32>} : memref<512xf32, #tpu.memory_space<vmem>>, vector<16xf32>,
    tpu.vector_store %arg11[%swap3A_62], %broadcast_in_dim3A_3 {strides = array<i32>} : memref<512xf32, #tpu.memory_space<vmem>>, vector<16xf32>,
    %swap3A_64 = arith.constant 224 : index
    %swap3A_65 = tpu.vector_load %arg11[%swap3A_64] {strides = array<i32>} : memref<512xf32, #tpu.memory_space<vmem>>, vector<16xf32>,
    tpu.vector_store %arg11[%swap3A_64], %broadcast_in_dim3A_3 {strides = array<i32>} : memref<512xf32, #tpu.memory_space<vmem>>, vector<16xf32>,
    %swap3A_66 = arith.constant 240 : index
    %swap3A_67 = tpu.vector_load %arg11[%swap3A_66] {strides = array<i32>} : memref<512xf32, #tpu.memory_space<vmem>>, vector<16xf32>,
    tpu.vector_store %arg11[%swap3A_66], %broadcast_in_dim3A_3 {strides = array<i32>} : memref<512xf32, #tpu.memory_space<vmem>>, vector<16xf32>,
    %swap3A_68 = arith.constant 256 : index
    %swap3A_69 = tpu.vector_load %arg11[%swap3A_68] {strides = array<i32>} : memref<512xf32, #tpu.memory_space<vmem>>, vector<16xf32>,
    tpu.vector_store %arg11[%swap3A_68], %broadcast_in_dim3A_3 {strides = array<i32>} : memref<512xf32, #tpu.memory_space<vmem>>, vector<16xf32>,
    %swap3A_70 = arith.constant 272 : index
    %swap3A_71 = tpu.vector_load %arg11[%swap3A_70] {strides = array<i32>} : memref<512xf32, #tpu.memory_space<vmem>>, vector<16xf32>,
    tpu.vector_store %arg11[%swap3A_70], %broadcast_in_dim3A_3 {strides = array<i32>} : memref<512xf32, #tpu.memory_space<vmem>>, vector<16xf32>,
    %swap3A_72 = arith.constant 288 : index
    %swap3A_73 = tpu.vector_load %arg11[%swap3A_72] {strides = array<i32>} : memref<512xf32, #tpu.memory_space<vmem>>, vector<16xf32>,
    tpu.vector_store %arg11[%swap3A_72], %broadcast_in_dim3A_3 {strides = array<i32>} : memref<512xf32, #tpu.memory_space<vmem>>, vector<16xf32>,
    %swap3A_74 = arith.constant 304 : index
    %swap3A_75 = tpu.vector_load %arg11[%swap3A_74] {strides = array<i32>} : memref<512xf32, #tpu.memory_space<vmem>>, vector<16xf32>,
    tpu.vector_store %arg11[%swap3A_74], %broadcast_in_dim3A_3 {strides = array<i32>} : memref<512xf32, #tpu.memory_space<vmem>>, vector<16xf32>,
    %swap3A_76 = arith.constant 320 : index
    %swap3A_77 = tpu.vector_load %arg11[%swap3A_76] {strides = array<i32>} : memref<512xf32, #tpu.memory_space<vmem>>, vector<16xf32>,
    tpu.vector_store %arg11[%swap3A_76], %broadcast_in_dim3A_3 {strides = array<i32>} : memref<512xf32, #tpu.memory_space<vmem>>, vector<16xf32>,
    %swap3A_78 = arith.constant 336 : index
    %swap3A_79 = tpu.vector_load %arg11[%swap3A_78] {strides = array<i32>} : memref<512xf32, #tpu.memory_space<vmem>>, vector<16xf32>,
    tpu.vector_store %arg11[%swap3A_78], %broadcast_in_dim3A_3 {strides = array<i32>} : memref<512xf32, #tpu.memory_space<vmem>>, vector<16xf32>,
    %swap3A_80 = arith.constant 352 : index
    %swap3A_81 = tpu.vector_load %arg11[%swap3A_80] {strides = array<i32>} : memref<512xf32, #tpu.memory_space<vmem>>, vector<16xf32>,
    tpu.vector_store %arg11[%swap3A_80], %broadcast_in_dim3A_3 {strides = array<i32>} : memref<512xf32, #tpu.memory_space<vmem>>, vector<16xf32>,
    %swap3A_82 = arith.constant 368 : index
    %swap3A_83 = tpu.vector_load %arg11[%swap3A_82] {strides = array<i32>} : memref<512xf32, #tpu.memory_space<vmem>>, vector<16xf32>,
    tpu.vector_store %arg11[%swap3A_82], %broadcast_in_dim3A_3 {strides = array<i32>} : memref<512xf32, #tpu.memory_space<vmem>>, vector<16xf32>,
    %swap3A_84 = arith.constant 384 : index
    %swap3A_85 = tpu.vector_load %arg11[%swap3A_84] {strides = array<i32>} : memref<512xf32, #tpu.memory_space<vmem>>, vector<16xf32>,
    tpu.vector_store %arg11[%swap3A_84], %broadcast_in_dim3A_3 {strides = array<i32>} : memref<512xf32, #tpu.memory_space<vmem>>, vector<16xf32>,
    %swap3A_86 = arith.constant 400 : index
    %swap3A_87 = tpu.vector_load %arg11[%swap3A_86] {strides = array<i32>} : memref<512xf32, #tpu.memory_space<vmem>>, vector<16xf32>,
    tpu.vector_store %arg11[%swap3A_86], %broadcast_in_dim3A_3 {strides = array<i32>} : memref<512xf32, #tpu.memory_space<vmem>>, vector<16xf32>,
    %swap3A_88 = arith.constant 416 : index
    %swap3A_89 = tpu.vector_load %arg11[%swap3A_88] {strides = array<i32>} : memref<512xf32, #tpu.memory_space<vmem>>, vector<16xf32>,
    tpu.vector_store %arg11[%swap3A_88], %broadcast_in_dim3A_3 {strides = array<i32>} : memref<512xf32, #tpu.memory_space<vmem>>, vector<16xf32>,
    %swap3A_90 = arith.constant 432 : index
    %swap3A_91 = tpu.vector_load %arg11[%swap3A_90] {strides = array<i32>} : memref<512xf32, #tpu.memory_space<vmem>>, vector<16xf32>,
    tpu.vector_store %arg11[%swap3A_90], %broadcast_in_dim3A_3 {strides = array<i32>} : memref<512xf32, #tpu.memory_space<vmem>>, vector<16xf32>,
    %swap3A_92 = arith.constant 448 : index
    %swap3A_93 = tpu.vector_load %arg11[%swap3A_92] {strides = array<i32>} : memref<512xf32, #tpu.memory_space<vmem>>, vector<16xf32>,
    tpu.vector_store %arg11[%swap3A_92], %broadcast_in_dim3A_3 {strides = array<i32>} : memref<512xf32, #tpu.memory_space<vmem>>, vector<16xf32>,
    %swap3A_94 = arith.constant 464 : index
    %swap3A_95 = tpu.vector_load %arg11[%swap3A_94] {strides = array<i32>} : memref<512xf32, #tpu.memory_space<vmem>>, vector<16xf32>,
    tpu.vector_store %arg11[%swap3A_94], %broadcast_in_dim3A_3 {strides = array<i32>} : memref<512xf32, #tpu.memory_space<vmem>>, vector<16xf32>,
    %swap3A_96 = arith.constant 480 : index
    %swap3A_97 = tpu.vector_load %arg11[%swap3A_96] {strides = array<i32>} : memref<512xf32, #tpu.memory_space<vmem>>, vector<16xf32>,
    tpu.vector_store %arg11[%swap3A_96], %broadcast_in_dim3A_3 {strides = array<i32>} : memref<512xf32, #tpu.memory_space<vmem>>, vector<16xf32>,
    %swap3A_98 = arith.constant 496 : index
    %swap3A_99 = tpu.vector_load %arg11[%swap3A_98] {strides = array<i32>} : memref<512xf32, #tpu.memory_space<vmem>>, vector<16xf32>,
    tpu.vector_store %arg11[%swap3A_98], %broadcast_in_dim3A_3 {strides = array<i32>} : memref<512xf32, #tpu.memory_space<vmem>>, vector<16xf32>,
    %get3A = arith.constant 0 : index
    %get3A_100 = tpu.vector_load %arg14[%get3A] {strides = array<i32>} : memref<128xi32, #tpu.memory_space<vmem>>, vector<16xi32>,
    %get3A_101 = arith.constant 0 : index
    %get3A_102 = tpu.vector_load %arg15[%get3A_101] {strides = array<i32>} : memref<128xf32, #tpu.memory_space<vmem>>, vector<16xf32>,
    %broadcast_in_dim3A_103 = arith.constant 0 : i32
    %broadcast_in_dim3A_104 = vector.broadcast %broadcast_in_dim3A_103 : i32 to vector<16xi32>
    %add3A = arith.addi %broadcast_in_dim3A_104, %iota3A : vector<16xi32>
    %mul3A = arith.constant 3 : i32
    %mul3A_105 = vector.broadcast %mul3A : i32 to vector<16xi32>
    %mul3A_106 = arith.muli %add3A, %mul3A_105 : vector<16xi32>
    %gather3A = tpu.vector_load_idx %arg16[%mul3A_106] : memref<128xi32, #tpu.memory_space<vmem>>[vector<16xi32>], vector<16xi32>,
    %add3A_107 = arith.constant 1 : i32
    %add3A_108 = vector.broadcast %add3A_107 : i32 to vector<16xi32>
    %add3A_109 = arith.addi %mul3A_106, %add3A_108 : vector<16xi32>
    %gather3A_110 = tpu.vector_load_idx %arg16[%add3A_109] : memref<128xi32, #tpu.memory_space<vmem>>[vector<16xi32>], vector<16xi32>,
    %add3A_111 = arith.constant 2 : i32
    %add3A_112 = vector.broadcast %add3A_111 : i32 to vector<16xi32>
    %add3A_113 = arith.addi %mul3A_106, %add3A_112 : vector<16xi32>
    %gather3A_114 = tpu.vector_load_idx %arg16[%add3A_113] : memref<128xi32, #tpu.memory_space<vmem>>[vector<16xi32>], vector<16xi32>,
    %ge3A = arith.constant 2 : i32
    %ge3A_115 = vector.broadcast %ge3A : i32 to vector<16xi32>
    %ge3A_116 = arith.cmpi sge, %get3A_100, %ge3A_115 : vector<16xi32>
    %mul3A_117 = arith.constant 8 : i32
    %mul3A_118 = vector.broadcast %mul3A_117 : i32 to vector<16xi32>
    %mul3A_119 = arith.muli %gather3A_110, %mul3A_118 : vector<16xi32>
    %jit3A = arith.constant 0 : i32
    %broadcast_in_dim3A_120 = vector.broadcast %jit3A : i32 to vector<16xi32>
    %select_n3A = arith.select %ge3A_116, %mul3A_119, %broadcast_in_dim3A_120 : vector<16xi1>, vector<16xi32>
    %add3A_121 = arith.addi %gather3A, %select_n3A : vector<16xi32>
    %ge3A_122 = arith.constant 3 : i32
    %ge3A_123 = vector.broadcast %ge3A_122 : i32 to vector<16xi32>
    %ge3A_124 = arith.cmpi sge, %get3A_100, %ge3A_123 : vector<16xi32>
    %mul3A_125 = arith.constant 64 : i32
    %mul3A_126 = vector.broadcast %mul3A_125 : i32 to vector<16xi32>
    %mul3A_127 = arith.muli %gather3A_114, %mul3A_126 : vector<16xi32>
    %jit3A_128 = arith.constant 0 : i32
    %broadcast_in_dim3A_129 = vector.broadcast %jit3A_128 : i32 to vector<16xi32>
    %select_n3A_130 = arith.select %ge3A_124, %mul3A_127, %broadcast_in_dim3A_129 : vector<16xi1>, vector<16xi32>
    %add3A_131 = arith.addi %add3A_121, %select_n3A_130 : vector<16xi32>
    %broadcast_in_dim3A_132 = arith.constant 1 : i32
    %broadcast_in_dim3A_133 = vector.broadcast %broadcast_in_dim3A_132 : i32 to vector<16xi32>
    %mul3A_134 = arith.constant 3 : i32
    %mul3A_135 = vector.broadcast %mul3A_134 : i32 to vector<16xi32>
    %mul3A_136 = arith.muli %get3A_100, %mul3A_135 : vector<16xi32>
    %shift_left3A = arith.shli %broadcast_in_dim3A_133, %mul3A_136 : vector<16xi32>
    %sub3A = arith.constant 1 : i32
    %sub3A_137 = vector.broadcast %sub3A : i32 to vector<16xi32>
    %sub3A_138 = arith.subi %shift_left3A, %sub3A_137 : vector<16xi32>
    %swap3A_139 = arith.constant 0 : index
    %swap3A_140 = tpu.vector_load %arg12[%swap3A_139] {strides = array<i32>} : memref<128xi32, #tpu.memory_space<vmem>>, vector<16xi32>,
    tpu.vector_store %arg12[%swap3A_139], %add3A_131 {strides = array<i32>} : memref<128xi32, #tpu.memory_space<vmem>>, vector<16xi32>,
    %swap3A_141 = arith.constant 0 : index
    %swap3A_142 = tpu.vector_load %arg13[%swap3A_141] {strides = array<i32>} : memref<128xi32, #tpu.memory_space<vmem>>, vector<16xi32>,
    tpu.vector_store %arg13[%swap3A_141], %sub3A_138 {strides = array<i32>} : memref<128xi32, #tpu.memory_space<vmem>>, vector<16xi32>,
    %and3A = arith.constant 7 : i32
    %and3A_143 = vector.broadcast %and3A : i32 to vector<16xi32>
    %and3A_144 = arith.andi %add3A_131, %and3A_143 : vector<16xi32>
    %eq3A = arith.constant 1 : i32
    %eq3A_145 = vector.broadcast %eq3A : i32 to vector<16xi32>
    %eq3A_146 = arith.cmpi eq, %get3A_100, %eq3A_145 : vector<16xi32>
    tpu.vector_store_idx %arg9[%and3A_144], %get3A_102 masked %eq3A_146 : memref<128xf32, #tpu.memory_space<vmem>>[vector<16xi32>], vector<16xf32>, vector<16xi1>
    %and3A_147 = arith.constant 63 : i32
    %and3A_148 = vector.broadcast %and3A_147 : i32 to vector<16xi32>
    %and3A_149 = arith.andi %add3A_131, %and3A_148 : vector<16xi32>
    %eq3A_150 = arith.constant 2 : i32
    %eq3A_151 = vector.broadcast %eq3A_150 : i32 to vector<16xi32>
    %eq3A_152 = arith.cmpi eq, %get3A_100, %eq3A_151 : vector<16xi32>
    tpu.vector_store_idx %arg10[%and3A_149], %get3A_102 masked %eq3A_152 : memref<128xf32, #tpu.memory_space<vmem>>[vector<16xi32>], vector<16xf32>, vector<16xi1>
    %and3A_153 = arith.constant 511 : i32
    %and3A_154 = vector.broadcast %and3A_153 : i32 to vector<16xi32>
    %and3A_155 = arith.andi %add3A_131, %and3A_154 : vector<16xi32>
    %eq3A_156 = arith.constant 3 : i32
    %eq3A_157 = vector.broadcast %eq3A_156 : i32 to vector<16xi32>
    %eq3A_158 = arith.cmpi eq, %get3A_100, %eq3A_157 : vector<16xi32>
    tpu.vector_store_idx %arg11[%and3A_155], %get3A_102 masked %eq3A_158 : memref<512xf32, #tpu.memory_space<vmem>>[vector<16xi32>], vector<16xf32>, vector<16xi1>
    %get3A_159 = arith.constant 16 : index
    %get3A_160 = tpu.vector_load %arg14[%get3A_159] {strides = array<i32>} : memref<128xi32, #tpu.memory_space<vmem>>, vector<16xi32>,
    %get3A_161 = arith.constant 16 : index
    %get3A_162 = tpu.vector_load %arg15[%get3A_161] {strides = array<i32>} : memref<128xf32, #tpu.memory_space<vmem>>, vector<16xf32>,
    %broadcast_in_dim3A_163 = arith.constant 16 : i32
    %broadcast_in_dim3A_164 = vector.broadcast %broadcast_in_dim3A_163 : i32 to vector<16xi32>
    %add3A_165 = arith.addi %broadcast_in_dim3A_164, %iota3A : vector<16xi32>
    %mul3A_166 = arith.constant 3 : i32
    %mul3A_167 = vector.broadcast %mul3A_166 : i32 to vector<16xi32>
    %mul3A_168 = arith.muli %add3A_165, %mul3A_167 : vector<16xi32>
    %gather3A_169 = tpu.vector_load_idx %arg16[%mul3A_168] : memref<128xi32, #tpu.memory_space<vmem>>[vector<16xi32>], vector<16xi32>,
    %add3A_170 = arith.constant 1 : i32
    %add3A_171 = vector.broadcast %add3A_170 : i32 to vector<16xi32>
    %add3A_172 = arith.addi %mul3A_168, %add3A_171 : vector<16xi32>
    %gather3A_173 = tpu.vector_load_idx %arg16[%add3A_172] : memref<128xi32, #tpu.memory_space<vmem>>[vector<16xi32>], vector<16xi32>,
    %add3A_174 = arith.constant 2 : i32
    %add3A_175 = vector.broadcast %add3A_174 : i32 to vector<16xi32>
    %add3A_176 = arith.addi %mul3A_168, %add3A_175 : vector<16xi32>
    %gather3A_177 = tpu.vector_load_idx %arg16[%add3A_176] : memref<128xi32, #tpu.memory_space<vmem>>[vector<16xi32>], vector<16xi32>,
    %ge3A_178 = arith.constant 2 : i32
    %ge3A_179 = vector.broadcast %ge3A_178 : i32 to vector<16xi32>
    %ge3A_180 = arith.cmpi sge, %get3A_160, %ge3A_179 : vector<16xi32>
    %mul3A_181 = arith.constant 8 : i32
    %mul3A_182 = vector.broadcast %mul3A_181 : i32 to vector<16xi32>
    %mul3A_183 = arith.muli %gather3A_173, %mul3A_182 : vector<16xi32>
    %jit3A_184 = arith.constant 0 : i32
    %broadcast_in_dim3A_185 = vector.broadcast %jit3A_184 : i32 to vector<16xi32>
    %select_n3A_186 = arith.select %ge3A_180, %mul3A_183, %broadcast_in_dim3A_185 : vector<16xi1>, vector<16xi32>
    %add3A_187 = arith.addi %gather3A_169, %select_n3A_186 : vector<16xi32>
    %ge3A_188 = arith.constant 3 : i32
    %ge3A_189 = vector.broadcast %ge3A_188 : i32 to vector<16xi32>
    %ge3A_190 = arith.cmpi sge, %get3A_160, %ge3A_189 : vector<16xi32>
    %mul3A_191 = arith.constant 64 : i32
    %mul3A_192 = vector.broadcast %mul3A_191 : i32 to vector<16xi32>
    %mul3A_193 = arith.muli %gather3A_177, %mul3A_192 : vector<16xi32>
    %jit3A_194 = arith.constant 0 : i32
    %broadcast_in_dim3A_195 = vector.broadcast %jit3A_194 : i32 to vector<16xi32>
    %select_n3A_196 = arith.select %ge3A_190, %mul3A_193, %broadcast_in_dim3A_195 : vector<16xi1>, vector<16xi32>
    %add3A_197 = arith.addi %add3A_187, %select_n3A_196 : vector<16xi32>
    %broadcast_in_dim3A_198 = arith.constant 1 : i32
    %broadcast_in_dim3A_199 = vector.broadcast %broadcast_in_dim3A_198 : i32 to vector<16xi32>
    %mul3A_200 = arith.constant 3 : i32
    %mul3A_201 = vector.broadcast %mul3A_200 : i32 to vector<16xi32>
    %mul3A_202 = arith.muli %get3A_160, %mul3A_201 : vector<16xi32>
    %shift_left3A_203 = arith.shli %broadcast_in_dim3A_199, %mul3A_202 : vector<16xi32>
    %sub3A_204 = arith.constant 1 : i32
    %sub3A_205 = vector.broadcast %sub3A_204 : i32 to vector<16xi32>
    %sub3A_206 = arith.subi %shift_left3A_203, %sub3A_205 : vector<16xi32>
    %swap3A_207 = arith.constant 16 : index
    %swap3A_208 = tpu.vector_load %arg12[%swap3A_207] {strides = array<i32>} : memref<128xi32, #tpu.memory_space<vmem>>, vector<16xi32>,
    tpu.vector_store %arg12[%swap3A_207], %add3A_197 {strides = array<i32>} : memref<128xi32, #tpu.memory_space<vmem>>, vector<16xi32>,
    %swap3A_209 = arith.constant 16 : index
    %swap3A_210 = tpu.vector_load %arg13[%swap3A_209] {strides = array<i32>} : memref<128xi32, #tpu.memory_space<vmem>>, vector<16xi32>,
    tpu.vector_store %arg13[%swap3A_209], %sub3A_206 {strides = array<i32>} : memref<128xi32, #tpu.memory_space<vmem>>, vector<16xi32>,
    %and3A_211 = arith.constant 7 : i32
    %and3A_212 = vector.broadcast %and3A_211 : i32 to vector<16xi32>
    %and3A_213 = arith.andi %add3A_197, %and3A_212 : vector<16xi32>
    %eq3A_214 = arith.constant 1 : i32
    %eq3A_215 = vector.broadcast %eq3A_214 : i32 to vector<16xi32>
    %eq3A_216 = arith.cmpi eq, %get3A_160, %eq3A_215 : vector<16xi32>
    tpu.vector_store_idx %arg9[%and3A_213], %get3A_162 masked %eq3A_216 : memref<128xf32, #tpu.memory_space<vmem>>[vector<16xi32>], vector<16xf32>, vector<16xi1>
    %and3A_217 = arith.constant 63 : i32
    %and3A_218 = vector.broadcast %and3A_217 : i32 to vector<16xi32>
    %and3A_219 = arith.andi %add3A_197, %and3A_218 : vector<16xi32>
    %eq3A_220 = arith.constant 2 : i32
    %eq3A_221 = vector.broadcast %eq3A_220 : i32 to vector<16xi32>
    %eq3A_222 = arith.cmpi eq, %get3A_160, %eq3A_221 : vector<16xi32>
    tpu.vector_store_idx %arg10[%and3A_219], %get3A_162 masked %eq3A_222 : memref<128xf32, #tpu.memory_space<vmem>>[vector<16xi32>], vector<16xf32>, vector<16xi1>
    %and3A_223 = arith.constant 511 : i32
    %and3A_224 = vector.broadcast %and3A_223 : i32 to vector<16xi32>
    %and3A_225 = arith.andi %add3A_197, %and3A_224 : vector<16xi32>
    %eq3A_226 = arith.constant 3 : i32
    %eq3A_227 = vector.broadcast %eq3A_226 : i32 to vector<16xi32>
    %eq3A_228 = arith.cmpi eq, %get3A_160, %eq3A_227 : vector<16xi32>
    tpu.vector_store_idx %arg11[%and3A_225], %get3A_162 masked %eq3A_228 : memref<512xf32, #tpu.memory_space<vmem>>[vector<16xi32>], vector<16xf32>, vector<16xi1>
    %eq3A_229 = arith.constant 0 : i32
    %eq3A_230 = arith.cmpi eq, %arg1, %eq3A_229 : i32
    %convert_element_type3A = arith.extui %eq3A_230 : i1 to i32
    %cond3A = arith.constant 0 : i32
    %cond3A_231 = arith.cmpi ne, %convert_element_type3A, %cond3A : i32
    scf.if %cond3A_231 {
      %scan3A_587 = arith.constant 0 : i32
      %scan3A_588 = arith.constant 0 : i32
      %scan3A_589 = arith.constant 256 : i32
      %scan3A_590 = arith.addi %scan3A_588, %scan3A_589 : i32
      %scan3A_591 = arith.constant 1 : i32
      scf.for %scan3A_601 = %scan3A_588 to %scan3A_590 step %scan3A_591  : i32 {
        %mul3A_602 = arith.constant 16 : i32
        %mul3A_603 = arith.muli %scan3A_601, %mul3A_602 : i32
        %broadcast_in_dim3A_604 = vector.broadcast %mul3A_603 : i32 to vector<16xi32>
        %add3A_605 = arith.addi %broadcast_in_dim3A_604, %iota3A : vector<16xi32>
        %sub3A_606 = arith.constant 2 : i32
        %sub3A_607 = vector.broadcast %sub3A_606 : i32 to vector<16xi32>
        %sub3A_608 = arith.subi %add3A_605, %sub3A_607 : vector<16xi32>
        %max3A_609 = arith.constant 0 : i32
        %max3A_610 = vector.broadcast %max3A_609 : i32 to vector<16xi32>
        %max3A_611 = arith.maxsi %sub3A_608, %max3A_610 : vector<16xi32>
        %gather3A_612 = tpu.vector_load_idx %arg8[%max3A_611] : memref<4224xi32, #tpu.memory_space<vmem>>[vector<16xi32>], vector<16xi32>,
        %sub3A_613 = arith.constant 1 : i32
        %sub3A_614 = vector.broadcast %sub3A_613 : i32 to vector<16xi32>
        %sub3A_615 = arith.subi %add3A_605, %sub3A_614 : vector<16xi32>
        %max3A_616 = arith.constant 0 : i32
        %max3A_617 = vector.broadcast %max3A_616 : i32 to vector<16xi32>
        %max3A_618 = arith.maxsi %sub3A_615, %max3A_617 : vector<16xi32>
        %gather3A_619 = tpu.vector_load_idx %arg8[%max3A_618] : memref<4224xi32, #tpu.memory_space<vmem>>[vector<16xi32>], vector<16xi32>,
        %gather3A_620 = tpu.vector_load_idx %arg8[%add3A_605] : memref<4224xi32, #tpu.memory_space<vmem>>[vector<16xi32>], vector<16xi32>,
        %add3A_621 = arith.constant 1 : i32
        %add3A_622 = vector.broadcast %add3A_621 : i32 to vector<16xi32>
        %add3A_623 = arith.addi %add3A_605, %add3A_622 : vector<16xi32>
        %gather3A_624 = tpu.vector_load_idx %arg8[%add3A_623] : memref<4224xi32, #tpu.memory_space<vmem>>[vector<16xi32>], vector<16xi32>,
        %add3A_625 = arith.constant 2 : i32
        %add3A_626 = vector.broadcast %add3A_625 : i32 to vector<16xi32>
        %add3A_627 = arith.addi %add3A_605, %add3A_626 : vector<16xi32>
        %gather3A_628 = tpu.vector_load_idx %arg8[%add3A_627] : memref<4224xi32, #tpu.memory_space<vmem>>[vector<16xi32>], vector<16xi32>,
        %gather3A_629 = tpu.vector_load_idx %arg9[%gather3A_620] : memref<128xf32, #tpu.memory_space<vmem>>[vector<16xi32>], vector<16xf32>,
        tpu.vector_store_idx %arg17[%add3A_605], %gather3A_629 : memref<4096xf32, #tpu.memory_space<vmem>>[vector<16xi32>], vector<16xf32>,
        %mul3A_630 = arith.constant 8 : i32
        %mul3A_631 = vector.broadcast %mul3A_630 : i32 to vector<16xi32>
        %mul3A_632 = arith.muli %mul3A_631, %gather3A_620 : vector<16xi32>
        %add3A_633 = arith.addi %gather3A_619, %mul3A_632 : vector<16xi32>
        %gather3A_634 = tpu.vector_load_idx %arg10[%add3A_633] : memref<128xf32, #tpu.memory_space<vmem>>[vector<16xi32>], vector<16xf32>,
        %ge3A_635 = arith.constant 1 : i32
        %ge3A_636 = vector.broadcast %ge3A_635 : i32 to vector<16xi32>
        %ge3A_637 = arith.cmpi sge, %add3A_605, %ge3A_636 : vector<16xi32>
        %jit3A_638 = arith.constant 0xFF800000 : f32
        %broadcast_in_dim3A_639 = vector.broadcast %jit3A_638 : f32 to vector<16xf32>
        %select_n3A_640 = arith.select %ge3A_637, %gather3A_634, %broadcast_in_dim3A_639 : vector<16xi1>, vector<16xf32>
        tpu.vector_store_idx %arg18[%add3A_605], %select_n3A_640 : memref<4096xf32, #tpu.memory_space<vmem>>[vector<16xi32>], vector<16xf32>,
        %mul3A_641 = arith.constant 8 : i32
        %mul3A_642 = vector.broadcast %mul3A_641 : i32 to vector<16xi32>
        %mul3A_643 = arith.muli %mul3A_642, %gather3A_619 : vector<16xi32>
        %add3A_644 = arith.addi %gather3A_612, %mul3A_643 : vector<16xi32>
        %mul3A_645 = arith.constant 64 : i32
        %mul3A_646 = vector.broadcast %mul3A_645 : i32 to vector<16xi32>
        %mul3A_647 = arith.muli %mul3A_646, %gather3A_620 : vector<16xi32>
        %add3A_648 = arith.addi %add3A_644, %mul3A_647 : vector<16xi32>
        %gather3A_649 = tpu.vector_load_idx %arg11[%add3A_648] : memref<512xf32, #tpu.memory_space<vmem>>[vector<16xi32>], vector<16xf32>,
        %ge3A_650 = arith.constant 2 : i32
        %ge3A_651 = vector.broadcast %ge3A_650 : i32 to vector<16xi32>
        %ge3A_652 = arith.cmpi sge, %add3A_605, %ge3A_651 : vector<16xi32>
        %jit3A_653 = arith.constant 0xFF800000 : f32
        %broadcast_in_dim3A_654 = vector.broadcast %jit3A_653 : f32 to vector<16xf32>
        %select_n3A_655 = arith.select %ge3A_652, %gather3A_649, %broadcast_in_dim3A_654 : vector<16xi1>, vector<16xf32>
        tpu.vector_store_idx %arg19[%add3A_605], %select_n3A_655 : memref<4096xf32, #tpu.memory_space<vmem>>[vector<16xi32>], vector<16xf32>,
      }
      %scan3A_592 = arith.constant 256 : i32
      %broadcast_in_dim3A_593 = arith.constant 0.000000e+00 : f32
      %broadcast_in_dim3A_594 = vector.broadcast %broadcast_in_dim3A_593 : f32 to vector<16xf32>
      %scan3A_595 = arith.constant 0 : i32
      %scan3A_596 = arith.constant 256 : i32
      %scan3A_597 = arith.addi %scan3A_595, %scan3A_596 : i32
      %scan3A_598 = arith.constant 1 : i32
      %scan3A_599:3 = scf.for %scan3A_601 = %scan3A_595 to %scan3A_597 step %scan3A_598 iter_args(%scan3A_602 = %broadcast_in_dim3A_594, %scan3A_603 = %broadcast_in_dim3A_3, %scan3A_604 = %broadcast_in_dim3A_3) -> (vector<16xf32>, vector<16xf32>, vector<16xf32>)  : i32 {
        %broadcast_in_dim3A_605 = arith.constant 0.000000e+00 : f32
        %broadcast_in_dim3A_606 = vector.broadcast %broadcast_in_dim3A_605 : f32 to vector<16xf32>
        %mul3A_607 = arith.constant 16 : i32
        %mul3A_608 = arith.muli %scan3A_601, %mul3A_607 : i32
        %add3A_609 = arith.constant 0 : i32
        %add3A_610 = arith.addi %mul3A_608, %add3A_609 : i32
        %broadcast_in_dim3A_611 = vector.broadcast %add3A_610 : i32 to vector<16xi32>
        %gather3A_612 = tpu.vector_load_idx %arg17[%broadcast_in_dim3A_611] : memref<4096xf32, #tpu.memory_space<vmem>>[vector<16xi32>], vector<16xf32>,
        %add3A_613 = arith.addf %scan3A_602, %gather3A_612 : vector<16xf32>
        %gather3A_614 = tpu.vector_load_idx %arg18[%broadcast_in_dim3A_611] : memref<4096xf32, #tpu.memory_space<vmem>>[vector<16xi32>], vector<16xf32>,
        %add3A_615 = arith.addf %scan3A_603, %gather3A_614 : vector<16xf32>
        %gather3A_616 = tpu.vector_load_idx %arg19[%broadcast_in_dim3A_611] : memref<4096xf32, #tpu.memory_space<vmem>>[vector<16xi32>], vector<16xf32>,
        %add3A_617 = arith.addf %scan3A_604, %gather3A_616 : vector<16xf32>
        %max3A_618 = arith.maximumf %add3A_615, %add3A_617 : vector<16xf32>
        %max3A_619 = arith.maximumf %add3A_613, %max3A_618 : vector<16xf32>
        %sub3A_620 = arith.subf %add3A_613, %max3A_619 : vector<16xf32>
        %exp3A = math.exp %sub3A_620 : vector<16xf32>
        %sub3A_621 = arith.subf %add3A_615, %max3A_619 : vector<16xf32>
        %max3A_622 = arith.constant -8.700000e+01 : f32
        %max3A_623 = vector.broadcast %max3A_622 : f32 to vector<16xf32>
        %max3A_624 = arith.maximumf %sub3A_621, %max3A_623 : vector<16xf32>
        %exp3A_625 = math.exp %max3A_624 : vector<16xf32>
        %sub3A_626 = arith.subf %add3A_617, %max3A_619 : vector<16xf32>
        %max3A_627 = arith.constant -8.700000e+01 : f32
        %max3A_628 = vector.broadcast %max3A_627 : f32 to vector<16xf32>
        %max3A_629 = arith.maximumf %sub3A_626, %max3A_628 : vector<16xf32>
        %exp3A_630 = math.exp %max3A_629 : vector<16xf32>
        %add3A_631 = arith.addf %exp3A, %exp3A_625 : vector<16xf32>
        %add3A_632 = arith.addf %add3A_631, %exp3A_630 : vector<16xf32>
        %bitcast3A = vector.bitcast %add3A_632 : vector<16xf32> to vector<16xi32>
        %add3A_633 = arith.constant -1048576000 : i32
        %add3A_634 = vector.broadcast %add3A_633 : i32 to vector<16xi32>
        %add3A_635 = arith.addi %bitcast3A, %add3A_634 : vector<16xi32>
        %shift_right_logical3A = arith.constant 16 : i32
        %shift_right_logical3A_636 = vector.broadcast %shift_right_logical3A : i32 to vector<16xi32>
        %shift_right_logical3A_637 = arith.shrui %add3A_635, %shift_right_logical3A_636 : vector<16xi32>
        %and3A_638 = arith.constant -65536 : i32
        %and3A_639 = vector.broadcast %and3A_638 : i32 to vector<16xi32>
        %and3A_640 = arith.andi %bitcast3A, %and3A_639 : vector<16xi32>
        %or3A = arith.constant 32768 : i32
        %or3A_641 = vector.broadcast %or3A : i32 to vector<16xi32>
        %or3A_642 = arith.ori %and3A_640, %or3A_641 : vector<16xi32>
        %bitcast3A_643 = vector.bitcast %or3A_642 : vector<16xi32> to vector<16xf32>
        %gather3A_644 = tpu.vector_load_idx %arg25[%shift_right_logical3A_637] : memref<1024xf32, #tpu.memory_space<vmem>>[vector<16xi32>], vector<16xf32>,
        %add3A_645 = arith.constant 256 : i32
        %add3A_646 = vector.broadcast %add3A_645 : i32 to vector<16xi32>
        %add3A_647 = arith.addi %shift_right_logical3A_637, %add3A_646 : vector<16xi32>
        %gather3A_648 = tpu.vector_load_idx %arg25[%add3A_647] : memref<1024xf32, #tpu.memory_space<vmem>>[vector<16xi32>], vector<16xf32>,
        %add3A_649 = arith.constant 512 : i32
        %add3A_650 = vector.broadcast %add3A_649 : i32 to vector<16xi32>
        %add3A_651 = arith.addi %shift_right_logical3A_637, %add3A_650 : vector<16xi32>
        %gather3A_652 = tpu.vector_load_idx %arg25[%add3A_651] : memref<1024xf32, #tpu.memory_space<vmem>>[vector<16xi32>], vector<16xf32>,
        %sub3A_653 = arith.subf %add3A_632, %bitcast3A_643 : vector<16xf32>
        %mul3A_654 = arith.mulf %gather3A_652, %sub3A_653 : vector<16xf32>
        %mul3A_655 = arith.mulf %mul3A_654, %sub3A_653 : vector<16xf32>
        %mul3A_656 = arith.mulf %gather3A_648, %sub3A_653 : vector<16xf32>
        %add3A_657 = arith.addf %mul3A_656, %gather3A_644 : vector<16xf32>
        %add3A_658 = arith.addf %mul3A_655, %add3A_657 : vector<16xf32>
        %add3A_659 = arith.addf %max3A_619, %add3A_658 : vector<16xf32>
        %eq3A_660 = arith.constant 0 : i32
        %eq3A_661 = vector.broadcast %eq3A_660 : i32 to vector<16xi32>
        %eq3A_662 = arith.cmpi eq, %iota3A, %eq3A_661 : vector<16xi32>
        %select_n3A_663 = arith.select %eq3A_662, %add3A_659, %broadcast_in_dim3A_606 : vector<16xi1>, vector<16xf32>
        %mul3A_664 = arith.constant 16 : i32
        %mul3A_665 = arith.muli %scan3A_601, %mul3A_664 : i32
        %add3A_666 = arith.constant 1 : i32
        %add3A_667 = arith.addi %mul3A_665, %add3A_666 : i32
        %broadcast_in_dim3A_668 = vector.broadcast %add3A_667 : i32 to vector<16xi32>
        %gather3A_669 = tpu.vector_load_idx %arg17[%broadcast_in_dim3A_668] : memref<4096xf32, #tpu.memory_space<vmem>>[vector<16xi32>], vector<16xf32>,
        %add3A_670 = arith.addf %add3A_659, %gather3A_669 : vector<16xf32>
        %gather3A_671 = tpu.vector_load_idx %arg18[%broadcast_in_dim3A_668] : memref<4096xf32, #tpu.memory_space<vmem>>[vector<16xi32>], vector<16xf32>,
        %add3A_672 = arith.addf %scan3A_602, %gather3A_671 : vector<16xf32>
        %gather3A_673 = tpu.vector_load_idx %arg19[%broadcast_in_dim3A_668] : memref<4096xf32, #tpu.memory_space<vmem>>[vector<16xi32>], vector<16xf32>,
        %add3A_674 = arith.addf %scan3A_603, %gather3A_673 : vector<16xf32>
        %max3A_675 = arith.maximumf %add3A_672, %add3A_674 : vector<16xf32>
        %max3A_676 = arith.maximumf %add3A_670, %max3A_675 : vector<16xf32>
        %sub3A_677 = arith.subf %add3A_670, %max3A_676 : vector<16xf32>
        %exp3A_678 = math.exp %sub3A_677 : vector<16xf32>
        %sub3A_679 = arith.subf %add3A_672, %max3A_676 : vector<16xf32>
        %max3A_680 = arith.constant -8.700000e+01 : f32
        %max3A_681 = vector.broadcast %max3A_680 : f32 to vector<16xf32>
        %max3A_682 = arith.maximumf %sub3A_679, %max3A_681 : vector<16xf32>
        %exp3A_683 = math.exp %max3A_682 : vector<16xf32>
        %sub3A_684 = arith.subf %add3A_674, %max3A_676 : vector<16xf32>
        %max3A_685 = arith.constant -8.700000e+01 : f32
        %max3A_686 = vector.broadcast %max3A_685 : f32 to vector<16xf32>
        %max3A_687 = arith.maximumf %sub3A_684, %max3A_686 : vector<16xf32>
        %exp3A_688 = math.exp %max3A_687 : vector<16xf32>
        %add3A_689 = arith.addf %exp3A_678, %exp3A_683 : vector<16xf32>
        %add3A_690 = arith.addf %add3A_689, %exp3A_688 : vector<16xf32>
        %bitcast3A_691 = vector.bitcast %add3A_690 : vector<16xf32> to vector<16xi32>
        %add3A_692 = arith.constant -1048576000 : i32
        %add3A_693 = vector.broadcast %add3A_692 : i32 to vector<16xi32>
        %add3A_694 = arith.addi %bitcast3A_691, %add3A_693 : vector<16xi32>
        %shift_right_logical3A_695 = arith.constant 16 : i32
        %shift_right_logical3A_696 = vector.broadcast %shift_right_logical3A_695 : i32 to vector<16xi32>
        %shift_right_logical3A_697 = arith.shrui %add3A_694, %shift_right_logical3A_696 : vector<16xi32>
        %and3A_698 = arith.constant -65536 : i32
        %and3A_699 = vector.broadcast %and3A_698 : i32 to vector<16xi32>
        %and3A_700 = arith.andi %bitcast3A_691, %and3A_699 : vector<16xi32>
        %or3A_701 = arith.constant 32768 : i32
        %or3A_702 = vector.broadcast %or3A_701 : i32 to vector<16xi32>
        %or3A_703 = arith.ori %and3A_700, %or3A_702 : vector<16xi32>
        %bitcast3A_704 = vector.bitcast %or3A_703 : vector<16xi32> to vector<16xf32>
        %gather3A_705 = tpu.vector_load_idx %arg25[%shift_right_logical3A_697] : memref<1024xf32, #tpu.memory_space<vmem>>[vector<16xi32>], vector<16xf32>,
        %add3A_706 = arith.constant 256 : i32
        %add3A_707 = vector.broadcast %add3A_706 : i32 to vector<16xi32>
        %add3A_708 = arith.addi %shift_right_logical3A_697, %add3A_707 : vector<16xi32>
        %gather3A_709 = tpu.vector_load_idx %arg25[%add3A_708] : memref<1024xf32, #tpu.memory_space<vmem>>[vector<16xi32>], vector<16xf32>,
        %add3A_710 = arith.constant 512 : i32
        %add3A_711 = vector.broadcast %add3A_710 : i32 to vector<16xi32>
        %add3A_712 = arith.addi %shift_right_logical3A_697, %add3A_711 : vector<16xi32>
        %gather3A_713 = tpu.vector_load_idx %arg25[%add3A_712] : memref<1024xf32, #tpu.memory_space<vmem>>[vector<16xi32>], vector<16xf32>,
        %sub3A_714 = arith.subf %add3A_690, %bitcast3A_704 : vector<16xf32>
        %mul3A_715 = arith.mulf %gather3A_713, %sub3A_714 : vector<16xf32>
        %mul3A_716 = arith.mulf %mul3A_715, %sub3A_714 : vector<16xf32>
        %mul3A_717 = arith.mulf %gather3A_709, %sub3A_714 : vector<16xf32>
        %add3A_718 = arith.addf %mul3A_717, %gather3A_705 : vector<16xf32>
        %add3A_719 = arith.addf %mul3A_716, %add3A_718 : vector<16xf32>
        %add3A_720 = arith.addf %max3A_676, %add3A_719 : vector<16xf32>
        %eq3A_721 = arith.constant 1 : i32
        %eq3A_722 = vector.broadcast %eq3A_721 : i32 to vector<16xi32>
        %eq3A_723 = arith.cmpi eq, %iota3A, %eq3A_722 : vector<16xi32>
        %select_n3A_724 = arith.select %eq3A_723, %add3A_720, %select_n3A_663 : vector<16xi1>, vector<16xf32>
        %mul3A_725 = arith.constant 16 : i32
        %mul3A_726 = arith.muli %scan3A_601, %mul3A_725 : i32
        %add3A_727 = arith.constant 2 : i32
        %add3A_728 = arith.addi %mul3A_726, %add3A_727 : i32
        %broadcast_in_dim3A_729 = vector.broadcast %add3A_728 : i32 to vector<16xi32>
        %gather3A_730 = tpu.vector_load_idx %arg17[%broadcast_in_dim3A_729] : memref<4096xf32, #tpu.memory_space<vmem>>[vector<16xi32>], vector<16xf32>,
        %add3A_731 = arith.addf %add3A_720, %gather3A_730 : vector<16xf32>
        %gather3A_732 = tpu.vector_load_idx %arg18[%broadcast_in_dim3A_729] : memref<4096xf32, #tpu.memory_space<vmem>>[vector<16xi32>], vector<16xf32>,
        %add3A_733 = arith.addf %add3A_659, %gather3A_732 : vector<16xf32>
        %gather3A_734 = tpu.vector_load_idx %arg19[%broadcast_in_dim3A_729] : memref<4096xf32, #tpu.memory_space<vmem>>[vector<16xi32>], vector<16xf32>,
        %add3A_735 = arith.addf %scan3A_602, %gather3A_734 : vector<16xf32>
        %max3A_736 = arith.maximumf %add3A_733, %add3A_735 : vector<16xf32>
        %max3A_737 = arith.maximumf %add3A_731, %max3A_736 : vector<16xf32>
        %sub3A_738 = arith.subf %add3A_731, %max3A_737 : vector<16xf32>
        %exp3A_739 = math.exp %sub3A_738 : vector<16xf32>
        %sub3A_740 = arith.subf %add3A_733, %max3A_737 : vector<16xf32>
        %max3A_741 = arith.constant -8.700000e+01 : f32
        %max3A_742 = vector.broadcast %max3A_741 : f32 to vector<16xf32>
        %max3A_743 = arith.maximumf %sub3A_740, %max3A_742 : vector<16xf32>
        %exp3A_744 = math.exp %max3A_743 : vector<16xf32>
        %sub3A_745 = arith.subf %add3A_735, %max3A_737 : vector<16xf32>
        %max3A_746 = arith.constant -8.700000e+01 : f32
        %max3A_747 = vector.broadcast %max3A_746 : f32 to vector<16xf32>
        %max3A_748 = arith.maximumf %sub3A_745, %max3A_747 : vector<16xf32>
        %exp3A_749 = math.exp %max3A_748 : vector<16xf32>
        %add3A_750 = arith.addf %exp3A_739, %exp3A_744 : vector<16xf32>
        %add3A_751 = arith.addf %add3A_750, %exp3A_749 : vector<16xf32>
        %bitcast3A_752 = vector.bitcast %add3A_751 : vector<16xf32> to vector<16xi32>
        %add3A_753 = arith.constant -1048576000 : i32
        %add3A_754 = vector.broadcast %add3A_753 : i32 to vector<16xi32>
        %add3A_755 = arith.addi %bitcast3A_752, %add3A_754 : vector<16xi32>
        %shift_right_logical3A_756 = arith.constant 16 : i32
        %shift_right_logical3A_757 = vector.broadcast %shift_right_logical3A_756 : i32 to vector<16xi32>
        %shift_right_logical3A_758 = arith.shrui %add3A_755, %shift_right_logical3A_757 : vector<16xi32>
        %and3A_759 = arith.constant -65536 : i32
        %and3A_760 = vector.broadcast %and3A_759 : i32 to vector<16xi32>
        %and3A_761 = arith.andi %bitcast3A_752, %and3A_760 : vector<16xi32>
        %or3A_762 = arith.constant 32768 : i32
        %or3A_763 = vector.broadcast %or3A_762 : i32 to vector<16xi32>
        %or3A_764 = arith.ori %and3A_761, %or3A_763 : vector<16xi32>
        %bitcast3A_765 = vector.bitcast %or3A_764 : vector<16xi32> to vector<16xf32>
        %gather3A_766 = tpu.vector_load_idx %arg25[%shift_right_logical3A_758] : memref<1024xf32, #tpu.memory_space<vmem>>[vector<16xi32>], vector<16xf32>,
        %add3A_767 = arith.constant 256 : i32
        %add3A_768 = vector.broadcast %add3A_767 : i32 to vector<16xi32>
        %add3A_769 = arith.addi %shift_right_logical3A_758, %add3A_768 : vector<16xi32>
        %gather3A_770 = tpu.vector_load_idx %arg25[%add3A_769] : memref<1024xf32, #tpu.memory_space<vmem>>[vector<16xi32>], vector<16xf32>,
        %add3A_771 = arith.constant 512 : i32
        %add3A_772 = vector.broadcast %add3A_771 : i32 to vector<16xi32>
        %add3A_773 = arith.addi %shift_right_logical3A_758, %add3A_772 : vector<16xi32>
        %gather3A_774 = tpu.vector_load_idx %arg25[%add3A_773] : memref<1024xf32, #tpu.memory_space<vmem>>[vector<16xi32>], vector<16xf32>,
        %sub3A_775 = arith.subf %add3A_751, %bitcast3A_765 : vector<16xf32>
        %mul3A_776 = arith.mulf %gather3A_774, %sub3A_775 : vector<16xf32>
        %mul3A_777 = arith.mulf %mul3A_776, %sub3A_775 : vector<16xf32>
        %mul3A_778 = arith.mulf %gather3A_770, %sub3A_775 : vector<16xf32>
        %add3A_779 = arith.addf %mul3A_778, %gather3A_766 : vector<16xf32>
        %add3A_780 = arith.addf %mul3A_777, %add3A_779 : vector<16xf32>
        %add3A_781 = arith.addf %max3A_737, %add3A_780 : vector<16xf32>
        %eq3A_782 = arith.constant 2 : i32
        %eq3A_783 = vector.broadcast %eq3A_782 : i32 to vector<16xi32>
        %eq3A_784 = arith.cmpi eq, %iota3A, %eq3A_783 : vector<16xi32>
        %select_n3A_785 = arith.select %eq3A_784, %add3A_781, %select_n3A_724 : vector<16xi1>, vector<16xf32>
        %mul3A_786 = arith.constant 16 : i32
        %mul3A_787 = arith.muli %scan3A_601, %mul3A_786 : i32
        %add3A_788 = arith.constant 3 : i32
        %add3A_789 = arith.addi %mul3A_787, %add3A_788 : i32
        %broadcast_in_dim3A_790 = vector.broadcast %add3A_789 : i32 to vector<16xi32>
        %gather3A_791 = tpu.vector_load_idx %arg17[%broadcast_in_dim3A_790] : memref<4096xf32, #tpu.memory_space<vmem>>[vector<16xi32>], vector<16xf32>,
        %add3A_792 = arith.addf %add3A_781, %gather3A_791 : vector<16xf32>
        %gather3A_793 = tpu.vector_load_idx %arg18[%broadcast_in_dim3A_790] : memref<4096xf32, #tpu.memory_space<vmem>>[vector<16xi32>], vector<16xf32>,
        %add3A_794 = arith.addf %add3A_720, %gather3A_793 : vector<16xf32>
        %gather3A_795 = tpu.vector_load_idx %arg19[%broadcast_in_dim3A_790] : memref<4096xf32, #tpu.memory_space<vmem>>[vector<16xi32>], vector<16xf32>,
        %add3A_796 = arith.addf %add3A_659, %gather3A_795 : vector<16xf32>
        %max3A_797 = arith.maximumf %add3A_794, %add3A_796 : vector<16xf32>
        %max3A_798 = arith.maximumf %add3A_792, %max3A_797 : vector<16xf32>
        %sub3A_799 = arith.subf %add3A_792, %max3A_798 : vector<16xf32>
        %exp3A_800 = math.exp %sub3A_799 : vector<16xf32>
        %sub3A_801 = arith.subf %add3A_794, %max3A_798 : vector<16xf32>
        %max3A_802 = arith.constant -8.700000e+01 : f32
        %max3A_803 = vector.broadcast %max3A_802 : f32 to vector<16xf32>
        %max3A_804 = arith.maximumf %sub3A_801, %max3A_803 : vector<16xf32>
        %exp3A_805 = math.exp %max3A_804 : vector<16xf32>
        %sub3A_806 = arith.subf %add3A_796, %max3A_798 : vector<16xf32>
        %max3A_807 = arith.constant -8.700000e+01 : f32
        %max3A_808 = vector.broadcast %max3A_807 : f32 to vector<16xf32>
        %max3A_809 = arith.maximumf %sub3A_806, %max3A_808 : vector<16xf32>
        %exp3A_810 = math.exp %max3A_809 : vector<16xf32>
        %add3A_811 = arith.addf %exp3A_800, %exp3A_805 : vector<16xf32>
        %add3A_812 = arith.addf %add3A_811, %exp3A_810 : vector<16xf32>
        %bitcast3A_813 = vector.bitcast %add3A_812 : vector<16xf32> to vector<16xi32>
        %add3A_814 = arith.constant -1048576000 : i32
        %add3A_815 = vector.broadcast %add3A_814 : i32 to vector<16xi32>
        %add3A_816 = arith.addi %bitcast3A_813, %add3A_815 : vector<16xi32>
        %shift_right_logical3A_817 = arith.constant 16 : i32
        %shift_right_logical3A_818 = vector.broadcast %shift_right_logical3A_817 : i32 to vector<16xi32>
        %shift_right_logical3A_819 = arith.shrui %add3A_816, %shift_right_logical3A_818 : vector<16xi32>
        %and3A_820 = arith.constant -65536 : i32
        %and3A_821 = vector.broadcast %and3A_820 : i32 to vector<16xi32>
        %and3A_822 = arith.andi %bitcast3A_813, %and3A_821 : vector<16xi32>
        %or3A_823 = arith.constant 32768 : i32
        %or3A_824 = vector.broadcast %or3A_823 : i32 to vector<16xi32>
        %or3A_825 = arith.ori %and3A_822, %or3A_824 : vector<16xi32>
        %bitcast3A_826 = vector.bitcast %or3A_825 : vector<16xi32> to vector<16xf32>
        %gather3A_827 = tpu.vector_load_idx %arg25[%shift_right_logical3A_819] : memref<1024xf32, #tpu.memory_space<vmem>>[vector<16xi32>], vector<16xf32>,
        %add3A_828 = arith.constant 256 : i32
        %add3A_829 = vector.broadcast %add3A_828 : i32 to vector<16xi32>
        %add3A_830 = arith.addi %shift_right_logical3A_819, %add3A_829 : vector<16xi32>
        %gather3A_831 = tpu.vector_load_idx %arg25[%add3A_830] : memref<1024xf32, #tpu.memory_space<vmem>>[vector<16xi32>], vector<16xf32>,
        %add3A_832 = arith.constant 512 : i32
        %add3A_833 = vector.broadcast %add3A_832 : i32 to vector<16xi32>
        %add3A_834 = arith.addi %shift_right_logical3A_819, %add3A_833 : vector<16xi32>
        %gather3A_835 = tpu.vector_load_idx %arg25[%add3A_834] : memref<1024xf32, #tpu.memory_space<vmem>>[vector<16xi32>], vector<16xf32>,
        %sub3A_836 = arith.subf %add3A_812, %bitcast3A_826 : vector<16xf32>
        %mul3A_837 = arith.mulf %gather3A_835, %sub3A_836 : vector<16xf32>
        %mul3A_838 = arith.mulf %mul3A_837, %sub3A_836 : vector<16xf32>
        %mul3A_839 = arith.mulf %gather3A_831, %sub3A_836 : vector<16xf32>
        %add3A_840 = arith.addf %mul3A_839, %gather3A_827 : vector<16xf32>
        %add3A_841 = arith.addf %mul3A_838, %add3A_840 : vector<16xf32>
        %add3A_842 = arith.addf %max3A_798, %add3A_841 : vector<16xf32>
        %eq3A_843 = arith.constant 3 : i32
        %eq3A_844 = vector.broadcast %eq3A_843 : i32 to vector<16xi32>
        %eq3A_845 = arith.cmpi eq, %iota3A, %eq3A_844 : vector<16xi32>
        %select_n3A_846 = arith.select %eq3A_845, %add3A_842, %select_n3A_785 : vector<16xi1>, vector<16xf32>
        %mul3A_847 = arith.constant 16 : i32
        %mul3A_848 = arith.muli %scan3A_601, %mul3A_847 : i32
        %add3A_849 = arith.constant 4 : i32
        %add3A_850 = arith.addi %mul3A_848, %add3A_849 : i32
        %broadcast_in_dim3A_851 = vector.broadcast %add3A_850 : i32 to vector<16xi32>
        %gather3A_852 = tpu.vector_load_idx %arg17[%broadcast_in_dim3A_851] : memref<4096xf32, #tpu.memory_space<vmem>>[vector<16xi32>], vector<16xf32>,
        %add3A_853 = arith.addf %add3A_842, %gather3A_852 : vector<16xf32>
        %gather3A_854 = tpu.vector_load_idx %arg18[%broadcast_in_dim3A_851] : memref<4096xf32, #tpu.memory_space<vmem>>[vector<16xi32>], vector<16xf32>,
        %add3A_855 = arith.addf %add3A_781, %gather3A_854 : vector<16xf32>
        %gather3A_856 = tpu.vector_load_idx %arg19[%broadcast_in_dim3A_851] : memref<4096xf32, #tpu.memory_space<vmem>>[vector<16xi32>], vector<16xf32>,
        %add3A_857 = arith.addf %add3A_720, %gather3A_856 : vector<16xf32>
        %max3A_858 = arith.maximumf %add3A_855, %add3A_857 : vector<16xf32>
        %max3A_859 = arith.maximumf %add3A_853, %max3A_858 : vector<16xf32>
        %sub3A_860 = arith.subf %add3A_853, %max3A_859 : vector<16xf32>
        %exp3A_861 = math.exp %sub3A_860 : vector<16xf32>
        %sub3A_862 = arith.subf %add3A_855, %max3A_859 : vector<16xf32>
        %max3A_863 = arith.constant -8.700000e+01 : f32
        %max3A_864 = vector.broadcast %max3A_863 : f32 to vector<16xf32>
        %max3A_865 = arith.maximumf %sub3A_862, %max3A_864 : vector<16xf32>
        %exp3A_866 = math.exp %max3A_865 : vector<16xf32>
        %sub3A_867 = arith.subf %add3A_857, %max3A_859 : vector<16xf32>
        %max3A_868 = arith.constant -8.700000e+01 : f32
        %max3A_869 = vector.broadcast %max3A_868 : f32 to vector<16xf32>
        %max3A_870 = arith.maximumf %sub3A_867, %max3A_869 : vector<16xf32>
        %exp3A_871 = math.exp %max3A_870 : vector<16xf32>
        %add3A_872 = arith.addf %exp3A_861, %exp3A_866 : vector<16xf32>
        %add3A_873 = arith.addf %add3A_872, %exp3A_871 : vector<16xf32>
        %bitcast3A_874 = vector.bitcast %add3A_873 : vector<16xf32> to vector<16xi32>
        %add3A_875 = arith.constant -1048576000 : i32
        %add3A_876 = vector.broadcast %add3A_875 : i32 to vector<16xi32>
        %add3A_877 = arith.addi %bitcast3A_874, %add3A_876 : vector<16xi32>
        %shift_right_logical3A_878 = arith.constant 16 : i32
        %shift_right_logical3A_879 = vector.broadcast %shift_right_logical3A_878 : i32 to vector<16xi32>
        %shift_right_logical3A_880 = arith.shrui %add3A_877, %shift_right_logical3A_879 : vector<16xi32>
        %and3A_881 = arith.constant -65536 : i32
        %and3A_882 = vector.broadcast %and3A_881 : i32 to vector<16xi32>
        %and3A_883 = arith.andi %bitcast3A_874, %and3A_882 : vector<16xi32>
        %or3A_884 = arith.constant 32768 : i32
        %or3A_885 = vector.broadcast %or3A_884 : i32 to vector<16xi32>
        %or3A_886 = arith.ori %and3A_883, %or3A_885 : vector<16xi32>
        %bitcast3A_887 = vector.bitcast %or3A_886 : vector<16xi32> to vector<16xf32>
        %gather3A_888 = tpu.vector_load_idx %arg25[%shift_right_logical3A_880] : memref<1024xf32, #tpu.memory_space<vmem>>[vector<16xi32>], vector<16xf32>,
        %add3A_889 = arith.constant 256 : i32
        %add3A_890 = vector.broadcast %add3A_889 : i32 to vector<16xi32>
        %add3A_891 = arith.addi %shift_right_logical3A_880, %add3A_890 : vector<16xi32>
        %gather3A_892 = tpu.vector_load_idx %arg25[%add3A_891] : memref<1024xf32, #tpu.memory_space<vmem>>[vector<16xi32>], vector<16xf32>,
        %add3A_893 = arith.constant 512 : i32
        %add3A_894 = vector.broadcast %add3A_893 : i32 to vector<16xi32>
        %add3A_895 = arith.addi %shift_right_logical3A_880, %add3A_894 : vector<16xi32>
        %gather3A_896 = tpu.vector_load_idx %arg25[%add3A_895] : memref<1024xf32, #tpu.memory_space<vmem>>[vector<16xi32>], vector<16xf32>,
        %sub3A_897 = arith.subf %add3A_873, %bitcast3A_887 : vector<16xf32>
        %mul3A_898 = arith.mulf %gather3A_896, %sub3A_897 : vector<16xf32>
        %mul3A_899 = arith.mulf %mul3A_898, %sub3A_897 : vector<16xf32>
        %mul3A_900 = arith.mulf %gather3A_892, %sub3A_897 : vector<16xf32>
        %add3A_901 = arith.addf %mul3A_900, %gather3A_888 : vector<16xf32>
        %add3A_902 = arith.addf %mul3A_899, %add3A_901 : vector<16xf32>
        %add3A_903 = arith.addf %max3A_859, %add3A_902 : vector<16xf32>
        %eq3A_904 = arith.constant 4 : i32
        %eq3A_905 = vector.broadcast %eq3A_904 : i32 to vector<16xi32>
        %eq3A_906 = arith.cmpi eq, %iota3A, %eq3A_905 : vector<16xi32>
        %select_n3A_907 = arith.select %eq3A_906, %add3A_903, %select_n3A_846 : vector<16xi1>, vector<16xf32>
        %mul3A_908 = arith.constant 16 : i32
        %mul3A_909 = arith.muli %scan3A_601, %mul3A_908 : i32
        %add3A_910 = arith.constant 5 : i32
        %add3A_911 = arith.addi %mul3A_909, %add3A_910 : i32
        %broadcast_in_dim3A_912 = vector.broadcast %add3A_911 : i32 to vector<16xi32>
        %gather3A_913 = tpu.vector_load_idx %arg17[%broadcast_in_dim3A_912] : memref<4096xf32, #tpu.memory_space<vmem>>[vector<16xi32>], vector<16xf32>,
        %add3A_914 = arith.addf %add3A_903, %gather3A_913 : vector<16xf32>
        %gather3A_915 = tpu.vector_load_idx %arg18[%broadcast_in_dim3A_912] : memref<4096xf32, #tpu.memory_space<vmem>>[vector<16xi32>], vector<16xf32>,
        %add3A_916 = arith.addf %add3A_842, %gather3A_915 : vector<16xf32>
        %gather3A_917 = tpu.vector_load_idx %arg19[%broadcast_in_dim3A_912] : memref<4096xf32, #tpu.memory_space<vmem>>[vector<16xi32>], vector<16xf32>,
        %add3A_918 = arith.addf %add3A_781, %gather3A_917 : vector<16xf32>
        %max3A_919 = arith.maximumf %add3A_916, %add3A_918 : vector<16xf32>
        %max3A_920 = arith.maximumf %add3A_914, %max3A_919 : vector<16xf32>
        %sub3A_921 = arith.subf %add3A_914, %max3A_920 : vector<16xf32>
        %exp3A_922 = math.exp %sub3A_921 : vector<16xf32>
        %sub3A_923 = arith.subf %add3A_916, %max3A_920 : vector<16xf32>
        %max3A_924 = arith.constant -8.700000e+01 : f32
        %max3A_925 = vector.broadcast %max3A_924 : f32 to vector<16xf32>
        %max3A_926 = arith.maximumf %sub3A_923, %max3A_925 : vector<16xf32>
        %exp3A_927 = math.exp %max3A_926 : vector<16xf32>
        %sub3A_928 = arith.subf %add3A_918, %max3A_920 : vector<16xf32>
        %max3A_929 = arith.constant -8.700000e+01 : f32
        %max3A_930 = vector.broadcast %max3A_929 : f32 to vector<16xf32>
        %max3A_931 = arith.maximumf %sub3A_928, %max3A_930 : vector<16xf32>
        %exp3A_932 = math.exp %max3A_931 : vector<16xf32>
        %add3A_933 = arith.addf %exp3A_922, %exp3A_927 : vector<16xf32>
        %add3A_934 = arith.addf %add3A_933, %exp3A_932 : vector<16xf32>
        %bitcast3A_935 = vector.bitcast %add3A_934 : vector<16xf32> to vector<16xi32>
        %add3A_936 = arith.constant -1048576000 : i32
        %add3A_937 = vector.broadcast %add3A_936 : i32 to vector<16xi32>
        %add3A_938 = arith.addi %bitcast3A_935, %add3A_937 : vector<16xi32>
        %shift_right_logical3A_939 = arith.constant 16 : i32
        %shift_right_logical3A_940 = vector.broadcast %shift_right_logical3A_939 : i32 to vector<16xi32>
        %shift_right_logical3A_941 = arith.shrui %add3A_938, %shift_right_logical3A_940 : vector<16xi32>
        %and3A_942 = arith.constant -65536 : i32
        %and3A_943 = vector.broadcast %and3A_942 : i32 to vector<16xi32>
        %and3A_944 = arith.andi %bitcast3A_935, %and3A_943 : vector<16xi32>
        %or3A_945 = arith.constant 32768 : i32
        %or3A_946 = vector.broadcast %or3A_945 : i32 to vector<16xi32>
        %or3A_947 = arith.ori %and3A_944, %or3A_946 : vector<16xi32>
        %bitcast3A_948 = vector.bitcast %or3A_947 : vector<16xi32> to vector<16xf32>
        %gather3A_949 = tpu.vector_load_idx %arg25[%shift_right_logical3A_941] : memref<1024xf32, #tpu.memory_space<vmem>>[vector<16xi32>], vector<16xf32>,
        %add3A_950 = arith.constant 256 : i32
        %add3A_951 = vector.broadcast %add3A_950 : i32 to vector<16xi32>
        %add3A_952 = arith.addi %shift_right_logical3A_941, %add3A_951 : vector<16xi32>
        %gather3A_953 = tpu.vector_load_idx %arg25[%add3A_952] : memref<1024xf32, #tpu.memory_space<vmem>>[vector<16xi32>], vector<16xf32>,
        %add3A_954 = arith.constant 512 : i32
        %add3A_955 = vector.broadcast %add3A_954 : i32 to vector<16xi32>
        %add3A_956 = arith.addi %shift_right_logical3A_941, %add3A_955 : vector<16xi32>
        %gather3A_957 = tpu.vector_load_idx %arg25[%add3A_956] : memref<1024xf32, #tpu.memory_space<vmem>>[vector<16xi32>], vector<16xf32>,
        %sub3A_958 = arith.subf %add3A_934, %bitcast3A_948 : vector<16xf32>
        %mul3A_959 = arith.mulf %gather3A_957, %sub3A_958 : vector<16xf32>
        %mul3A_960 = arith.mulf %mul3A_959, %sub3A_958 : vector<16xf32>
        %mul3A_961 = arith.mulf %gather3A_953, %sub3A_958 : vector<16xf32>
        %add3A_962 = arith.addf %mul3A_961, %gather3A_949 : vector<16xf32>
        %add3A_963 = arith.addf %mul3A_960, %add3A_962 : vector<16xf32>
        %add3A_964 = arith.addf %max3A_920, %add3A_963 : vector<16xf32>
        %eq3A_965 = arith.constant 5 : i32
        %eq3A_966 = vector.broadcast %eq3A_965 : i32 to vector<16xi32>
        %eq3A_967 = arith.cmpi eq, %iota3A, %eq3A_966 : vector<16xi32>
        %select_n3A_968 = arith.select %eq3A_967, %add3A_964, %select_n3A_907 : vector<16xi1>, vector<16xf32>
        %mul3A_969 = arith.constant 16 : i32
        %mul3A_970 = arith.muli %scan3A_601, %mul3A_969 : i32
        %add3A_971 = arith.constant 6 : i32
        %add3A_972 = arith.addi %mul3A_970, %add3A_971 : i32
        %broadcast_in_dim3A_973 = vector.broadcast %add3A_972 : i32 to vector<16xi32>
        %gather3A_974 = tpu.vector_load_idx %arg17[%broadcast_in_dim3A_973] : memref<4096xf32, #tpu.memory_space<vmem>>[vector<16xi32>], vector<16xf32>,
        %add3A_975 = arith.addf %add3A_964, %gather3A_974 : vector<16xf32>
        %gather3A_976 = tpu.vector_load_idx %arg18[%broadcast_in_dim3A_973] : memref<4096xf32, #tpu.memory_space<vmem>>[vector<16xi32>], vector<16xf32>,
        %add3A_977 = arith.addf %add3A_903, %gather3A_976 : vector<16xf32>
        %gather3A_978 = tpu.vector_load_idx %arg19[%broadcast_in_dim3A_973] : memref<4096xf32, #tpu.memory_space<vmem>>[vector<16xi32>], vector<16xf32>,
        %add3A_979 = arith.addf %add3A_842, %gather3A_978 : vector<16xf32>
        %max3A_980 = arith.maximumf %add3A_977, %add3A_979 : vector<16xf32>
        %max3A_981 = arith.maximumf %add3A_975, %max3A_980 : vector<16xf32>
        %sub3A_982 = arith.subf %add3A_975, %max3A_981 : vector<16xf32>
        %exp3A_983 = math.exp %sub3A_982 : vector<16xf32>
        %sub3A_984 = arith.subf %add3A_977, %max3A_981 : vector<16xf32>
        %max3A_985 = arith.constant -8.700000e+01 : f32
        %max3A_986 = vector.broadcast %max3A_985 : f32 to vector<16xf32>
        %max3A_987 = arith.maximumf %sub3A_984, %max3A_986 : vector<16xf32>
        %exp3A_988 = math.exp %max3A_987 : vector<16xf32>
        %sub3A_989 = arith.subf %add3A_979, %max3A_981 : vector<16xf32>
        %max3A_990 = arith.constant -8.700000e+01 : f32
        %max3A_991 = vector.broadcast %max3A_990 : f32 to vector<16xf32>
        %max3A_992 = arith.maximumf %sub3A_989, %max3A_991 : vector<16xf32>
        %exp3A_993 = math.exp %max3A_992 : vector<16xf32>
        %add3A_994 = arith.addf %exp3A_983, %exp3A_988 : vector<16xf32>
        %add3A_995 = arith.addf %add3A_994, %exp3A_993 : vector<16xf32>
        %bitcast3A_996 = vector.bitcast %add3A_995 : vector<16xf32> to vector<16xi32>
        %add3A_997 = arith.constant -1048576000 : i32
        %add3A_998 = vector.broadcast %add3A_997 : i32 to vector<16xi32>
        %add3A_999 = arith.addi %bitcast3A_996, %add3A_998 : vector<16xi32>
        %shift_right_logical3A_1000 = arith.constant 16 : i32
        %shift_right_logical3A_1001 = vector.broadcast %shift_right_logical3A_1000 : i32 to vector<16xi32>
        %shift_right_logical3A_1002 = arith.shrui %add3A_999, %shift_right_logical3A_1001 : vector<16xi32>
        %and3A_1003 = arith.constant -65536 : i32
        %and3A_1004 = vector.broadcast %and3A_1003 : i32 to vector<16xi32>
        %and3A_1005 = arith.andi %bitcast3A_996, %and3A_1004 : vector<16xi32>
        %or3A_1006 = arith.constant 32768 : i32
        %or3A_1007 = vector.broadcast %or3A_1006 : i32 to vector<16xi32>
        %or3A_1008 = arith.ori %and3A_1005, %or3A_1007 : vector<16xi32>
        %bitcast3A_1009 = vector.bitcast %or3A_1008 : vector<16xi32> to vector<16xf32>
        %gather3A_1010 = tpu.vector_load_idx %arg25[%shift_right_logical3A_1002] : memref<1024xf32, #tpu.memory_space<vmem>>[vector<16xi32>], vector<16xf32>,
        %add3A_1011 = arith.constant 256 : i32
        %add3A_1012 = vector.broadcast %add3A_1011 : i32 to vector<16xi32>
        %add3A_1013 = arith.addi %shift_right_logical3A_1002, %add3A_1012 : vector<16xi32>
        %gather3A_1014 = tpu.vector_load_idx %arg25[%add3A_1013] : memref<1024xf32, #tpu.memory_space<vmem>>[vector<16xi32>], vector<16xf32>,
        %add3A_1015 = arith.constant 512 : i32
        %add3A_1016 = vector.broadcast %add3A_1015 : i32 to vector<16xi32>
        %add3A_1017 = arith.addi %shift_right_logical3A_1002, %add3A_1016 : vector<16xi32>
        %gather3A_1018 = tpu.vector_load_idx %arg25[%add3A_1017] : memref<1024xf32, #tpu.memory_space<vmem>>[vector<16xi32>], vector<16xf32>,
        %sub3A_1019 = arith.subf %add3A_995, %bitcast3A_1009 : vector<16xf32>
        %mul3A_1020 = arith.mulf %gather3A_1018, %sub3A_1019 : vector<16xf32>
        %mul3A_1021 = arith.mulf %mul3A_1020, %sub3A_1019 : vector<16xf32>
        %mul3A_1022 = arith.mulf %gather3A_1014, %sub3A_1019 : vector<16xf32>
        %add3A_1023 = arith.addf %mul3A_1022, %gather3A_1010 : vector<16xf32>
        %add3A_1024 = arith.addf %mul3A_1021, %add3A_1023 : vector<16xf32>
        %add3A_1025 = arith.addf %max3A_981, %add3A_1024 : vector<16xf32>
        %eq3A_1026 = arith.constant 6 : i32
        %eq3A_1027 = vector.broadcast %eq3A_1026 : i32 to vector<16xi32>
        %eq3A_1028 = arith.cmpi eq, %iota3A, %eq3A_1027 : vector<16xi32>
        %select_n3A_1029 = arith.select %eq3A_1028, %add3A_1025, %select_n3A_968 : vector<16xi1>, vector<16xf32>
        %mul3A_1030 = arith.constant 16 : i32
        %mul3A_1031 = arith.muli %scan3A_601, %mul3A_1030 : i32
        %add3A_1032 = arith.constant 7 : i32
        %add3A_1033 = arith.addi %mul3A_1031, %add3A_1032 : i32
        %broadcast_in_dim3A_1034 = vector.broadcast %add3A_1033 : i32 to vector<16xi32>
        %gather3A_1035 = tpu.vector_load_idx %arg17[%broadcast_in_dim3A_1034] : memref<4096xf32, #tpu.memory_space<vmem>>[vector<16xi32>], vector<16xf32>,
        %add3A_1036 = arith.addf %add3A_1025, %gather3A_1035 : vector<16xf32>
        %gather3A_1037 = tpu.vector_load_idx %arg18[%broadcast_in_dim3A_1034] : memref<4096xf32, #tpu.memory_space<vmem>>[vector<16xi32>], vector<16xf32>,
        %add3A_1038 = arith.addf %add3A_964, %gather3A_1037 : vector<16xf32>
        %gather3A_1039 = tpu.vector_load_idx %arg19[%broadcast_in_dim3A_1034] : memref<4096xf32, #tpu.memory_space<vmem>>[vector<16xi32>], vector<16xf32>,
        %add3A_1040 = arith.addf %add3A_903, %gather3A_1039 : vector<16xf32>
        %max3A_1041 = arith.maximumf %add3A_1038, %add3A_1040 : vector<16xf32>
        %max3A_1042 = arith.maximumf %add3A_1036, %max3A_1041 : vector<16xf32>
        %sub3A_1043 = arith.subf %add3A_1036, %max3A_1042 : vector<16xf32>
        %exp3A_1044 = math.exp %sub3A_1043 : vector<16xf32>
        %sub3A_1045 = arith.subf %add3A_1038, %max3A_1042 : vector<16xf32>
        %max3A_1046 = arith.constant -8.700000e+01 : f32
        %max3A_1047 = vector.broadcast %max3A_1046 : f32 to vector<16xf32>
        %max3A_1048 = arith.maximumf %sub3A_1045, %max3A_1047 : vector<16xf32>
        %exp3A_1049 = math.exp %max3A_1048 : vector<16xf32>
        %sub3A_1050 = arith.subf %add3A_1040, %max3A_1042 : vector<16xf32>
        %max3A_1051 = arith.constant -8.700000e+01 : f32
        %max3A_1052 = vector.broadcast %max3A_1051 : f32 to vector<16xf32>
        %max3A_1053 = arith.maximumf %sub3A_1050, %max3A_1052 : vector<16xf32>
        %exp3A_1054 = math.exp %max3A_1053 : vector<16xf32>
        %add3A_1055 = arith.addf %exp3A_1044, %exp3A_1049 : vector<16xf32>
        %add3A_1056 = arith.addf %add3A_1055, %exp3A_1054 : vector<16xf32>
        %bitcast3A_1057 = vector.bitcast %add3A_1056 : vector<16xf32> to vector<16xi32>
        %add3A_1058 = arith.constant -1048576000 : i32
        %add3A_1059 = vector.broadcast %add3A_1058 : i32 to vector<16xi32>
        %add3A_1060 = arith.addi %bitcast3A_1057, %add3A_1059 : vector<16xi32>
        %shift_right_logical3A_1061 = arith.constant 16 : i32
        %shift_right_logical3A_1062 = vector.broadcast %shift_right_logical3A_1061 : i32 to vector<16xi32>
        %shift_right_logical3A_1063 = arith.shrui %add3A_1060, %shift_right_logical3A_1062 : vector<16xi32>
        %and3A_1064 = arith.constant -65536 : i32
        %and3A_1065 = vector.broadcast %and3A_1064 : i32 to vector<16xi32>
        %and3A_1066 = arith.andi %bitcast3A_1057, %and3A_1065 : vector<16xi32>
        %or3A_1067 = arith.constant 32768 : i32
        %or3A_1068 = vector.broadcast %or3A_1067 : i32 to vector<16xi32>
        %or3A_1069 = arith.ori %and3A_1066, %or3A_1068 : vector<16xi32>
        %bitcast3A_1070 = vector.bitcast %or3A_1069 : vector<16xi32> to vector<16xf32>
        %gather3A_1071 = tpu.vector_load_idx %arg25[%shift_right_logical3A_1063] : memref<1024xf32, #tpu.memory_space<vmem>>[vector<16xi32>], vector<16xf32>,
        %add3A_1072 = arith.constant 256 : i32
        %add3A_1073 = vector.broadcast %add3A_1072 : i32 to vector<16xi32>
        %add3A_1074 = arith.addi %shift_right_logical3A_1063, %add3A_1073 : vector<16xi32>
        %gather3A_1075 = tpu.vector_load_idx %arg25[%add3A_1074] : memref<1024xf32, #tpu.memory_space<vmem>>[vector<16xi32>], vector<16xf32>,
        %add3A_1076 = arith.constant 512 : i32
        %add3A_1077 = vector.broadcast %add3A_1076 : i32 to vector<16xi32>
        %add3A_1078 = arith.addi %shift_right_logical3A_1063, %add3A_1077 : vector<16xi32>
        %gather3A_1079 = tpu.vector_load_idx %arg25[%add3A_1078] : memref<1024xf32, #tpu.memory_space<vmem>>[vector<16xi32>], vector<16xf32>,
        %sub3A_1080 = arith.subf %add3A_1056, %bitcast3A_1070 : vector<16xf32>
        %mul3A_1081 = arith.mulf %gather3A_1079, %sub3A_1080 : vector<16xf32>
        %mul3A_1082 = arith.mulf %mul3A_1081, %sub3A_1080 : vector<16xf32>
        %mul3A_1083 = arith.mulf %gather3A_1075, %sub3A_1080 : vector<16xf32>
        %add3A_1084 = arith.addf %mul3A_1083, %gather3A_1071 : vector<16xf32>
        %add3A_1085 = arith.addf %mul3A_1082, %add3A_1084 : vector<16xf32>
        %add3A_1086 = arith.addf %max3A_1042, %add3A_1085 : vector<16xf32>
        %eq3A_1087 = arith.constant 7 : i32
        %eq3A_1088 = vector.broadcast %eq3A_1087 : i32 to vector<16xi32>
        %eq3A_1089 = arith.cmpi eq, %iota3A, %eq3A_1088 : vector<16xi32>
        %select_n3A_1090 = arith.select %eq3A_1089, %add3A_1086, %select_n3A_1029 : vector<16xi1>, vector<16xf32>
        %mul3A_1091 = arith.constant 16 : i32
        %mul3A_1092 = arith.muli %scan3A_601, %mul3A_1091 : i32
        %add3A_1093 = arith.constant 8 : i32
        %add3A_1094 = arith.addi %mul3A_1092, %add3A_1093 : i32
        %broadcast_in_dim3A_1095 = vector.broadcast %add3A_1094 : i32 to vector<16xi32>
        %gather3A_1096 = tpu.vector_load_idx %arg17[%broadcast_in_dim3A_1095] : memref<4096xf32, #tpu.memory_space<vmem>>[vector<16xi32>], vector<16xf32>,
        %add3A_1097 = arith.addf %add3A_1086, %gather3A_1096 : vector<16xf32>
        %gather3A_1098 = tpu.vector_load_idx %arg18[%broadcast_in_dim3A_1095] : memref<4096xf32, #tpu.memory_space<vmem>>[vector<16xi32>], vector<16xf32>,
        %add3A_1099 = arith.addf %add3A_1025, %gather3A_1098 : vector<16xf32>
        %gather3A_1100 = tpu.vector_load_idx %arg19[%broadcast_in_dim3A_1095] : memref<4096xf32, #tpu.memory_space<vmem>>[vector<16xi32>], vector<16xf32>,
        %add3A_1101 = arith.addf %add3A_964, %gather3A_1100 : vector<16xf32>
        %max3A_1102 = arith.maximumf %add3A_1099, %add3A_1101 : vector<16xf32>
        %max3A_1103 = arith.maximumf %add3A_1097, %max3A_1102 : vector<16xf32>
        %sub3A_1104 = arith.subf %add3A_1097, %max3A_1103 : vector<16xf32>
        %exp3A_1105 = math.exp %sub3A_1104 : vector<16xf32>
        %sub3A_1106 = arith.subf %add3A_1099, %max3A_1103 : vector<16xf32>
        %max3A_1107 = arith.constant -8.700000e+01 : f32
        %max3A_1108 = vector.broadcast %max3A_1107 : f32 to vector<16xf32>
        %max3A_1109 = arith.maximumf %sub3A_1106, %max3A_1108 : vector<16xf32>
        %exp3A_1110 = math.exp %max3A_1109 : vector<16xf32>
        %sub3A_1111 = arith.subf %add3A_1101, %max3A_1103 : vector<16xf32>
        %max3A_1112 = arith.constant -8.700000e+01 : f32
        %max3A_1113 = vector.broadcast %max3A_1112 : f32 to vector<16xf32>
        %max3A_1114 = arith.maximumf %sub3A_1111, %max3A_1113 : vector<16xf32>
        %exp3A_1115 = math.exp %max3A_1114 : vector<16xf32>
        %add3A_1116 = arith.addf %exp3A_1105, %exp3A_1110 : vector<16xf32>
        %add3A_1117 = arith.addf %add3A_1116, %exp3A_1115 : vector<16xf32>
        %bitcast3A_1118 = vector.bitcast %add3A_1117 : vector<16xf32> to vector<16xi32>
        %add3A_1119 = arith.constant -1048576000 : i32
        %add3A_1120 = vector.broadcast %add3A_1119 : i32 to vector<16xi32>
        %add3A_1121 = arith.addi %bitcast3A_1118, %add3A_1120 : vector<16xi32>
        %shift_right_logical3A_1122 = arith.constant 16 : i32
        %shift_right_logical3A_1123 = vector.broadcast %shift_right_logical3A_1122 : i32 to vector<16xi32>
        %shift_right_logical3A_1124 = arith.shrui %add3A_1121, %shift_right_logical3A_1123 : vector<16xi32>
        %and3A_1125 = arith.constant -65536 : i32
        %and3A_1126 = vector.broadcast %and3A_1125 : i32 to vector<16xi32>
        %and3A_1127 = arith.andi %bitcast3A_1118, %and3A_1126 : vector<16xi32>
        %or3A_1128 = arith.constant 32768 : i32
        %or3A_1129 = vector.broadcast %or3A_1128 : i32 to vector<16xi32>
        %or3A_1130 = arith.ori %and3A_1127, %or3A_1129 : vector<16xi32>
        %bitcast3A_1131 = vector.bitcast %or3A_1130 : vector<16xi32> to vector<16xf32>
        %gather3A_1132 = tpu.vector_load_idx %arg25[%shift_right_logical3A_1124] : memref<1024xf32, #tpu.memory_space<vmem>>[vector<16xi32>], vector<16xf32>,
        %add3A_1133 = arith.constant 256 : i32
        %add3A_1134 = vector.broadcast %add3A_1133 : i32 to vector<16xi32>
        %add3A_1135 = arith.addi %shift_right_logical3A_1124, %add3A_1134 : vector<16xi32>
        %gather3A_1136 = tpu.vector_load_idx %arg25[%add3A_1135] : memref<1024xf32, #tpu.memory_space<vmem>>[vector<16xi32>], vector<16xf32>,
        %add3A_1137 = arith.constant 512 : i32
        %add3A_1138 = vector.broadcast %add3A_1137 : i32 to vector<16xi32>
        %add3A_1139 = arith.addi %shift_right_logical3A_1124, %add3A_1138 : vector<16xi32>
        %gather3A_1140 = tpu.vector_load_idx %arg25[%add3A_1139] : memref<1024xf32, #tpu.memory_space<vmem>>[vector<16xi32>], vector<16xf32>,
        %sub3A_1141 = arith.subf %add3A_1117, %bitcast3A_1131 : vector<16xf32>
        %mul3A_1142 = arith.mulf %gather3A_1140, %sub3A_1141 : vector<16xf32>
        %mul3A_1143 = arith.mulf %mul3A_1142, %sub3A_1141 : vector<16xf32>
        %mul3A_1144 = arith.mulf %gather3A_1136, %sub3A_1141 : vector<16xf32>
        %add3A_1145 = arith.addf %mul3A_1144, %gather3A_1132 : vector<16xf32>
        %add3A_1146 = arith.addf %mul3A_1143, %add3A_1145 : vector<16xf32>
        %add3A_1147 = arith.addf %max3A_1103, %add3A_1146 : vector<16xf32>
        %eq3A_1148 = arith.constant 8 : i32
        %eq3A_1149 = vector.broadcast %eq3A_1148 : i32 to vector<16xi32>
        %eq3A_1150 = arith.cmpi eq, %iota3A, %eq3A_1149 : vector<16xi32>
        %select_n3A_1151 = arith.select %eq3A_1150, %add3A_1147, %select_n3A_1090 : vector<16xi1>, vector<16xf32>
        %mul3A_1152 = arith.constant 16 : i32
        %mul3A_1153 = arith.muli %scan3A_601, %mul3A_1152 : i32
        %add3A_1154 = arith.constant 9 : i32
        %add3A_1155 = arith.addi %mul3A_1153, %add3A_1154 : i32
        %broadcast_in_dim3A_1156 = vector.broadcast %add3A_1155 : i32 to vector<16xi32>
        %gather3A_1157 = tpu.vector_load_idx %arg17[%broadcast_in_dim3A_1156] : memref<4096xf32, #tpu.memory_space<vmem>>[vector<16xi32>], vector<16xf32>,
        %add3A_1158 = arith.addf %add3A_1147, %gather3A_1157 : vector<16xf32>
        %gather3A_1159 = tpu.vector_load_idx %arg18[%broadcast_in_dim3A_1156] : memref<4096xf32, #tpu.memory_space<vmem>>[vector<16xi32>], vector<16xf32>,
        %add3A_1160 = arith.addf %add3A_1086, %gather3A_1159 : vector<16xf32>
        %gather3A_1161 = tpu.vector_load_idx %arg19[%broadcast_in_dim3A_1156] : memref<4096xf32, #tpu.memory_space<vmem>>[vector<16xi32>], vector<16xf32>,
        %add3A_1162 = arith.addf %add3A_1025, %gather3A_1161 : vector<16xf32>
        %max3A_1163 = arith.maximumf %add3A_1160, %add3A_1162 : vector<16xf32>
        %max3A_1164 = arith.maximumf %add3A_1158, %max3A_1163 : vector<16xf32>
        %sub3A_1165 = arith.subf %add3A_1158, %max3A_1164 : vector<16xf32>
        %exp3A_1166 = math.exp %sub3A_1165 : vector<16xf32>
        %sub3A_1167 = arith.subf %add3A_1160, %max3A_1164 : vector<16xf32>
        %max3A_1168 = arith.constant -8.700000e+01 : f32
        %max3A_1169 = vector.broadcast %max3A_1168 : f32 to vector<16xf32>
        %max3A_1170 = arith.maximumf %sub3A_1167, %max3A_1169 : vector<16xf32>
        %exp3A_1171 = math.exp %max3A_1170 : vector<16xf32>
        %sub3A_1172 = arith.subf %add3A_1162, %max3A_1164 : vector<16xf32>
        %max3A_1173 = arith.constant -8.700000e+01 : f32
        %max3A_1174 = vector.broadcast %max3A_1173 : f32 to vector<16xf32>
        %max3A_1175 = arith.maximumf %sub3A_1172, %max3A_1174 : vector<16xf32>
        %exp3A_1176 = math.exp %max3A_1175 : vector<16xf32>
        %add3A_1177 = arith.addf %exp3A_1166, %exp3A_1171 : vector<16xf32>
        %add3A_1178 = arith.addf %add3A_1177, %exp3A_1176 : vector<16xf32>
        %bitcast3A_1179 = vector.bitcast %add3A_1178 : vector<16xf32> to vector<16xi32>
        %add3A_1180 = arith.constant -1048576000 : i32
        %add3A_1181 = vector.broadcast %add3A_1180 : i32 to vector<16xi32>
        %add3A_1182 = arith.addi %bitcast3A_1179, %add3A_1181 : vector<16xi32>
        %shift_right_logical3A_1183 = arith.constant 16 : i32
        %shift_right_logical3A_1184 = vector.broadcast %shift_right_logical3A_1183 : i32 to vector<16xi32>
        %shift_right_logical3A_1185 = arith.shrui %add3A_1182, %shift_right_logical3A_1184 : vector<16xi32>
        %and3A_1186 = arith.constant -65536 : i32
        %and3A_1187 = vector.broadcast %and3A_1186 : i32 to vector<16xi32>
        %and3A_1188 = arith.andi %bitcast3A_1179, %and3A_1187 : vector<16xi32>
        %or3A_1189 = arith.constant 32768 : i32
        %or3A_1190 = vector.broadcast %or3A_1189 : i32 to vector<16xi32>
        %or3A_1191 = arith.ori %and3A_1188, %or3A_1190 : vector<16xi32>
        %bitcast3A_1192 = vector.bitcast %or3A_1191 : vector<16xi32> to vector<16xf32>
        %gather3A_1193 = tpu.vector_load_idx %arg25[%shift_right_logical3A_1185] : memref<1024xf32, #tpu.memory_space<vmem>>[vector<16xi32>], vector<16xf32>,
        %add3A_1194 = arith.constant 256 : i32
        %add3A_1195 = vector.broadcast %add3A_1194 : i32 to vector<16xi32>
        %add3A_1196 = arith.addi %shift_right_logical3A_1185, %add3A_1195 : vector<16xi32>
        %gather3A_1197 = tpu.vector_load_idx %arg25[%add3A_1196] : memref<1024xf32, #tpu.memory_space<vmem>>[vector<16xi32>], vector<16xf32>,
        %add3A_1198 = arith.constant 512 : i32
        %add3A_1199 = vector.broadcast %add3A_1198 : i32 to vector<16xi32>
        %add3A_1200 = arith.addi %shift_right_logical3A_1185, %add3A_1199 : vector<16xi32>
        %gather3A_1201 = tpu.vector_load_idx %arg25[%add3A_1200] : memref<1024xf32, #tpu.memory_space<vmem>>[vector<16xi32>], vector<16xf32>,
        %sub3A_1202 = arith.subf %add3A_1178, %bitcast3A_1192 : vector<16xf32>
        %mul3A_1203 = arith.mulf %gather3A_1201, %sub3A_1202 : vector<16xf32>
        %mul3A_1204 = arith.mulf %mul3A_1203, %sub3A_1202 : vector<16xf32>
        %mul3A_1205 = arith.mulf %gather3A_1197, %sub3A_1202 : vector<16xf32>
        %add3A_1206 = arith.addf %mul3A_1205, %gather3A_1193 : vector<16xf32>
        %add3A_1207 = arith.addf %mul3A_1204, %add3A_1206 : vector<16xf32>
        %add3A_1208 = arith.addf %max3A_1164, %add3A_1207 : vector<16xf32>
        %eq3A_1209 = arith.constant 9 : i32
        %eq3A_1210 = vector.broadcast %eq3A_1209 : i32 to vector<16xi32>
        %eq3A_1211 = arith.cmpi eq, %iota3A, %eq3A_1210 : vector<16xi32>
        %select_n3A_1212 = arith.select %eq3A_1211, %add3A_1208, %select_n3A_1151 : vector<16xi1>, vector<16xf32>
        %mul3A_1213 = arith.constant 16 : i32
        %mul3A_1214 = arith.muli %scan3A_601, %mul3A_1213 : i32
        %add3A_1215 = arith.constant 10 : i32
        %add3A_1216 = arith.addi %mul3A_1214, %add3A_1215 : i32
        %broadcast_in_dim3A_1217 = vector.broadcast %add3A_1216 : i32 to vector<16xi32>
        %gather3A_1218 = tpu.vector_load_idx %arg17[%broadcast_in_dim3A_1217] : memref<4096xf32, #tpu.memory_space<vmem>>[vector<16xi32>], vector<16xf32>,
        %add3A_1219 = arith.addf %add3A_1208, %gather3A_1218 : vector<16xf32>
        %gather3A_1220 = tpu.vector_load_idx %arg18[%broadcast_in_dim3A_1217] : memref<4096xf32, #tpu.memory_space<vmem>>[vector<16xi32>], vector<16xf32>,
        %add3A_1221 = arith.addf %add3A_1147, %gather3A_1220 : vector<16xf32>
        %gather3A_1222 = tpu.vector_load_idx %arg19[%broadcast_in_dim3A_1217] : memref<4096xf32, #tpu.memory_space<vmem>>[vector<16xi32>], vector<16xf32>,
        %add3A_1223 = arith.addf %add3A_1086, %gather3A_1222 : vector<16xf32>
        %max3A_1224 = arith.maximumf %add3A_1221, %add3A_1223 : vector<16xf32>
        %max3A_1225 = arith.maximumf %add3A_1219, %max3A_1224 : vector<16xf32>
        %sub3A_1226 = arith.subf %add3A_1219, %max3A_1225 : vector<16xf32>
        %exp3A_1227 = math.exp %sub3A_1226 : vector<16xf32>
        %sub3A_1228 = arith.subf %add3A_1221, %max3A_1225 : vector<16xf32>
        %max3A_1229 = arith.constant -8.700000e+01 : f32
        %max3A_1230 = vector.broadcast %max3A_1229 : f32 to vector<16xf32>
        %max3A_1231 = arith.maximumf %sub3A_1228, %max3A_1230 : vector<16xf32>
        %exp3A_1232 = math.exp %max3A_1231 : vector<16xf32>
        %sub3A_1233 = arith.subf %add3A_1223, %max3A_1225 : vector<16xf32>
        %max3A_1234 = arith.constant -8.700000e+01 : f32
        %max3A_1235 = vector.broadcast %max3A_1234 : f32 to vector<16xf32>
        %max3A_1236 = arith.maximumf %sub3A_1233, %max3A_1235 : vector<16xf32>
        %exp3A_1237 = math.exp %max3A_1236 : vector<16xf32>
        %add3A_1238 = arith.addf %exp3A_1227, %exp3A_1232 : vector<16xf32>
        %add3A_1239 = arith.addf %add3A_1238, %exp3A_1237 : vector<16xf32>
        %bitcast3A_1240 = vector.bitcast %add3A_1239 : vector<16xf32> to vector<16xi32>
        %add3A_1241 = arith.constant -1048576000 : i32
        %add3A_1242 = vector.broadcast %add3A_1241 : i32 to vector<16xi32>
        %add3A_1243 = arith.addi %bitcast3A_1240, %add3A_1242 : vector<16xi32>
        %shift_right_logical3A_1244 = arith.constant 16 : i32
        %shift_right_logical3A_1245 = vector.broadcast %shift_right_logical3A_1244 : i32 to vector<16xi32>
        %shift_right_logical3A_1246 = arith.shrui %add3A_1243, %shift_right_logical3A_1245 : vector<16xi32>
        %and3A_1247 = arith.constant -65536 : i32
        %and3A_1248 = vector.broadcast %and3A_1247 : i32 to vector<16xi32>
        %and3A_1249 = arith.andi %bitcast3A_1240, %and3A_1248 : vector<16xi32>
        %or3A_1250 = arith.constant 32768 : i32
        %or3A_1251 = vector.broadcast %or3A_1250 : i32 to vector<16xi32>
        %or3A_1252 = arith.ori %and3A_1249, %or3A_1251 : vector<16xi32>
        %bitcast3A_1253 = vector.bitcast %or3A_1252 : vector<16xi32> to vector<16xf32>
        %gather3A_1254 = tpu.vector_load_idx %arg25[%shift_right_logical3A_1246] : memref<1024xf32, #tpu.memory_space<vmem>>[vector<16xi32>], vector<16xf32>,
        %add3A_1255 = arith.constant 256 : i32
        %add3A_1256 = vector.broadcast %add3A_1255 : i32 to vector<16xi32>
        %add3A_1257 = arith.addi %shift_right_logical3A_1246, %add3A_1256 : vector<16xi32>
        %gather3A_1258 = tpu.vector_load_idx %arg25[%add3A_1257] : memref<1024xf32, #tpu.memory_space<vmem>>[vector<16xi32>], vector<16xf32>,
        %add3A_1259 = arith.constant 512 : i32
        %add3A_1260 = vector.broadcast %add3A_1259 : i32 to vector<16xi32>
        %add3A_1261 = arith.addi %shift_right_logical3A_1246, %add3A_1260 : vector<16xi32>
        %gather3A_1262 = tpu.vector_load_idx %arg25[%add3A_1261] : memref<1024xf32, #tpu.memory_space<vmem>>[vector<16xi32>], vector<16xf32>,
        %sub3A_1263 = arith.subf %add3A_1239, %bitcast3A_1253 : vector<16xf32>
        %mul3A_1264 = arith.mulf %gather3A_1262, %sub3A_1263 : vector<16xf32>
        %mul3A_1265 = arith.mulf %mul3A_1264, %sub3A_1263 : vector<16xf32>
        %mul3A_1266 = arith.mulf %gather3A_1258, %sub3A_1263 : vector<16xf32>
        %add3A_1267 = arith.addf %mul3A_1266, %gather3A_1254 : vector<16xf32>
        %add3A_1268 = arith.addf %mul3A_1265, %add3A_1267 : vector<16xf32>
        %add3A_1269 = arith.addf %max3A_1225, %add3A_1268 : vector<16xf32>
        %eq3A_1270 = arith.constant 10 : i32
        %eq3A_1271 = vector.broadcast %eq3A_1270 : i32 to vector<16xi32>
        %eq3A_1272 = arith.cmpi eq, %iota3A, %eq3A_1271 : vector<16xi32>
        %select_n3A_1273 = arith.select %eq3A_1272, %add3A_1269, %select_n3A_1212 : vector<16xi1>, vector<16xf32>
        %mul3A_1274 = arith.constant 16 : i32
        %mul3A_1275 = arith.muli %scan3A_601, %mul3A_1274 : i32
        %add3A_1276 = arith.constant 11 : i32
        %add3A_1277 = arith.addi %mul3A_1275, %add3A_1276 : i32
        %broadcast_in_dim3A_1278 = vector.broadcast %add3A_1277 : i32 to vector<16xi32>
        %gather3A_1279 = tpu.vector_load_idx %arg17[%broadcast_in_dim3A_1278] : memref<4096xf32, #tpu.memory_space<vmem>>[vector<16xi32>], vector<16xf32>,
        %add3A_1280 = arith.addf %add3A_1269, %gather3A_1279 : vector<16xf32>
        %gather3A_1281 = tpu.vector_load_idx %arg18[%broadcast_in_dim3A_1278] : memref<4096xf32, #tpu.memory_space<vmem>>[vector<16xi32>], vector<16xf32>,
        %add3A_1282 = arith.addf %add3A_1208, %gather3A_1281 : vector<16xf32>
        %gather3A_1283 = tpu.vector_load_idx %arg19[%broadcast_in_dim3A_1278] : memref<4096xf32, #tpu.memory_space<vmem>>[vector<16xi32>], vector<16xf32>,
        %add3A_1284 = arith.addf %add3A_1147, %gather3A_1283 : vector<16xf32>
        %max3A_1285 = arith.maximumf %add3A_1282, %add3A_1284 : vector<16xf32>
        %max3A_1286 = arith.maximumf %add3A_1280, %max3A_1285 : vector<16xf32>
        %sub3A_1287 = arith.subf %add3A_1280, %max3A_1286 : vector<16xf32>
        %exp3A_1288 = math.exp %sub3A_1287 : vector<16xf32>
        %sub3A_1289 = arith.subf %add3A_1282, %max3A_1286 : vector<16xf32>
        %max3A_1290 = arith.constant -8.700000e+01 : f32
        %max3A_1291 = vector.broadcast %max3A_1290 : f32 to vector<16xf32>
        %max3A_1292 = arith.maximumf %sub3A_1289, %max3A_1291 : vector<16xf32>
        %exp3A_1293 = math.exp %max3A_1292 : vector<16xf32>
        %sub3A_1294 = arith.subf %add3A_1284, %max3A_1286 : vector<16xf32>
        %max3A_1295 = arith.constant -8.700000e+01 : f32
        %max3A_1296 = vector.broadcast %max3A_1295 : f32 to vector<16xf32>
        %max3A_1297 = arith.maximumf %sub3A_1294, %max3A_1296 : vector<16xf32>
        %exp3A_1298 = math.exp %max3A_1297 : vector<16xf32>
        %add3A_1299 = arith.addf %exp3A_1288, %exp3A_1293 : vector<16xf32>
        %add3A_1300 = arith.addf %add3A_1299, %exp3A_1298 : vector<16xf32>
        %bitcast3A_1301 = vector.bitcast %add3A_1300 : vector<16xf32> to vector<16xi32>
        %add3A_1302 = arith.constant -1048576000 : i32
        %add3A_1303 = vector.broadcast %add3A_1302 : i32 to vector<16xi32>
        %add3A_1304 = arith.addi %bitcast3A_1301, %add3A_1303 : vector<16xi32>
        %shift_right_logical3A_1305 = arith.constant 16 : i32
        %shift_right_logical3A_1306 = vector.broadcast %shift_right_logical3A_1305 : i32 to vector<16xi32>
        %shift_right_logical3A_1307 = arith.shrui %add3A_1304, %shift_right_logical3A_1306 : vector<16xi32>
        %and3A_1308 = arith.constant -65536 : i32
        %and3A_1309 = vector.broadcast %and3A_1308 : i32 to vector<16xi32>
        %and3A_1310 = arith.andi %bitcast3A_1301, %and3A_1309 : vector<16xi32>
        %or3A_1311 = arith.constant 32768 : i32
        %or3A_1312 = vector.broadcast %or3A_1311 : i32 to vector<16xi32>
        %or3A_1313 = arith.ori %and3A_1310, %or3A_1312 : vector<16xi32>
        %bitcast3A_1314 = vector.bitcast %or3A_1313 : vector<16xi32> to vector<16xf32>
        %gather3A_1315 = tpu.vector_load_idx %arg25[%shift_right_logical3A_1307] : memref<1024xf32, #tpu.memory_space<vmem>>[vector<16xi32>], vector<16xf32>,
        %add3A_1316 = arith.constant 256 : i32
        %add3A_1317 = vector.broadcast %add3A_1316 : i32 to vector<16xi32>
        %add3A_1318 = arith.addi %shift_right_logical3A_1307, %add3A_1317 : vector<16xi32>
        %gather3A_1319 = tpu.vector_load_idx %arg25[%add3A_1318] : memref<1024xf32, #tpu.memory_space<vmem>>[vector<16xi32>], vector<16xf32>,
        %add3A_1320 = arith.constant 512 : i32
        %add3A_1321 = vector.broadcast %add3A_1320 : i32 to vector<16xi32>
        %add3A_1322 = arith.addi %shift_right_logical3A_1307, %add3A_1321 : vector<16xi32>
        %gather3A_1323 = tpu.vector_load_idx %arg25[%add3A_1322] : memref<1024xf32, #tpu.memory_space<vmem>>[vector<16xi32>], vector<16xf32>,
        %sub3A_1324 = arith.subf %add3A_1300, %bitcast3A_1314 : vector<16xf32>
        %mul3A_1325 = arith.mulf %gather3A_1323, %sub3A_1324 : vector<16xf32>
        %mul3A_1326 = arith.mulf %mul3A_1325, %sub3A_1324 : vector<16xf32>
        %mul3A_1327 = arith.mulf %gather3A_1319, %sub3A_1324 : vector<16xf32>
        %add3A_1328 = arith.addf %mul3A_1327, %gather3A_1315 : vector<16xf32>
        %add3A_1329 = arith.addf %mul3A_1326, %add3A_1328 : vector<16xf32>
        %add3A_1330 = arith.addf %max3A_1286, %add3A_1329 : vector<16xf32>
        %eq3A_1331 = arith.constant 11 : i32
        %eq3A_1332 = vector.broadcast %eq3A_1331 : i32 to vector<16xi32>
        %eq3A_1333 = arith.cmpi eq, %iota3A, %eq3A_1332 : vector<16xi32>
        %select_n3A_1334 = arith.select %eq3A_1333, %add3A_1330, %select_n3A_1273 : vector<16xi1>, vector<16xf32>
        %mul3A_1335 = arith.constant 16 : i32
        %mul3A_1336 = arith.muli %scan3A_601, %mul3A_1335 : i32
        %add3A_1337 = arith.constant 12 : i32
        %add3A_1338 = arith.addi %mul3A_1336, %add3A_1337 : i32
        %broadcast_in_dim3A_1339 = vector.broadcast %add3A_1338 : i32 to vector<16xi32>
        %gather3A_1340 = tpu.vector_load_idx %arg17[%broadcast_in_dim3A_1339] : memref<4096xf32, #tpu.memory_space<vmem>>[vector<16xi32>], vector<16xf32>,
        %add3A_1341 = arith.addf %add3A_1330, %gather3A_1340 : vector<16xf32>
        %gather3A_1342 = tpu.vector_load_idx %arg18[%broadcast_in_dim3A_1339] : memref<4096xf32, #tpu.memory_space<vmem>>[vector<16xi32>], vector<16xf32>,
        %add3A_1343 = arith.addf %add3A_1269, %gather3A_1342 : vector<16xf32>
        %gather3A_1344 = tpu.vector_load_idx %arg19[%broadcast_in_dim3A_1339] : memref<4096xf32, #tpu.memory_space<vmem>>[vector<16xi32>], vector<16xf32>,
        %add3A_1345 = arith.addf %add3A_1208, %gather3A_1344 : vector<16xf32>
        %max3A_1346 = arith.maximumf %add3A_1343, %add3A_1345 : vector<16xf32>
        %max3A_1347 = arith.maximumf %add3A_1341, %max3A_1346 : vector<16xf32>
        %sub3A_1348 = arith.subf %add3A_1341, %max3A_1347 : vector<16xf32>
        %exp3A_1349 = math.exp %sub3A_1348 : vector<16xf32>
        %sub3A_1350 = arith.subf %add3A_1343, %max3A_1347 : vector<16xf32>
        %max3A_1351 = arith.constant -8.700000e+01 : f32
        %max3A_1352 = vector.broadcast %max3A_1351 : f32 to vector<16xf32>
        %max3A_1353 = arith.maximumf %sub3A_1350, %max3A_1352 : vector<16xf32>
        %exp3A_1354 = math.exp %max3A_1353 : vector<16xf32>
        %sub3A_1355 = arith.subf %add3A_1345, %max3A_1347 : vector<16xf32>
        %max3A_1356 = arith.constant -8.700000e+01 : f32
        %max3A_1357 = vector.broadcast %max3A_1356 : f32 to vector<16xf32>
        %max3A_1358 = arith.maximumf %sub3A_1355, %max3A_1357 : vector<16xf32>
        %exp3A_1359 = math.exp %max3A_1358 : vector<16xf32>
        %add3A_1360 = arith.addf %exp3A_1349, %exp3A_1354 : vector<16xf32>
        %add3A_1361 = arith.addf %add3A_1360, %exp3A_1359 : vector<16xf32>
        %bitcast3A_1362 = vector.bitcast %add3A_1361 : vector<16xf32> to vector<16xi32>
        %add3A_1363 = arith.constant -1048576000 : i32
        %add3A_1364 = vector.broadcast %add3A_1363 : i32 to vector<16xi32>
        %add3A_1365 = arith.addi %bitcast3A_1362, %add3A_1364 : vector<16xi32>
        %shift_right_logical3A_1366 = arith.constant 16 : i32
        %shift_right_logical3A_1367 = vector.broadcast %shift_right_logical3A_1366 : i32 to vector<16xi32>
        %shift_right_logical3A_1368 = arith.shrui %add3A_1365, %shift_right_logical3A_1367 : vector<16xi32>
        %and3A_1369 = arith.constant -65536 : i32
        %and3A_1370 = vector.broadcast %and3A_1369 : i32 to vector<16xi32>
        %and3A_1371 = arith.andi %bitcast3A_1362, %and3A_1370 : vector<16xi32>
        %or3A_1372 = arith.constant 32768 : i32
        %or3A_1373 = vector.broadcast %or3A_1372 : i32 to vector<16xi32>
        %or3A_1374 = arith.ori %and3A_1371, %or3A_1373 : vector<16xi32>
        %bitcast3A_1375 = vector.bitcast %or3A_1374 : vector<16xi32> to vector<16xf32>
        %gather3A_1376 = tpu.vector_load_idx %arg25[%shift_right_logical3A_1368] : memref<1024xf32, #tpu.memory_space<vmem>>[vector<16xi32>], vector<16xf32>,
        %add3A_1377 = arith.constant 256 : i32
        %add3A_1378 = vector.broadcast %add3A_1377 : i32 to vector<16xi32>
        %add3A_1379 = arith.addi %shift_right_logical3A_1368, %add3A_1378 : vector<16xi32>
        %gather3A_1380 = tpu.vector_load_idx %arg25[%add3A_1379] : memref<1024xf32, #tpu.memory_space<vmem>>[vector<16xi32>], vector<16xf32>,
        %add3A_1381 = arith.constant 512 : i32
        %add3A_1382 = vector.broadcast %add3A_1381 : i32 to vector<16xi32>
        %add3A_1383 = arith.addi %shift_right_logical3A_1368, %add3A_1382 : vector<16xi32>
        %gather3A_1384 = tpu.vector_load_idx %arg25[%add3A_1383] : memref<1024xf32, #tpu.memory_space<vmem>>[vector<16xi32>], vector<16xf32>,
        %sub3A_1385 = arith.subf %add3A_1361, %bitcast3A_1375 : vector<16xf32>
        %mul3A_1386 = arith.mulf %gather3A_1384, %sub3A_1385 : vector<16xf32>
        %mul3A_1387 = arith.mulf %mul3A_1386, %sub3A_1385 : vector<16xf32>
        %mul3A_1388 = arith.mulf %gather3A_1380, %sub3A_1385 : vector<16xf32>
        %add3A_1389 = arith.addf %mul3A_1388, %gather3A_1376 : vector<16xf32>
        %add3A_1390 = arith.addf %mul3A_1387, %add3A_1389 : vector<16xf32>
        %add3A_1391 = arith.addf %max3A_1347, %add3A_1390 : vector<16xf32>
        %eq3A_1392 = arith.constant 12 : i32
        %eq3A_1393 = vector.broadcast %eq3A_1392 : i32 to vector<16xi32>
        %eq3A_1394 = arith.cmpi eq, %iota3A, %eq3A_1393 : vector<16xi32>
        %select_n3A_1395 = arith.select %eq3A_1394, %add3A_1391, %select_n3A_1334 : vector<16xi1>, vector<16xf32>
        %mul3A_1396 = arith.constant 16 : i32
        %mul3A_1397 = arith.muli %scan3A_601, %mul3A_1396 : i32
        %add3A_1398 = arith.constant 13 : i32
        %add3A_1399 = arith.addi %mul3A_1397, %add3A_1398 : i32
        %broadcast_in_dim3A_1400 = vector.broadcast %add3A_1399 : i32 to vector<16xi32>
        %gather3A_1401 = tpu.vector_load_idx %arg17[%broadcast_in_dim3A_1400] : memref<4096xf32, #tpu.memory_space<vmem>>[vector<16xi32>], vector<16xf32>,
        %add3A_1402 = arith.addf %add3A_1391, %gather3A_1401 : vector<16xf32>
        %gather3A_1403 = tpu.vector_load_idx %arg18[%broadcast_in_dim3A_1400] : memref<4096xf32, #tpu.memory_space<vmem>>[vector<16xi32>], vector<16xf32>,
        %add3A_1404 = arith.addf %add3A_1330, %gather3A_1403 : vector<16xf32>
        %gather3A_1405 = tpu.vector_load_idx %arg19[%broadcast_in_dim3A_1400] : memref<4096xf32, #tpu.memory_space<vmem>>[vector<16xi32>], vector<16xf32>,
        %add3A_1406 = arith.addf %add3A_1269, %gather3A_1405 : vector<16xf32>
        %max3A_1407 = arith.maximumf %add3A_1404, %add3A_1406 : vector<16xf32>
        %max3A_1408 = arith.maximumf %add3A_1402, %max3A_1407 : vector<16xf32>
        %sub3A_1409 = arith.subf %add3A_1402, %max3A_1408 : vector<16xf32>
        %exp3A_1410 = math.exp %sub3A_1409 : vector<16xf32>
        %sub3A_1411 = arith.subf %add3A_1404, %max3A_1408 : vector<16xf32>
        %max3A_1412 = arith.constant -8.700000e+01 : f32
        %max3A_1413 = vector.broadcast %max3A_1412 : f32 to vector<16xf32>
        %max3A_1414 = arith.maximumf %sub3A_1411, %max3A_1413 : vector<16xf32>
        %exp3A_1415 = math.exp %max3A_1414 : vector<16xf32>
        %sub3A_1416 = arith.subf %add3A_1406, %max3A_1408 : vector<16xf32>
        %max3A_1417 = arith.constant -8.700000e+01 : f32
        %max3A_1418 = vector.broadcast %max3A_1417 : f32 to vector<16xf32>
        %max3A_1419 = arith.maximumf %sub3A_1416, %max3A_1418 : vector<16xf32>
        %exp3A_1420 = math.exp %max3A_1419 : vector<16xf32>
        %add3A_1421 = arith.addf %exp3A_1410, %exp3A_1415 : vector<16xf32>
        %add3A_1422 = arith.addf %add3A_1421, %exp3A_1420 : vector<16xf32>
        %bitcast3A_1423 = vector.bitcast %add3A_1422 : vector<16xf32> to vector<16xi32>
        %add3A_1424 = arith.constant -1048576000 : i32
        %add3A_1425 = vector.broadcast %add3A_1424 : i32 to vector<16xi32>
        %add3A_1426 = arith.addi %bitcast3A_1423, %add3A_1425 : vector<16xi32>
        %shift_right_logical3A_1427 = arith.constant 16 : i32
        %shift_right_logical3A_1428 = vector.broadcast %shift_right_logical3A_1427 : i32 to vector<16xi32>
        %shift_right_logical3A_1429 = arith.shrui %add3A_1426, %shift_right_logical3A_1428 : vector<16xi32>
        %and3A_1430 = arith.constant -65536 : i32
        %and3A_1431 = vector.broadcast %and3A_1430 : i32 to vector<16xi32>
        %and3A_1432 = arith.andi %bitcast3A_1423, %and3A_1431 : vector<16xi32>
        %or3A_1433 = arith.constant 32768 : i32
        %or3A_1434 = vector.broadcast %or3A_1433 : i32 to vector<16xi32>
        %or3A_1435 = arith.ori %and3A_1432, %or3A_1434 : vector<16xi32>
        %bitcast3A_1436 = vector.bitcast %or3A_1435 : vector<16xi32> to vector<16xf32>
        %gather3A_1437 = tpu.vector_load_idx %arg25[%shift_right_logical3A_1429] : memref<1024xf32, #tpu.memory_space<vmem>>[vector<16xi32>], vector<16xf32>,
        %add3A_1438 = arith.constant 256 : i32
        %add3A_1439 = vector.broadcast %add3A_1438 : i32 to vector<16xi32>
        %add3A_1440 = arith.addi %shift_right_logical3A_1429, %add3A_1439 : vector<16xi32>
        %gather3A_1441 = tpu.vector_load_idx %arg25[%add3A_1440] : memref<1024xf32, #tpu.memory_space<vmem>>[vector<16xi32>], vector<16xf32>,
        %add3A_1442 = arith.constant 512 : i32
        %add3A_1443 = vector.broadcast %add3A_1442 : i32 to vector<16xi32>
        %add3A_1444 = arith.addi %shift_right_logical3A_1429, %add3A_1443 : vector<16xi32>
        %gather3A_1445 = tpu.vector_load_idx %arg25[%add3A_1444] : memref<1024xf32, #tpu.memory_space<vmem>>[vector<16xi32>], vector<16xf32>,
        %sub3A_1446 = arith.subf %add3A_1422, %bitcast3A_1436 : vector<16xf32>
        %mul3A_1447 = arith.mulf %gather3A_1445, %sub3A_1446 : vector<16xf32>
        %mul3A_1448 = arith.mulf %mul3A_1447, %sub3A_1446 : vector<16xf32>
        %mul3A_1449 = arith.mulf %gather3A_1441, %sub3A_1446 : vector<16xf32>
        %add3A_1450 = arith.addf %mul3A_1449, %gather3A_1437 : vector<16xf32>
        %add3A_1451 = arith.addf %mul3A_1448, %add3A_1450 : vector<16xf32>
        %add3A_1452 = arith.addf %max3A_1408, %add3A_1451 : vector<16xf32>
        %eq3A_1453 = arith.constant 13 : i32
        %eq3A_1454 = vector.broadcast %eq3A_1453 : i32 to vector<16xi32>
        %eq3A_1455 = arith.cmpi eq, %iota3A, %eq3A_1454 : vector<16xi32>
        %select_n3A_1456 = arith.select %eq3A_1455, %add3A_1452, %select_n3A_1395 : vector<16xi1>, vector<16xf32>
        %mul3A_1457 = arith.constant 16 : i32
        %mul3A_1458 = arith.muli %scan3A_601, %mul3A_1457 : i32
        %add3A_1459 = arith.constant 14 : i32
        %add3A_1460 = arith.addi %mul3A_1458, %add3A_1459 : i32
        %broadcast_in_dim3A_1461 = vector.broadcast %add3A_1460 : i32 to vector<16xi32>
        %gather3A_1462 = tpu.vector_load_idx %arg17[%broadcast_in_dim3A_1461] : memref<4096xf32, #tpu.memory_space<vmem>>[vector<16xi32>], vector<16xf32>,
        %add3A_1463 = arith.addf %add3A_1452, %gather3A_1462 : vector<16xf32>
        %gather3A_1464 = tpu.vector_load_idx %arg18[%broadcast_in_dim3A_1461] : memref<4096xf32, #tpu.memory_space<vmem>>[vector<16xi32>], vector<16xf32>,
        %add3A_1465 = arith.addf %add3A_1391, %gather3A_1464 : vector<16xf32>
        %gather3A_1466 = tpu.vector_load_idx %arg19[%broadcast_in_dim3A_1461] : memref<4096xf32, #tpu.memory_space<vmem>>[vector<16xi32>], vector<16xf32>,
        %add3A_1467 = arith.addf %add3A_1330, %gather3A_1466 : vector<16xf32>
        %max3A_1468 = arith.maximumf %add3A_1465, %add3A_1467 : vector<16xf32>
        %max3A_1469 = arith.maximumf %add3A_1463, %max3A_1468 : vector<16xf32>
        %sub3A_1470 = arith.subf %add3A_1463, %max3A_1469 : vector<16xf32>
        %exp3A_1471 = math.exp %sub3A_1470 : vector<16xf32>
        %sub3A_1472 = arith.subf %add3A_1465, %max3A_1469 : vector<16xf32>
        %max3A_1473 = arith.constant -8.700000e+01 : f32
        %max3A_1474 = vector.broadcast %max3A_1473 : f32 to vector<16xf32>
        %max3A_1475 = arith.maximumf %sub3A_1472, %max3A_1474 : vector<16xf32>
        %exp3A_1476 = math.exp %max3A_1475 : vector<16xf32>
        %sub3A_1477 = arith.subf %add3A_1467, %max3A_1469 : vector<16xf32>
        %max3A_1478 = arith.constant -8.700000e+01 : f32
        %max3A_1479 = vector.broadcast %max3A_1478 : f32 to vector<16xf32>
        %max3A_1480 = arith.maximumf %sub3A_1477, %max3A_1479 : vector<16xf32>
        %exp3A_1481 = math.exp %max3A_1480 : vector<16xf32>
        %add3A_1482 = arith.addf %exp3A_1471, %exp3A_1476 : vector<16xf32>
        %add3A_1483 = arith.addf %add3A_1482, %exp3A_1481 : vector<16xf32>
        %bitcast3A_1484 = vector.bitcast %add3A_1483 : vector<16xf32> to vector<16xi32>
        %add3A_1485 = arith.constant -1048576000 : i32
        %add3A_1486 = vector.broadcast %add3A_1485 : i32 to vector<16xi32>
        %add3A_1487 = arith.addi %bitcast3A_1484, %add3A_1486 : vector<16xi32>
        %shift_right_logical3A_1488 = arith.constant 16 : i32
        %shift_right_logical3A_1489 = vector.broadcast %shift_right_logical3A_1488 : i32 to vector<16xi32>
        %shift_right_logical3A_1490 = arith.shrui %add3A_1487, %shift_right_logical3A_1489 : vector<16xi32>
        %and3A_1491 = arith.constant -65536 : i32
        %and3A_1492 = vector.broadcast %and3A_1491 : i32 to vector<16xi32>
        %and3A_1493 = arith.andi %bitcast3A_1484, %and3A_1492 : vector<16xi32>
        %or3A_1494 = arith.constant 32768 : i32
        %or3A_1495 = vector.broadcast %or3A_1494 : i32 to vector<16xi32>
        %or3A_1496 = arith.ori %and3A_1493, %or3A_1495 : vector<16xi32>
        %bitcast3A_1497 = vector.bitcast %or3A_1496 : vector<16xi32> to vector<16xf32>
        %gather3A_1498 = tpu.vector_load_idx %arg25[%shift_right_logical3A_1490] : memref<1024xf32, #tpu.memory_space<vmem>>[vector<16xi32>], vector<16xf32>,
        %add3A_1499 = arith.constant 256 : i32
        %add3A_1500 = vector.broadcast %add3A_1499 : i32 to vector<16xi32>
        %add3A_1501 = arith.addi %shift_right_logical3A_1490, %add3A_1500 : vector<16xi32>
        %gather3A_1502 = tpu.vector_load_idx %arg25[%add3A_1501] : memref<1024xf32, #tpu.memory_space<vmem>>[vector<16xi32>], vector<16xf32>,
        %add3A_1503 = arith.constant 512 : i32
        %add3A_1504 = vector.broadcast %add3A_1503 : i32 to vector<16xi32>
        %add3A_1505 = arith.addi %shift_right_logical3A_1490, %add3A_1504 : vector<16xi32>
        %gather3A_1506 = tpu.vector_load_idx %arg25[%add3A_1505] : memref<1024xf32, #tpu.memory_space<vmem>>[vector<16xi32>], vector<16xf32>,
        %sub3A_1507 = arith.subf %add3A_1483, %bitcast3A_1497 : vector<16xf32>
        %mul3A_1508 = arith.mulf %gather3A_1506, %sub3A_1507 : vector<16xf32>
        %mul3A_1509 = arith.mulf %mul3A_1508, %sub3A_1507 : vector<16xf32>
        %mul3A_1510 = arith.mulf %gather3A_1502, %sub3A_1507 : vector<16xf32>
        %add3A_1511 = arith.addf %mul3A_1510, %gather3A_1498 : vector<16xf32>
        %add3A_1512 = arith.addf %mul3A_1509, %add3A_1511 : vector<16xf32>
        %add3A_1513 = arith.addf %max3A_1469, %add3A_1512 : vector<16xf32>
        %eq3A_1514 = arith.constant 14 : i32
        %eq3A_1515 = vector.broadcast %eq3A_1514 : i32 to vector<16xi32>
        %eq3A_1516 = arith.cmpi eq, %iota3A, %eq3A_1515 : vector<16xi32>
        %select_n3A_1517 = arith.select %eq3A_1516, %add3A_1513, %select_n3A_1456 : vector<16xi1>, vector<16xf32>
        %mul3A_1518 = arith.constant 16 : i32
        %mul3A_1519 = arith.muli %scan3A_601, %mul3A_1518 : i32
        %add3A_1520 = arith.constant 15 : i32
        %add3A_1521 = arith.addi %mul3A_1519, %add3A_1520 : i32
        %broadcast_in_dim3A_1522 = vector.broadcast %add3A_1521 : i32 to vector<16xi32>
        %gather3A_1523 = tpu.vector_load_idx %arg17[%broadcast_in_dim3A_1522] : memref<4096xf32, #tpu.memory_space<vmem>>[vector<16xi32>], vector<16xf32>,
        %add3A_1524 = arith.addf %add3A_1513, %gather3A_1523 : vector<16xf32>
        %gather3A_1525 = tpu.vector_load_idx %arg18[%broadcast_in_dim3A_1522] : memref<4096xf32, #tpu.memory_space<vmem>>[vector<16xi32>], vector<16xf32>,
        %add3A_1526 = arith.addf %add3A_1452, %gather3A_1525 : vector<16xf32>
        %gather3A_1527 = tpu.vector_load_idx %arg19[%broadcast_in_dim3A_1522] : memref<4096xf32, #tpu.memory_space<vmem>>[vector<16xi32>], vector<16xf32>,
        %add3A_1528 = arith.addf %add3A_1391, %gather3A_1527 : vector<16xf32>
        %max3A_1529 = arith.maximumf %add3A_1526, %add3A_1528 : vector<16xf32>
        %max3A_1530 = arith.maximumf %add3A_1524, %max3A_1529 : vector<16xf32>
        %sub3A_1531 = arith.subf %add3A_1524, %max3A_1530 : vector<16xf32>
        %exp3A_1532 = math.exp %sub3A_1531 : vector<16xf32>
        %sub3A_1533 = arith.subf %add3A_1526, %max3A_1530 : vector<16xf32>
        %max3A_1534 = arith.constant -8.700000e+01 : f32
        %max3A_1535 = vector.broadcast %max3A_1534 : f32 to vector<16xf32>
        %max3A_1536 = arith.maximumf %sub3A_1533, %max3A_1535 : vector<16xf32>
        %exp3A_1537 = math.exp %max3A_1536 : vector<16xf32>
        %sub3A_1538 = arith.subf %add3A_1528, %max3A_1530 : vector<16xf32>
        %max3A_1539 = arith.constant -8.700000e+01 : f32
        %max3A_1540 = vector.broadcast %max3A_1539 : f32 to vector<16xf32>
        %max3A_1541 = arith.maximumf %sub3A_1538, %max3A_1540 : vector<16xf32>
        %exp3A_1542 = math.exp %max3A_1541 : vector<16xf32>
        %add3A_1543 = arith.addf %exp3A_1532, %exp3A_1537 : vector<16xf32>
        %add3A_1544 = arith.addf %add3A_1543, %exp3A_1542 : vector<16xf32>
        %bitcast3A_1545 = vector.bitcast %add3A_1544 : vector<16xf32> to vector<16xi32>
        %add3A_1546 = arith.constant -1048576000 : i32
        %add3A_1547 = vector.broadcast %add3A_1546 : i32 to vector<16xi32>
        %add3A_1548 = arith.addi %bitcast3A_1545, %add3A_1547 : vector<16xi32>
        %shift_right_logical3A_1549 = arith.constant 16 : i32
        %shift_right_logical3A_1550 = vector.broadcast %shift_right_logical3A_1549 : i32 to vector<16xi32>
        %shift_right_logical3A_1551 = arith.shrui %add3A_1548, %shift_right_logical3A_1550 : vector<16xi32>
        %and3A_1552 = arith.constant -65536 : i32
        %and3A_1553 = vector.broadcast %and3A_1552 : i32 to vector<16xi32>
        %and3A_1554 = arith.andi %bitcast3A_1545, %and3A_1553 : vector<16xi32>
        %or3A_1555 = arith.constant 32768 : i32
        %or3A_1556 = vector.broadcast %or3A_1555 : i32 to vector<16xi32>
        %or3A_1557 = arith.ori %and3A_1554, %or3A_1556 : vector<16xi32>
        %bitcast3A_1558 = vector.bitcast %or3A_1557 : vector<16xi32> to vector<16xf32>
        %gather3A_1559 = tpu.vector_load_idx %arg25[%shift_right_logical3A_1551] : memref<1024xf32, #tpu.memory_space<vmem>>[vector<16xi32>], vector<16xf32>,
        %add3A_1560 = arith.constant 256 : i32
        %add3A_1561 = vector.broadcast %add3A_1560 : i32 to vector<16xi32>
        %add3A_1562 = arith.addi %shift_right_logical3A_1551, %add3A_1561 : vector<16xi32>
        %gather3A_1563 = tpu.vector_load_idx %arg25[%add3A_1562] : memref<1024xf32, #tpu.memory_space<vmem>>[vector<16xi32>], vector<16xf32>,
        %add3A_1564 = arith.constant 512 : i32
        %add3A_1565 = vector.broadcast %add3A_1564 : i32 to vector<16xi32>
        %add3A_1566 = arith.addi %shift_right_logical3A_1551, %add3A_1565 : vector<16xi32>
        %gather3A_1567 = tpu.vector_load_idx %arg25[%add3A_1566] : memref<1024xf32, #tpu.memory_space<vmem>>[vector<16xi32>], vector<16xf32>,
        %sub3A_1568 = arith.subf %add3A_1544, %bitcast3A_1558 : vector<16xf32>
        %mul3A_1569 = arith.mulf %gather3A_1567, %sub3A_1568 : vector<16xf32>
        %mul3A_1570 = arith.mulf %mul3A_1569, %sub3A_1568 : vector<16xf32>
        %mul3A_1571 = arith.mulf %gather3A_1563, %sub3A_1568 : vector<16xf32>
        %add3A_1572 = arith.addf %mul3A_1571, %gather3A_1559 : vector<16xf32>
        %add3A_1573 = arith.addf %mul3A_1570, %add3A_1572 : vector<16xf32>
        %add3A_1574 = arith.addf %max3A_1530, %add3A_1573 : vector<16xf32>
        %eq3A_1575 = arith.constant 15 : i32
        %eq3A_1576 = vector.broadcast %eq3A_1575 : i32 to vector<16xi32>
        %eq3A_1577 = arith.cmpi eq, %iota3A, %eq3A_1576 : vector<16xi32>
        %select_n3A_1578 = arith.select %eq3A_1577, %add3A_1574, %select_n3A_1517 : vector<16xi1>, vector<16xf32>
        %mul3A_1579 = arith.constant 16 : i32
        %mul3A_1580 = arith.muli %scan3A_601, %mul3A_1579 : i32
        %broadcast_in_dim3A_1581 = vector.broadcast %mul3A_1580 : i32 to vector<16xi32>
        %add3A_1582 = arith.addi %broadcast_in_dim3A_1581, %iota3A : vector<16xi32>
        tpu.vector_store_idx %arg20[%add3A_1582], %select_n3A_1578 : memref<4224xf32, #tpu.memory_space<vmem>>[vector<16xi32>], vector<16xf32>,
        scf.yield %add3A_1574, %add3A_1513, %add3A_1452 : vector<16xf32>, vector<16xf32>, vector<16xf32>
      }
      %scan3A_600 = arith.constant 256 : i32
      "tpu.region"() ({
        %run_scoped3A = tpu.sem_alloc : memref<!tpu.dma_semaphore, #tpu.memory_space<semaphore_mem>>
        tpu.enqueue_dma source(%arg20 : memref<4224xf32, #tpu.memory_space<vmem>>) target(%arg26 : memref<4224xf32, #tpu.memory_space<vmem_shared>>) target_semaphore(%run_scoped3A : memref<!tpu.dma_semaphore, #tpu.memory_space<semaphore_mem>>)
        tpu.wait_dma2 semaphore(%run_scoped3A : memref<!tpu.dma_semaphore, #tpu.memory_space<semaphore_mem>>) src(%arg20 : memref<4224xf32, #tpu.memory_space<vmem>>) dst(%arg26 : memref<4224xf32, #tpu.memory_space<vmem_shared>>)
        tpu.yield
      }) : () -> ()
    } else {
    }
    %eq3A_232 = arith.constant 1 : i32
    %eq3A_233 = arith.cmpi eq, %arg1, %eq3A_232 : i32
    %convert_element_type3A_234 = arith.extui %eq3A_233 : i1 to i32
    %cond3A_235 = arith.constant 0 : i32
    %cond3A_236 = arith.cmpi ne, %convert_element_type3A_234, %cond3A_235 : i32
    scf.if %cond3A_236 {
      %scan3A_587 = arith.constant 0 : i32
      %scan3A_588 = arith.constant 0 : i32
      %scan3A_589 = arith.constant 256 : i32
      %scan3A_590 = arith.addi %scan3A_588, %scan3A_589 : i32
      %scan3A_591 = arith.constant 1 : i32
      scf.for %scan3A_611 = %scan3A_588 to %scan3A_590 step %scan3A_591  : i32 {
        %mul3A_612 = arith.constant 16 : i32
        %mul3A_613 = arith.muli %scan3A_611, %mul3A_612 : i32
        %broadcast_in_dim3A_614 = vector.broadcast %mul3A_613 : i32 to vector<16xi32>
        %add3A_615 = arith.addi %broadcast_in_dim3A_614, %iota3A : vector<16xi32>
        %gather3A_616 = tpu.vector_load_idx %arg8[%add3A_615] : memref<4224xi32, #tpu.memory_space<vmem>>[vector<16xi32>], vector<16xi32>,
        %add3A_617 = arith.constant 1 : i32
        %add3A_618 = vector.broadcast %add3A_617 : i32 to vector<16xi32>
        %add3A_619 = arith.addi %add3A_615, %add3A_618 : vector<16xi32>
        %gather3A_620 = tpu.vector_load_idx %arg8[%add3A_619] : memref<4224xi32, #tpu.memory_space<vmem>>[vector<16xi32>], vector<16xi32>,
        %add3A_621 = arith.constant 2 : i32
        %add3A_622 = vector.broadcast %add3A_621 : i32 to vector<16xi32>
        %add3A_623 = arith.addi %add3A_615, %add3A_622 : vector<16xi32>
        %gather3A_624 = tpu.vector_load_idx %arg8[%add3A_623] : memref<4224xi32, #tpu.memory_space<vmem>>[vector<16xi32>], vector<16xi32>,
        %gather3A_625 = tpu.vector_load_idx %arg9[%gather3A_616] : memref<128xf32, #tpu.memory_space<vmem>>[vector<16xi32>], vector<16xf32>,
        tpu.vector_store_idx %arg17[%add3A_615], %gather3A_625 : memref<4096xf32, #tpu.memory_space<vmem>>[vector<16xi32>], vector<16xf32>,
        %mul3A_626 = arith.constant 8 : i32
        %mul3A_627 = vector.broadcast %mul3A_626 : i32 to vector<16xi32>
        %mul3A_628 = arith.muli %mul3A_627, %gather3A_620 : vector<16xi32>
        %add3A_629 = arith.addi %gather3A_616, %mul3A_628 : vector<16xi32>
        %gather3A_630 = tpu.vector_load_idx %arg10[%add3A_629] : memref<128xf32, #tpu.memory_space<vmem>>[vector<16xi32>], vector<16xf32>,
        %le3A = arith.constant 4094 : i32
        %le3A_631 = vector.broadcast %le3A : i32 to vector<16xi32>
        %le3A_632 = arith.cmpi sle, %add3A_615, %le3A_631 : vector<16xi32>
        %jit3A_633 = arith.constant 0xFF800000 : f32
        %broadcast_in_dim3A_634 = vector.broadcast %jit3A_633 : f32 to vector<16xf32>
        %select_n3A_635 = arith.select %le3A_632, %gather3A_630, %broadcast_in_dim3A_634 : vector<16xi1>, vector<16xf32>
        tpu.vector_store_idx %arg18[%add3A_615], %select_n3A_635 : memref<4096xf32, #tpu.memory_space<vmem>>[vector<16xi32>], vector<16xf32>,
        %mul3A_636 = arith.constant 8 : i32
        %mul3A_637 = vector.broadcast %mul3A_636 : i32 to vector<16xi32>
        %mul3A_638 = arith.muli %mul3A_637, %gather3A_620 : vector<16xi32>
        %add3A_639 = arith.addi %gather3A_616, %mul3A_638 : vector<16xi32>
        %mul3A_640 = arith.constant 64 : i32
        %mul3A_641 = vector.broadcast %mul3A_640 : i32 to vector<16xi32>
        %mul3A_642 = arith.muli %mul3A_641, %gather3A_624 : vector<16xi32>
        %add3A_643 = arith.addi %add3A_639, %mul3A_642 : vector<16xi32>
        %gather3A_644 = tpu.vector_load_idx %arg11[%add3A_643] : memref<512xf32, #tpu.memory_space<vmem>>[vector<16xi32>], vector<16xf32>,
        %le3A_645 = arith.constant 4093 : i32
        %le3A_646 = vector.broadcast %le3A_645 : i32 to vector<16xi32>
        %le3A_647 = arith.cmpi sle, %add3A_615, %le3A_646 : vector<16xi32>
        %jit3A_648 = arith.constant 0xFF800000 : f32
        %broadcast_in_dim3A_649 = vector.broadcast %jit3A_648 : f32 to vector<16xf32>
        %select_n3A_650 = arith.select %le3A_647, %gather3A_644, %broadcast_in_dim3A_649 : vector<16xi1>, vector<16xf32>
        tpu.vector_store_idx %arg19[%add3A_615], %select_n3A_650 : memref<4096xf32, #tpu.memory_space<vmem>>[vector<16xi32>], vector<16xf32>,
      }
      %scan3A_592 = arith.constant 256 : i32
      %broadcast_in_dim3A_593 = arith.constant 0.000000e+00 : f32
      %broadcast_in_dim3A_594 = vector.broadcast %broadcast_in_dim3A_593 : f32 to vector<16xf32>
      %scan3A_595 = arith.constant 0 : i32
      %scan3A_596 = arith.constant 256 : i32
      %scan3A_597 = arith.addi %scan3A_595, %scan3A_596 : i32
      %scan3A_598 = arith.constant 1 : i32
      %scan3A_599:3 = scf.for %scan3A_611 = %scan3A_595 to %scan3A_597 step %scan3A_598 iter_args(%scan3A_612 = %broadcast_in_dim3A_594, %scan3A_613 = %broadcast_in_dim3A_3, %scan3A_614 = %broadcast_in_dim3A_3) -> (vector<16xf32>, vector<16xf32>, vector<16xf32>)  : i32 {
        %sub3A_615 = arith.constant 255 : i32
        %sub3A_616 = arith.subi %sub3A_615, %scan3A_611 : i32
        %broadcast_in_dim3A_617 = arith.constant 0.000000e+00 : f32
        %broadcast_in_dim3A_618 = vector.broadcast %broadcast_in_dim3A_617 : f32 to vector<16xf32>
        %mul3A_619 = arith.constant 16 : i32
        %mul3A_620 = arith.muli %sub3A_616, %mul3A_619 : i32
        %add3A_621 = arith.constant 15 : i32
        %add3A_622 = arith.addi %mul3A_620, %add3A_621 : i32
        %broadcast_in_dim3A_623 = vector.broadcast %add3A_622 : i32 to vector<16xi32>
        %gather3A_624 = tpu.vector_load_idx %arg17[%broadcast_in_dim3A_623] : memref<4096xf32, #tpu.memory_space<vmem>>[vector<16xi32>], vector<16xf32>,
        %add3A_625 = arith.addf %gather3A_624, %scan3A_612 : vector<16xf32>
        %gather3A_626 = tpu.vector_load_idx %arg18[%broadcast_in_dim3A_623] : memref<4096xf32, #tpu.memory_space<vmem>>[vector<16xi32>], vector<16xf32>,
        %add3A_627 = arith.addf %gather3A_626, %scan3A_613 : vector<16xf32>
        %gather3A_628 = tpu.vector_load_idx %arg19[%broadcast_in_dim3A_623] : memref<4096xf32, #tpu.memory_space<vmem>>[vector<16xi32>], vector<16xf32>,
        %add3A_629 = arith.addf %gather3A_628, %scan3A_614 : vector<16xf32>
        %max3A_630 = arith.maximumf %add3A_627, %add3A_629 : vector<16xf32>
        %max3A_631 = arith.maximumf %add3A_625, %max3A_630 : vector<16xf32>
        %sub3A_632 = arith.subf %add3A_625, %max3A_631 : vector<16xf32>
        %exp3A = math.exp %sub3A_632 : vector<16xf32>
        %sub3A_633 = arith.subf %add3A_627, %max3A_631 : vector<16xf32>
        %max3A_634 = arith.constant -8.700000e+01 : f32
        %max3A_635 = vector.broadcast %max3A_634 : f32 to vector<16xf32>
        %max3A_636 = arith.maximumf %sub3A_633, %max3A_635 : vector<16xf32>
        %exp3A_637 = math.exp %max3A_636 : vector<16xf32>
        %sub3A_638 = arith.subf %add3A_629, %max3A_631 : vector<16xf32>
        %max3A_639 = arith.constant -8.700000e+01 : f32
        %max3A_640 = vector.broadcast %max3A_639 : f32 to vector<16xf32>
        %max3A_641 = arith.maximumf %sub3A_638, %max3A_640 : vector<16xf32>
        %exp3A_642 = math.exp %max3A_641 : vector<16xf32>
        %add3A_643 = arith.addf %exp3A, %exp3A_637 : vector<16xf32>
        %add3A_644 = arith.addf %add3A_643, %exp3A_642 : vector<16xf32>
        %bitcast3A = vector.bitcast %add3A_644 : vector<16xf32> to vector<16xi32>
        %add3A_645 = arith.constant -1048576000 : i32
        %add3A_646 = vector.broadcast %add3A_645 : i32 to vector<16xi32>
        %add3A_647 = arith.addi %bitcast3A, %add3A_646 : vector<16xi32>
        %shift_right_logical3A = arith.constant 16 : i32
        %shift_right_logical3A_648 = vector.broadcast %shift_right_logical3A : i32 to vector<16xi32>
        %shift_right_logical3A_649 = arith.shrui %add3A_647, %shift_right_logical3A_648 : vector<16xi32>
        %and3A_650 = arith.constant -65536 : i32
        %and3A_651 = vector.broadcast %and3A_650 : i32 to vector<16xi32>
        %and3A_652 = arith.andi %bitcast3A, %and3A_651 : vector<16xi32>
        %or3A = arith.constant 32768 : i32
        %or3A_653 = vector.broadcast %or3A : i32 to vector<16xi32>
        %or3A_654 = arith.ori %and3A_652, %or3A_653 : vector<16xi32>
        %bitcast3A_655 = vector.bitcast %or3A_654 : vector<16xi32> to vector<16xf32>
        %gather3A_656 = tpu.vector_load_idx %arg25[%shift_right_logical3A_649] : memref<1024xf32, #tpu.memory_space<vmem>>[vector<16xi32>], vector<16xf32>,
        %add3A_657 = arith.constant 256 : i32
        %add3A_658 = vector.broadcast %add3A_657 : i32 to vector<16xi32>
        %add3A_659 = arith.addi %shift_right_logical3A_649, %add3A_658 : vector<16xi32>
        %gather3A_660 = tpu.vector_load_idx %arg25[%add3A_659] : memref<1024xf32, #tpu.memory_space<vmem>>[vector<16xi32>], vector<16xf32>,
        %add3A_661 = arith.constant 512 : i32
        %add3A_662 = vector.broadcast %add3A_661 : i32 to vector<16xi32>
        %add3A_663 = arith.addi %shift_right_logical3A_649, %add3A_662 : vector<16xi32>
        %gather3A_664 = tpu.vector_load_idx %arg25[%add3A_663] : memref<1024xf32, #tpu.memory_space<vmem>>[vector<16xi32>], vector<16xf32>,
        %sub3A_665 = arith.subf %add3A_644, %bitcast3A_655 : vector<16xf32>
        %mul3A_666 = arith.mulf %gather3A_664, %sub3A_665 : vector<16xf32>
        %mul3A_667 = arith.mulf %mul3A_666, %sub3A_665 : vector<16xf32>
        %mul3A_668 = arith.mulf %gather3A_660, %sub3A_665 : vector<16xf32>
        %add3A_669 = arith.addf %mul3A_668, %gather3A_656 : vector<16xf32>
        %add3A_670 = arith.addf %mul3A_667, %add3A_669 : vector<16xf32>
        %add3A_671 = arith.addf %max3A_631, %add3A_670 : vector<16xf32>
        %eq3A_672 = arith.constant 15 : i32
        %eq3A_673 = vector.broadcast %eq3A_672 : i32 to vector<16xi32>
        %eq3A_674 = arith.cmpi eq, %iota3A, %eq3A_673 : vector<16xi32>
        %select_n3A_675 = arith.select %eq3A_674, %add3A_671, %broadcast_in_dim3A_618 : vector<16xi1>, vector<16xf32>
        %mul3A_676 = arith.constant 16 : i32
        %mul3A_677 = arith.muli %sub3A_616, %mul3A_676 : i32
        %add3A_678 = arith.constant 14 : i32
        %add3A_679 = arith.addi %mul3A_677, %add3A_678 : i32
        %broadcast_in_dim3A_680 = vector.broadcast %add3A_679 : i32 to vector<16xi32>
        %gather3A_681 = tpu.vector_load_idx %arg17[%broadcast_in_dim3A_680] : memref<4096xf32, #tpu.memory_space<vmem>>[vector<16xi32>], vector<16xf32>,
        %add3A_682 = arith.addf %gather3A_681, %add3A_671 : vector<16xf32>
        %gather3A_683 = tpu.vector_load_idx %arg18[%broadcast_in_dim3A_680] : memref<4096xf32, #tpu.memory_space<vmem>>[vector<16xi32>], vector<16xf32>,
        %add3A_684 = arith.addf %gather3A_683, %scan3A_612 : vector<16xf32>
        %gather3A_685 = tpu.vector_load_idx %arg19[%broadcast_in_dim3A_680] : memref<4096xf32, #tpu.memory_space<vmem>>[vector<16xi32>], vector<16xf32>,
        %add3A_686 = arith.addf %gather3A_685, %scan3A_613 : vector<16xf32>
        %max3A_687 = arith.maximumf %add3A_684, %add3A_686 : vector<16xf32>
        %max3A_688 = arith.maximumf %add3A_682, %max3A_687 : vector<16xf32>
        %sub3A_689 = arith.subf %add3A_682, %max3A_688 : vector<16xf32>
        %exp3A_690 = math.exp %sub3A_689 : vector<16xf32>
        %sub3A_691 = arith.subf %add3A_684, %max3A_688 : vector<16xf32>
        %max3A_692 = arith.constant -8.700000e+01 : f32
        %max3A_693 = vector.broadcast %max3A_692 : f32 to vector<16xf32>
        %max3A_694 = arith.maximumf %sub3A_691, %max3A_693 : vector<16xf32>
        %exp3A_695 = math.exp %max3A_694 : vector<16xf32>
        %sub3A_696 = arith.subf %add3A_686, %max3A_688 : vector<16xf32>
        %max3A_697 = arith.constant -8.700000e+01 : f32
        %max3A_698 = vector.broadcast %max3A_697 : f32 to vector<16xf32>
        %max3A_699 = arith.maximumf %sub3A_696, %max3A_698 : vector<16xf32>
        %exp3A_700 = math.exp %max3A_699 : vector<16xf32>
        %add3A_701 = arith.addf %exp3A_690, %exp3A_695 : vector<16xf32>
        %add3A_702 = arith.addf %add3A_701, %exp3A_700 : vector<16xf32>
        %bitcast3A_703 = vector.bitcast %add3A_702 : vector<16xf32> to vector<16xi32>
        %add3A_704 = arith.constant -1048576000 : i32
        %add3A_705 = vector.broadcast %add3A_704 : i32 to vector<16xi32>
        %add3A_706 = arith.addi %bitcast3A_703, %add3A_705 : vector<16xi32>
        %shift_right_logical3A_707 = arith.constant 16 : i32
        %shift_right_logical3A_708 = vector.broadcast %shift_right_logical3A_707 : i32 to vector<16xi32>
        %shift_right_logical3A_709 = arith.shrui %add3A_706, %shift_right_logical3A_708 : vector<16xi32>
        %and3A_710 = arith.constant -65536 : i32
        %and3A_711 = vector.broadcast %and3A_710 : i32 to vector<16xi32>
        %and3A_712 = arith.andi %bitcast3A_703, %and3A_711 : vector<16xi32>
        %or3A_713 = arith.constant 32768 : i32
        %or3A_714 = vector.broadcast %or3A_713 : i32 to vector<16xi32>
        %or3A_715 = arith.ori %and3A_712, %or3A_714 : vector<16xi32>
        %bitcast3A_716 = vector.bitcast %or3A_715 : vector<16xi32> to vector<16xf32>
        %gather3A_717 = tpu.vector_load_idx %arg25[%shift_right_logical3A_709] : memref<1024xf32, #tpu.memory_space<vmem>>[vector<16xi32>], vector<16xf32>,
        %add3A_718 = arith.constant 256 : i32
        %add3A_719 = vector.broadcast %add3A_718 : i32 to vector<16xi32>
        %add3A_720 = arith.addi %shift_right_logical3A_709, %add3A_719 : vector<16xi32>
        %gather3A_721 = tpu.vector_load_idx %arg25[%add3A_720] : memref<1024xf32, #tpu.memory_space<vmem>>[vector<16xi32>], vector<16xf32>,
        %add3A_722 = arith.constant 512 : i32
        %add3A_723 = vector.broadcast %add3A_722 : i32 to vector<16xi32>
        %add3A_724 = arith.addi %shift_right_logical3A_709, %add3A_723 : vector<16xi32>
        %gather3A_725 = tpu.vector_load_idx %arg25[%add3A_724] : memref<1024xf32, #tpu.memory_space<vmem>>[vector<16xi32>], vector<16xf32>,
        %sub3A_726 = arith.subf %add3A_702, %bitcast3A_716 : vector<16xf32>
        %mul3A_727 = arith.mulf %gather3A_725, %sub3A_726 : vector<16xf32>
        %mul3A_728 = arith.mulf %mul3A_727, %sub3A_726 : vector<16xf32>
        %mul3A_729 = arith.mulf %gather3A_721, %sub3A_726 : vector<16xf32>
        %add3A_730 = arith.addf %mul3A_729, %gather3A_717 : vector<16xf32>
        %add3A_731 = arith.addf %mul3A_728, %add3A_730 : vector<16xf32>
        %add3A_732 = arith.addf %max3A_688, %add3A_731 : vector<16xf32>
        %eq3A_733 = arith.constant 14 : i32
        %eq3A_734 = vector.broadcast %eq3A_733 : i32 to vector<16xi32>
        %eq3A_735 = arith.cmpi eq, %iota3A, %eq3A_734 : vector<16xi32>
        %select_n3A_736 = arith.select %eq3A_735, %add3A_732, %select_n3A_675 : vector<16xi1>, vector<16xf32>
        %mul3A_737 = arith.constant 16 : i32
        %mul3A_738 = arith.muli %sub3A_616, %mul3A_737 : i32
        %add3A_739 = arith.constant 13 : i32
        %add3A_740 = arith.addi %mul3A_738, %add3A_739 : i32
        %broadcast_in_dim3A_741 = vector.broadcast %add3A_740 : i32 to vector<16xi32>
        %gather3A_742 = tpu.vector_load_idx %arg17[%broadcast_in_dim3A_741] : memref<4096xf32, #tpu.memory_space<vmem>>[vector<16xi32>], vector<16xf32>,
        %add3A_743 = arith.addf %gather3A_742, %add3A_732 : vector<16xf32>
        %gather3A_744 = tpu.vector_load_idx %arg18[%broadcast_in_dim3A_741] : memref<4096xf32, #tpu.memory_space<vmem>>[vector<16xi32>], vector<16xf32>,
        %add3A_745 = arith.addf %gather3A_744, %add3A_671 : vector<16xf32>
        %gather3A_746 = tpu.vector_load_idx %arg19[%broadcast_in_dim3A_741] : memref<4096xf32, #tpu.memory_space<vmem>>[vector<16xi32>], vector<16xf32>,
        %add3A_747 = arith.addf %gather3A_746, %scan3A_612 : vector<16xf32>
        %max3A_748 = arith.maximumf %add3A_745, %add3A_747 : vector<16xf32>
        %max3A_749 = arith.maximumf %add3A_743, %max3A_748 : vector<16xf32>
        %sub3A_750 = arith.subf %add3A_743, %max3A_749 : vector<16xf32>
        %exp3A_751 = math.exp %sub3A_750 : vector<16xf32>
        %sub3A_752 = arith.subf %add3A_745, %max3A_749 : vector<16xf32>
        %max3A_753 = arith.constant -8.700000e+01 : f32
        %max3A_754 = vector.broadcast %max3A_753 : f32 to vector<16xf32>
        %max3A_755 = arith.maximumf %sub3A_752, %max3A_754 : vector<16xf32>
        %exp3A_756 = math.exp %max3A_755 : vector<16xf32>
        %sub3A_757 = arith.subf %add3A_747, %max3A_749 : vector<16xf32>
        %max3A_758 = arith.constant -8.700000e+01 : f32
        %max3A_759 = vector.broadcast %max3A_758 : f32 to vector<16xf32>
        %max3A_760 = arith.maximumf %sub3A_757, %max3A_759 : vector<16xf32>
        %exp3A_761 = math.exp %max3A_760 : vector<16xf32>
        %add3A_762 = arith.addf %exp3A_751, %exp3A_756 : vector<16xf32>
        %add3A_763 = arith.addf %add3A_762, %exp3A_761 : vector<16xf32>
        %bitcast3A_764 = vector.bitcast %add3A_763 : vector<16xf32> to vector<16xi32>
        %add3A_765 = arith.constant -1048576000 : i32
        %add3A_766 = vector.broadcast %add3A_765 : i32 to vector<16xi32>
        %add3A_767 = arith.addi %bitcast3A_764, %add3A_766 : vector<16xi32>
        %shift_right_logical3A_768 = arith.constant 16 : i32
        %shift_right_logical3A_769 = vector.broadcast %shift_right_logical3A_768 : i32 to vector<16xi32>
        %shift_right_logical3A_770 = arith.shrui %add3A_767, %shift_right_logical3A_769 : vector<16xi32>
        %and3A_771 = arith.constant -65536 : i32
        %and3A_772 = vector.broadcast %and3A_771 : i32 to vector<16xi32>
        %and3A_773 = arith.andi %bitcast3A_764, %and3A_772 : vector<16xi32>
        %or3A_774 = arith.constant 32768 : i32
        %or3A_775 = vector.broadcast %or3A_774 : i32 to vector<16xi32>
        %or3A_776 = arith.ori %and3A_773, %or3A_775 : vector<16xi32>
        %bitcast3A_777 = vector.bitcast %or3A_776 : vector<16xi32> to vector<16xf32>
        %gather3A_778 = tpu.vector_load_idx %arg25[%shift_right_logical3A_770] : memref<1024xf32, #tpu.memory_space<vmem>>[vector<16xi32>], vector<16xf32>,
        %add3A_779 = arith.constant 256 : i32
        %add3A_780 = vector.broadcast %add3A_779 : i32 to vector<16xi32>
        %add3A_781 = arith.addi %shift_right_logical3A_770, %add3A_780 : vector<16xi32>
        %gather3A_782 = tpu.vector_load_idx %arg25[%add3A_781] : memref<1024xf32, #tpu.memory_space<vmem>>[vector<16xi32>], vector<16xf32>,
        %add3A_783 = arith.constant 512 : i32
        %add3A_784 = vector.broadcast %add3A_783 : i32 to vector<16xi32>
        %add3A_785 = arith.addi %shift_right_logical3A_770, %add3A_784 : vector<16xi32>
        %gather3A_786 = tpu.vector_load_idx %arg25[%add3A_785] : memref<1024xf32, #tpu.memory_space<vmem>>[vector<16xi32>], vector<16xf32>,
        %sub3A_787 = arith.subf %add3A_763, %bitcast3A_777 : vector<16xf32>
        %mul3A_788 = arith.mulf %gather3A_786, %sub3A_787 : vector<16xf32>
        %mul3A_789 = arith.mulf %mul3A_788, %sub3A_787 : vector<16xf32>
        %mul3A_790 = arith.mulf %gather3A_782, %sub3A_787 : vector<16xf32>
        %add3A_791 = arith.addf %mul3A_790, %gather3A_778 : vector<16xf32>
        %add3A_792 = arith.addf %mul3A_789, %add3A_791 : vector<16xf32>
        %add3A_793 = arith.addf %max3A_749, %add3A_792 : vector<16xf32>
        %eq3A_794 = arith.constant 13 : i32
        %eq3A_795 = vector.broadcast %eq3A_794 : i32 to vector<16xi32>
        %eq3A_796 = arith.cmpi eq, %iota3A, %eq3A_795 : vector<16xi32>
        %select_n3A_797 = arith.select %eq3A_796, %add3A_793, %select_n3A_736 : vector<16xi1>, vector<16xf32>
        %mul3A_798 = arith.constant 16 : i32
        %mul3A_799 = arith.muli %sub3A_616, %mul3A_798 : i32
        %add3A_800 = arith.constant 12 : i32
        %add3A_801 = arith.addi %mul3A_799, %add3A_800 : i32
        %broadcast_in_dim3A_802 = vector.broadcast %add3A_801 : i32 to vector<16xi32>
        %gather3A_803 = tpu.vector_load_idx %arg17[%broadcast_in_dim3A_802] : memref<4096xf32, #tpu.memory_space<vmem>>[vector<16xi32>], vector<16xf32>,
        %add3A_804 = arith.addf %gather3A_803, %add3A_793 : vector<16xf32>
        %gather3A_805 = tpu.vector_load_idx %arg18[%broadcast_in_dim3A_802] : memref<4096xf32, #tpu.memory_space<vmem>>[vector<16xi32>], vector<16xf32>,
        %add3A_806 = arith.addf %gather3A_805, %add3A_732 : vector<16xf32>
        %gather3A_807 = tpu.vector_load_idx %arg19[%broadcast_in_dim3A_802] : memref<4096xf32, #tpu.memory_space<vmem>>[vector<16xi32>], vector<16xf32>,
        %add3A_808 = arith.addf %gather3A_807, %add3A_671 : vector<16xf32>
        %max3A_809 = arith.maximumf %add3A_806, %add3A_808 : vector<16xf32>
        %max3A_810 = arith.maximumf %add3A_804, %max3A_809 : vector<16xf32>
        %sub3A_811 = arith.subf %add3A_804, %max3A_810 : vector<16xf32>
        %exp3A_812 = math.exp %sub3A_811 : vector<16xf32>
        %sub3A_813 = arith.subf %add3A_806, %max3A_810 : vector<16xf32>
        %max3A_814 = arith.constant -8.700000e+01 : f32
        %max3A_815 = vector.broadcast %max3A_814 : f32 to vector<16xf32>
        %max3A_816 = arith.maximumf %sub3A_813, %max3A_815 : vector<16xf32>
        %exp3A_817 = math.exp %max3A_816 : vector<16xf32>
        %sub3A_818 = arith.subf %add3A_808, %max3A_810 : vector<16xf32>
        %max3A_819 = arith.constant -8.700000e+01 : f32
        %max3A_820 = vector.broadcast %max3A_819 : f32 to vector<16xf32>
        %max3A_821 = arith.maximumf %sub3A_818, %max3A_820 : vector<16xf32>
        %exp3A_822 = math.exp %max3A_821 : vector<16xf32>
        %add3A_823 = arith.addf %exp3A_812, %exp3A_817 : vector<16xf32>
        %add3A_824 = arith.addf %add3A_823, %exp3A_822 : vector<16xf32>
        %bitcast3A_825 = vector.bitcast %add3A_824 : vector<16xf32> to vector<16xi32>
        %add3A_826 = arith.constant -1048576000 : i32
        %add3A_827 = vector.broadcast %add3A_826 : i32 to vector<16xi32>
        %add3A_828 = arith.addi %bitcast3A_825, %add3A_827 : vector<16xi32>
        %shift_right_logical3A_829 = arith.constant 16 : i32
        %shift_right_logical3A_830 = vector.broadcast %shift_right_logical3A_829 : i32 to vector<16xi32>
        %shift_right_logical3A_831 = arith.shrui %add3A_828, %shift_right_logical3A_830 : vector<16xi32>
        %and3A_832 = arith.constant -65536 : i32
        %and3A_833 = vector.broadcast %and3A_832 : i32 to vector<16xi32>
        %and3A_834 = arith.andi %bitcast3A_825, %and3A_833 : vector<16xi32>
        %or3A_835 = arith.constant 32768 : i32
        %or3A_836 = vector.broadcast %or3A_835 : i32 to vector<16xi32>
        %or3A_837 = arith.ori %and3A_834, %or3A_836 : vector<16xi32>
        %bitcast3A_838 = vector.bitcast %or3A_837 : vector<16xi32> to vector<16xf32>
        %gather3A_839 = tpu.vector_load_idx %arg25[%shift_right_logical3A_831] : memref<1024xf32, #tpu.memory_space<vmem>>[vector<16xi32>], vector<16xf32>,
        %add3A_840 = arith.constant 256 : i32
        %add3A_841 = vector.broadcast %add3A_840 : i32 to vector<16xi32>
        %add3A_842 = arith.addi %shift_right_logical3A_831, %add3A_841 : vector<16xi32>
        %gather3A_843 = tpu.vector_load_idx %arg25[%add3A_842] : memref<1024xf32, #tpu.memory_space<vmem>>[vector<16xi32>], vector<16xf32>,
        %add3A_844 = arith.constant 512 : i32
        %add3A_845 = vector.broadcast %add3A_844 : i32 to vector<16xi32>
        %add3A_846 = arith.addi %shift_right_logical3A_831, %add3A_845 : vector<16xi32>
        %gather3A_847 = tpu.vector_load_idx %arg25[%add3A_846] : memref<1024xf32, #tpu.memory_space<vmem>>[vector<16xi32>], vector<16xf32>,
        %sub3A_848 = arith.subf %add3A_824, %bitcast3A_838 : vector<16xf32>
        %mul3A_849 = arith.mulf %gather3A_847, %sub3A_848 : vector<16xf32>
        %mul3A_850 = arith.mulf %mul3A_849, %sub3A_848 : vector<16xf32>
        %mul3A_851 = arith.mulf %gather3A_843, %sub3A_848 : vector<16xf32>
        %add3A_852 = arith.addf %mul3A_851, %gather3A_839 : vector<16xf32>
        %add3A_853 = arith.addf %mul3A_850, %add3A_852 : vector<16xf32>
        %add3A_854 = arith.addf %max3A_810, %add3A_853 : vector<16xf32>
        %eq3A_855 = arith.constant 12 : i32
        %eq3A_856 = vector.broadcast %eq3A_855 : i32 to vector<16xi32>
        %eq3A_857 = arith.cmpi eq, %iota3A, %eq3A_856 : vector<16xi32>
        %select_n3A_858 = arith.select %eq3A_857, %add3A_854, %select_n3A_797 : vector<16xi1>, vector<16xf32>
        %mul3A_859 = arith.constant 16 : i32
        %mul3A_860 = arith.muli %sub3A_616, %mul3A_859 : i32
        %add3A_861 = arith.constant 11 : i32
        %add3A_862 = arith.addi %mul3A_860, %add3A_861 : i32
        %broadcast_in_dim3A_863 = vector.broadcast %add3A_862 : i32 to vector<16xi32>
        %gather3A_864 = tpu.vector_load_idx %arg17[%broadcast_in_dim3A_863] : memref<4096xf32, #tpu.memory_space<vmem>>[vector<16xi32>], vector<16xf32>,
        %add3A_865 = arith.addf %gather3A_864, %add3A_854 : vector<16xf32>
        %gather3A_866 = tpu.vector_load_idx %arg18[%broadcast_in_dim3A_863] : memref<4096xf32, #tpu.memory_space<vmem>>[vector<16xi32>], vector<16xf32>,
        %add3A_867 = arith.addf %gather3A_866, %add3A_793 : vector<16xf32>
        %gather3A_868 = tpu.vector_load_idx %arg19[%broadcast_in_dim3A_863] : memref<4096xf32, #tpu.memory_space<vmem>>[vector<16xi32>], vector<16xf32>,
        %add3A_869 = arith.addf %gather3A_868, %add3A_732 : vector<16xf32>
        %max3A_870 = arith.maximumf %add3A_867, %add3A_869 : vector<16xf32>
        %max3A_871 = arith.maximumf %add3A_865, %max3A_870 : vector<16xf32>
        %sub3A_872 = arith.subf %add3A_865, %max3A_871 : vector<16xf32>
        %exp3A_873 = math.exp %sub3A_872 : vector<16xf32>
        %sub3A_874 = arith.subf %add3A_867, %max3A_871 : vector<16xf32>
        %max3A_875 = arith.constant -8.700000e+01 : f32
        %max3A_876 = vector.broadcast %max3A_875 : f32 to vector<16xf32>
        %max3A_877 = arith.maximumf %sub3A_874, %max3A_876 : vector<16xf32>
        %exp3A_878 = math.exp %max3A_877 : vector<16xf32>
        %sub3A_879 = arith.subf %add3A_869, %max3A_871 : vector<16xf32>
        %max3A_880 = arith.constant -8.700000e+01 : f32
        %max3A_881 = vector.broadcast %max3A_880 : f32 to vector<16xf32>
        %max3A_882 = arith.maximumf %sub3A_879, %max3A_881 : vector<16xf32>
        %exp3A_883 = math.exp %max3A_882 : vector<16xf32>
        %add3A_884 = arith.addf %exp3A_873, %exp3A_878 : vector<16xf32>
        %add3A_885 = arith.addf %add3A_884, %exp3A_883 : vector<16xf32>
        %bitcast3A_886 = vector.bitcast %add3A_885 : vector<16xf32> to vector<16xi32>
        %add3A_887 = arith.constant -1048576000 : i32
        %add3A_888 = vector.broadcast %add3A_887 : i32 to vector<16xi32>
        %add3A_889 = arith.addi %bitcast3A_886, %add3A_888 : vector<16xi32>
        %shift_right_logical3A_890 = arith.constant 16 : i32
        %shift_right_logical3A_891 = vector.broadcast %shift_right_logical3A_890 : i32 to vector<16xi32>
        %shift_right_logical3A_892 = arith.shrui %add3A_889, %shift_right_logical3A_891 : vector<16xi32>
        %and3A_893 = arith.constant -65536 : i32
        %and3A_894 = vector.broadcast %and3A_893 : i32 to vector<16xi32>
        %and3A_895 = arith.andi %bitcast3A_886, %and3A_894 : vector<16xi32>
        %or3A_896 = arith.constant 32768 : i32
        %or3A_897 = vector.broadcast %or3A_896 : i32 to vector<16xi32>
        %or3A_898 = arith.ori %and3A_895, %or3A_897 : vector<16xi32>
        %bitcast3A_899 = vector.bitcast %or3A_898 : vector<16xi32> to vector<16xf32>
        %gather3A_900 = tpu.vector_load_idx %arg25[%shift_right_logical3A_892] : memref<1024xf32, #tpu.memory_space<vmem>>[vector<16xi32>], vector<16xf32>,
        %add3A_901 = arith.constant 256 : i32
        %add3A_902 = vector.broadcast %add3A_901 : i32 to vector<16xi32>
        %add3A_903 = arith.addi %shift_right_logical3A_892, %add3A_902 : vector<16xi32>
        %gather3A_904 = tpu.vector_load_idx %arg25[%add3A_903] : memref<1024xf32, #tpu.memory_space<vmem>>[vector<16xi32>], vector<16xf32>,
        %add3A_905 = arith.constant 512 : i32
        %add3A_906 = vector.broadcast %add3A_905 : i32 to vector<16xi32>
        %add3A_907 = arith.addi %shift_right_logical3A_892, %add3A_906 : vector<16xi32>
        %gather3A_908 = tpu.vector_load_idx %arg25[%add3A_907] : memref<1024xf32, #tpu.memory_space<vmem>>[vector<16xi32>], vector<16xf32>,
        %sub3A_909 = arith.subf %add3A_885, %bitcast3A_899 : vector<16xf32>
        %mul3A_910 = arith.mulf %gather3A_908, %sub3A_909 : vector<16xf32>
        %mul3A_911 = arith.mulf %mul3A_910, %sub3A_909 : vector<16xf32>
        %mul3A_912 = arith.mulf %gather3A_904, %sub3A_909 : vector<16xf32>
        %add3A_913 = arith.addf %mul3A_912, %gather3A_900 : vector<16xf32>
        %add3A_914 = arith.addf %mul3A_911, %add3A_913 : vector<16xf32>
        %add3A_915 = arith.addf %max3A_871, %add3A_914 : vector<16xf32>
        %eq3A_916 = arith.constant 11 : i32
        %eq3A_917 = vector.broadcast %eq3A_916 : i32 to vector<16xi32>
        %eq3A_918 = arith.cmpi eq, %iota3A, %eq3A_917 : vector<16xi32>
        %select_n3A_919 = arith.select %eq3A_918, %add3A_915, %select_n3A_858 : vector<16xi1>, vector<16xf32>
        %mul3A_920 = arith.constant 16 : i32
        %mul3A_921 = arith.muli %sub3A_616, %mul3A_920 : i32
        %add3A_922 = arith.constant 10 : i32
        %add3A_923 = arith.addi %mul3A_921, %add3A_922 : i32
        %broadcast_in_dim3A_924 = vector.broadcast %add3A_923 : i32 to vector<16xi32>
        %gather3A_925 = tpu.vector_load_idx %arg17[%broadcast_in_dim3A_924] : memref<4096xf32, #tpu.memory_space<vmem>>[vector<16xi32>], vector<16xf32>,
        %add3A_926 = arith.addf %gather3A_925, %add3A_915 : vector<16xf32>
        %gather3A_927 = tpu.vector_load_idx %arg18[%broadcast_in_dim3A_924] : memref<4096xf32, #tpu.memory_space<vmem>>[vector<16xi32>], vector<16xf32>,
        %add3A_928 = arith.addf %gather3A_927, %add3A_854 : vector<16xf32>
        %gather3A_929 = tpu.vector_load_idx %arg19[%broadcast_in_dim3A_924] : memref<4096xf32, #tpu.memory_space<vmem>>[vector<16xi32>], vector<16xf32>,
        %add3A_930 = arith.addf %gather3A_929, %add3A_793 : vector<16xf32>
        %max3A_931 = arith.maximumf %add3A_928, %add3A_930 : vector<16xf32>
        %max3A_932 = arith.maximumf %add3A_926, %max3A_931 : vector<16xf32>
        %sub3A_933 = arith.subf %add3A_926, %max3A_932 : vector<16xf32>
        %exp3A_934 = math.exp %sub3A_933 : vector<16xf32>
        %sub3A_935 = arith.subf %add3A_928, %max3A_932 : vector<16xf32>
        %max3A_936 = arith.constant -8.700000e+01 : f32
        %max3A_937 = vector.broadcast %max3A_936 : f32 to vector<16xf32>
        %max3A_938 = arith.maximumf %sub3A_935, %max3A_937 : vector<16xf32>
        %exp3A_939 = math.exp %max3A_938 : vector<16xf32>
        %sub3A_940 = arith.subf %add3A_930, %max3A_932 : vector<16xf32>
        %max3A_941 = arith.constant -8.700000e+01 : f32
        %max3A_942 = vector.broadcast %max3A_941 : f32 to vector<16xf32>
        %max3A_943 = arith.maximumf %sub3A_940, %max3A_942 : vector<16xf32>
        %exp3A_944 = math.exp %max3A_943 : vector<16xf32>
        %add3A_945 = arith.addf %exp3A_934, %exp3A_939 : vector<16xf32>
        %add3A_946 = arith.addf %add3A_945, %exp3A_944 : vector<16xf32>
        %bitcast3A_947 = vector.bitcast %add3A_946 : vector<16xf32> to vector<16xi32>
        %add3A_948 = arith.constant -1048576000 : i32
        %add3A_949 = vector.broadcast %add3A_948 : i32 to vector<16xi32>
        %add3A_950 = arith.addi %bitcast3A_947, %add3A_949 : vector<16xi32>
        %shift_right_logical3A_951 = arith.constant 16 : i32
        %shift_right_logical3A_952 = vector.broadcast %shift_right_logical3A_951 : i32 to vector<16xi32>
        %shift_right_logical3A_953 = arith.shrui %add3A_950, %shift_right_logical3A_952 : vector<16xi32>
        %and3A_954 = arith.constant -65536 : i32
        %and3A_955 = vector.broadcast %and3A_954 : i32 to vector<16xi32>
        %and3A_956 = arith.andi %bitcast3A_947, %and3A_955 : vector<16xi32>
        %or3A_957 = arith.constant 32768 : i32
        %or3A_958 = vector.broadcast %or3A_957 : i32 to vector<16xi32>
        %or3A_959 = arith.ori %and3A_956, %or3A_958 : vector<16xi32>
        %bitcast3A_960 = vector.bitcast %or3A_959 : vector<16xi32> to vector<16xf32>
        %gather3A_961 = tpu.vector_load_idx %arg25[%shift_right_logical3A_953] : memref<1024xf32, #tpu.memory_space<vmem>>[vector<16xi32>], vector<16xf32>,
        %add3A_962 = arith.constant 256 : i32
        %add3A_963 = vector.broadcast %add3A_962 : i32 to vector<16xi32>
        %add3A_964 = arith.addi %shift_right_logical3A_953, %add3A_963 : vector<16xi32>
        %gather3A_965 = tpu.vector_load_idx %arg25[%add3A_964] : memref<1024xf32, #tpu.memory_space<vmem>>[vector<16xi32>], vector<16xf32>,
        %add3A_966 = arith.constant 512 : i32
        %add3A_967 = vector.broadcast %add3A_966 : i32 to vector<16xi32>
        %add3A_968 = arith.addi %shift_right_logical3A_953, %add3A_967 : vector<16xi32>
        %gather3A_969 = tpu.vector_load_idx %arg25[%add3A_968] : memref<1024xf32, #tpu.memory_space<vmem>>[vector<16xi32>], vector<16xf32>,
        %sub3A_970 = arith.subf %add3A_946, %bitcast3A_960 : vector<16xf32>
        %mul3A_971 = arith.mulf %gather3A_969, %sub3A_970 : vector<16xf32>
        %mul3A_972 = arith.mulf %mul3A_971, %sub3A_970 : vector<16xf32>
        %mul3A_973 = arith.mulf %gather3A_965, %sub3A_970 : vector<16xf32>
        %add3A_974 = arith.addf %mul3A_973, %gather3A_961 : vector<16xf32>
        %add3A_975 = arith.addf %mul3A_972, %add3A_974 : vector<16xf32>
        %add3A_976 = arith.addf %max3A_932, %add3A_975 : vector<16xf32>
        %eq3A_977 = arith.constant 10 : i32
        %eq3A_978 = vector.broadcast %eq3A_977 : i32 to vector<16xi32>
        %eq3A_979 = arith.cmpi eq, %iota3A, %eq3A_978 : vector<16xi32>
        %select_n3A_980 = arith.select %eq3A_979, %add3A_976, %select_n3A_919 : vector<16xi1>, vector<16xf32>
        %mul3A_981 = arith.constant 16 : i32
        %mul3A_982 = arith.muli %sub3A_616, %mul3A_981 : i32
        %add3A_983 = arith.constant 9 : i32
        %add3A_984 = arith.addi %mul3A_982, %add3A_983 : i32
        %broadcast_in_dim3A_985 = vector.broadcast %add3A_984 : i32 to vector<16xi32>
        %gather3A_986 = tpu.vector_load_idx %arg17[%broadcast_in_dim3A_985] : memref<4096xf32, #tpu.memory_space<vmem>>[vector<16xi32>], vector<16xf32>,
        %add3A_987 = arith.addf %gather3A_986, %add3A_976 : vector<16xf32>
        %gather3A_988 = tpu.vector_load_idx %arg18[%broadcast_in_dim3A_985] : memref<4096xf32, #tpu.memory_space<vmem>>[vector<16xi32>], vector<16xf32>,
        %add3A_989 = arith.addf %gather3A_988, %add3A_915 : vector<16xf32>
        %gather3A_990 = tpu.vector_load_idx %arg19[%broadcast_in_dim3A_985] : memref<4096xf32, #tpu.memory_space<vmem>>[vector<16xi32>], vector<16xf32>,
        %add3A_991 = arith.addf %gather3A_990, %add3A_854 : vector<16xf32>
        %max3A_992 = arith.maximumf %add3A_989, %add3A_991 : vector<16xf32>
        %max3A_993 = arith.maximumf %add3A_987, %max3A_992 : vector<16xf32>
        %sub3A_994 = arith.subf %add3A_987, %max3A_993 : vector<16xf32>
        %exp3A_995 = math.exp %sub3A_994 : vector<16xf32>
        %sub3A_996 = arith.subf %add3A_989, %max3A_993 : vector<16xf32>
        %max3A_997 = arith.constant -8.700000e+01 : f32
        %max3A_998 = vector.broadcast %max3A_997 : f32 to vector<16xf32>
        %max3A_999 = arith.maximumf %sub3A_996, %max3A_998 : vector<16xf32>
        %exp3A_1000 = math.exp %max3A_999 : vector<16xf32>
        %sub3A_1001 = arith.subf %add3A_991, %max3A_993 : vector<16xf32>
        %max3A_1002 = arith.constant -8.700000e+01 : f32
        %max3A_1003 = vector.broadcast %max3A_1002 : f32 to vector<16xf32>
        %max3A_1004 = arith.maximumf %sub3A_1001, %max3A_1003 : vector<16xf32>
        %exp3A_1005 = math.exp %max3A_1004 : vector<16xf32>
        %add3A_1006 = arith.addf %exp3A_995, %exp3A_1000 : vector<16xf32>
        %add3A_1007 = arith.addf %add3A_1006, %exp3A_1005 : vector<16xf32>
        %bitcast3A_1008 = vector.bitcast %add3A_1007 : vector<16xf32> to vector<16xi32>
        %add3A_1009 = arith.constant -1048576000 : i32
        %add3A_1010 = vector.broadcast %add3A_1009 : i32 to vector<16xi32>
        %add3A_1011 = arith.addi %bitcast3A_1008, %add3A_1010 : vector<16xi32>
        %shift_right_logical3A_1012 = arith.constant 16 : i32
        %shift_right_logical3A_1013 = vector.broadcast %shift_right_logical3A_1012 : i32 to vector<16xi32>
        %shift_right_logical3A_1014 = arith.shrui %add3A_1011, %shift_right_logical3A_1013 : vector<16xi32>
        %and3A_1015 = arith.constant -65536 : i32
        %and3A_1016 = vector.broadcast %and3A_1015 : i32 to vector<16xi32>
        %and3A_1017 = arith.andi %bitcast3A_1008, %and3A_1016 : vector<16xi32>
        %or3A_1018 = arith.constant 32768 : i32
        %or3A_1019 = vector.broadcast %or3A_1018 : i32 to vector<16xi32>
        %or3A_1020 = arith.ori %and3A_1017, %or3A_1019 : vector<16xi32>
        %bitcast3A_1021 = vector.bitcast %or3A_1020 : vector<16xi32> to vector<16xf32>
        %gather3A_1022 = tpu.vector_load_idx %arg25[%shift_right_logical3A_1014] : memref<1024xf32, #tpu.memory_space<vmem>>[vector<16xi32>], vector<16xf32>,
        %add3A_1023 = arith.constant 256 : i32
        %add3A_1024 = vector.broadcast %add3A_1023 : i32 to vector<16xi32>
        %add3A_1025 = arith.addi %shift_right_logical3A_1014, %add3A_1024 : vector<16xi32>
        %gather3A_1026 = tpu.vector_load_idx %arg25[%add3A_1025] : memref<1024xf32, #tpu.memory_space<vmem>>[vector<16xi32>], vector<16xf32>,
        %add3A_1027 = arith.constant 512 : i32
        %add3A_1028 = vector.broadcast %add3A_1027 : i32 to vector<16xi32>
        %add3A_1029 = arith.addi %shift_right_logical3A_1014, %add3A_1028 : vector<16xi32>
        %gather3A_1030 = tpu.vector_load_idx %arg25[%add3A_1029] : memref<1024xf32, #tpu.memory_space<vmem>>[vector<16xi32>], vector<16xf32>,
        %sub3A_1031 = arith.subf %add3A_1007, %bitcast3A_1021 : vector<16xf32>
        %mul3A_1032 = arith.mulf %gather3A_1030, %sub3A_1031 : vector<16xf32>
        %mul3A_1033 = arith.mulf %mul3A_1032, %sub3A_1031 : vector<16xf32>
        %mul3A_1034 = arith.mulf %gather3A_1026, %sub3A_1031 : vector<16xf32>
        %add3A_1035 = arith.addf %mul3A_1034, %gather3A_1022 : vector<16xf32>
        %add3A_1036 = arith.addf %mul3A_1033, %add3A_1035 : vector<16xf32>
        %add3A_1037 = arith.addf %max3A_993, %add3A_1036 : vector<16xf32>
        %eq3A_1038 = arith.constant 9 : i32
        %eq3A_1039 = vector.broadcast %eq3A_1038 : i32 to vector<16xi32>
        %eq3A_1040 = arith.cmpi eq, %iota3A, %eq3A_1039 : vector<16xi32>
        %select_n3A_1041 = arith.select %eq3A_1040, %add3A_1037, %select_n3A_980 : vector<16xi1>, vector<16xf32>
        %mul3A_1042 = arith.constant 16 : i32
        %mul3A_1043 = arith.muli %sub3A_616, %mul3A_1042 : i32
        %add3A_1044 = arith.constant 8 : i32
        %add3A_1045 = arith.addi %mul3A_1043, %add3A_1044 : i32
        %broadcast_in_dim3A_1046 = vector.broadcast %add3A_1045 : i32 to vector<16xi32>
        %gather3A_1047 = tpu.vector_load_idx %arg17[%broadcast_in_dim3A_1046] : memref<4096xf32, #tpu.memory_space<vmem>>[vector<16xi32>], vector<16xf32>,
        %add3A_1048 = arith.addf %gather3A_1047, %add3A_1037 : vector<16xf32>
        %gather3A_1049 = tpu.vector_load_idx %arg18[%broadcast_in_dim3A_1046] : memref<4096xf32, #tpu.memory_space<vmem>>[vector<16xi32>], vector<16xf32>,
        %add3A_1050 = arith.addf %gather3A_1049, %add3A_976 : vector<16xf32>
        %gather3A_1051 = tpu.vector_load_idx %arg19[%broadcast_in_dim3A_1046] : memref<4096xf32, #tpu.memory_space<vmem>>[vector<16xi32>], vector<16xf32>,
        %add3A_1052 = arith.addf %gather3A_1051, %add3A_915 : vector<16xf32>
        %max3A_1053 = arith.maximumf %add3A_1050, %add3A_1052 : vector<16xf32>
        %max3A_1054 = arith.maximumf %add3A_1048, %max3A_1053 : vector<16xf32>
        %sub3A_1055 = arith.subf %add3A_1048, %max3A_1054 : vector<16xf32>
        %exp3A_1056 = math.exp %sub3A_1055 : vector<16xf32>
        %sub3A_1057 = arith.subf %add3A_1050, %max3A_1054 : vector<16xf32>
        %max3A_1058 = arith.constant -8.700000e+01 : f32
        %max3A_1059 = vector.broadcast %max3A_1058 : f32 to vector<16xf32>
        %max3A_1060 = arith.maximumf %sub3A_1057, %max3A_1059 : vector<16xf32>
        %exp3A_1061 = math.exp %max3A_1060 : vector<16xf32>
        %sub3A_1062 = arith.subf %add3A_1052, %max3A_1054 : vector<16xf32>
        %max3A_1063 = arith.constant -8.700000e+01 : f32
        %max3A_1064 = vector.broadcast %max3A_1063 : f32 to vector<16xf32>
        %max3A_1065 = arith.maximumf %sub3A_1062, %max3A_1064 : vector<16xf32>
        %exp3A_1066 = math.exp %max3A_1065 : vector<16xf32>
        %add3A_1067 = arith.addf %exp3A_1056, %exp3A_1061 : vector<16xf32>
        %add3A_1068 = arith.addf %add3A_1067, %exp3A_1066 : vector<16xf32>
        %bitcast3A_1069 = vector.bitcast %add3A_1068 : vector<16xf32> to vector<16xi32>
        %add3A_1070 = arith.constant -1048576000 : i32
        %add3A_1071 = vector.broadcast %add3A_1070 : i32 to vector<16xi32>
        %add3A_1072 = arith.addi %bitcast3A_1069, %add3A_1071 : vector<16xi32>
        %shift_right_logical3A_1073 = arith.constant 16 : i32
        %shift_right_logical3A_1074 = vector.broadcast %shift_right_logical3A_1073 : i32 to vector<16xi32>
        %shift_right_logical3A_1075 = arith.shrui %add3A_1072, %shift_right_logical3A_1074 : vector<16xi32>
        %and3A_1076 = arith.constant -65536 : i32
        %and3A_1077 = vector.broadcast %and3A_1076 : i32 to vector<16xi32>
        %and3A_1078 = arith.andi %bitcast3A_1069, %and3A_1077 : vector<16xi32>
        %or3A_1079 = arith.constant 32768 : i32
        %or3A_1080 = vector.broadcast %or3A_1079 : i32 to vector<16xi32>
        %or3A_1081 = arith.ori %and3A_1078, %or3A_1080 : vector<16xi32>
        %bitcast3A_1082 = vector.bitcast %or3A_1081 : vector<16xi32> to vector<16xf32>
        %gather3A_1083 = tpu.vector_load_idx %arg25[%shift_right_logical3A_1075] : memref<1024xf32, #tpu.memory_space<vmem>>[vector<16xi32>], vector<16xf32>,
        %add3A_1084 = arith.constant 256 : i32
        %add3A_1085 = vector.broadcast %add3A_1084 : i32 to vector<16xi32>
        %add3A_1086 = arith.addi %shift_right_logical3A_1075, %add3A_1085 : vector<16xi32>
        %gather3A_1087 = tpu.vector_load_idx %arg25[%add3A_1086] : memref<1024xf32, #tpu.memory_space<vmem>>[vector<16xi32>], vector<16xf32>,
        %add3A_1088 = arith.constant 512 : i32
        %add3A_1089 = vector.broadcast %add3A_1088 : i32 to vector<16xi32>
        %add3A_1090 = arith.addi %shift_right_logical3A_1075, %add3A_1089 : vector<16xi32>
        %gather3A_1091 = tpu.vector_load_idx %arg25[%add3A_1090] : memref<1024xf32, #tpu.memory_space<vmem>>[vector<16xi32>], vector<16xf32>,
        %sub3A_1092 = arith.subf %add3A_1068, %bitcast3A_1082 : vector<16xf32>
        %mul3A_1093 = arith.mulf %gather3A_1091, %sub3A_1092 : vector<16xf32>
        %mul3A_1094 = arith.mulf %mul3A_1093, %sub3A_1092 : vector<16xf32>
        %mul3A_1095 = arith.mulf %gather3A_1087, %sub3A_1092 : vector<16xf32>
        %add3A_1096 = arith.addf %mul3A_1095, %gather3A_1083 : vector<16xf32>
        %add3A_1097 = arith.addf %mul3A_1094, %add3A_1096 : vector<16xf32>
        %add3A_1098 = arith.addf %max3A_1054, %add3A_1097 : vector<16xf32>
        %eq3A_1099 = arith.constant 8 : i32
        %eq3A_1100 = vector.broadcast %eq3A_1099 : i32 to vector<16xi32>
        %eq3A_1101 = arith.cmpi eq, %iota3A, %eq3A_1100 : vector<16xi32>
        %select_n3A_1102 = arith.select %eq3A_1101, %add3A_1098, %select_n3A_1041 : vector<16xi1>, vector<16xf32>
        %mul3A_1103 = arith.constant 16 : i32
        %mul3A_1104 = arith.muli %sub3A_616, %mul3A_1103 : i32
        %add3A_1105 = arith.constant 7 : i32
        %add3A_1106 = arith.addi %mul3A_1104, %add3A_1105 : i32
        %broadcast_in_dim3A_1107 = vector.broadcast %add3A_1106 : i32 to vector<16xi32>
        %gather3A_1108 = tpu.vector_load_idx %arg17[%broadcast_in_dim3A_1107] : memref<4096xf32, #tpu.memory_space<vmem>>[vector<16xi32>], vector<16xf32>,
        %add3A_1109 = arith.addf %gather3A_1108, %add3A_1098 : vector<16xf32>
        %gather3A_1110 = tpu.vector_load_idx %arg18[%broadcast_in_dim3A_1107] : memref<4096xf32, #tpu.memory_space<vmem>>[vector<16xi32>], vector<16xf32>,
        %add3A_1111 = arith.addf %gather3A_1110, %add3A_1037 : vector<16xf32>
        %gather3A_1112 = tpu.vector_load_idx %arg19[%broadcast_in_dim3A_1107] : memref<4096xf32, #tpu.memory_space<vmem>>[vector<16xi32>], vector<16xf32>,
        %add3A_1113 = arith.addf %gather3A_1112, %add3A_976 : vector<16xf32>
        %max3A_1114 = arith.maximumf %add3A_1111, %add3A_1113 : vector<16xf32>
        %max3A_1115 = arith.maximumf %add3A_1109, %max3A_1114 : vector<16xf32>
        %sub3A_1116 = arith.subf %add3A_1109, %max3A_1115 : vector<16xf32>
        %exp3A_1117 = math.exp %sub3A_1116 : vector<16xf32>
        %sub3A_1118 = arith.subf %add3A_1111, %max3A_1115 : vector<16xf32>
        %max3A_1119 = arith.constant -8.700000e+01 : f32
        %max3A_1120 = vector.broadcast %max3A_1119 : f32 to vector<16xf32>
        %max3A_1121 = arith.maximumf %sub3A_1118, %max3A_1120 : vector<16xf32>
        %exp3A_1122 = math.exp %max3A_1121 : vector<16xf32>
        %sub3A_1123 = arith.subf %add3A_1113, %max3A_1115 : vector<16xf32>
        %max3A_1124 = arith.constant -8.700000e+01 : f32
        %max3A_1125 = vector.broadcast %max3A_1124 : f32 to vector<16xf32>
        %max3A_1126 = arith.maximumf %sub3A_1123, %max3A_1125 : vector<16xf32>
        %exp3A_1127 = math.exp %max3A_1126 : vector<16xf32>
        %add3A_1128 = arith.addf %exp3A_1117, %exp3A_1122 : vector<16xf32>
        %add3A_1129 = arith.addf %add3A_1128, %exp3A_1127 : vector<16xf32>
        %bitcast3A_1130 = vector.bitcast %add3A_1129 : vector<16xf32> to vector<16xi32>
        %add3A_1131 = arith.constant -1048576000 : i32
        %add3A_1132 = vector.broadcast %add3A_1131 : i32 to vector<16xi32>
        %add3A_1133 = arith.addi %bitcast3A_1130, %add3A_1132 : vector<16xi32>
        %shift_right_logical3A_1134 = arith.constant 16 : i32
        %shift_right_logical3A_1135 = vector.broadcast %shift_right_logical3A_1134 : i32 to vector<16xi32>
        %shift_right_logical3A_1136 = arith.shrui %add3A_1133, %shift_right_logical3A_1135 : vector<16xi32>
        %and3A_1137 = arith.constant -65536 : i32
        %and3A_1138 = vector.broadcast %and3A_1137 : i32 to vector<16xi32>
        %and3A_1139 = arith.andi %bitcast3A_1130, %and3A_1138 : vector<16xi32>
        %or3A_1140 = arith.constant 32768 : i32
        %or3A_1141 = vector.broadcast %or3A_1140 : i32 to vector<16xi32>
        %or3A_1142 = arith.ori %and3A_1139, %or3A_1141 : vector<16xi32>
        %bitcast3A_1143 = vector.bitcast %or3A_1142 : vector<16xi32> to vector<16xf32>
        %gather3A_1144 = tpu.vector_load_idx %arg25[%shift_right_logical3A_1136] : memref<1024xf32, #tpu.memory_space<vmem>>[vector<16xi32>], vector<16xf32>,
        %add3A_1145 = arith.constant 256 : i32
        %add3A_1146 = vector.broadcast %add3A_1145 : i32 to vector<16xi32>
        %add3A_1147 = arith.addi %shift_right_logical3A_1136, %add3A_1146 : vector<16xi32>
        %gather3A_1148 = tpu.vector_load_idx %arg25[%add3A_1147] : memref<1024xf32, #tpu.memory_space<vmem>>[vector<16xi32>], vector<16xf32>,
        %add3A_1149 = arith.constant 512 : i32
        %add3A_1150 = vector.broadcast %add3A_1149 : i32 to vector<16xi32>
        %add3A_1151 = arith.addi %shift_right_logical3A_1136, %add3A_1150 : vector<16xi32>
        %gather3A_1152 = tpu.vector_load_idx %arg25[%add3A_1151] : memref<1024xf32, #tpu.memory_space<vmem>>[vector<16xi32>], vector<16xf32>,
        %sub3A_1153 = arith.subf %add3A_1129, %bitcast3A_1143 : vector<16xf32>
        %mul3A_1154 = arith.mulf %gather3A_1152, %sub3A_1153 : vector<16xf32>
        %mul3A_1155 = arith.mulf %mul3A_1154, %sub3A_1153 : vector<16xf32>
        %mul3A_1156 = arith.mulf %gather3A_1148, %sub3A_1153 : vector<16xf32>
        %add3A_1157 = arith.addf %mul3A_1156, %gather3A_1144 : vector<16xf32>
        %add3A_1158 = arith.addf %mul3A_1155, %add3A_1157 : vector<16xf32>
        %add3A_1159 = arith.addf %max3A_1115, %add3A_1158 : vector<16xf32>
        %eq3A_1160 = arith.constant 7 : i32
        %eq3A_1161 = vector.broadcast %eq3A_1160 : i32 to vector<16xi32>
        %eq3A_1162 = arith.cmpi eq, %iota3A, %eq3A_1161 : vector<16xi32>
        %select_n3A_1163 = arith.select %eq3A_1162, %add3A_1159, %select_n3A_1102 : vector<16xi1>, vector<16xf32>
        %mul3A_1164 = arith.constant 16 : i32
        %mul3A_1165 = arith.muli %sub3A_616, %mul3A_1164 : i32
        %add3A_1166 = arith.constant 6 : i32
        %add3A_1167 = arith.addi %mul3A_1165, %add3A_1166 : i32
        %broadcast_in_dim3A_1168 = vector.broadcast %add3A_1167 : i32 to vector<16xi32>
        %gather3A_1169 = tpu.vector_load_idx %arg17[%broadcast_in_dim3A_1168] : memref<4096xf32, #tpu.memory_space<vmem>>[vector<16xi32>], vector<16xf32>,
        %add3A_1170 = arith.addf %gather3A_1169, %add3A_1159 : vector<16xf32>
        %gather3A_1171 = tpu.vector_load_idx %arg18[%broadcast_in_dim3A_1168] : memref<4096xf32, #tpu.memory_space<vmem>>[vector<16xi32>], vector<16xf32>,
        %add3A_1172 = arith.addf %gather3A_1171, %add3A_1098 : vector<16xf32>
        %gather3A_1173 = tpu.vector_load_idx %arg19[%broadcast_in_dim3A_1168] : memref<4096xf32, #tpu.memory_space<vmem>>[vector<16xi32>], vector<16xf32>,
        %add3A_1174 = arith.addf %gather3A_1173, %add3A_1037 : vector<16xf32>
        %max3A_1175 = arith.maximumf %add3A_1172, %add3A_1174 : vector<16xf32>
        %max3A_1176 = arith.maximumf %add3A_1170, %max3A_1175 : vector<16xf32>
        %sub3A_1177 = arith.subf %add3A_1170, %max3A_1176 : vector<16xf32>
        %exp3A_1178 = math.exp %sub3A_1177 : vector<16xf32>
        %sub3A_1179 = arith.subf %add3A_1172, %max3A_1176 : vector<16xf32>
        %max3A_1180 = arith.constant -8.700000e+01 : f32
        %max3A_1181 = vector.broadcast %max3A_1180 : f32 to vector<16xf32>
        %max3A_1182 = arith.maximumf %sub3A_1179, %max3A_1181 : vector<16xf32>
        %exp3A_1183 = math.exp %max3A_1182 : vector<16xf32>
        %sub3A_1184 = arith.subf %add3A_1174, %max3A_1176 : vector<16xf32>
        %max3A_1185 = arith.constant -8.700000e+01 : f32
        %max3A_1186 = vector.broadcast %max3A_1185 : f32 to vector<16xf32>
        %max3A_1187 = arith.maximumf %sub3A_1184, %max3A_1186 : vector<16xf32>
        %exp3A_1188 = math.exp %max3A_1187 : vector<16xf32>
        %add3A_1189 = arith.addf %exp3A_1178, %exp3A_1183 : vector<16xf32>
        %add3A_1190 = arith.addf %add3A_1189, %exp3A_1188 : vector<16xf32>
        %bitcast3A_1191 = vector.bitcast %add3A_1190 : vector<16xf32> to vector<16xi32>
        %add3A_1192 = arith.constant -1048576000 : i32
        %add3A_1193 = vector.broadcast %add3A_1192 : i32 to vector<16xi32>
        %add3A_1194 = arith.addi %bitcast3A_1191, %add3A_1193 : vector<16xi32>
        %shift_right_logical3A_1195 = arith.constant 16 : i32
        %shift_right_logical3A_1196 = vector.broadcast %shift_right_logical3A_1195 : i32 to vector<16xi32>
        %shift_right_logical3A_1197 = arith.shrui %add3A_1194, %shift_right_logical3A_1196 : vector<16xi32>
        %and3A_1198 = arith.constant -65536 : i32
        %and3A_1199 = vector.broadcast %and3A_1198 : i32 to vector<16xi32>
        %and3A_1200 = arith.andi %bitcast3A_1191, %and3A_1199 : vector<16xi32>
        %or3A_1201 = arith.constant 32768 : i32
        %or3A_1202 = vector.broadcast %or3A_1201 : i32 to vector<16xi32>
        %or3A_1203 = arith.ori %and3A_1200, %or3A_1202 : vector<16xi32>
        %bitcast3A_1204 = vector.bitcast %or3A_1203 : vector<16xi32> to vector<16xf32>
        %gather3A_1205 = tpu.vector_load_idx %arg25[%shift_right_logical3A_1197] : memref<1024xf32, #tpu.memory_space<vmem>>[vector<16xi32>], vector<16xf32>,
        %add3A_1206 = arith.constant 256 : i32
        %add3A_1207 = vector.broadcast %add3A_1206 : i32 to vector<16xi32>
        %add3A_1208 = arith.addi %shift_right_logical3A_1197, %add3A_1207 : vector<16xi32>
        %gather3A_1209 = tpu.vector_load_idx %arg25[%add3A_1208] : memref<1024xf32, #tpu.memory_space<vmem>>[vector<16xi32>], vector<16xf32>,
        %add3A_1210 = arith.constant 512 : i32
        %add3A_1211 = vector.broadcast %add3A_1210 : i32 to vector<16xi32>
        %add3A_1212 = arith.addi %shift_right_logical3A_1197, %add3A_1211 : vector<16xi32>
        %gather3A_1213 = tpu.vector_load_idx %arg25[%add3A_1212] : memref<1024xf32, #tpu.memory_space<vmem>>[vector<16xi32>], vector<16xf32>,
        %sub3A_1214 = arith.subf %add3A_1190, %bitcast3A_1204 : vector<16xf32>
        %mul3A_1215 = arith.mulf %gather3A_1213, %sub3A_1214 : vector<16xf32>
        %mul3A_1216 = arith.mulf %mul3A_1215, %sub3A_1214 : vector<16xf32>
        %mul3A_1217 = arith.mulf %gather3A_1209, %sub3A_1214 : vector<16xf32>
        %add3A_1218 = arith.addf %mul3A_1217, %gather3A_1205 : vector<16xf32>
        %add3A_1219 = arith.addf %mul3A_1216, %add3A_1218 : vector<16xf32>
        %add3A_1220 = arith.addf %max3A_1176, %add3A_1219 : vector<16xf32>
        %eq3A_1221 = arith.constant 6 : i32
        %eq3A_1222 = vector.broadcast %eq3A_1221 : i32 to vector<16xi32>
        %eq3A_1223 = arith.cmpi eq, %iota3A, %eq3A_1222 : vector<16xi32>
        %select_n3A_1224 = arith.select %eq3A_1223, %add3A_1220, %select_n3A_1163 : vector<16xi1>, vector<16xf32>
        %mul3A_1225 = arith.constant 16 : i32
        %mul3A_1226 = arith.muli %sub3A_616, %mul3A_1225 : i32
        %add3A_1227 = arith.constant 5 : i32
        %add3A_1228 = arith.addi %mul3A_1226, %add3A_1227 : i32
        %broadcast_in_dim3A_1229 = vector.broadcast %add3A_1228 : i32 to vector<16xi32>
        %gather3A_1230 = tpu.vector_load_idx %arg17[%broadcast_in_dim3A_1229] : memref<4096xf32, #tpu.memory_space<vmem>>[vector<16xi32>], vector<16xf32>,
        %add3A_1231 = arith.addf %gather3A_1230, %add3A_1220 : vector<16xf32>
        %gather3A_1232 = tpu.vector_load_idx %arg18[%broadcast_in_dim3A_1229] : memref<4096xf32, #tpu.memory_space<vmem>>[vector<16xi32>], vector<16xf32>,
        %add3A_1233 = arith.addf %gather3A_1232, %add3A_1159 : vector<16xf32>
        %gather3A_1234 = tpu.vector_load_idx %arg19[%broadcast_in_dim3A_1229] : memref<4096xf32, #tpu.memory_space<vmem>>[vector<16xi32>], vector<16xf32>,
        %add3A_1235 = arith.addf %gather3A_1234, %add3A_1098 : vector<16xf32>
        %max3A_1236 = arith.maximumf %add3A_1233, %add3A_1235 : vector<16xf32>
        %max3A_1237 = arith.maximumf %add3A_1231, %max3A_1236 : vector<16xf32>
        %sub3A_1238 = arith.subf %add3A_1231, %max3A_1237 : vector<16xf32>
        %exp3A_1239 = math.exp %sub3A_1238 : vector<16xf32>
        %sub3A_1240 = arith.subf %add3A_1233, %max3A_1237 : vector<16xf32>
        %max3A_1241 = arith.constant -8.700000e+01 : f32
        %max3A_1242 = vector.broadcast %max3A_1241 : f32 to vector<16xf32>
        %max3A_1243 = arith.maximumf %sub3A_1240, %max3A_1242 : vector<16xf32>
        %exp3A_1244 = math.exp %max3A_1243 : vector<16xf32>
        %sub3A_1245 = arith.subf %add3A_1235, %max3A_1237 : vector<16xf32>
        %max3A_1246 = arith.constant -8.700000e+01 : f32
        %max3A_1247 = vector.broadcast %max3A_1246 : f32 to vector<16xf32>
        %max3A_1248 = arith.maximumf %sub3A_1245, %max3A_1247 : vector<16xf32>
        %exp3A_1249 = math.exp %max3A_1248 : vector<16xf32>
        %add3A_1250 = arith.addf %exp3A_1239, %exp3A_1244 : vector<16xf32>
        %add3A_1251 = arith.addf %add3A_1250, %exp3A_1249 : vector<16xf32>
        %bitcast3A_1252 = vector.bitcast %add3A_1251 : vector<16xf32> to vector<16xi32>
        %add3A_1253 = arith.constant -1048576000 : i32
        %add3A_1254 = vector.broadcast %add3A_1253 : i32 to vector<16xi32>
        %add3A_1255 = arith.addi %bitcast3A_1252, %add3A_1254 : vector<16xi32>
        %shift_right_logical3A_1256 = arith.constant 16 : i32
        %shift_right_logical3A_1257 = vector.broadcast %shift_right_logical3A_1256 : i32 to vector<16xi32>
        %shift_right_logical3A_1258 = arith.shrui %add3A_1255, %shift_right_logical3A_1257 : vector<16xi32>
        %and3A_1259 = arith.constant -65536 : i32
        %and3A_1260 = vector.broadcast %and3A_1259 : i32 to vector<16xi32>
        %and3A_1261 = arith.andi %bitcast3A_1252, %and3A_1260 : vector<16xi32>
        %or3A_1262 = arith.constant 32768 : i32
        %or3A_1263 = vector.broadcast %or3A_1262 : i32 to vector<16xi32>
        %or3A_1264 = arith.ori %and3A_1261, %or3A_1263 : vector<16xi32>
        %bitcast3A_1265 = vector.bitcast %or3A_1264 : vector<16xi32> to vector<16xf32>
        %gather3A_1266 = tpu.vector_load_idx %arg25[%shift_right_logical3A_1258] : memref<1024xf32, #tpu.memory_space<vmem>>[vector<16xi32>], vector<16xf32>,
        %add3A_1267 = arith.constant 256 : i32
        %add3A_1268 = vector.broadcast %add3A_1267 : i32 to vector<16xi32>
        %add3A_1269 = arith.addi %shift_right_logical3A_1258, %add3A_1268 : vector<16xi32>
        %gather3A_1270 = tpu.vector_load_idx %arg25[%add3A_1269] : memref<1024xf32, #tpu.memory_space<vmem>>[vector<16xi32>], vector<16xf32>,
        %add3A_1271 = arith.constant 512 : i32
        %add3A_1272 = vector.broadcast %add3A_1271 : i32 to vector<16xi32>
        %add3A_1273 = arith.addi %shift_right_logical3A_1258, %add3A_1272 : vector<16xi32>
        %gather3A_1274 = tpu.vector_load_idx %arg25[%add3A_1273] : memref<1024xf32, #tpu.memory_space<vmem>>[vector<16xi32>], vector<16xf32>,
        %sub3A_1275 = arith.subf %add3A_1251, %bitcast3A_1265 : vector<16xf32>
        %mul3A_1276 = arith.mulf %gather3A_1274, %sub3A_1275 : vector<16xf32>
        %mul3A_1277 = arith.mulf %mul3A_1276, %sub3A_1275 : vector<16xf32>
        %mul3A_1278 = arith.mulf %gather3A_1270, %sub3A_1275 : vector<16xf32>
        %add3A_1279 = arith.addf %mul3A_1278, %gather3A_1266 : vector<16xf32>
        %add3A_1280 = arith.addf %mul3A_1277, %add3A_1279 : vector<16xf32>
        %add3A_1281 = arith.addf %max3A_1237, %add3A_1280 : vector<16xf32>
        %eq3A_1282 = arith.constant 5 : i32
        %eq3A_1283 = vector.broadcast %eq3A_1282 : i32 to vector<16xi32>
        %eq3A_1284 = arith.cmpi eq, %iota3A, %eq3A_1283 : vector<16xi32>
        %select_n3A_1285 = arith.select %eq3A_1284, %add3A_1281, %select_n3A_1224 : vector<16xi1>, vector<16xf32>
        %mul3A_1286 = arith.constant 16 : i32
        %mul3A_1287 = arith.muli %sub3A_616, %mul3A_1286 : i32
        %add3A_1288 = arith.constant 4 : i32
        %add3A_1289 = arith.addi %mul3A_1287, %add3A_1288 : i32
        %broadcast_in_dim3A_1290 = vector.broadcast %add3A_1289 : i32 to vector<16xi32>
        %gather3A_1291 = tpu.vector_load_idx %arg17[%broadcast_in_dim3A_1290] : memref<4096xf32, #tpu.memory_space<vmem>>[vector<16xi32>], vector<16xf32>,
        %add3A_1292 = arith.addf %gather3A_1291, %add3A_1281 : vector<16xf32>
        %gather3A_1293 = tpu.vector_load_idx %arg18[%broadcast_in_dim3A_1290] : memref<4096xf32, #tpu.memory_space<vmem>>[vector<16xi32>], vector<16xf32>,
        %add3A_1294 = arith.addf %gather3A_1293, %add3A_1220 : vector<16xf32>
        %gather3A_1295 = tpu.vector_load_idx %arg19[%broadcast_in_dim3A_1290] : memref<4096xf32, #tpu.memory_space<vmem>>[vector<16xi32>], vector<16xf32>,
        %add3A_1296 = arith.addf %gather3A_1295, %add3A_1159 : vector<16xf32>
        %max3A_1297 = arith.maximumf %add3A_1294, %add3A_1296 : vector<16xf32>
        %max3A_1298 = arith.maximumf %add3A_1292, %max3A_1297 : vector<16xf32>
        %sub3A_1299 = arith.subf %add3A_1292, %max3A_1298 : vector<16xf32>
        %exp3A_1300 = math.exp %sub3A_1299 : vector<16xf32>
        %sub3A_1301 = arith.subf %add3A_1294, %max3A_1298 : vector<16xf32>
        %max3A_1302 = arith.constant -8.700000e+01 : f32
        %max3A_1303 = vector.broadcast %max3A_1302 : f32 to vector<16xf32>
        %max3A_1304 = arith.maximumf %sub3A_1301, %max3A_1303 : vector<16xf32>
        %exp3A_1305 = math.exp %max3A_1304 : vector<16xf32>
        %sub3A_1306 = arith.subf %add3A_1296, %max3A_1298 : vector<16xf32>
        %max3A_1307 = arith.constant -8.700000e+01 : f32
        %max3A_1308 = vector.broadcast %max3A_1307 : f32 to vector<16xf32>
        %max3A_1309 = arith.maximumf %sub3A_1306, %max3A_1308 : vector<16xf32>
        %exp3A_1310 = math.exp %max3A_1309 : vector<16xf32>
        %add3A_1311 = arith.addf %exp3A_1300, %exp3A_1305 : vector<16xf32>
        %add3A_1312 = arith.addf %add3A_1311, %exp3A_1310 : vector<16xf32>
        %bitcast3A_1313 = vector.bitcast %add3A_1312 : vector<16xf32> to vector<16xi32>
        %add3A_1314 = arith.constant -1048576000 : i32
        %add3A_1315 = vector.broadcast %add3A_1314 : i32 to vector<16xi32>
        %add3A_1316 = arith.addi %bitcast3A_1313, %add3A_1315 : vector<16xi32>
        %shift_right_logical3A_1317 = arith.constant 16 : i32
        %shift_right_logical3A_1318 = vector.broadcast %shift_right_logical3A_1317 : i32 to vector<16xi32>
        %shift_right_logical3A_1319 = arith.shrui %add3A_1316, %shift_right_logical3A_1318 : vector<16xi32>
        %and3A_1320 = arith.constant -65536 : i32
        %and3A_1321 = vector.broadcast %and3A_1320 : i32 to vector<16xi32>
        %and3A_1322 = arith.andi %bitcast3A_1313, %and3A_1321 : vector<16xi32>
        %or3A_1323 = arith.constant 32768 : i32
        %or3A_1324 = vector.broadcast %or3A_1323 : i32 to vector<16xi32>
        %or3A_1325 = arith.ori %and3A_1322, %or3A_1324 : vector<16xi32>
        %bitcast3A_1326 = vector.bitcast %or3A_1325 : vector<16xi32> to vector<16xf32>
        %gather3A_1327 = tpu.vector_load_idx %arg25[%shift_right_logical3A_1319] : memref<1024xf32, #tpu.memory_space<vmem>>[vector<16xi32>], vector<16xf32>,
        %add3A_1328 = arith.constant 256 : i32
        %add3A_1329 = vector.broadcast %add3A_1328 : i32 to vector<16xi32>
        %add3A_1330 = arith.addi %shift_right_logical3A_1319, %add3A_1329 : vector<16xi32>
        %gather3A_1331 = tpu.vector_load_idx %arg25[%add3A_1330] : memref<1024xf32, #tpu.memory_space<vmem>>[vector<16xi32>], vector<16xf32>,
        %add3A_1332 = arith.constant 512 : i32
        %add3A_1333 = vector.broadcast %add3A_1332 : i32 to vector<16xi32>
        %add3A_1334 = arith.addi %shift_right_logical3A_1319, %add3A_1333 : vector<16xi32>
        %gather3A_1335 = tpu.vector_load_idx %arg25[%add3A_1334] : memref<1024xf32, #tpu.memory_space<vmem>>[vector<16xi32>], vector<16xf32>,
        %sub3A_1336 = arith.subf %add3A_1312, %bitcast3A_1326 : vector<16xf32>
        %mul3A_1337 = arith.mulf %gather3A_1335, %sub3A_1336 : vector<16xf32>
        %mul3A_1338 = arith.mulf %mul3A_1337, %sub3A_1336 : vector<16xf32>
        %mul3A_1339 = arith.mulf %gather3A_1331, %sub3A_1336 : vector<16xf32>
        %add3A_1340 = arith.addf %mul3A_1339, %gather3A_1327 : vector<16xf32>
        %add3A_1341 = arith.addf %mul3A_1338, %add3A_1340 : vector<16xf32>
        %add3A_1342 = arith.addf %max3A_1298, %add3A_1341 : vector<16xf32>
        %eq3A_1343 = arith.constant 4 : i32
        %eq3A_1344 = vector.broadcast %eq3A_1343 : i32 to vector<16xi32>
        %eq3A_1345 = arith.cmpi eq, %iota3A, %eq3A_1344 : vector<16xi32>
        %select_n3A_1346 = arith.select %eq3A_1345, %add3A_1342, %select_n3A_1285 : vector<16xi1>, vector<16xf32>
        %mul3A_1347 = arith.constant 16 : i32
        %mul3A_1348 = arith.muli %sub3A_616, %mul3A_1347 : i32
        %add3A_1349 = arith.constant 3 : i32
        %add3A_1350 = arith.addi %mul3A_1348, %add3A_1349 : i32
        %broadcast_in_dim3A_1351 = vector.broadcast %add3A_1350 : i32 to vector<16xi32>
        %gather3A_1352 = tpu.vector_load_idx %arg17[%broadcast_in_dim3A_1351] : memref<4096xf32, #tpu.memory_space<vmem>>[vector<16xi32>], vector<16xf32>,
        %add3A_1353 = arith.addf %gather3A_1352, %add3A_1342 : vector<16xf32>
        %gather3A_1354 = tpu.vector_load_idx %arg18[%broadcast_in_dim3A_1351] : memref<4096xf32, #tpu.memory_space<vmem>>[vector<16xi32>], vector<16xf32>,
        %add3A_1355 = arith.addf %gather3A_1354, %add3A_1281 : vector<16xf32>
        %gather3A_1356 = tpu.vector_load_idx %arg19[%broadcast_in_dim3A_1351] : memref<4096xf32, #tpu.memory_space<vmem>>[vector<16xi32>], vector<16xf32>,
        %add3A_1357 = arith.addf %gather3A_1356, %add3A_1220 : vector<16xf32>
        %max3A_1358 = arith.maximumf %add3A_1355, %add3A_1357 : vector<16xf32>
        %max3A_1359 = arith.maximumf %add3A_1353, %max3A_1358 : vector<16xf32>
        %sub3A_1360 = arith.subf %add3A_1353, %max3A_1359 : vector<16xf32>
        %exp3A_1361 = math.exp %sub3A_1360 : vector<16xf32>
        %sub3A_1362 = arith.subf %add3A_1355, %max3A_1359 : vector<16xf32>
        %max3A_1363 = arith.constant -8.700000e+01 : f32
        %max3A_1364 = vector.broadcast %max3A_1363 : f32 to vector<16xf32>
        %max3A_1365 = arith.maximumf %sub3A_1362, %max3A_1364 : vector<16xf32>
        %exp3A_1366 = math.exp %max3A_1365 : vector<16xf32>
        %sub3A_1367 = arith.subf %add3A_1357, %max3A_1359 : vector<16xf32>
        %max3A_1368 = arith.constant -8.700000e+01 : f32
        %max3A_1369 = vector.broadcast %max3A_1368 : f32 to vector<16xf32>
        %max3A_1370 = arith.maximumf %sub3A_1367, %max3A_1369 : vector<16xf32>
        %exp3A_1371 = math.exp %max3A_1370 : vector<16xf32>
        %add3A_1372 = arith.addf %exp3A_1361, %exp3A_1366 : vector<16xf32>
        %add3A_1373 = arith.addf %add3A_1372, %exp3A_1371 : vector<16xf32>
        %bitcast3A_1374 = vector.bitcast %add3A_1373 : vector<16xf32> to vector<16xi32>
        %add3A_1375 = arith.constant -1048576000 : i32
        %add3A_1376 = vector.broadcast %add3A_1375 : i32 to vector<16xi32>
        %add3A_1377 = arith.addi %bitcast3A_1374, %add3A_1376 : vector<16xi32>
        %shift_right_logical3A_1378 = arith.constant 16 : i32
        %shift_right_logical3A_1379 = vector.broadcast %shift_right_logical3A_1378 : i32 to vector<16xi32>
        %shift_right_logical3A_1380 = arith.shrui %add3A_1377, %shift_right_logical3A_1379 : vector<16xi32>
        %and3A_1381 = arith.constant -65536 : i32
        %and3A_1382 = vector.broadcast %and3A_1381 : i32 to vector<16xi32>
        %and3A_1383 = arith.andi %bitcast3A_1374, %and3A_1382 : vector<16xi32>
        %or3A_1384 = arith.constant 32768 : i32
        %or3A_1385 = vector.broadcast %or3A_1384 : i32 to vector<16xi32>
        %or3A_1386 = arith.ori %and3A_1383, %or3A_1385 : vector<16xi32>
        %bitcast3A_1387 = vector.bitcast %or3A_1386 : vector<16xi32> to vector<16xf32>
        %gather3A_1388 = tpu.vector_load_idx %arg25[%shift_right_logical3A_1380] : memref<1024xf32, #tpu.memory_space<vmem>>[vector<16xi32>], vector<16xf32>,
        %add3A_1389 = arith.constant 256 : i32
        %add3A_1390 = vector.broadcast %add3A_1389 : i32 to vector<16xi32>
        %add3A_1391 = arith.addi %shift_right_logical3A_1380, %add3A_1390 : vector<16xi32>
        %gather3A_1392 = tpu.vector_load_idx %arg25[%add3A_1391] : memref<1024xf32, #tpu.memory_space<vmem>>[vector<16xi32>], vector<16xf32>,
        %add3A_1393 = arith.constant 512 : i32
        %add3A_1394 = vector.broadcast %add3A_1393 : i32 to vector<16xi32>
        %add3A_1395 = arith.addi %shift_right_logical3A_1380, %add3A_1394 : vector<16xi32>
        %gather3A_1396 = tpu.vector_load_idx %arg25[%add3A_1395] : memref<1024xf32, #tpu.memory_space<vmem>>[vector<16xi32>], vector<16xf32>,
        %sub3A_1397 = arith.subf %add3A_1373, %bitcast3A_1387 : vector<16xf32>
        %mul3A_1398 = arith.mulf %gather3A_1396, %sub3A_1397 : vector<16xf32>
        %mul3A_1399 = arith.mulf %mul3A_1398, %sub3A_1397 : vector<16xf32>
        %mul3A_1400 = arith.mulf %gather3A_1392, %sub3A_1397 : vector<16xf32>
        %add3A_1401 = arith.addf %mul3A_1400, %gather3A_1388 : vector<16xf32>
        %add3A_1402 = arith.addf %mul3A_1399, %add3A_1401 : vector<16xf32>
        %add3A_1403 = arith.addf %max3A_1359, %add3A_1402 : vector<16xf32>
        %eq3A_1404 = arith.constant 3 : i32
        %eq3A_1405 = vector.broadcast %eq3A_1404 : i32 to vector<16xi32>
        %eq3A_1406 = arith.cmpi eq, %iota3A, %eq3A_1405 : vector<16xi32>
        %select_n3A_1407 = arith.select %eq3A_1406, %add3A_1403, %select_n3A_1346 : vector<16xi1>, vector<16xf32>
        %mul3A_1408 = arith.constant 16 : i32
        %mul3A_1409 = arith.muli %sub3A_616, %mul3A_1408 : i32
        %add3A_1410 = arith.constant 2 : i32
        %add3A_1411 = arith.addi %mul3A_1409, %add3A_1410 : i32
        %broadcast_in_dim3A_1412 = vector.broadcast %add3A_1411 : i32 to vector<16xi32>
        %gather3A_1413 = tpu.vector_load_idx %arg17[%broadcast_in_dim3A_1412] : memref<4096xf32, #tpu.memory_space<vmem>>[vector<16xi32>], vector<16xf32>,
        %add3A_1414 = arith.addf %gather3A_1413, %add3A_1403 : vector<16xf32>
        %gather3A_1415 = tpu.vector_load_idx %arg18[%broadcast_in_dim3A_1412] : memref<4096xf32, #tpu.memory_space<vmem>>[vector<16xi32>], vector<16xf32>,
        %add3A_1416 = arith.addf %gather3A_1415, %add3A_1342 : vector<16xf32>
        %gather3A_1417 = tpu.vector_load_idx %arg19[%broadcast_in_dim3A_1412] : memref<4096xf32, #tpu.memory_space<vmem>>[vector<16xi32>], vector<16xf32>,
        %add3A_1418 = arith.addf %gather3A_1417, %add3A_1281 : vector<16xf32>
        %max3A_1419 = arith.maximumf %add3A_1416, %add3A_1418 : vector<16xf32>
        %max3A_1420 = arith.maximumf %add3A_1414, %max3A_1419 : vector<16xf32>
        %sub3A_1421 = arith.subf %add3A_1414, %max3A_1420 : vector<16xf32>
        %exp3A_1422 = math.exp %sub3A_1421 : vector<16xf32>
        %sub3A_1423 = arith.subf %add3A_1416, %max3A_1420 : vector<16xf32>
        %max3A_1424 = arith.constant -8.700000e+01 : f32
        %max3A_1425 = vector.broadcast %max3A_1424 : f32 to vector<16xf32>
        %max3A_1426 = arith.maximumf %sub3A_1423, %max3A_1425 : vector<16xf32>
        %exp3A_1427 = math.exp %max3A_1426 : vector<16xf32>
        %sub3A_1428 = arith.subf %add3A_1418, %max3A_1420 : vector<16xf32>
        %max3A_1429 = arith.constant -8.700000e+01 : f32
        %max3A_1430 = vector.broadcast %max3A_1429 : f32 to vector<16xf32>
        %max3A_1431 = arith.maximumf %sub3A_1428, %max3A_1430 : vector<16xf32>
        %exp3A_1432 = math.exp %max3A_1431 : vector<16xf32>
        %add3A_1433 = arith.addf %exp3A_1422, %exp3A_1427 : vector<16xf32>
        %add3A_1434 = arith.addf %add3A_1433, %exp3A_1432 : vector<16xf32>
        %bitcast3A_1435 = vector.bitcast %add3A_1434 : vector<16xf32> to vector<16xi32>
        %add3A_1436 = arith.constant -1048576000 : i32
        %add3A_1437 = vector.broadcast %add3A_1436 : i32 to vector<16xi32>
        %add3A_1438 = arith.addi %bitcast3A_1435, %add3A_1437 : vector<16xi32>
        %shift_right_logical3A_1439 = arith.constant 16 : i32
        %shift_right_logical3A_1440 = vector.broadcast %shift_right_logical3A_1439 : i32 to vector<16xi32>
        %shift_right_logical3A_1441 = arith.shrui %add3A_1438, %shift_right_logical3A_1440 : vector<16xi32>
        %and3A_1442 = arith.constant -65536 : i32
        %and3A_1443 = vector.broadcast %and3A_1442 : i32 to vector<16xi32>
        %and3A_1444 = arith.andi %bitcast3A_1435, %and3A_1443 : vector<16xi32>
        %or3A_1445 = arith.constant 32768 : i32
        %or3A_1446 = vector.broadcast %or3A_1445 : i32 to vector<16xi32>
        %or3A_1447 = arith.ori %and3A_1444, %or3A_1446 : vector<16xi32>
        %bitcast3A_1448 = vector.bitcast %or3A_1447 : vector<16xi32> to vector<16xf32>
        %gather3A_1449 = tpu.vector_load_idx %arg25[%shift_right_logical3A_1441] : memref<1024xf32, #tpu.memory_space<vmem>>[vector<16xi32>], vector<16xf32>,
        %add3A_1450 = arith.constant 256 : i32
        %add3A_1451 = vector.broadcast %add3A_1450 : i32 to vector<16xi32>
        %add3A_1452 = arith.addi %shift_right_logical3A_1441, %add3A_1451 : vector<16xi32>
        %gather3A_1453 = tpu.vector_load_idx %arg25[%add3A_1452] : memref<1024xf32, #tpu.memory_space<vmem>>[vector<16xi32>], vector<16xf32>,
        %add3A_1454 = arith.constant 512 : i32
        %add3A_1455 = vector.broadcast %add3A_1454 : i32 to vector<16xi32>
        %add3A_1456 = arith.addi %shift_right_logical3A_1441, %add3A_1455 : vector<16xi32>
        %gather3A_1457 = tpu.vector_load_idx %arg25[%add3A_1456] : memref<1024xf32, #tpu.memory_space<vmem>>[vector<16xi32>], vector<16xf32>,
        %sub3A_1458 = arith.subf %add3A_1434, %bitcast3A_1448 : vector<16xf32>
        %mul3A_1459 = arith.mulf %gather3A_1457, %sub3A_1458 : vector<16xf32>
        %mul3A_1460 = arith.mulf %mul3A_1459, %sub3A_1458 : vector<16xf32>
        %mul3A_1461 = arith.mulf %gather3A_1453, %sub3A_1458 : vector<16xf32>
        %add3A_1462 = arith.addf %mul3A_1461, %gather3A_1449 : vector<16xf32>
        %add3A_1463 = arith.addf %mul3A_1460, %add3A_1462 : vector<16xf32>
        %add3A_1464 = arith.addf %max3A_1420, %add3A_1463 : vector<16xf32>
        %eq3A_1465 = arith.constant 2 : i32
        %eq3A_1466 = vector.broadcast %eq3A_1465 : i32 to vector<16xi32>
        %eq3A_1467 = arith.cmpi eq, %iota3A, %eq3A_1466 : vector<16xi32>
        %select_n3A_1468 = arith.select %eq3A_1467, %add3A_1464, %select_n3A_1407 : vector<16xi1>, vector<16xf32>
        %mul3A_1469 = arith.constant 16 : i32
        %mul3A_1470 = arith.muli %sub3A_616, %mul3A_1469 : i32
        %add3A_1471 = arith.constant 1 : i32
        %add3A_1472 = arith.addi %mul3A_1470, %add3A_1471 : i32
        %broadcast_in_dim3A_1473 = vector.broadcast %add3A_1472 : i32 to vector<16xi32>
        %gather3A_1474 = tpu.vector_load_idx %arg17[%broadcast_in_dim3A_1473] : memref<4096xf32, #tpu.memory_space<vmem>>[vector<16xi32>], vector<16xf32>,
        %add3A_1475 = arith.addf %gather3A_1474, %add3A_1464 : vector<16xf32>
        %gather3A_1476 = tpu.vector_load_idx %arg18[%broadcast_in_dim3A_1473] : memref<4096xf32, #tpu.memory_space<vmem>>[vector<16xi32>], vector<16xf32>,
        %add3A_1477 = arith.addf %gather3A_1476, %add3A_1403 : vector<16xf32>
        %gather3A_1478 = tpu.vector_load_idx %arg19[%broadcast_in_dim3A_1473] : memref<4096xf32, #tpu.memory_space<vmem>>[vector<16xi32>], vector<16xf32>,
        %add3A_1479 = arith.addf %gather3A_1478, %add3A_1342 : vector<16xf32>
        %max3A_1480 = arith.maximumf %add3A_1477, %add3A_1479 : vector<16xf32>
        %max3A_1481 = arith.maximumf %add3A_1475, %max3A_1480 : vector<16xf32>
        %sub3A_1482 = arith.subf %add3A_1475, %max3A_1481 : vector<16xf32>
        %exp3A_1483 = math.exp %sub3A_1482 : vector<16xf32>
        %sub3A_1484 = arith.subf %add3A_1477, %max3A_1481 : vector<16xf32>
        %max3A_1485 = arith.constant -8.700000e+01 : f32
        %max3A_1486 = vector.broadcast %max3A_1485 : f32 to vector<16xf32>
        %max3A_1487 = arith.maximumf %sub3A_1484, %max3A_1486 : vector<16xf32>
        %exp3A_1488 = math.exp %max3A_1487 : vector<16xf32>
        %sub3A_1489 = arith.subf %add3A_1479, %max3A_1481 : vector<16xf32>
        %max3A_1490 = arith.constant -8.700000e+01 : f32
        %max3A_1491 = vector.broadcast %max3A_1490 : f32 to vector<16xf32>
        %max3A_1492 = arith.maximumf %sub3A_1489, %max3A_1491 : vector<16xf32>
        %exp3A_1493 = math.exp %max3A_1492 : vector<16xf32>
        %add3A_1494 = arith.addf %exp3A_1483, %exp3A_1488 : vector<16xf32>
        %add3A_1495 = arith.addf %add3A_1494, %exp3A_1493 : vector<16xf32>
        %bitcast3A_1496 = vector.bitcast %add3A_1495 : vector<16xf32> to vector<16xi32>
        %add3A_1497 = arith.constant -1048576000 : i32
        %add3A_1498 = vector.broadcast %add3A_1497 : i32 to vector<16xi32>
        %add3A_1499 = arith.addi %bitcast3A_1496, %add3A_1498 : vector<16xi32>
        %shift_right_logical3A_1500 = arith.constant 16 : i32
        %shift_right_logical3A_1501 = vector.broadcast %shift_right_logical3A_1500 : i32 to vector<16xi32>
        %shift_right_logical3A_1502 = arith.shrui %add3A_1499, %shift_right_logical3A_1501 : vector<16xi32>
        %and3A_1503 = arith.constant -65536 : i32
        %and3A_1504 = vector.broadcast %and3A_1503 : i32 to vector<16xi32>
        %and3A_1505 = arith.andi %bitcast3A_1496, %and3A_1504 : vector<16xi32>
        %or3A_1506 = arith.constant 32768 : i32
        %or3A_1507 = vector.broadcast %or3A_1506 : i32 to vector<16xi32>
        %or3A_1508 = arith.ori %and3A_1505, %or3A_1507 : vector<16xi32>
        %bitcast3A_1509 = vector.bitcast %or3A_1508 : vector<16xi32> to vector<16xf32>
        %gather3A_1510 = tpu.vector_load_idx %arg25[%shift_right_logical3A_1502] : memref<1024xf32, #tpu.memory_space<vmem>>[vector<16xi32>], vector<16xf32>,
        %add3A_1511 = arith.constant 256 : i32
        %add3A_1512 = vector.broadcast %add3A_1511 : i32 to vector<16xi32>
        %add3A_1513 = arith.addi %shift_right_logical3A_1502, %add3A_1512 : vector<16xi32>
        %gather3A_1514 = tpu.vector_load_idx %arg25[%add3A_1513] : memref<1024xf32, #tpu.memory_space<vmem>>[vector<16xi32>], vector<16xf32>,
        %add3A_1515 = arith.constant 512 : i32
        %add3A_1516 = vector.broadcast %add3A_1515 : i32 to vector<16xi32>
        %add3A_1517 = arith.addi %shift_right_logical3A_1502, %add3A_1516 : vector<16xi32>
        %gather3A_1518 = tpu.vector_load_idx %arg25[%add3A_1517] : memref<1024xf32, #tpu.memory_space<vmem>>[vector<16xi32>], vector<16xf32>,
        %sub3A_1519 = arith.subf %add3A_1495, %bitcast3A_1509 : vector<16xf32>
        %mul3A_1520 = arith.mulf %gather3A_1518, %sub3A_1519 : vector<16xf32>
        %mul3A_1521 = arith.mulf %mul3A_1520, %sub3A_1519 : vector<16xf32>
        %mul3A_1522 = arith.mulf %gather3A_1514, %sub3A_1519 : vector<16xf32>
        %add3A_1523 = arith.addf %mul3A_1522, %gather3A_1510 : vector<16xf32>
        %add3A_1524 = arith.addf %mul3A_1521, %add3A_1523 : vector<16xf32>
        %add3A_1525 = arith.addf %max3A_1481, %add3A_1524 : vector<16xf32>
        %eq3A_1526 = arith.constant 1 : i32
        %eq3A_1527 = vector.broadcast %eq3A_1526 : i32 to vector<16xi32>
        %eq3A_1528 = arith.cmpi eq, %iota3A, %eq3A_1527 : vector<16xi32>
        %select_n3A_1529 = arith.select %eq3A_1528, %add3A_1525, %select_n3A_1468 : vector<16xi1>, vector<16xf32>
        %mul3A_1530 = arith.constant 16 : i32
        %mul3A_1531 = arith.muli %sub3A_616, %mul3A_1530 : i32
        %add3A_1532 = arith.constant 0 : i32
        %add3A_1533 = arith.addi %mul3A_1531, %add3A_1532 : i32
        %broadcast_in_dim3A_1534 = vector.broadcast %add3A_1533 : i32 to vector<16xi32>
        %gather3A_1535 = tpu.vector_load_idx %arg17[%broadcast_in_dim3A_1534] : memref<4096xf32, #tpu.memory_space<vmem>>[vector<16xi32>], vector<16xf32>,
        %add3A_1536 = arith.addf %gather3A_1535, %add3A_1525 : vector<16xf32>
        %gather3A_1537 = tpu.vector_load_idx %arg18[%broadcast_in_dim3A_1534] : memref<4096xf32, #tpu.memory_space<vmem>>[vector<16xi32>], vector<16xf32>,
        %add3A_1538 = arith.addf %gather3A_1537, %add3A_1464 : vector<16xf32>
        %gather3A_1539 = tpu.vector_load_idx %arg19[%broadcast_in_dim3A_1534] : memref<4096xf32, #tpu.memory_space<vmem>>[vector<16xi32>], vector<16xf32>,
        %add3A_1540 = arith.addf %gather3A_1539, %add3A_1403 : vector<16xf32>
        %max3A_1541 = arith.maximumf %add3A_1538, %add3A_1540 : vector<16xf32>
        %max3A_1542 = arith.maximumf %add3A_1536, %max3A_1541 : vector<16xf32>
        %sub3A_1543 = arith.subf %add3A_1536, %max3A_1542 : vector<16xf32>
        %exp3A_1544 = math.exp %sub3A_1543 : vector<16xf32>
        %sub3A_1545 = arith.subf %add3A_1538, %max3A_1542 : vector<16xf32>
        %max3A_1546 = arith.constant -8.700000e+01 : f32
        %max3A_1547 = vector.broadcast %max3A_1546 : f32 to vector<16xf32>
        %max3A_1548 = arith.maximumf %sub3A_1545, %max3A_1547 : vector<16xf32>
        %exp3A_1549 = math.exp %max3A_1548 : vector<16xf32>
        %sub3A_1550 = arith.subf %add3A_1540, %max3A_1542 : vector<16xf32>
        %max3A_1551 = arith.constant -8.700000e+01 : f32
        %max3A_1552 = vector.broadcast %max3A_1551 : f32 to vector<16xf32>
        %max3A_1553 = arith.maximumf %sub3A_1550, %max3A_1552 : vector<16xf32>
        %exp3A_1554 = math.exp %max3A_1553 : vector<16xf32>
        %add3A_1555 = arith.addf %exp3A_1544, %exp3A_1549 : vector<16xf32>
        %add3A_1556 = arith.addf %add3A_1555, %exp3A_1554 : vector<16xf32>
        %bitcast3A_1557 = vector.bitcast %add3A_1556 : vector<16xf32> to vector<16xi32>
        %add3A_1558 = arith.constant -1048576000 : i32
        %add3A_1559 = vector.broadcast %add3A_1558 : i32 to vector<16xi32>
        %add3A_1560 = arith.addi %bitcast3A_1557, %add3A_1559 : vector<16xi32>
        %shift_right_logical3A_1561 = arith.constant 16 : i32
        %shift_right_logical3A_1562 = vector.broadcast %shift_right_logical3A_1561 : i32 to vector<16xi32>
        %shift_right_logical3A_1563 = arith.shrui %add3A_1560, %shift_right_logical3A_1562 : vector<16xi32>
        %and3A_1564 = arith.constant -65536 : i32
        %and3A_1565 = vector.broadcast %and3A_1564 : i32 to vector<16xi32>
        %and3A_1566 = arith.andi %bitcast3A_1557, %and3A_1565 : vector<16xi32>
        %or3A_1567 = arith.constant 32768 : i32
        %or3A_1568 = vector.broadcast %or3A_1567 : i32 to vector<16xi32>
        %or3A_1569 = arith.ori %and3A_1566, %or3A_1568 : vector<16xi32>
        %bitcast3A_1570 = vector.bitcast %or3A_1569 : vector<16xi32> to vector<16xf32>
        %gather3A_1571 = tpu.vector_load_idx %arg25[%shift_right_logical3A_1563] : memref<1024xf32, #tpu.memory_space<vmem>>[vector<16xi32>], vector<16xf32>,
        %add3A_1572 = arith.constant 256 : i32
        %add3A_1573 = vector.broadcast %add3A_1572 : i32 to vector<16xi32>
        %add3A_1574 = arith.addi %shift_right_logical3A_1563, %add3A_1573 : vector<16xi32>
        %gather3A_1575 = tpu.vector_load_idx %arg25[%add3A_1574] : memref<1024xf32, #tpu.memory_space<vmem>>[vector<16xi32>], vector<16xf32>,
        %add3A_1576 = arith.constant 512 : i32
        %add3A_1577 = vector.broadcast %add3A_1576 : i32 to vector<16xi32>
        %add3A_1578 = arith.addi %shift_right_logical3A_1563, %add3A_1577 : vector<16xi32>
        %gather3A_1579 = tpu.vector_load_idx %arg25[%add3A_1578] : memref<1024xf32, #tpu.memory_space<vmem>>[vector<16xi32>], vector<16xf32>,
        %sub3A_1580 = arith.subf %add3A_1556, %bitcast3A_1570 : vector<16xf32>
        %mul3A_1581 = arith.mulf %gather3A_1579, %sub3A_1580 : vector<16xf32>
        %mul3A_1582 = arith.mulf %mul3A_1581, %sub3A_1580 : vector<16xf32>
        %mul3A_1583 = arith.mulf %gather3A_1575, %sub3A_1580 : vector<16xf32>
        %add3A_1584 = arith.addf %mul3A_1583, %gather3A_1571 : vector<16xf32>
        %add3A_1585 = arith.addf %mul3A_1582, %add3A_1584 : vector<16xf32>
        %add3A_1586 = arith.addf %max3A_1542, %add3A_1585 : vector<16xf32>
        %eq3A_1587 = arith.constant 0 : i32
        %eq3A_1588 = vector.broadcast %eq3A_1587 : i32 to vector<16xi32>
        %eq3A_1589 = arith.cmpi eq, %iota3A, %eq3A_1588 : vector<16xi32>
        %select_n3A_1590 = arith.select %eq3A_1589, %add3A_1586, %select_n3A_1529 : vector<16xi1>, vector<16xf32>
        %mul3A_1591 = arith.constant 16 : i32
        %mul3A_1592 = arith.muli %sub3A_616, %mul3A_1591 : i32
        %broadcast_in_dim3A_1593 = vector.broadcast %mul3A_1592 : i32 to vector<16xi32>
        %add3A_1594 = arith.addi %broadcast_in_dim3A_1593, %iota3A : vector<16xi32>
        tpu.vector_store_idx %arg20[%add3A_1594], %select_n3A_1590 : memref<4224xf32, #tpu.memory_space<vmem>>[vector<16xi32>], vector<16xf32>,
        scf.yield %add3A_1586, %add3A_1525, %add3A_1464 : vector<16xf32>, vector<16xf32>, vector<16xf32>
      }
      %scan3A_600 = arith.constant 256 : i32
      %eq3A_601 = arith.constant 0 : i32
      %eq3A_602 = vector.broadcast %eq3A_601 : i32 to vector<16xi32>
      %eq3A_603 = arith.cmpi eq, %iota3A, %eq3A_602 : vector<16xi32>
      %jit3A_604 = arith.constant 0.000000e+00 : f32
      %jit3A_605 = arith.constant 0xFF800000 : f32
      %broadcast_in_dim3A_606 = vector.broadcast %jit3A_604 : f32 to vector<16xf32>
      %broadcast_in_dim3A_607 = vector.broadcast %jit3A_605 : f32 to vector<16xf32>
      %select_n3A_608 = arith.select %eq3A_603, %broadcast_in_dim3A_606, %broadcast_in_dim3A_607 : vector<16xi1>, vector<16xf32>
      %swap3A_609 = arith.constant 4096 : index
      %swap3A_610 = tpu.vector_load %arg20[%swap3A_609] {strides = array<i32>} : memref<4224xf32, #tpu.memory_space<vmem>>, vector<16xf32>,
      tpu.vector_store %arg20[%swap3A_609], %select_n3A_608 {strides = array<i32>} : memref<4224xf32, #tpu.memory_space<vmem>>, vector<16xf32>,
      "tpu.region"() ({
        %run_scoped3A = tpu.sem_alloc : memref<!tpu.dma_semaphore, #tpu.memory_space<semaphore_mem>>
        tpu.enqueue_dma source(%arg20 : memref<4224xf32, #tpu.memory_space<vmem>>) target(%arg27 : memref<4224xf32, #tpu.memory_space<vmem_shared>>) target_semaphore(%run_scoped3A : memref<!tpu.dma_semaphore, #tpu.memory_space<semaphore_mem>>)
        tpu.wait_dma2 semaphore(%run_scoped3A : memref<!tpu.dma_semaphore, #tpu.memory_space<semaphore_mem>>) src(%arg20 : memref<4224xf32, #tpu.memory_space<vmem>>) dst(%arg27 : memref<4224xf32, #tpu.memory_space<vmem_shared>>)
        tpu.yield
      }) : () -> ()
    } else {
    }
    %barrier3A = arith.constant 0 : index
    tpu.barrier barrier_id(%barrier3A)
    %mul3A_237 = arith.constant 2048 : i32
    %mul3A_238 = arith.muli %arg0, %mul3A_237 : i32
    %mul3A_239 = arith.constant 128 : i32
    %mul3A_240 = arith.muli %arg1, %mul3A_239 : i32
    %add3A_241 = arith.addi %mul3A_238, %mul3A_240 : i32
    %sub3A_242 = arith.constant 8 : i32
    %sub3A_243 = arith.subi %add3A_241, %sub3A_242 : i32
    %max3A = arith.constant 0 : i32
    %max3A_244 = arith.maxsi %sub3A_243, %max3A : i32
    %multiple_of3A = tpu.assume_multiple %max3A_244, 8 : i32
    %multiple_of3A_245 = tpu.assume_multiple %add3A_241, 128 : i32
    "tpu.region"() ({
      %run_scoped3A = tpu.sem_alloc : memref<!tpu.dma_semaphore, #tpu.memory_space<semaphore_mem>>
      %dma_start3A = arith.constant 0 : i32
      %dma_start3A_587 = tpu.memref_slice %arg21[%dma_start3A] : memref<256xf32, #tpu.memory_space<vmem>> -> memref<160xf32, #tpu.memory_space<vmem>>
      %dma_start3A_588 = tpu.memref_slice %arg26[%multiple_of3A] : memref<4224xf32, #tpu.memory_space<vmem_shared>> -> memref<160xf32, #tpu.memory_space<vmem_shared>>
      %dma_start3A_589 = arith.constant 0 : i32
      %dma_start3A_590 = tpu.memref_slice %arg21[%dma_start3A_589] : memref<256xf32, #tpu.memory_space<vmem>> -> memref<160xf32, #tpu.memory_space<vmem>>
      %dma_start3A_591 = tpu.memref_slice %arg26[%multiple_of3A] : memref<4224xf32, #tpu.memory_space<vmem_shared>> -> memref<160xf32, #tpu.memory_space<vmem_shared>>
      tpu.enqueue_dma source(%dma_start3A_591 : memref<160xf32, #tpu.memory_space<vmem_shared>>) target(%dma_start3A_590 : memref<160xf32, #tpu.memory_space<vmem>>) target_semaphore(%run_scoped3A : memref<!tpu.dma_semaphore, #tpu.memory_space<semaphore_mem>>)
      %dma_wait3A = arith.constant 0 : i32
      %dma_wait3A_592 = tpu.memref_slice %arg21[%dma_wait3A] : memref<256xf32, #tpu.memory_space<vmem>> -> memref<160xf32, #tpu.memory_space<vmem>>
      %dma_wait3A_593 = tpu.memref_slice %arg26[%multiple_of3A] : memref<4224xf32, #tpu.memory_space<vmem_shared>> -> memref<160xf32, #tpu.memory_space<vmem_shared>>
      %dma_wait3A_594 = arith.constant 0 : i32
      %dma_wait3A_595 = tpu.memref_slice %arg21[%dma_wait3A_594] : memref<256xf32, #tpu.memory_space<vmem>> -> memref<160xf32, #tpu.memory_space<vmem>>
      %dma_wait3A_596 = tpu.memref_slice %arg26[%multiple_of3A] : memref<4224xf32, #tpu.memory_space<vmem_shared>> -> memref<160xf32, #tpu.memory_space<vmem_shared>>
      tpu.wait_dma2 semaphore(%run_scoped3A : memref<!tpu.dma_semaphore, #tpu.memory_space<semaphore_mem>>) src(%dma_wait3A_596 : memref<160xf32, #tpu.memory_space<vmem_shared>>) dst(%dma_wait3A_595 : memref<160xf32, #tpu.memory_space<vmem>>)
      tpu.yield
    }) : () -> ()
    "tpu.region"() ({
      %run_scoped3A = tpu.sem_alloc : memref<!tpu.dma_semaphore, #tpu.memory_space<semaphore_mem>>
      %dma_start3A = arith.constant 0 : i32
      %dma_start3A_587 = tpu.memref_slice %arg22[%dma_start3A] : memref<256xf32, #tpu.memory_space<vmem>> -> memref<160xf32, #tpu.memory_space<vmem>>
      %dma_start3A_588 = tpu.memref_slice %arg27[%multiple_of3A_245] : memref<4224xf32, #tpu.memory_space<vmem_shared>> -> memref<160xf32, #tpu.memory_space<vmem_shared>>
      %dma_start3A_589 = arith.constant 0 : i32
      %dma_start3A_590 = tpu.memref_slice %arg22[%dma_start3A_589] : memref<256xf32, #tpu.memory_space<vmem>> -> memref<160xf32, #tpu.memory_space<vmem>>
      %dma_start3A_591 = tpu.memref_slice %arg27[%multiple_of3A_245] : memref<4224xf32, #tpu.memory_space<vmem_shared>> -> memref<160xf32, #tpu.memory_space<vmem_shared>>
      tpu.enqueue_dma source(%dma_start3A_591 : memref<160xf32, #tpu.memory_space<vmem_shared>>) target(%dma_start3A_590 : memref<160xf32, #tpu.memory_space<vmem>>) target_semaphore(%run_scoped3A : memref<!tpu.dma_semaphore, #tpu.memory_space<semaphore_mem>>)
      %dma_wait3A = arith.constant 0 : i32
      %dma_wait3A_592 = tpu.memref_slice %arg22[%dma_wait3A] : memref<256xf32, #tpu.memory_space<vmem>> -> memref<160xf32, #tpu.memory_space<vmem>>
      %dma_wait3A_593 = tpu.memref_slice %arg27[%multiple_of3A_245] : memref<4224xf32, #tpu.memory_space<vmem_shared>> -> memref<160xf32, #tpu.memory_space<vmem_shared>>
      %dma_wait3A_594 = arith.constant 0 : i32
      %dma_wait3A_595 = tpu.memref_slice %arg22[%dma_wait3A_594] : memref<256xf32, #tpu.memory_space<vmem>> -> memref<160xf32, #tpu.memory_space<vmem>>
      %dma_wait3A_596 = tpu.memref_slice %arg27[%multiple_of3A_245] : memref<4224xf32, #tpu.memory_space<vmem_shared>> -> memref<160xf32, #tpu.memory_space<vmem_shared>>
      tpu.wait_dma2 semaphore(%run_scoped3A : memref<!tpu.dma_semaphore, #tpu.memory_space<semaphore_mem>>) src(%dma_wait3A_596 : memref<160xf32, #tpu.memory_space<vmem_shared>>) dst(%dma_wait3A_595 : memref<160xf32, #tpu.memory_space<vmem>>)
      tpu.yield
    }) : () -> ()
    "tpu.region"() ({
      %run_scoped3A = tpu.sem_alloc : memref<!tpu.dma_semaphore, #tpu.memory_space<semaphore_mem>>
      %dma_start3A = arith.constant 0 : i32
      %dma_start3A_587 = tpu.memref_slice %arg23[%dma_start3A] : memref<128xf32, #tpu.memory_space<vmem>> -> memref<16xf32, #tpu.memory_space<vmem>>
      %dma_start3A_588 = arith.constant 4080 : i32
      %dma_start3A_589 = tpu.memref_slice %arg26[%dma_start3A_588] : memref<4224xf32, #tpu.memory_space<vmem_shared>> -> memref<16xf32, #tpu.memory_space<vmem_shared>>
      %dma_start3A_590 = arith.constant 0 : i32
      %dma_start3A_591 = tpu.memref_slice %arg23[%dma_start3A_590] : memref<128xf32, #tpu.memory_space<vmem>> -> memref<16xf32, #tpu.memory_space<vmem>>
      %dma_start3A_592 = arith.constant 4080 : i32
      %dma_start3A_593 = tpu.memref_slice %arg26[%dma_start3A_592] : memref<4224xf32, #tpu.memory_space<vmem_shared>> -> memref<16xf32, #tpu.memory_space<vmem_shared>>
      tpu.enqueue_dma source(%dma_start3A_593 : memref<16xf32, #tpu.memory_space<vmem_shared>>) target(%dma_start3A_591 : memref<16xf32, #tpu.memory_space<vmem>>) target_semaphore(%run_scoped3A : memref<!tpu.dma_semaphore, #tpu.memory_space<semaphore_mem>>)
      %dma_wait3A = arith.constant 0 : i32
      %dma_wait3A_594 = tpu.memref_slice %arg23[%dma_wait3A] : memref<128xf32, #tpu.memory_space<vmem>> -> memref<16xf32, #tpu.memory_space<vmem>>
      %dma_wait3A_595 = arith.constant 4080 : i32
      %dma_wait3A_596 = tpu.memref_slice %arg26[%dma_wait3A_595] : memref<4224xf32, #tpu.memory_space<vmem_shared>> -> memref<16xf32, #tpu.memory_space<vmem_shared>>
      %dma_wait3A_597 = arith.constant 0 : i32
      %dma_wait3A_598 = tpu.memref_slice %arg23[%dma_wait3A_597] : memref<128xf32, #tpu.memory_space<vmem>> -> memref<16xf32, #tpu.memory_space<vmem>>
      %dma_wait3A_599 = arith.constant 4080 : i32
      %dma_wait3A_600 = tpu.memref_slice %arg26[%dma_wait3A_599] : memref<4224xf32, #tpu.memory_space<vmem_shared>> -> memref<16xf32, #tpu.memory_space<vmem_shared>>
      tpu.wait_dma2 semaphore(%run_scoped3A : memref<!tpu.dma_semaphore, #tpu.memory_space<semaphore_mem>>) src(%dma_wait3A_600 : memref<16xf32, #tpu.memory_space<vmem_shared>>) dst(%dma_wait3A_598 : memref<16xf32, #tpu.memory_space<vmem>>)
      tpu.yield
    }) : () -> ()
    %broadcast_in_dim3A_246 = arith.constant 15 : i32
    %broadcast_in_dim3A_247 = vector.broadcast %broadcast_in_dim3A_246 : i32 to vector<16xi32>
    %gather3A_248 = tpu.vector_load_idx %arg23[%broadcast_in_dim3A_247] : memref<128xf32, #tpu.memory_space<vmem>>[vector<16xi32>], vector<16xf32>,
    %add3A_249 = arith.constant 0 : i32
    %add3A_250 = arith.addi %add3A_241, %add3A_249 : i32
    %broadcast_in_dim3A_251 = vector.broadcast %add3A_250 : i32 to vector<16xi32>
    %add3A_252 = arith.addi %broadcast_in_dim3A_251, %iota3A : vector<16xi32>
    %gather3A_253 = tpu.vector_load_idx %arg8[%add3A_252] : memref<4224xi32, #tpu.memory_space<vmem>>[vector<16xi32>], vector<16xi32>,
    %add3A_254 = arith.constant 1 : i32
    %add3A_255 = vector.broadcast %add3A_254 : i32 to vector<16xi32>
    %add3A_256 = arith.addi %add3A_252, %add3A_255 : vector<16xi32>
    %gather3A_257 = tpu.vector_load_idx %arg8[%add3A_256] : memref<4224xi32, #tpu.memory_space<vmem>>[vector<16xi32>], vector<16xi32>,
    %add3A_258 = arith.constant 2 : i32
    %add3A_259 = vector.broadcast %add3A_258 : i32 to vector<16xi32>
    %add3A_260 = arith.addi %add3A_252, %add3A_259 : vector<16xi32>
    %gather3A_261 = tpu.vector_load_idx %arg8[%add3A_260] : memref<4224xi32, #tpu.memory_space<vmem>>[vector<16xi32>], vector<16xi32>,
    %mul3A_262 = arith.constant 8 : i32
    %mul3A_263 = vector.broadcast %mul3A_262 : i32 to vector<16xi32>
    %mul3A_264 = arith.muli %mul3A_263, %gather3A_257 : vector<16xi32>
    %add3A_265 = arith.addi %gather3A_253, %mul3A_264 : vector<16xi32>
    %mul3A_266 = arith.constant 64 : i32
    %mul3A_267 = vector.broadcast %mul3A_266 : i32 to vector<16xi32>
    %mul3A_268 = arith.muli %mul3A_267, %gather3A_261 : vector<16xi32>
    %add3A_269 = arith.addi %add3A_265, %mul3A_268 : vector<16xi32>
    %sub3A_270 = arith.constant 1 : i32
    %sub3A_271 = vector.broadcast %sub3A_270 : i32 to vector<16xi32>
    %sub3A_272 = arith.subi %add3A_252, %sub3A_271 : vector<16xi32>
    %sub3A_273 = vector.broadcast %multiple_of3A : i32 to vector<16xi32>
    %sub3A_274 = arith.subi %sub3A_272, %sub3A_273 : vector<16xi32>
    %max3A_275 = arith.constant 0 : i32
    %max3A_276 = vector.broadcast %max3A_275 : i32 to vector<16xi32>
    %max3A_277 = arith.maxsi %sub3A_274, %max3A_276 : vector<16xi32>
    %gather3A_278 = tpu.vector_load_idx %arg21[%max3A_277] : memref<256xf32, #tpu.memory_space<vmem>>[vector<16xi32>], vector<16xf32>,
    %eq3A_279 = arith.constant 0 : i32
    %eq3A_280 = vector.broadcast %eq3A_279 : i32 to vector<16xi32>
    %eq3A_281 = arith.cmpi eq, %add3A_252, %eq3A_280 : vector<16xi32>
    %jit3A_282 = arith.constant 0.000000e+00 : f32
    %broadcast_in_dim3A_283 = vector.broadcast %jit3A_282 : f32 to vector<16xf32>
    %select_n3A_284 = arith.select %eq3A_281, %broadcast_in_dim3A_283, %gather3A_278 : vector<16xi1>, vector<16xf32>
    %scan3A = arith.constant 0 : i32
    %scan3A_285 = arith.constant 0 : i32
    %scan3A_286 = arith.constant 32 : i32
    %scan3A_287 = arith.addi %scan3A_285, %scan3A_286 : i32
    %scan3A_288 = arith.constant 1 : i32
    scf.for %scan3A_587 = %scan3A_285 to %scan3A_287 step %scan3A_288  : i32 {
      %broadcast_in_dim3A_588 = vector.broadcast %scan3A_587 : i32 to vector<16xi32>
      %gather3A_589 = tpu.vector_load_idx %arg12[%broadcast_in_dim3A_588] : memref<128xi32, #tpu.memory_space<vmem>>[vector<16xi32>], vector<16xi32>,
      %gather3A_590 = tpu.vector_load_idx %arg13[%broadcast_in_dim3A_588] : memref<128xi32, #tpu.memory_space<vmem>>[vector<16xi32>], vector<16xi32>,
      %gather3A_591 = tpu.vector_load_idx %arg14[%broadcast_in_dim3A_588] : memref<128xi32, #tpu.memory_space<vmem>>[vector<16xi32>], vector<16xi32>,
      %gather3A_592 = tpu.vector_load_idx %arg15[%broadcast_in_dim3A_588] : memref<128xf32, #tpu.memory_space<vmem>>[vector<16xi32>], vector<16xf32>,
      %and3A_593 = arith.andi %add3A_269, %gather3A_590 : vector<16xi32>
      %eq3A_594 = arith.cmpi eq, %and3A_593, %gather3A_589 : vector<16xi32>
      %sub3A_595 = arith.constant 4096 : i32
      %sub3A_596 = vector.broadcast %sub3A_595 : i32 to vector<16xi32>
      %sub3A_597 = arith.subi %sub3A_596, %gather3A_591 : vector<16xi32>
      %le3A = arith.cmpi sle, %add3A_252, %sub3A_597 : vector<16xi32>
      %and3A_598 = arith.andi %eq3A_594, %le3A : vector<16xi1>
      %add3A_599 = arith.addi %add3A_252, %gather3A_591 : vector<16xi32>
      %sub3A_600 = vector.broadcast %add3A_241 : i32 to vector<16xi32>
      %sub3A_601 = arith.subi %add3A_599, %sub3A_600 : vector<16xi32>
      %gather3A_602 = tpu.vector_load_idx %arg22[%sub3A_601] : memref<256xf32, #tpu.memory_space<vmem>>[vector<16xi32>], vector<16xf32>,
      %add3A_603 = arith.addf %select_n3A_284, %gather3A_592 : vector<16xf32>
      %add3A_604 = arith.addf %add3A_603, %gather3A_602 : vector<16xf32>
      %sub3A_605 = arith.subf %add3A_604, %gather3A_248 : vector<16xf32>
      %max3A_606 = arith.constant -8.700000e+01 : f32
      %max3A_607 = vector.broadcast %max3A_606 : f32 to vector<16xf32>
      %max3A_608 = arith.maximumf %sub3A_605, %max3A_607 : vector<16xf32>
      %exp3A = math.exp %max3A_608 : vector<16xf32>
      %jit3A_609 = arith.constant 0.000000e+00 : f32
      %broadcast_in_dim3A_610 = vector.broadcast %jit3A_609 : f32 to vector<16xf32>
      %select_n3A_611 = arith.select %and3A_598, %exp3A, %broadcast_in_dim3A_610 : vector<16xi1>, vector<16xf32>
      %broadcast_in_dim3A_612 = arith.constant 0 : i32
      %broadcast_in_dim3A_613 = vector.broadcast %broadcast_in_dim3A_612 : i32 to vector<16xi32>
      %add3A_614 = arith.addi %broadcast_in_dim3A_613, %iota3A : vector<16xi32>
      %mul3A_615 = arith.constant 32 : i32
      %mul3A_616 = vector.broadcast %mul3A_615 : i32 to vector<16xi32>
      %mul3A_617 = arith.muli %add3A_614, %mul3A_616 : vector<16xi32>
      %add3A_618 = arith.addi %mul3A_617, %broadcast_in_dim3A_588 : vector<16xi32>
      tpu.vector_store_idx %arg24[%add3A_618], %select_n3A_611 : memref<4096xf32, #tpu.memory_space<vmem>>[vector<16xi32>], vector<16xf32>,
    }
    %scan3A_289 = arith.constant 32 : i32
    %add3A_290 = arith.constant 16 : i32
    %add3A_291 = arith.addi %add3A_241, %add3A_290 : i32
    %broadcast_in_dim3A_292 = vector.broadcast %add3A_291 : i32 to vector<16xi32>
    %add3A_293 = arith.addi %broadcast_in_dim3A_292, %iota3A : vector<16xi32>
    %gather3A_294 = tpu.vector_load_idx %arg8[%add3A_293] : memref<4224xi32, #tpu.memory_space<vmem>>[vector<16xi32>], vector<16xi32>,
    %add3A_295 = arith.constant 1 : i32
    %add3A_296 = vector.broadcast %add3A_295 : i32 to vector<16xi32>
    %add3A_297 = arith.addi %add3A_293, %add3A_296 : vector<16xi32>
    %gather3A_298 = tpu.vector_load_idx %arg8[%add3A_297] : memref<4224xi32, #tpu.memory_space<vmem>>[vector<16xi32>], vector<16xi32>,
    %add3A_299 = arith.constant 2 : i32
    %add3A_300 = vector.broadcast %add3A_299 : i32 to vector<16xi32>
    %add3A_301 = arith.addi %add3A_293, %add3A_300 : vector<16xi32>
    %gather3A_302 = tpu.vector_load_idx %arg8[%add3A_301] : memref<4224xi32, #tpu.memory_space<vmem>>[vector<16xi32>], vector<16xi32>,
    %mul3A_303 = arith.constant 8 : i32
    %mul3A_304 = vector.broadcast %mul3A_303 : i32 to vector<16xi32>
    %mul3A_305 = arith.muli %mul3A_304, %gather3A_298 : vector<16xi32>
    %add3A_306 = arith.addi %gather3A_294, %mul3A_305 : vector<16xi32>
    %mul3A_307 = arith.constant 64 : i32
    %mul3A_308 = vector.broadcast %mul3A_307 : i32 to vector<16xi32>
    %mul3A_309 = arith.muli %mul3A_308, %gather3A_302 : vector<16xi32>
    %add3A_310 = arith.addi %add3A_306, %mul3A_309 : vector<16xi32>
    %sub3A_311 = arith.constant 1 : i32
    %sub3A_312 = vector.broadcast %sub3A_311 : i32 to vector<16xi32>
    %sub3A_313 = arith.subi %add3A_293, %sub3A_312 : vector<16xi32>
    %sub3A_314 = vector.broadcast %multiple_of3A : i32 to vector<16xi32>
    %sub3A_315 = arith.subi %sub3A_313, %sub3A_314 : vector<16xi32>
    %max3A_316 = arith.constant 0 : i32
    %max3A_317 = vector.broadcast %max3A_316 : i32 to vector<16xi32>
    %max3A_318 = arith.maxsi %sub3A_315, %max3A_317 : vector<16xi32>
    %gather3A_319 = tpu.vector_load_idx %arg21[%max3A_318] : memref<256xf32, #tpu.memory_space<vmem>>[vector<16xi32>], vector<16xf32>,
    %eq3A_320 = arith.constant 0 : i32
    %eq3A_321 = vector.broadcast %eq3A_320 : i32 to vector<16xi32>
    %eq3A_322 = arith.cmpi eq, %add3A_293, %eq3A_321 : vector<16xi32>
    %jit3A_323 = arith.constant 0.000000e+00 : f32
    %broadcast_in_dim3A_324 = vector.broadcast %jit3A_323 : f32 to vector<16xf32>
    %select_n3A_325 = arith.select %eq3A_322, %broadcast_in_dim3A_324, %gather3A_319 : vector<16xi1>, vector<16xf32>
    %scan3A_326 = arith.constant 0 : i32
    %scan3A_327 = arith.constant 0 : i32
    %scan3A_328 = arith.constant 32 : i32
    %scan3A_329 = arith.addi %scan3A_327, %scan3A_328 : i32
    %scan3A_330 = arith.constant 1 : i32
    scf.for %scan3A_587 = %scan3A_327 to %scan3A_329 step %scan3A_330  : i32 {
      %broadcast_in_dim3A_588 = vector.broadcast %scan3A_587 : i32 to vector<16xi32>
      %gather3A_589 = tpu.vector_load_idx %arg12[%broadcast_in_dim3A_588] : memref<128xi32, #tpu.memory_space<vmem>>[vector<16xi32>], vector<16xi32>,
      %gather3A_590 = tpu.vector_load_idx %arg13[%broadcast_in_dim3A_588] : memref<128xi32, #tpu.memory_space<vmem>>[vector<16xi32>], vector<16xi32>,
      %gather3A_591 = tpu.vector_load_idx %arg14[%broadcast_in_dim3A_588] : memref<128xi32, #tpu.memory_space<vmem>>[vector<16xi32>], vector<16xi32>,
      %gather3A_592 = tpu.vector_load_idx %arg15[%broadcast_in_dim3A_588] : memref<128xf32, #tpu.memory_space<vmem>>[vector<16xi32>], vector<16xf32>,
      %and3A_593 = arith.andi %add3A_310, %gather3A_590 : vector<16xi32>
      %eq3A_594 = arith.cmpi eq, %and3A_593, %gather3A_589 : vector<16xi32>
      %sub3A_595 = arith.constant 4096 : i32
      %sub3A_596 = vector.broadcast %sub3A_595 : i32 to vector<16xi32>
      %sub3A_597 = arith.subi %sub3A_596, %gather3A_591 : vector<16xi32>
      %le3A = arith.cmpi sle, %add3A_293, %sub3A_597 : vector<16xi32>
      %and3A_598 = arith.andi %eq3A_594, %le3A : vector<16xi1>
      %add3A_599 = arith.addi %add3A_293, %gather3A_591 : vector<16xi32>
      %sub3A_600 = vector.broadcast %add3A_241 : i32 to vector<16xi32>
      %sub3A_601 = arith.subi %add3A_599, %sub3A_600 : vector<16xi32>
      %gather3A_602 = tpu.vector_load_idx %arg22[%sub3A_601] : memref<256xf32, #tpu.memory_space<vmem>>[vector<16xi32>], vector<16xf32>,
      %add3A_603 = arith.addf %select_n3A_325, %gather3A_592 : vector<16xf32>
      %add3A_604 = arith.addf %add3A_603, %gather3A_602 : vector<16xf32>
      %sub3A_605 = arith.subf %add3A_604, %gather3A_248 : vector<16xf32>
      %max3A_606 = arith.constant -8.700000e+01 : f32
      %max3A_607 = vector.broadcast %max3A_606 : f32 to vector<16xf32>
      %max3A_608 = arith.maximumf %sub3A_605, %max3A_607 : vector<16xf32>
      %exp3A = math.exp %max3A_608 : vector<16xf32>
      %jit3A_609 = arith.constant 0.000000e+00 : f32
      %broadcast_in_dim3A_610 = vector.broadcast %jit3A_609 : f32 to vector<16xf32>
      %select_n3A_611 = arith.select %and3A_598, %exp3A, %broadcast_in_dim3A_610 : vector<16xi1>, vector<16xf32>
      %broadcast_in_dim3A_612 = arith.constant 16 : i32
      %broadcast_in_dim3A_613 = vector.broadcast %broadcast_in_dim3A_612 : i32 to vector<16xi32>
      %add3A_614 = arith.addi %broadcast_in_dim3A_613, %iota3A : vector<16xi32>
      %mul3A_615 = arith.constant 32 : i32
      %mul3A_616 = vector.broadcast %mul3A_615 : i32 to vector<16xi32>
      %mul3A_617 = arith.muli %add3A_614, %mul3A_616 : vector<16xi32>
      %add3A_618 = arith.addi %mul3A_617, %broadcast_in_dim3A_588 : vector<16xi32>
      tpu.vector_store_idx %arg24[%add3A_618], %select_n3A_611 : memref<4096xf32, #tpu.memory_space<vmem>>[vector<16xi32>], vector<16xf32>,
    }
    %scan3A_331 = arith.constant 32 : i32
    %add3A_332 = arith.constant 32 : i32
    %add3A_333 = arith.addi %add3A_241, %add3A_332 : i32
    %broadcast_in_dim3A_334 = vector.broadcast %add3A_333 : i32 to vector<16xi32>
    %add3A_335 = arith.addi %broadcast_in_dim3A_334, %iota3A : vector<16xi32>
    %gather3A_336 = tpu.vector_load_idx %arg8[%add3A_335] : memref<4224xi32, #tpu.memory_space<vmem>>[vector<16xi32>], vector<16xi32>,
    %add3A_337 = arith.constant 1 : i32
    %add3A_338 = vector.broadcast %add3A_337 : i32 to vector<16xi32>
    %add3A_339 = arith.addi %add3A_335, %add3A_338 : vector<16xi32>
    %gather3A_340 = tpu.vector_load_idx %arg8[%add3A_339] : memref<4224xi32, #tpu.memory_space<vmem>>[vector<16xi32>], vector<16xi32>,
    %add3A_341 = arith.constant 2 : i32
    %add3A_342 = vector.broadcast %add3A_341 : i32 to vector<16xi32>
    %add3A_343 = arith.addi %add3A_335, %add3A_342 : vector<16xi32>
    %gather3A_344 = tpu.vector_load_idx %arg8[%add3A_343] : memref<4224xi32, #tpu.memory_space<vmem>>[vector<16xi32>], vector<16xi32>,
    %mul3A_345 = arith.constant 8 : i32
    %mul3A_346 = vector.broadcast %mul3A_345 : i32 to vector<16xi32>
    %mul3A_347 = arith.muli %mul3A_346, %gather3A_340 : vector<16xi32>
    %add3A_348 = arith.addi %gather3A_336, %mul3A_347 : vector<16xi32>
    %mul3A_349 = arith.constant 64 : i32
    %mul3A_350 = vector.broadcast %mul3A_349 : i32 to vector<16xi32>
    %mul3A_351 = arith.muli %mul3A_350, %gather3A_344 : vector<16xi32>
    %add3A_352 = arith.addi %add3A_348, %mul3A_351 : vector<16xi32>
    %sub3A_353 = arith.constant 1 : i32
    %sub3A_354 = vector.broadcast %sub3A_353 : i32 to vector<16xi32>
    %sub3A_355 = arith.subi %add3A_335, %sub3A_354 : vector<16xi32>
    %sub3A_356 = vector.broadcast %multiple_of3A : i32 to vector<16xi32>
    %sub3A_357 = arith.subi %sub3A_355, %sub3A_356 : vector<16xi32>
    %max3A_358 = arith.constant 0 : i32
    %max3A_359 = vector.broadcast %max3A_358 : i32 to vector<16xi32>
    %max3A_360 = arith.maxsi %sub3A_357, %max3A_359 : vector<16xi32>
    %gather3A_361 = tpu.vector_load_idx %arg21[%max3A_360] : memref<256xf32, #tpu.memory_space<vmem>>[vector<16xi32>], vector<16xf32>,
    %eq3A_362 = arith.constant 0 : i32
    %eq3A_363 = vector.broadcast %eq3A_362 : i32 to vector<16xi32>
    %eq3A_364 = arith.cmpi eq, %add3A_335, %eq3A_363 : vector<16xi32>
    %jit3A_365 = arith.constant 0.000000e+00 : f32
    %broadcast_in_dim3A_366 = vector.broadcast %jit3A_365 : f32 to vector<16xf32>
    %select_n3A_367 = arith.select %eq3A_364, %broadcast_in_dim3A_366, %gather3A_361 : vector<16xi1>, vector<16xf32>
    %scan3A_368 = arith.constant 0 : i32
    %scan3A_369 = arith.constant 0 : i32
    %scan3A_370 = arith.constant 32 : i32
    %scan3A_371 = arith.addi %scan3A_369, %scan3A_370 : i32
    %scan3A_372 = arith.constant 1 : i32
    scf.for %scan3A_587 = %scan3A_369 to %scan3A_371 step %scan3A_372  : i32 {
      %broadcast_in_dim3A_588 = vector.broadcast %scan3A_587 : i32 to vector<16xi32>
      %gather3A_589 = tpu.vector_load_idx %arg12[%broadcast_in_dim3A_588] : memref<128xi32, #tpu.memory_space<vmem>>[vector<16xi32>], vector<16xi32>,
      %gather3A_590 = tpu.vector_load_idx %arg13[%broadcast_in_dim3A_588] : memref<128xi32, #tpu.memory_space<vmem>>[vector<16xi32>], vector<16xi32>,
      %gather3A_591 = tpu.vector_load_idx %arg14[%broadcast_in_dim3A_588] : memref<128xi32, #tpu.memory_space<vmem>>[vector<16xi32>], vector<16xi32>,
      %gather3A_592 = tpu.vector_load_idx %arg15[%broadcast_in_dim3A_588] : memref<128xf32, #tpu.memory_space<vmem>>[vector<16xi32>], vector<16xf32>,
      %and3A_593 = arith.andi %add3A_352, %gather3A_590 : vector<16xi32>
      %eq3A_594 = arith.cmpi eq, %and3A_593, %gather3A_589 : vector<16xi32>
      %sub3A_595 = arith.constant 4096 : i32
      %sub3A_596 = vector.broadcast %sub3A_595 : i32 to vector<16xi32>
      %sub3A_597 = arith.subi %sub3A_596, %gather3A_591 : vector<16xi32>
      %le3A = arith.cmpi sle, %add3A_335, %sub3A_597 : vector<16xi32>
      %and3A_598 = arith.andi %eq3A_594, %le3A : vector<16xi1>
      %add3A_599 = arith.addi %add3A_335, %gather3A_591 : vector<16xi32>
      %sub3A_600 = vector.broadcast %add3A_241 : i32 to vector<16xi32>
      %sub3A_601 = arith.subi %add3A_599, %sub3A_600 : vector<16xi32>
      %gather3A_602 = tpu.vector_load_idx %arg22[%sub3A_601] : memref<256xf32, #tpu.memory_space<vmem>>[vector<16xi32>], vector<16xf32>,
      %add3A_603 = arith.addf %select_n3A_367, %gather3A_592 : vector<16xf32>
      %add3A_604 = arith.addf %add3A_603, %gather3A_602 : vector<16xf32>
      %sub3A_605 = arith.subf %add3A_604, %gather3A_248 : vector<16xf32>
      %max3A_606 = arith.constant -8.700000e+01 : f32
      %max3A_607 = vector.broadcast %max3A_606 : f32 to vector<16xf32>
      %max3A_608 = arith.maximumf %sub3A_605, %max3A_607 : vector<16xf32>
      %exp3A = math.exp %max3A_608 : vector<16xf32>
      %jit3A_609 = arith.constant 0.000000e+00 : f32
      %broadcast_in_dim3A_610 = vector.broadcast %jit3A_609 : f32 to vector<16xf32>
      %select_n3A_611 = arith.select %and3A_598, %exp3A, %broadcast_in_dim3A_610 : vector<16xi1>, vector<16xf32>
      %broadcast_in_dim3A_612 = arith.constant 32 : i32
      %broadcast_in_dim3A_613 = vector.broadcast %broadcast_in_dim3A_612 : i32 to vector<16xi32>
      %add3A_614 = arith.addi %broadcast_in_dim3A_613, %iota3A : vector<16xi32>
      %mul3A_615 = arith.constant 32 : i32
      %mul3A_616 = vector.broadcast %mul3A_615 : i32 to vector<16xi32>
      %mul3A_617 = arith.muli %add3A_614, %mul3A_616 : vector<16xi32>
      %add3A_618 = arith.addi %mul3A_617, %broadcast_in_dim3A_588 : vector<16xi32>
      tpu.vector_store_idx %arg24[%add3A_618], %select_n3A_611 : memref<4096xf32, #tpu.memory_space<vmem>>[vector<16xi32>], vector<16xf32>,
    }
    %scan3A_373 = arith.constant 32 : i32
    %add3A_374 = arith.constant 48 : i32
    %add3A_375 = arith.addi %add3A_241, %add3A_374 : i32
    %broadcast_in_dim3A_376 = vector.broadcast %add3A_375 : i32 to vector<16xi32>
    %add3A_377 = arith.addi %broadcast_in_dim3A_376, %iota3A : vector<16xi32>
    %gather3A_378 = tpu.vector_load_idx %arg8[%add3A_377] : memref<4224xi32, #tpu.memory_space<vmem>>[vector<16xi32>], vector<16xi32>,
    %add3A_379 = arith.constant 1 : i32
    %add3A_380 = vector.broadcast %add3A_379 : i32 to vector<16xi32>
    %add3A_381 = arith.addi %add3A_377, %add3A_380 : vector<16xi32>
    %gather3A_382 = tpu.vector_load_idx %arg8[%add3A_381] : memref<4224xi32, #tpu.memory_space<vmem>>[vector<16xi32>], vector<16xi32>,
    %add3A_383 = arith.constant 2 : i32
    %add3A_384 = vector.broadcast %add3A_383 : i32 to vector<16xi32>
    %add3A_385 = arith.addi %add3A_377, %add3A_384 : vector<16xi32>
    %gather3A_386 = tpu.vector_load_idx %arg8[%add3A_385] : memref<4224xi32, #tpu.memory_space<vmem>>[vector<16xi32>], vector<16xi32>,
    %mul3A_387 = arith.constant 8 : i32
    %mul3A_388 = vector.broadcast %mul3A_387 : i32 to vector<16xi32>
    %mul3A_389 = arith.muli %mul3A_388, %gather3A_382 : vector<16xi32>
    %add3A_390 = arith.addi %gather3A_378, %mul3A_389 : vector<16xi32>
    %mul3A_391 = arith.constant 64 : i32
    %mul3A_392 = vector.broadcast %mul3A_391 : i32 to vector<16xi32>
    %mul3A_393 = arith.muli %mul3A_392, %gather3A_386 : vector<16xi32>
    %add3A_394 = arith.addi %add3A_390, %mul3A_393 : vector<16xi32>
    %sub3A_395 = arith.constant 1 : i32
    %sub3A_396 = vector.broadcast %sub3A_395 : i32 to vector<16xi32>
    %sub3A_397 = arith.subi %add3A_377, %sub3A_396 : vector<16xi32>
    %sub3A_398 = vector.broadcast %multiple_of3A : i32 to vector<16xi32>
    %sub3A_399 = arith.subi %sub3A_397, %sub3A_398 : vector<16xi32>
    %max3A_400 = arith.constant 0 : i32
    %max3A_401 = vector.broadcast %max3A_400 : i32 to vector<16xi32>
    %max3A_402 = arith.maxsi %sub3A_399, %max3A_401 : vector<16xi32>
    %gather3A_403 = tpu.vector_load_idx %arg21[%max3A_402] : memref<256xf32, #tpu.memory_space<vmem>>[vector<16xi32>], vector<16xf32>,
    %eq3A_404 = arith.constant 0 : i32
    %eq3A_405 = vector.broadcast %eq3A_404 : i32 to vector<16xi32>
    %eq3A_406 = arith.cmpi eq, %add3A_377, %eq3A_405 : vector<16xi32>
    %jit3A_407 = arith.constant 0.000000e+00 : f32
    %broadcast_in_dim3A_408 = vector.broadcast %jit3A_407 : f32 to vector<16xf32>
    %select_n3A_409 = arith.select %eq3A_406, %broadcast_in_dim3A_408, %gather3A_403 : vector<16xi1>, vector<16xf32>
    %scan3A_410 = arith.constant 0 : i32
    %scan3A_411 = arith.constant 0 : i32
    %scan3A_412 = arith.constant 32 : i32
    %scan3A_413 = arith.addi %scan3A_411, %scan3A_412 : i32
    %scan3A_414 = arith.constant 1 : i32
    scf.for %scan3A_587 = %scan3A_411 to %scan3A_413 step %scan3A_414  : i32 {
      %broadcast_in_dim3A_588 = vector.broadcast %scan3A_587 : i32 to vector<16xi32>
      %gather3A_589 = tpu.vector_load_idx %arg12[%broadcast_in_dim3A_588] : memref<128xi32, #tpu.memory_space<vmem>>[vector<16xi32>], vector<16xi32>,
      %gather3A_590 = tpu.vector_load_idx %arg13[%broadcast_in_dim3A_588] : memref<128xi32, #tpu.memory_space<vmem>>[vector<16xi32>], vector<16xi32>,
      %gather3A_591 = tpu.vector_load_idx %arg14[%broadcast_in_dim3A_588] : memref<128xi32, #tpu.memory_space<vmem>>[vector<16xi32>], vector<16xi32>,
      %gather3A_592 = tpu.vector_load_idx %arg15[%broadcast_in_dim3A_588] : memref<128xf32, #tpu.memory_space<vmem>>[vector<16xi32>], vector<16xf32>,
      %and3A_593 = arith.andi %add3A_394, %gather3A_590 : vector<16xi32>
      %eq3A_594 = arith.cmpi eq, %and3A_593, %gather3A_589 : vector<16xi32>
      %sub3A_595 = arith.constant 4096 : i32
      %sub3A_596 = vector.broadcast %sub3A_595 : i32 to vector<16xi32>
      %sub3A_597 = arith.subi %sub3A_596, %gather3A_591 : vector<16xi32>
      %le3A = arith.cmpi sle, %add3A_377, %sub3A_597 : vector<16xi32>
      %and3A_598 = arith.andi %eq3A_594, %le3A : vector<16xi1>
      %add3A_599 = arith.addi %add3A_377, %gather3A_591 : vector<16xi32>
      %sub3A_600 = vector.broadcast %add3A_241 : i32 to vector<16xi32>
      %sub3A_601 = arith.subi %add3A_599, %sub3A_600 : vector<16xi32>
      %gather3A_602 = tpu.vector_load_idx %arg22[%sub3A_601] : memref<256xf32, #tpu.memory_space<vmem>>[vector<16xi32>], vector<16xf32>,
      %add3A_603 = arith.addf %select_n3A_409, %gather3A_592 : vector<16xf32>
      %add3A_604 = arith.addf %add3A_603, %gather3A_602 : vector<16xf32>
      %sub3A_605 = arith.subf %add3A_604, %gather3A_248 : vector<16xf32>
      %max3A_606 = arith.constant -8.700000e+01 : f32
      %max3A_607 = vector.broadcast %max3A_606 : f32 to vector<16xf32>
      %max3A_608 = arith.maximumf %sub3A_605, %max3A_607 : vector<16xf32>
      %exp3A = math.exp %max3A_608 : vector<16xf32>
      %jit3A_609 = arith.constant 0.000000e+00 : f32
      %broadcast_in_dim3A_610 = vector.broadcast %jit3A_609 : f32 to vector<16xf32>
      %select_n3A_611 = arith.select %and3A_598, %exp3A, %broadcast_in_dim3A_610 : vector<16xi1>, vector<16xf32>
      %broadcast_in_dim3A_612 = arith.constant 48 : i32
      %broadcast_in_dim3A_613 = vector.broadcast %broadcast_in_dim3A_612 : i32 to vector<16xi32>
      %add3A_614 = arith.addi %broadcast_in_dim3A_613, %iota3A : vector<16xi32>
      %mul3A_615 = arith.constant 32 : i32
      %mul3A_616 = vector.broadcast %mul3A_615 : i32 to vector<16xi32>
      %mul3A_617 = arith.muli %add3A_614, %mul3A_616 : vector<16xi32>
      %add3A_618 = arith.addi %mul3A_617, %broadcast_in_dim3A_588 : vector<16xi32>
      tpu.vector_store_idx %arg24[%add3A_618], %select_n3A_611 : memref<4096xf32, #tpu.memory_space<vmem>>[vector<16xi32>], vector<16xf32>,
    }
    %scan3A_415 = arith.constant 32 : i32
    %add3A_416 = arith.constant 64 : i32
    %add3A_417 = arith.addi %add3A_241, %add3A_416 : i32
    %broadcast_in_dim3A_418 = vector.broadcast %add3A_417 : i32 to vector<16xi32>
    %add3A_419 = arith.addi %broadcast_in_dim3A_418, %iota3A : vector<16xi32>
    %gather3A_420 = tpu.vector_load_idx %arg8[%add3A_419] : memref<4224xi32, #tpu.memory_space<vmem>>[vector<16xi32>], vector<16xi32>,
    %add3A_421 = arith.constant 1 : i32
    %add3A_422 = vector.broadcast %add3A_421 : i32 to vector<16xi32>
    %add3A_423 = arith.addi %add3A_419, %add3A_422 : vector<16xi32>
    %gather3A_424 = tpu.vector_load_idx %arg8[%add3A_423] : memref<4224xi32, #tpu.memory_space<vmem>>[vector<16xi32>], vector<16xi32>,
    %add3A_425 = arith.constant 2 : i32
    %add3A_426 = vector.broadcast %add3A_425 : i32 to vector<16xi32>
    %add3A_427 = arith.addi %add3A_419, %add3A_426 : vector<16xi32>
    %gather3A_428 = tpu.vector_load_idx %arg8[%add3A_427] : memref<4224xi32, #tpu.memory_space<vmem>>[vector<16xi32>], vector<16xi32>,
    %mul3A_429 = arith.constant 8 : i32
    %mul3A_430 = vector.broadcast %mul3A_429 : i32 to vector<16xi32>
    %mul3A_431 = arith.muli %mul3A_430, %gather3A_424 : vector<16xi32>
    %add3A_432 = arith.addi %gather3A_420, %mul3A_431 : vector<16xi32>
    %mul3A_433 = arith.constant 64 : i32
    %mul3A_434 = vector.broadcast %mul3A_433 : i32 to vector<16xi32>
    %mul3A_435 = arith.muli %mul3A_434, %gather3A_428 : vector<16xi32>
    %add3A_436 = arith.addi %add3A_432, %mul3A_435 : vector<16xi32>
    %sub3A_437 = arith.constant 1 : i32
    %sub3A_438 = vector.broadcast %sub3A_437 : i32 to vector<16xi32>
    %sub3A_439 = arith.subi %add3A_419, %sub3A_438 : vector<16xi32>
    %sub3A_440 = vector.broadcast %multiple_of3A : i32 to vector<16xi32>
    %sub3A_441 = arith.subi %sub3A_439, %sub3A_440 : vector<16xi32>
    %max3A_442 = arith.constant 0 : i32
    %max3A_443 = vector.broadcast %max3A_442 : i32 to vector<16xi32>
    %max3A_444 = arith.maxsi %sub3A_441, %max3A_443 : vector<16xi32>
    %gather3A_445 = tpu.vector_load_idx %arg21[%max3A_444] : memref<256xf32, #tpu.memory_space<vmem>>[vector<16xi32>], vector<16xf32>,
    %eq3A_446 = arith.constant 0 : i32
    %eq3A_447 = vector.broadcast %eq3A_446 : i32 to vector<16xi32>
    %eq3A_448 = arith.cmpi eq, %add3A_419, %eq3A_447 : vector<16xi32>
    %jit3A_449 = arith.constant 0.000000e+00 : f32
    %broadcast_in_dim3A_450 = vector.broadcast %jit3A_449 : f32 to vector<16xf32>
    %select_n3A_451 = arith.select %eq3A_448, %broadcast_in_dim3A_450, %gather3A_445 : vector<16xi1>, vector<16xf32>
    %scan3A_452 = arith.constant 0 : i32
    %scan3A_453 = arith.constant 0 : i32
    %scan3A_454 = arith.constant 32 : i32
    %scan3A_455 = arith.addi %scan3A_453, %scan3A_454 : i32
    %scan3A_456 = arith.constant 1 : i32
    scf.for %scan3A_587 = %scan3A_453 to %scan3A_455 step %scan3A_456  : i32 {
      %broadcast_in_dim3A_588 = vector.broadcast %scan3A_587 : i32 to vector<16xi32>
      %gather3A_589 = tpu.vector_load_idx %arg12[%broadcast_in_dim3A_588] : memref<128xi32, #tpu.memory_space<vmem>>[vector<16xi32>], vector<16xi32>,
      %gather3A_590 = tpu.vector_load_idx %arg13[%broadcast_in_dim3A_588] : memref<128xi32, #tpu.memory_space<vmem>>[vector<16xi32>], vector<16xi32>,
      %gather3A_591 = tpu.vector_load_idx %arg14[%broadcast_in_dim3A_588] : memref<128xi32, #tpu.memory_space<vmem>>[vector<16xi32>], vector<16xi32>,
      %gather3A_592 = tpu.vector_load_idx %arg15[%broadcast_in_dim3A_588] : memref<128xf32, #tpu.memory_space<vmem>>[vector<16xi32>], vector<16xf32>,
      %and3A_593 = arith.andi %add3A_436, %gather3A_590 : vector<16xi32>
      %eq3A_594 = arith.cmpi eq, %and3A_593, %gather3A_589 : vector<16xi32>
      %sub3A_595 = arith.constant 4096 : i32
      %sub3A_596 = vector.broadcast %sub3A_595 : i32 to vector<16xi32>
      %sub3A_597 = arith.subi %sub3A_596, %gather3A_591 : vector<16xi32>
      %le3A = arith.cmpi sle, %add3A_419, %sub3A_597 : vector<16xi32>
      %and3A_598 = arith.andi %eq3A_594, %le3A : vector<16xi1>
      %add3A_599 = arith.addi %add3A_419, %gather3A_591 : vector<16xi32>
      %sub3A_600 = vector.broadcast %add3A_241 : i32 to vector<16xi32>
      %sub3A_601 = arith.subi %add3A_599, %sub3A_600 : vector<16xi32>
      %gather3A_602 = tpu.vector_load_idx %arg22[%sub3A_601] : memref<256xf32, #tpu.memory_space<vmem>>[vector<16xi32>], vector<16xf32>,
      %add3A_603 = arith.addf %select_n3A_451, %gather3A_592 : vector<16xf32>
      %add3A_604 = arith.addf %add3A_603, %gather3A_602 : vector<16xf32>
      %sub3A_605 = arith.subf %add3A_604, %gather3A_248 : vector<16xf32>
      %max3A_606 = arith.constant -8.700000e+01 : f32
      %max3A_607 = vector.broadcast %max3A_606 : f32 to vector<16xf32>
      %max3A_608 = arith.maximumf %sub3A_605, %max3A_607 : vector<16xf32>
      %exp3A = math.exp %max3A_608 : vector<16xf32>
      %jit3A_609 = arith.constant 0.000000e+00 : f32
      %broadcast_in_dim3A_610 = vector.broadcast %jit3A_609 : f32 to vector<16xf32>
      %select_n3A_611 = arith.select %and3A_598, %exp3A, %broadcast_in_dim3A_610 : vector<16xi1>, vector<16xf32>
      %broadcast_in_dim3A_612 = arith.constant 64 : i32
      %broadcast_in_dim3A_613 = vector.broadcast %broadcast_in_dim3A_612 : i32 to vector<16xi32>
      %add3A_614 = arith.addi %broadcast_in_dim3A_613, %iota3A : vector<16xi32>
      %mul3A_615 = arith.constant 32 : i32
      %mul3A_616 = vector.broadcast %mul3A_615 : i32 to vector<16xi32>
      %mul3A_617 = arith.muli %add3A_614, %mul3A_616 : vector<16xi32>
      %add3A_618 = arith.addi %mul3A_617, %broadcast_in_dim3A_588 : vector<16xi32>
      tpu.vector_store_idx %arg24[%add3A_618], %select_n3A_611 : memref<4096xf32, #tpu.memory_space<vmem>>[vector<16xi32>], vector<16xf32>,
    }
    %scan3A_457 = arith.constant 32 : i32
    %add3A_458 = arith.constant 80 : i32
    %add3A_459 = arith.addi %add3A_241, %add3A_458 : i32
    %broadcast_in_dim3A_460 = vector.broadcast %add3A_459 : i32 to vector<16xi32>
    %add3A_461 = arith.addi %broadcast_in_dim3A_460, %iota3A : vector<16xi32>
    %gather3A_462 = tpu.vector_load_idx %arg8[%add3A_461] : memref<4224xi32, #tpu.memory_space<vmem>>[vector<16xi32>], vector<16xi32>,
    %add3A_463 = arith.constant 1 : i32
    %add3A_464 = vector.broadcast %add3A_463 : i32 to vector<16xi32>
    %add3A_465 = arith.addi %add3A_461, %add3A_464 : vector<16xi32>
    %gather3A_466 = tpu.vector_load_idx %arg8[%add3A_465] : memref<4224xi32, #tpu.memory_space<vmem>>[vector<16xi32>], vector<16xi32>,
    %add3A_467 = arith.constant 2 : i32
    %add3A_468 = vector.broadcast %add3A_467 : i32 to vector<16xi32>
    %add3A_469 = arith.addi %add3A_461, %add3A_468 : vector<16xi32>
    %gather3A_470 = tpu.vector_load_idx %arg8[%add3A_469] : memref<4224xi32, #tpu.memory_space<vmem>>[vector<16xi32>], vector<16xi32>,
    %mul3A_471 = arith.constant 8 : i32
    %mul3A_472 = vector.broadcast %mul3A_471 : i32 to vector<16xi32>
    %mul3A_473 = arith.muli %mul3A_472, %gather3A_466 : vector<16xi32>
    %add3A_474 = arith.addi %gather3A_462, %mul3A_473 : vector<16xi32>
    %mul3A_475 = arith.constant 64 : i32
    %mul3A_476 = vector.broadcast %mul3A_475 : i32 to vector<16xi32>
    %mul3A_477 = arith.muli %mul3A_476, %gather3A_470 : vector<16xi32>
    %add3A_478 = arith.addi %add3A_474, %mul3A_477 : vector<16xi32>
    %sub3A_479 = arith.constant 1 : i32
    %sub3A_480 = vector.broadcast %sub3A_479 : i32 to vector<16xi32>
    %sub3A_481 = arith.subi %add3A_461, %sub3A_480 : vector<16xi32>
    %sub3A_482 = vector.broadcast %multiple_of3A : i32 to vector<16xi32>
    %sub3A_483 = arith.subi %sub3A_481, %sub3A_482 : vector<16xi32>
    %max3A_484 = arith.constant 0 : i32
    %max3A_485 = vector.broadcast %max3A_484 : i32 to vector<16xi32>
    %max3A_486 = arith.maxsi %sub3A_483, %max3A_485 : vector<16xi32>
    %gather3A_487 = tpu.vector_load_idx %arg21[%max3A_486] : memref<256xf32, #tpu.memory_space<vmem>>[vector<16xi32>], vector<16xf32>,
    %eq3A_488 = arith.constant 0 : i32
    %eq3A_489 = vector.broadcast %eq3A_488 : i32 to vector<16xi32>
    %eq3A_490 = arith.cmpi eq, %add3A_461, %eq3A_489 : vector<16xi32>
    %jit3A_491 = arith.constant 0.000000e+00 : f32
    %broadcast_in_dim3A_492 = vector.broadcast %jit3A_491 : f32 to vector<16xf32>
    %select_n3A_493 = arith.select %eq3A_490, %broadcast_in_dim3A_492, %gather3A_487 : vector<16xi1>, vector<16xf32>
    %scan3A_494 = arith.constant 0 : i32
    %scan3A_495 = arith.constant 0 : i32
    %scan3A_496 = arith.constant 32 : i32
    %scan3A_497 = arith.addi %scan3A_495, %scan3A_496 : i32
    %scan3A_498 = arith.constant 1 : i32
    scf.for %scan3A_587 = %scan3A_495 to %scan3A_497 step %scan3A_498  : i32 {
      %broadcast_in_dim3A_588 = vector.broadcast %scan3A_587 : i32 to vector<16xi32>
      %gather3A_589 = tpu.vector_load_idx %arg12[%broadcast_in_dim3A_588] : memref<128xi32, #tpu.memory_space<vmem>>[vector<16xi32>], vector<16xi32>,
      %gather3A_590 = tpu.vector_load_idx %arg13[%broadcast_in_dim3A_588] : memref<128xi32, #tpu.memory_space<vmem>>[vector<16xi32>], vector<16xi32>,
      %gather3A_591 = tpu.vector_load_idx %arg14[%broadcast_in_dim3A_588] : memref<128xi32, #tpu.memory_space<vmem>>[vector<16xi32>], vector<16xi32>,
      %gather3A_592 = tpu.vector_load_idx %arg15[%broadcast_in_dim3A_588] : memref<128xf32, #tpu.memory_space<vmem>>[vector<16xi32>], vector<16xf32>,
      %and3A_593 = arith.andi %add3A_478, %gather3A_590 : vector<16xi32>
      %eq3A_594 = arith.cmpi eq, %and3A_593, %gather3A_589 : vector<16xi32>
      %sub3A_595 = arith.constant 4096 : i32
      %sub3A_596 = vector.broadcast %sub3A_595 : i32 to vector<16xi32>
      %sub3A_597 = arith.subi %sub3A_596, %gather3A_591 : vector<16xi32>
      %le3A = arith.cmpi sle, %add3A_461, %sub3A_597 : vector<16xi32>
      %and3A_598 = arith.andi %eq3A_594, %le3A : vector<16xi1>
      %add3A_599 = arith.addi %add3A_461, %gather3A_591 : vector<16xi32>
      %sub3A_600 = vector.broadcast %add3A_241 : i32 to vector<16xi32>
      %sub3A_601 = arith.subi %add3A_599, %sub3A_600 : vector<16xi32>
      %gather3A_602 = tpu.vector_load_idx %arg22[%sub3A_601] : memref<256xf32, #tpu.memory_space<vmem>>[vector<16xi32>], vector<16xf32>,
      %add3A_603 = arith.addf %select_n3A_493, %gather3A_592 : vector<16xf32>
      %add3A_604 = arith.addf %add3A_603, %gather3A_602 : vector<16xf32>
      %sub3A_605 = arith.subf %add3A_604, %gather3A_248 : vector<16xf32>
      %max3A_606 = arith.constant -8.700000e+01 : f32
      %max3A_607 = vector.broadcast %max3A_606 : f32 to vector<16xf32>
      %max3A_608 = arith.maximumf %sub3A_605, %max3A_607 : vector<16xf32>
      %exp3A = math.exp %max3A_608 : vector<16xf32>
      %jit3A_609 = arith.constant 0.000000e+00 : f32
      %broadcast_in_dim3A_610 = vector.broadcast %jit3A_609 : f32 to vector<16xf32>
      %select_n3A_611 = arith.select %and3A_598, %exp3A, %broadcast_in_dim3A_610 : vector<16xi1>, vector<16xf32>
      %broadcast_in_dim3A_612 = arith.constant 80 : i32
      %broadcast_in_dim3A_613 = vector.broadcast %broadcast_in_dim3A_612 : i32 to vector<16xi32>
      %add3A_614 = arith.addi %broadcast_in_dim3A_613, %iota3A : vector<16xi32>
      %mul3A_615 = arith.constant 32 : i32
      %mul3A_616 = vector.broadcast %mul3A_615 : i32 to vector<16xi32>
      %mul3A_617 = arith.muli %add3A_614, %mul3A_616 : vector<16xi32>
      %add3A_618 = arith.addi %mul3A_617, %broadcast_in_dim3A_588 : vector<16xi32>
      tpu.vector_store_idx %arg24[%add3A_618], %select_n3A_611 : memref<4096xf32, #tpu.memory_space<vmem>>[vector<16xi32>], vector<16xf32>,
    }
    %scan3A_499 = arith.constant 32 : i32
    %add3A_500 = arith.constant 96 : i32
    %add3A_501 = arith.addi %add3A_241, %add3A_500 : i32
    %broadcast_in_dim3A_502 = vector.broadcast %add3A_501 : i32 to vector<16xi32>
    %add3A_503 = arith.addi %broadcast_in_dim3A_502, %iota3A : vector<16xi32>
    %gather3A_504 = tpu.vector_load_idx %arg8[%add3A_503] : memref<4224xi32, #tpu.memory_space<vmem>>[vector<16xi32>], vector<16xi32>,
    %add3A_505 = arith.constant 1 : i32
    %add3A_506 = vector.broadcast %add3A_505 : i32 to vector<16xi32>
    %add3A_507 = arith.addi %add3A_503, %add3A_506 : vector<16xi32>
    %gather3A_508 = tpu.vector_load_idx %arg8[%add3A_507] : memref<4224xi32, #tpu.memory_space<vmem>>[vector<16xi32>], vector<16xi32>,
    %add3A_509 = arith.constant 2 : i32
    %add3A_510 = vector.broadcast %add3A_509 : i32 to vector<16xi32>
    %add3A_511 = arith.addi %add3A_503, %add3A_510 : vector<16xi32>
    %gather3A_512 = tpu.vector_load_idx %arg8[%add3A_511] : memref<4224xi32, #tpu.memory_space<vmem>>[vector<16xi32>], vector<16xi32>,
    %mul3A_513 = arith.constant 8 : i32
    %mul3A_514 = vector.broadcast %mul3A_513 : i32 to vector<16xi32>
    %mul3A_515 = arith.muli %mul3A_514, %gather3A_508 : vector<16xi32>
    %add3A_516 = arith.addi %gather3A_504, %mul3A_515 : vector<16xi32>
    %mul3A_517 = arith.constant 64 : i32
    %mul3A_518 = vector.broadcast %mul3A_517 : i32 to vector<16xi32>
    %mul3A_519 = arith.muli %mul3A_518, %gather3A_512 : vector<16xi32>
    %add3A_520 = arith.addi %add3A_516, %mul3A_519 : vector<16xi32>
    %sub3A_521 = arith.constant 1 : i32
    %sub3A_522 = vector.broadcast %sub3A_521 : i32 to vector<16xi32>
    %sub3A_523 = arith.subi %add3A_503, %sub3A_522 : vector<16xi32>
    %sub3A_524 = vector.broadcast %multiple_of3A : i32 to vector<16xi32>
    %sub3A_525 = arith.subi %sub3A_523, %sub3A_524 : vector<16xi32>
    %max3A_526 = arith.constant 0 : i32
    %max3A_527 = vector.broadcast %max3A_526 : i32 to vector<16xi32>
    %max3A_528 = arith.maxsi %sub3A_525, %max3A_527 : vector<16xi32>
    %gather3A_529 = tpu.vector_load_idx %arg21[%max3A_528] : memref<256xf32, #tpu.memory_space<vmem>>[vector<16xi32>], vector<16xf32>,
    %eq3A_530 = arith.constant 0 : i32
    %eq3A_531 = vector.broadcast %eq3A_530 : i32 to vector<16xi32>
    %eq3A_532 = arith.cmpi eq, %add3A_503, %eq3A_531 : vector<16xi32>
    %jit3A_533 = arith.constant 0.000000e+00 : f32
    %broadcast_in_dim3A_534 = vector.broadcast %jit3A_533 : f32 to vector<16xf32>
    %select_n3A_535 = arith.select %eq3A_532, %broadcast_in_dim3A_534, %gather3A_529 : vector<16xi1>, vector<16xf32>
    %scan3A_536 = arith.constant 0 : i32
    %scan3A_537 = arith.constant 0 : i32
    %scan3A_538 = arith.constant 32 : i32
    %scan3A_539 = arith.addi %scan3A_537, %scan3A_538 : i32
    %scan3A_540 = arith.constant 1 : i32
    scf.for %scan3A_587 = %scan3A_537 to %scan3A_539 step %scan3A_540  : i32 {
      %broadcast_in_dim3A_588 = vector.broadcast %scan3A_587 : i32 to vector<16xi32>
      %gather3A_589 = tpu.vector_load_idx %arg12[%broadcast_in_dim3A_588] : memref<128xi32, #tpu.memory_space<vmem>>[vector<16xi32>], vector<16xi32>,
      %gather3A_590 = tpu.vector_load_idx %arg13[%broadcast_in_dim3A_588] : memref<128xi32, #tpu.memory_space<vmem>>[vector<16xi32>], vector<16xi32>,
      %gather3A_591 = tpu.vector_load_idx %arg14[%broadcast_in_dim3A_588] : memref<128xi32, #tpu.memory_space<vmem>>[vector<16xi32>], vector<16xi32>,
      %gather3A_592 = tpu.vector_load_idx %arg15[%broadcast_in_dim3A_588] : memref<128xf32, #tpu.memory_space<vmem>>[vector<16xi32>], vector<16xf32>,
      %and3A_593 = arith.andi %add3A_520, %gather3A_590 : vector<16xi32>
      %eq3A_594 = arith.cmpi eq, %and3A_593, %gather3A_589 : vector<16xi32>
      %sub3A_595 = arith.constant 4096 : i32
      %sub3A_596 = vector.broadcast %sub3A_595 : i32 to vector<16xi32>
      %sub3A_597 = arith.subi %sub3A_596, %gather3A_591 : vector<16xi32>
      %le3A = arith.cmpi sle, %add3A_503, %sub3A_597 : vector<16xi32>
      %and3A_598 = arith.andi %eq3A_594, %le3A : vector<16xi1>
      %add3A_599 = arith.addi %add3A_503, %gather3A_591 : vector<16xi32>
      %sub3A_600 = vector.broadcast %add3A_241 : i32 to vector<16xi32>
      %sub3A_601 = arith.subi %add3A_599, %sub3A_600 : vector<16xi32>
      %gather3A_602 = tpu.vector_load_idx %arg22[%sub3A_601] : memref<256xf32, #tpu.memory_space<vmem>>[vector<16xi32>], vector<16xf32>,
      %add3A_603 = arith.addf %select_n3A_535, %gather3A_592 : vector<16xf32>
      %add3A_604 = arith.addf %add3A_603, %gather3A_602 : vector<16xf32>
      %sub3A_605 = arith.subf %add3A_604, %gather3A_248 : vector<16xf32>
      %max3A_606 = arith.constant -8.700000e+01 : f32
      %max3A_607 = vector.broadcast %max3A_606 : f32 to vector<16xf32>
      %max3A_608 = arith.maximumf %sub3A_605, %max3A_607 : vector<16xf32>
      %exp3A = math.exp %max3A_608 : vector<16xf32>
      %jit3A_609 = arith.constant 0.000000e+00 : f32
      %broadcast_in_dim3A_610 = vector.broadcast %jit3A_609 : f32 to vector<16xf32>
      %select_n3A_611 = arith.select %and3A_598, %exp3A, %broadcast_in_dim3A_610 : vector<16xi1>, vector<16xf32>
      %broadcast_in_dim3A_612 = arith.constant 96 : i32
      %broadcast_in_dim3A_613 = vector.broadcast %broadcast_in_dim3A_612 : i32 to vector<16xi32>
      %add3A_614 = arith.addi %broadcast_in_dim3A_613, %iota3A : vector<16xi32>
      %mul3A_615 = arith.constant 32 : i32
      %mul3A_616 = vector.broadcast %mul3A_615 : i32 to vector<16xi32>
      %mul3A_617 = arith.muli %add3A_614, %mul3A_616 : vector<16xi32>
      %add3A_618 = arith.addi %mul3A_617, %broadcast_in_dim3A_588 : vector<16xi32>
      tpu.vector_store_idx %arg24[%add3A_618], %select_n3A_611 : memref<4096xf32, #tpu.memory_space<vmem>>[vector<16xi32>], vector<16xf32>,
    }
    %scan3A_541 = arith.constant 32 : i32
    %add3A_542 = arith.constant 112 : i32
    %add3A_543 = arith.addi %add3A_241, %add3A_542 : i32
    %broadcast_in_dim3A_544 = vector.broadcast %add3A_543 : i32 to vector<16xi32>
    %add3A_545 = arith.addi %broadcast_in_dim3A_544, %iota3A : vector<16xi32>
    %gather3A_546 = tpu.vector_load_idx %arg8[%add3A_545] : memref<4224xi32, #tpu.memory_space<vmem>>[vector<16xi32>], vector<16xi32>,
    %add3A_547 = arith.constant 1 : i32
    %add3A_548 = vector.broadcast %add3A_547 : i32 to vector<16xi32>
    %add3A_549 = arith.addi %add3A_545, %add3A_548 : vector<16xi32>
    %gather3A_550 = tpu.vector_load_idx %arg8[%add3A_549] : memref<4224xi32, #tpu.memory_space<vmem>>[vector<16xi32>], vector<16xi32>,
    %add3A_551 = arith.constant 2 : i32
    %add3A_552 = vector.broadcast %add3A_551 : i32 to vector<16xi32>
    %add3A_553 = arith.addi %add3A_545, %add3A_552 : vector<16xi32>
    %gather3A_554 = tpu.vector_load_idx %arg8[%add3A_553] : memref<4224xi32, #tpu.memory_space<vmem>>[vector<16xi32>], vector<16xi32>,
    %mul3A_555 = arith.constant 8 : i32
    %mul3A_556 = vector.broadcast %mul3A_555 : i32 to vector<16xi32>
    %mul3A_557 = arith.muli %mul3A_556, %gather3A_550 : vector<16xi32>
    %add3A_558 = arith.addi %gather3A_546, %mul3A_557 : vector<16xi32>
    %mul3A_559 = arith.constant 64 : i32
    %mul3A_560 = vector.broadcast %mul3A_559 : i32 to vector<16xi32>
    %mul3A_561 = arith.muli %mul3A_560, %gather3A_554 : vector<16xi32>
    %add3A_562 = arith.addi %add3A_558, %mul3A_561 : vector<16xi32>
    %sub3A_563 = arith.constant 1 : i32
    %sub3A_564 = vector.broadcast %sub3A_563 : i32 to vector<16xi32>
    %sub3A_565 = arith.subi %add3A_545, %sub3A_564 : vector<16xi32>
    %sub3A_566 = vector.broadcast %multiple_of3A : i32 to vector<16xi32>
    %sub3A_567 = arith.subi %sub3A_565, %sub3A_566 : vector<16xi32>
    %max3A_568 = arith.constant 0 : i32
    %max3A_569 = vector.broadcast %max3A_568 : i32 to vector<16xi32>
    %max3A_570 = arith.maxsi %sub3A_567, %max3A_569 : vector<16xi32>
    %gather3A_571 = tpu.vector_load_idx %arg21[%max3A_570] : memref<256xf32, #tpu.memory_space<vmem>>[vector<16xi32>], vector<16xf32>,
    %eq3A_572 = arith.constant 0 : i32
    %eq3A_573 = vector.broadcast %eq3A_572 : i32 to vector<16xi32>
    %eq3A_574 = arith.cmpi eq, %add3A_545, %eq3A_573 : vector<16xi32>
    %jit3A_575 = arith.constant 0.000000e+00 : f32
    %broadcast_in_dim3A_576 = vector.broadcast %jit3A_575 : f32 to vector<16xf32>
    %select_n3A_577 = arith.select %eq3A_574, %broadcast_in_dim3A_576, %gather3A_571 : vector<16xi1>, vector<16xf32>
    %scan3A_578 = arith.constant 0 : i32
    %scan3A_579 = arith.constant 0 : i32
    %scan3A_580 = arith.constant 32 : i32
    %scan3A_581 = arith.addi %scan3A_579, %scan3A_580 : i32
    %scan3A_582 = arith.constant 1 : i32
    scf.for %scan3A_587 = %scan3A_579 to %scan3A_581 step %scan3A_582  : i32 {
      %broadcast_in_dim3A_588 = vector.broadcast %scan3A_587 : i32 to vector<16xi32>
      %gather3A_589 = tpu.vector_load_idx %arg12[%broadcast_in_dim3A_588] : memref<128xi32, #tpu.memory_space<vmem>>[vector<16xi32>], vector<16xi32>,
      %gather3A_590 = tpu.vector_load_idx %arg13[%broadcast_in_dim3A_588] : memref<128xi32, #tpu.memory_space<vmem>>[vector<16xi32>], vector<16xi32>,
      %gather3A_591 = tpu.vector_load_idx %arg14[%broadcast_in_dim3A_588] : memref<128xi32, #tpu.memory_space<vmem>>[vector<16xi32>], vector<16xi32>,
      %gather3A_592 = tpu.vector_load_idx %arg15[%broadcast_in_dim3A_588] : memref<128xf32, #tpu.memory_space<vmem>>[vector<16xi32>], vector<16xf32>,
      %and3A_593 = arith.andi %add3A_562, %gather3A_590 : vector<16xi32>
      %eq3A_594 = arith.cmpi eq, %and3A_593, %gather3A_589 : vector<16xi32>
      %sub3A_595 = arith.constant 4096 : i32
      %sub3A_596 = vector.broadcast %sub3A_595 : i32 to vector<16xi32>
      %sub3A_597 = arith.subi %sub3A_596, %gather3A_591 : vector<16xi32>
      %le3A = arith.cmpi sle, %add3A_545, %sub3A_597 : vector<16xi32>
      %and3A_598 = arith.andi %eq3A_594, %le3A : vector<16xi1>
      %add3A_599 = arith.addi %add3A_545, %gather3A_591 : vector<16xi32>
      %sub3A_600 = vector.broadcast %add3A_241 : i32 to vector<16xi32>
      %sub3A_601 = arith.subi %add3A_599, %sub3A_600 : vector<16xi32>
      %gather3A_602 = tpu.vector_load_idx %arg22[%sub3A_601] : memref<256xf32, #tpu.memory_space<vmem>>[vector<16xi32>], vector<16xf32>,
      %add3A_603 = arith.addf %select_n3A_577, %gather3A_592 : vector<16xf32>
      %add3A_604 = arith.addf %add3A_603, %gather3A_602 : vector<16xf32>
      %sub3A_605 = arith.subf %add3A_604, %gather3A_248 : vector<16xf32>
      %max3A_606 = arith.constant -8.700000e+01 : f32
      %max3A_607 = vector.broadcast %max3A_606 : f32 to vector<16xf32>
      %max3A_608 = arith.maximumf %sub3A_605, %max3A_607 : vector<16xf32>
      %exp3A = math.exp %max3A_608 : vector<16xf32>
      %jit3A_609 = arith.constant 0.000000e+00 : f32
      %broadcast_in_dim3A_610 = vector.broadcast %jit3A_609 : f32 to vector<16xf32>
      %select_n3A_611 = arith.select %and3A_598, %exp3A, %broadcast_in_dim3A_610 : vector<16xi1>, vector<16xf32>
      %broadcast_in_dim3A_612 = arith.constant 112 : i32
      %broadcast_in_dim3A_613 = vector.broadcast %broadcast_in_dim3A_612 : i32 to vector<16xi32>
      %add3A_614 = arith.addi %broadcast_in_dim3A_613, %iota3A : vector<16xi32>
      %mul3A_615 = arith.constant 32 : i32
      %mul3A_616 = vector.broadcast %mul3A_615 : i32 to vector<16xi32>
      %mul3A_617 = arith.muli %add3A_614, %mul3A_616 : vector<16xi32>
      %add3A_618 = arith.addi %mul3A_617, %broadcast_in_dim3A_588 : vector<16xi32>
      tpu.vector_store_idx %arg24[%add3A_618], %select_n3A_611 : memref<4096xf32, #tpu.memory_space<vmem>>[vector<16xi32>], vector<16xf32>,
    }
    %scan3A_583 = arith.constant 32 : i32
    %mul3A_584 = arith.constant 32 : i32
    %mul3A_585 = arith.muli %multiple_of3A_245, %mul3A_584 : i32
    %multiple_of3A_586 = tpu.assume_multiple %mul3A_585, 4096 : i32
    "tpu.region"() ({
      %run_scoped3A = tpu.sem_alloc : memref<!tpu.dma_semaphore, #tpu.memory_space<semaphore_mem>>
      %dma_start3A = tpu.memref_slice %arg7[%multiple_of3A_586] : memref<131072xf32, #tpu.memory_space<hbm>> -> memref<4096xf32, #tpu.memory_space<hbm>>
      %dma_start3A_587 = tpu.memref_slice %arg7[%multiple_of3A_586] : memref<131072xf32, #tpu.memory_space<hbm>> -> memref<4096xf32, #tpu.memory_space<hbm>>
      tpu.enqueue_dma source(%arg24 : memref<4096xf32, #tpu.memory_space<vmem>>) target(%dma_start3A_587 : memref<4096xf32, #tpu.memory_space<hbm>>) target_semaphore(%run_scoped3A : memref<!tpu.dma_semaphore, #tpu.memory_space<semaphore_mem>>)
      %dma_wait3A = tpu.memref_slice %arg7[%multiple_of3A_586] : memref<131072xf32, #tpu.memory_space<hbm>> -> memref<4096xf32, #tpu.memory_space<hbm>>
      %dma_wait3A_588 = tpu.memref_slice %arg7[%multiple_of3A_586] : memref<131072xf32, #tpu.memory_space<hbm>> -> memref<4096xf32, #tpu.memory_space<hbm>>
      tpu.wait_dma2 semaphore(%run_scoped3A : memref<!tpu.dma_semaphore, #tpu.memory_space<semaphore_mem>>) src(%arg24 : memref<4096xf32, #tpu.memory_space<vmem>>) dst(%dma_wait3A_588 : memref<4096xf32, #tpu.memory_space<hbm>>)
      tpu.yield
    }) : () -> ()
    return
  }
}

</mosaic_0001>

<sc_bundles>
// kernel: kernel.3.cloned.1.call-start
scs
__scs_entry_jumppad:
0x0: {  	(pc) =	sbr.rel $0x88, $3  }
0x1: {  	(tag) =	ssettag $0x0;
	lr =	simm.s32 $0x1  }
0x2: {  	[smem:$0x3F9D] =	sst lr;
	_ =	strace $0xD0000000  }
0x3: {  	_ = 	snop  }
0x4: {  	_ = 	snop  }
0x5: {  	_ = 	snop  }
0x6: {  	_ = 	snop  }
0x7: {  	_ = 	snop  }
__scs_overlays_trampoline_lowered:
0x8: {  	[smem:$0x3FAC] =	sst s0  }
0x9: {  	[smem:$0x3FAD] =	sst s1  }
0xa: {  	[smem:$0x3FAE] =	sst s2  }
0xb: {  	[smem:$0x3FAF] =	sst s3  }
0xc: {  	[smem:$0x3FB0] =	sst s4  }
0xd: {  	[smem:$0x3FB1] =	sst s5  }
0xe: {  	[smem:$0x3FB2] =	sst s6  }
0xf: {  	[smem:$0x3FB3] =	sst s7  }
0x10: {  	[smem:$0x3FB4] =	sst s8  }
0x11: {  	[smem:$0x3FB5] =	sst s9;
	s0 =	simm.s32 @!p0 $0x0  }
0x12: {  	s1 =	sld [smem:$0x3F9B];
	s0 =	simm.s32 @p0 $0x1  }
0x13: {  	[smem:$0x3FB6] =	sst s0;
	s0 =	simm.s32 @!p1 $0x0  }
0x14: {  	s2 =	sld [smem:$0x3F9A];
	s0 =	simm.s32 @p1 $0x1  }
0x15: {  	[smem:$0x3FB7] =	sst s0;
	s0 =	simm.s32 @!p2 $0x0  }
0x16: {  	s3 =	sld [smem:$0x3FDB];
	s0 =	simm.s32 @p2 $0x1  }
0x17: {  	s4 =	simm.s32 $0x1BF5;
	[smem:$0x3FB9] =	sst s0  }
0x18: {  	s0 =	sld [smem:$0x3F9C];
	_ =	swait.ge [sflag:s4], $0x0  }
0x19: {  	s7 =	sld [smem:$0x3F9D]  }
0x1a: {  	s8 =	sadd.s32 $0xFFFFE003, lr  }
0x1b: {  	s9 =	sadd.s32 $0xFFFFFEF7, lr;
	s5 =	simm.s32 $0xFFFFFFFF;
	p2 =	slt.u32 s8, $0xFFFFF086  }
0x1c: {  	p1 =	slt.u32 s9, $0xF7A;
	s5 =	simm.s32 @!p2 $0x0  }
0x1d: {  	s5 =	simm.s32 @p1 $0x1;
	p0 =	seq.s32 s7, s2  }
0x1e: {  	s7 =	smul.u32 @!p0 $0xF7A, s2;
	p2 =	seq.s32 @!p0 s5, $0x0  }
0x1f: {  	s9 =	smul.u32 $0xF7A, s1;
	s8 =	simm.s32 @!p0 $0x1BF5;
	p2 =	por !p2, p0  }
0x20: {  	[sflag:s8] =	ssyncset.s32 @!p0 $0xFFFFF086;
	s6 =	sadd.s32 @!p0 s3, s7;
	s7 =	simm.s32 @!p0 $0x108  }
0x21: {  	s3 =	sadd.s32 s3, s9;
	s6 =	sadd.s32 @!p0 $0x88, s6;
	s7 =	simm.s32 @p2 $0x1082  }
0x22: {  	[simem:s7], [sflag:s8] =	dma.local @!p0 [hbm:s6], $0xF7A  }
0x23: {  	s9 =	sor.u32 $0xD0000000, s2;
	s6 =	simm.s32 $0x108;
	_ =	swait.ge @!p0 [sflag:s8], $0x0  }
0x24: {  	s3 =	sadd.s32 $0x88, s3;
	s6 =	simm.s32 @!p1 $0x1082;
	[sflag:s4] =	ssyncset.s32 $0xFFFFF086  }
0x25: {  	[simem:s6], [sflag:s4] =	dma.local [hbm:s3], $0xF7A  }
0x26: {  	[smem:$0x3F9D] =	sst s1;
	(tag) =	ssettag s2;
	_ =	strace s9  }
0x27: {  	s1 =	sld [smem:$0x3FAD]  }
0x28: {  	s2 =	sld [smem:$0x3FAE]  }
0x29: {  	s4 =	sld [smem:$0x3FB0]  }
0x2a: {  	p0 =	seq.s32 s5, $0x0;
	s5 =	sld [smem:$0x3FB1]  }
0x2b: {  	s6 =	sld [smem:$0x3FB2]  }
0x2c: {  	s7 =	sld [smem:$0x3FB3]  }
0x2d: {  	s3 =	simm.s32 $0x108;
	s8 =	sld [smem:$0x3FB4]  }
0x2e: {  	s3 =	simm.s32 @!p0 $0x1082;
	s9 =	sld [smem:$0x3FB5]  }
0x2f: {  	lr =	sadd.s32 s0, s3;
	s0 =	sld [smem:$0x3FAC]  }
0x30: {  	s3 =	sld [smem:$0x3FAF]  }
0x31: {  	[smem:$0x3FB8] =	sst s10  }
0x32: {  	s10 =	sld [smem:$0x3FB6];
	_ =	sdelay $0x3  }
0x33: {  	p0 =	seq.s32 s10, $0x1;
	s10 =	sld [smem:$0x3FB8];
	_ =	sdelay $0x3  }
0x34: {  	[smem:$0x3FB8] =	sst s10  }
0x35: {  	s10 =	sld [smem:$0x3FB7];
	_ =	sdelay $0x3  }
0x36: {  	p1 =	seq.s32 s10, $0x1;
	s10 =	sld [smem:$0x3FB8];
	_ =	sdelay $0x3  }
0x37: {  	[smem:$0x3FB8] =	sst s10  }
0x38: {  	s10 =	sld [smem:$0x3FB9]  }
0x39: {  	_ = 	snop;
	(pc) =	sbr.ind lr, $3  }
0x3a: {  	_ = 	snop  }
0x3b: {  	_ = 	snop  }
0x3c: {  	p2 =	seq.s32 s10, $0x1;
	s10 =	sld [smem:$0x3FB8]  }
0x3d: {  	_ =	shalt  }
0x3e: {  	_ =	shalt  }
0x3f: {  	_ =	shalt  }
0x40: {  	_ =	shalt  }
0x41: {  	_ =	shalt  }
0x42: {  	_ =	shalt  }
0x43: {  	_ =	shalt  }
0x44: {  	_ =	shalt  }
0x45: {  	_ =	shalt  }
0x46: {  	_ =	shalt  }
0x47: {  	_ =	shalt  }
0x48: {  	_ =	shalt  }
0x49: {  	_ =	shalt  }
0x4a: {  	_ =	shalt  }
0x4b: {  	_ =	shalt  }
0x4c: {  	_ =	shalt  }
0x4d: {  	_ =	shalt  }
0x4e: {  	_ =	shalt  }
0x4f: {  	_ =	shalt  }
0x50: {  	_ =	shalt  }
0x51: {  	_ =	shalt  }
0x52: {  	_ =	shalt  }
0x53: {  	_ =	shalt  }
0x54: {  	_ =	shalt  }
0x55: {  	_ =	shalt  }
0x56: {  	_ =	shalt  }
0x57: {  	_ =	shalt  }
0x58: {  	_ =	shalt  }
0x59: {  	_ =	shalt  }
0x5a: {  	_ =	shalt  }
0x5b: {  	_ =	shalt  }
0x5c: {  	_ =	shalt  }
0x5d: {  	_ =	shalt  }
0x5e: {  	_ =	shalt  }
0x5f: {  	_ =	shalt  }
0x60: {  	_ =	shalt  }
0x61: {  	_ =	shalt  }
0x62: {  	_ =	shalt  }
0x63: {  	_ =	shalt  }
0x64: {  	_ =	shalt  }
0x65: {  	_ =	shalt  }
0x66: {  	_ =	shalt  }
0x67: {  	_ =	shalt  }
0x68: {  	_ =	shalt  }
0x69: {  	_ =	shalt  }
0x6a: {  	_ =	shalt  }
0x6b: {  	_ =	shalt  }
0x6c: {  	_ =	shalt  }
0x6d: {  	_ =	shalt  }
0x6e: {  	_ =	shalt  }
0x6f: {  	_ =	shalt  }
0x70: {  	_ =	shalt  }
0x71: {  	_ =	shalt  }
0x72: {  	_ =	shalt  }
0x73: {  	_ =	shalt  }
0x74: {  	_ =	shalt  }
0x75: {  	_ =	shalt  }
0x76: {  	_ =	shalt  }
0x77: {  	_ =	shalt  }
0x78: {  	_ =	shalt  }
0x79: {  	_ =	shalt  }
0x7a: {  	_ =	shalt  }
0x7b: {  	_ =	shalt  }
0x7c: {  	_ =	shalt  }
0x7d: {  	_ =	shalt  }
0x7e: {  	_ =	shalt  }
0x7f: {  	_ =	shalt  }
0x80: {  	_ =	shalt  }
0x81: {  	_ =	shalt  }
0x82: {  	_ =	shalt  }
0x83: {  	_ =	shalt  }
0x84: {  	_ =	shalt  }
0x85: {  	_ =	shalt  }
0x86: {  	_ =	shalt  }
0x87: {  	_ =	shalt  }
.Lfunc_end0:
.L_simem_size_0:
called_computation_lowered:
.L_overlay_start_0:
0x88: {  	s2 =	sld [smem:$0x3FD9]  }
0x89: {  	s3 =	sld [smem:$0x3FFE];
	_ =	sdelay $0x1  }
0x8a: {  	s1 =	srdreg.scid  }
0x8b: {  	s0 =	sand.u32 $0x1, s1  }
0x8c: {  	s17 =	sshll.u32 s0, $0xA;
	s2 =	sadd.s32 s3, s2  }
0x8d: {  	s2 =	sadd.s32 s2, s17  }
0x8e: {  	[smem:$0x3FC4] =	sst s2  }
0x8f: {  	_ = 	snop  }
0x90: {  	s2 =	sld [smem:$0x3FC9]  }
0x91: {  	s18 =	sld [smem:$0x3FC7]  }
0x92: {  	s4 =	sld [smem:$0x3FC6]  }
0x93: {  	s5 =	sld [smem:$0x3FD0];
	(tm) =	ssettm $0x1  }
0x94: {  	s6 =	sld [smem:$0x3FFB];
	_ =	sdelay $0x3  }
0x95: {  	_ =	strace s6  }
0x96: {  	s6 =	sld [smem:$0x3FFC];
	_ =	sdelay $0x3  }
0x97: {  	_ =	strace s6  }
0x98: {  	s6 =	sld [smem:$0x3FFD];
	_ =	sdelay $0x3  }
0x99: {  	_ =	strace s6  }
0x9a: {  	_ =	strace $0x8FFFFFFF  }
0x9b: {  	s19 =	sld [smem:$0x3FDB];
	_ =	sdelay $0x1  }
0x9c: {  	s7 =	simm.s32 $_scs_section_size  }
0x9d: {  	s8 =	simm.s32 $_size__tile_overlayer_lowered;
	s9 =	simm.s32 $_tile_overlayer_lowered  }
0x9e: {  	s22 =	simm.s32 $0x1BFF;
	s21 =	sshll.u32 s9, $0x1;
	s6 =	sadd.s32 s7, s19  }
0x9f: {  	s10 =	simm.s32 $0x0;
	s20 =	sshll.u32 s8, $0x1;
	s8 =	sadd.s32 s21, s6  }
0xa0: {  	[timem:s10], [sflag:s22] =	dma.local [hbm:s8], s20  }
0xa1: {  	_ =	swait.ge [sflag:s22], s20  }
0xa2: {  	s7 =	ssub.s32 $0x0, s20;
	[sflag:s22] =	ssyncset.done $0x0  }
0xa3: {  	[sflag:s22] =	ssyncadd.s32 s7;
	_ =	sdelay $0x1  }
0xa4: {  	s23 =	simm.s32 $0x1B8B  }
0xa5: {  	_ =	swait.ge [sflag:s23], $0x1  }
0xa6: {  	[sflag:s23] =	ssyncset.done $0x0  }
0xa7: {  	s25 =	simm.s32 $0x1B8E;
	s24 =	sld [smem:$0x3FFE];
	[sflag:s23] =	ssyncadd.s32 $0xFFFFFFFF  }
0xa8: {  	s26 =	simm.s32 $execute0_lowered;
	[smem:$0x3FD2] =	sst s25  }
0xa9: {  	s8 =	sshll.u32 s26, $0x1;
	_ =	strace $0x80000046;
	[dreg:$0x1] =	wrdreg $0xFFFFFFFF  }
0xaa: {  	s28 =	simm.s32 $_size_execute0_lowered;
	s6 =	sadd.s32 s6, s8;
	[dreg:$0x0] =	wrdreg $0x0  }
0xab: {  	s8 =	sshll.u32 s28, $0x1;
	[dreg:$0x2] =	wrdreg s6  }
0xac: {  	[dreg:$0x3] =	wrdreg s8  }
0xad: {  	[dreg:$0x4] =	wrdreg $0xC0  }
0xae: {  	_ =	task [dreg:s10], $0x5FFFF  }
0xaf: {  	[dreg:$0x1] =	wrdreg $0xFFFFFFFF  }
0xb0: {  	[dreg:$0x0] =	wrdreg $0x60  }
0xb1: {  	[dreg:$0x2] =	wrdreg s2  }
0xb2: {  	[dreg:$0x3] =	wrdreg s24  }
0xb3: {  	[dreg:$0x4] =	wrdreg s18  }
0xb4: {  	[dreg:$0x5] =	wrdreg s4  }
0xb5: {  	[dreg:$0x6] =	wrdreg s5  }
0xb6: {  	[dreg:$0x7] =	wrdreg $0x6D000  }
0xb7: {  	[dreg:$0x8] =	wrdreg $0x6E080  }
0xb8: {  	[dreg:$0x9] =	wrdreg $0x9  }
0xb9: {  	_ =	task.clear_ibuf [dreg:s10], $0xAFFFF;
	_ =	strace $0x90000046  }
0xba: {  	s29 =	simm.s32 $0x9;
	_ =	strace $0x80000048  }
0xbb: {  	_ =	swait.ge [sflag:s29], $0x1  }
0xbc: {  	[sflag:s29] =	ssyncadd.s32 $0xFFFFFFFF  }
0xbd: {  	_ =	strace $0x90000048  }
0xbe: {  	_ =	sfence  }
0xbf: {  	s30 =	sld [smem:$0x0];
	_ =	sdelay $0x2  }
0xc0: {  	s31 =	sshll.u32 s1, $0xD;
	s1 =	sshrl.u32 s1, $0x2  }
0xc1: {  	s3 =	sand.u32 $0x4000, s31;
	s1 =	sadd.s32 s1, s30  }
0xc2: {  	s0 =	sor.u32 s3, s0;
	s1 =	sshll.u32 s1, $0x11  }
0xc3: {  	s0 =	sor.u32 s1, s0  }
0xc4: {  	s0 =	sadd.s32 $0x8F2B, s0  }
0xc5: {  	[sflag:s0] =	ssyncadd.remote.s32 $0x1  }
0xc6: {  	_ =	sfence.sel $0xFFFF  }
0xc7: {  	[dreg:$0x0] =	wrdreg $0xFFFFFFFF;
	(pc) =	sbr.abs _section_cstart, $3  }
0xc8: {  	[dreg:$0x1] =	wrdreg $0xFFFFFFFF  }
0xc9: {  	_ =	task.clear_ibuf [dreg:s10], $0x2FFFF;
	_ =	strace $0x9FFFFFFF  }
0xca: {  	(tm) =	ssettm $0x7FFFFFFF  }
0xcb: {  	_ =	shalt  }
tec
execute0_lowered:
.L_overlay_start_1:
0x0: {  	(tag) =	ssettag $0x1  }
0x1: {  	s1 =	srdreg.scid  }
0x2: {  	s0 =	stileid.u32;
	s4 =	sand.u32 $0x1, s1  }
0x3: {  	v39 =	vimm.f32 $-Inf;
	s2 =	sshll.u32 s0, $0x7;
	s1 =	sshll.u32 s4, $0xB  }
0x4: {  	v42 =	vimm.s32 $0xFFFFFFFF;
	vm2 =	vcmask $0x3F34;
	vm3 =	vcmask $0x3F30;
	s1 =	sor.u32 s2, s1  }
0x5: {  	vm4 =	vcmask $0x3F2C;
	vm5 =	vcmask $0x3F28;
	vm6 =	vcmask $0x3F24;
	s2 =	smax.u32 s1, $0x8  }
0x6: {  	vm7 =	vcmask $0x3F20;
	vm8 =	vcmask $0x3F1C;
	vm9 =	vcmask $0x3F18;
	s3 =	sadd.s32 $0xFFFFFFF8, s2  }
0x7: {  	vm10 =	vcmask $0x3F14;
	vm11 =	vcmask $0x3F10;
	v0 =	vmov s3  }
0x8: {  	vm12 =	vcmask $0x3F0C;
	vm13 =	vcmask $0x3F08;
	v1 =	vsub.s32 $0x0, v0  }
0x9: {  	vm14 =	vmmov $0x1;
	v0 =	vlaneseq.u32;
	v32 =	vbroadcast v1, $0x0  }
0xa: {  	s22 =	sor.u32 $0x10, s1;
	v1 =	vmov s1;
	v2 =	vor.u32 s1, v0;
	v3 =	vadd.s32 $0x1, v0  }
0xb: {  	s23 =	sor.u32 $0x20, s1;
	v4 =	vadd.s32 $0xFFFFFFFF, v0;
	v6 =	vadd.s32 $0x2, v0;
	v9 =	vor.u32 s22, v0  }
0xc: {  	s24 =	sor.u32 $0x40, s1;
	s7 =	sor.u32 $0x60, s1;
	v14 =	vadd.s32 $0x21, v0;
	v13 =	vor.u32 s23, v0;
	v22 =	vadd.s32 $0x41, v0  }
0xd: {  	v21 =	vor.u32 s24, v0;
	v24 =	vadd.s32 $0x42, v0;
	v29 =	vor.u32 s7, v0  }
0xe: {  	s5 =	sor.u32 $0x30, s1;
	v30 =	vadd.s32 $0x61, v0;
	v33 =	vadd.s32 $0x62, v0;
	v5 =	vor.u32 s1, v3  }
0xf: {  	s8 =	rddreg [dreg:$0x1];
	s6 =	sor.u32 $0x50, s1;
	v11 =	vadd.s32 s22, v6;
	v14 =	vor.u32 s23, v14;
	v18 =	vadd.s32 s5, v3  }
0x10: {  	s14 =	rddreg [dreg:$0x2];
	s12 =	sor.u32 $0x70, s1;
	v19 =	vadd.s32 s5, v6;
	v22 =	vor.u32 s24, v22;
	v27 =	vadd.s32 s6, v6  }
0x11: {  	s9 =	rddreg [dreg:$0x3];
	v30 =	vor.u32 s7, v30;
	v36 =	vadd.s32 s12, v6;
	v7 =	vadd.s32 s1, v32  }
0x12: {  	s25 =	rddreg [dreg:$0x4];
	[tilespmem:$0x1FFE0] =	vst v5;
	v5 =	vor.u32 s1, v6;
	v10 =	vadd.s32 s22, v32;
	v15 =	vadd.s32 s23, v32  }
0x13: {  	s11 =	rddreg [dreg:$0x5];
	v17 =	vadd.s32 s5, v32;
	v23 =	vadd.s32 s24, v32;
	v26 =	vadd.s32 s6, v32  }
0x14: {  	s10 =	rddreg [dreg:$0x6];
	s16 =	simm.s32 $0x1580;
	s17 =	simm.s32 $0x1480;
	v31 =	vadd.s32 s7, v32;
	v35 =	vadd.s32 s12, v32;
	v8 =	vadd.s32 v4, v7  }
0x15: {  	s18 =	simm.s32 $0x1500;
	s19 =	simm.s32 $0x6900;
	s20 =	simm.s32 $0x1080;
	v12 =	vadd.s32 v4, v10;
	v10 =	vadd.s32 s22, v3;
	v16 =	vadd.s32 v4, v15  }
0x16: {  	s21 =	simm.s32 $0x1100;
	s28 =	simm.s32 $0x5680;
	s29 =	simm.s32 $0x5780;
	v15 =	vadd.s32 $0x22, v0;
	v20 =	vadd.s32 v4, v17;
	v17 =	vor.u32 s5, v0  }
0x17: {  	s31 =	simm.s32 $0x1380;
	s13 =	sadd.s32 $0x400, s8;
	s15 =	sadd.s32 $0x600, s8;
	v25 =	vadd.s32 v4, v23;
	v23 =	vor.u32 s24, v24;
	v28 =	vadd.s32 v4, v26  }
0x18: {  	s30 =	sshll.u32 s0, $0x4;
	p0 =	seq.s32 s0, $0x1;
	s4 =	ssub.s32 $0x2, s4;
	v26 =	vadd.s32 s6, v3;
	v34 =	vadd.s32 v4, v31;
	v31 =	vor.u32 s7, v33  }
0x19: {  	p1 =	sne.s32 s0, $0x0;
	s8 =	smov.u32 s13;
	s26 =	sshrl.u32 s4, $0x1;
	v33 =	vor.u32 s12, v0;
	v37 =	vadd.s32 v4, v35;
	vm0 =	vgt.s32 v8, $0x0  }
0x1a: {  	s4 =	ssub.s32 s4, s26;
	s10 =	sadd.s32 s1, s10;
	s26 =	simm.s32 $0x4600;
	v35 =	vmul.u32 $0x3, v0;
	v8 =	vnsel vm0, $0x0, v8;
	vm0 =	vgt.s32 v12, $0x0  }
0x1b: {  	s2 =	rddreg [dreg:$0x0];
	s13 =	smax.u32 s4, $0x1;
	s4 =	simm.s32 $0x1400;
	v15 =	vor.u32 s23, v15;
	v12 =	vnsel vm0, $0x0, v12;
	vm0 =	vgt.s32 v16, $0x0  }
0x1c: {  	s3 =	sadd.s32 s3, s11;
	s11 =	sadd.s32 $0xFF0, s11;
	s1 =	sshll.u32 s1, $0x2;
	v40 =	vadd.s32 $0x1, v35;
	v16 =	vnsel vm0, $0x0, v16;
	vm0 =	vgt.s32 v20, $0x0  }
0x1d: {  	s7 =	smov.u32 s9;
	s9 =	smov.u32 s15;
	s15 =	simm.s32 $0x1;
	v41 =	vadd.s32 $0x2, v35;
	v20 =	vnsel vm0, $0x0, v20;
	vm0 =	vgt.s32 v25, $0x0  }
0x1e: {  	s22 =	simm.s32 $0x1180;
	s24 =	simm.s32 $0x2600;
	v24 =	vnsel vm0, $0x0, v25;
	v25 =	vor.u32 s6, v0;
	vm0 =	vgt.s32 v28, $0x0;
	s6 =	simm.s32 $0x0  }
0x1f: {  	[tilespmem:$0x1FFF0] =	vst v5;
	s5 =	simm.s32 $0x5900;
	s23 =	simm.s32 $0x1600;
	v43 =	vadd.s32 $0x30, v35;
	v28 =	vnsel vm0, $0x0, v28;
	[smem:$0x7FF] =	sst s6;
	vm0 =	vgt.s32 v34, $0x0  }
0x20: {  	_ =	strace $0x80000047;
	v32 =	vnsel vm0, $0x0, v34;
	[dreg:$0x8] =	wrdreg s3;
	v34 =	vadd.s32 s12, v3;
	vm0 =	vgt.s32 v37, $0x0;
	s12 =	sadd.s32 s25, s1  }
0x21: {  	v44 =	vadd.s32 $0x31, v35;
	v45 =	vadd.s32 $0x32, v35;
	s25 =	simm.s32 $0x3600;
	s3 =	simm.s32 $0x0;
	[dreg:$0x9] =	wrdreg s13;
	v37 =	vnsel vm0, $0x0, v37  }
.LBB2_1:
0x22: {  	[tilespmem:s6], [sflag:$0x1] =	stream.linear.gather [hbm4b:s2+s6], $0x1000, $0x38;
	[tilespmem:$0x6F10] =	vst v63  }
0x23: {  	_ =	swait.ge [sflag:s15], $0x1000  }
0x24: {  	[sflag:s15] =	ssyncset.done $0x0  }
0x25: {  	v5 =	vimm.s32 $0x0;
	[sflag:s15] =	ssyncadd.s32 $0xFFFFF000  }
0x26: {  	[tilespmem:$0x1000] =	vst v5  }
0x27: {  	[tilespmem:s16], [sflag:$0x1] =	stream.linear.gather [hbm4b:s8+s6], $0x60, $0x38;
	[tilespmem:$0x6F10] =	vst v63  }
0x28: {  	_ =	swait.ge [sflag:s15], $0x60  }
0x29: {  	[sflag:s15] =	ssyncset.done $0x0  }
0x2a: {  	[sflag:s15] =	ssyncadd.s32 $0xFFFFFFA0  }
0x2b: {  	[tilespmem:s17], [sflag:$0x1] =	stream.linear.gather [hbm4b:s14+s6], $0x20, $0x38;
	[tilespmem:$0x6F10] =	vst v63  }
0x2c: {  	_ =	swait.ge [sflag:s15], $0x20  }
0x2d: {  	[sflag:s15] =	ssyncset.done $0x0  }
0x2e: {  	[sflag:s15] =	ssyncadd.s32 $0xFFFFFFE0  }
0x2f: {  	[tilespmem:s18], [sflag:$0x1] =	stream.linear.gather [hbm4b:s7+s6], $0x20, $0x38;
	[tilespmem:$0x6F10] =	vst v63  }
0x30: {  	_ =	swait.ge [sflag:s15], $0x20  }
0x31: {  	[sflag:s15] =	ssyncset.done $0x0  }
0x32: {  	[sflag:s15] =	ssyncadd.s32 $0xFFFFFFE0  }
0x33: {  	[tilespmem:s19], [sflag:$0x1] =	stream.linear.gather [hbm4b:s9+s6], $0x400, $0x38;
	[tilespmem:$0x6F10] =	vst v63  }
0x34: {  	_ =	swait.ge [sflag:s15], $0x400  }
0x35: {  	[sflag:s15] =	ssyncset.done $0x0  }
0x36: {  	[sflag:s15] =	ssyncadd.s32 $0xFFFFFC00  }
0x37: {  	[tilespmem:$0x1080] =	vst v39  }
0x38: {  	[tilespmem:$0x1100] =	vst v39  }
0x39: {  	[tilespmem:$0x1090] =	vst v39  }
0x3a: {  	[tilespmem:$0x1110] =	vst v39  }
0x3b: {  	[tilespmem:$0x10A0] =	vst v39  }
0x3c: {  	[tilespmem:$0x1120] =	vst v39  }
0x3d: {  	[tilespmem:$0x10B0] =	vst v39  }
0x3e: {  	[tilespmem:$0x1130] =	vst v39  }
0x3f: {  	[tilespmem:$0x10C0] =	vst v39  }
0x40: {  	[tilespmem:$0x1140] =	vst v39  }
0x41: {  	[tilespmem:$0x10D0] =	vst v39  }
0x42: {  	[tilespmem:$0x1150] =	vst v39  }
0x43: {  	[tilespmem:$0x10E0] =	vst v39  }
0x44: {  	[tilespmem:$0x1160] =	vst v39  }
0x45: {  	[tilespmem:$0x10F0] =	vst v39  }
0x46: {  	[tilespmem:$0x1170] =	vst v39  }
0x47: {  	[tilespmem:$0x1180] =	vst v39  }
0x48: {  	[tilespmem:$0x1190] =	vst v39  }
0x49: {  	[tilespmem:$0x11A0] =	vst v39  }
0x4a: {  	[tilespmem:$0x11B0] =	vst v39  }
0x4b: {  	[tilespmem:$0x11C0] =	vst v39  }
0x4c: {  	[tilespmem:$0x11D0] =	vst v39  }
0x4d: {  	[tilespmem:$0x11E0] =	vst v39  }
0x4e: {  	[tilespmem:$0x11F0] =	vst v39  }
0x4f: {  	[tilespmem:$0x1200] =	vst v39  }
0x50: {  	[tilespmem:$0x1210] =	vst v39  }
0x51: {  	[tilespmem:$0x1220] =	vst v39  }
0x52: {  	[tilespmem:$0x1230] =	vst v39  }
0x53: {  	[tilespmem:$0x1240] =	vst v39  }
0x54: {  	[tilespmem:$0x1250] =	vst v39  }
0x55: {  	[tilespmem:$0x1260] =	vst v39  }
0x56: {  	[tilespmem:$0x1270] =	vst v39  }
0x57: {  	[tilespmem:$0x1280] =	vst v39  }
0x58: {  	[tilespmem:$0x1290] =	vst v39  }
0x59: {  	[tilespmem:$0x12A0] =	vst v39  }
0x5a: {  	[tilespmem:$0x12B0] =	vst v39  }
0x5b: {  	[tilespmem:$0x12C0] =	vst v39  }
0x5c: {  	[tilespmem:$0x12D0] =	vst v39  }
0x5d: {  	[tilespmem:$0x12E0] =	vst v39  }
0x5e: {  	[tilespmem:$0x12F0] =	vst v39  }
0x5f: {  	[tilespmem:$0x1300] =	vst v39  }
0x60: {  	[tilespmem:$0x1310] =	vst v39  }
0x61: {  	[tilespmem:$0x1320] =	vst v39  }
0x62: {  	[tilespmem:$0x1330] =	vst v39  }
0x63: {  	[tilespmem:$0x1340] =	vst v39  }
0x64: {  	[tilespmem:$0x1350] =	vst v39  }
0x65: {  	[tilespmem:$0x1360] =	vst v39  }
0x66: {  	[tilespmem:$0x1370] =	vst v39;
	v47 =	vld [tilespmem:$0x1480]  }
0x67: {  	v48 =	vld.idx.msk [tilespmem:v40+s16+$0x0], $0xffff  }
0x68: {  	v49 =	vld.idx.msk [tilespmem:v41+s16+$0x0], $0xffff;
	_ =	sdelay $0x1  }
0x69: {  	v50 =	vld.idx.msk [tilespmem:v35+s16+$0x0], $0xffff;
	_ =	sdelay $0x1  }
0x6a: {  	vm15 =	vgt.s32 v47, $0x1;
	v52 =	vmul.u32 $0x3, v47;
	v48 =	vshll.u32 v48, $0x3  }
0x6b: {  	v49 =	vshll.u32 v49, $0x6;
	v48 =	vnsel vm15, $0x0, v48;
	vm15 =	vgt.s32 v47, $0x2  }
0x6c: {  	vm0 =	veq.s32 v47, $0x2;
	v49 =	vnsel vm15, $0x0, v49;
	vm15 =	veq.s32 v47, $0x1  }
0x6d: {  	v51 =	vld [tilespmem:$0x1500];
	vm1 =	veq.s32 v47, $0x3;
	v48 =	vadd.s32 v50, v48;
	v50 =	vand.u32 $0x7, v50  }
0x6e: {  	v58 =	vshll.u32 v42, v52;
	v49 =	vadd.s32 v49, v48;
	v48 =	vand.u32 $0x3F, v48  }
0x6f: {  	v47 =	vxor.u32 $0xFFFFFFFF, v58;
	v59 =	vand.u32 $0x1FF, v49  }
0x70: {  	[tilespmem:$0x1400] =	vst v47  }
0x71: {  	[tilespmem:$0x1380] =	vst v49  }
0x72: {  	[tilespmem:v50+s20+$0x0] =	vst.idx.msk vm15, v51  }
0x73: {  	[tilespmem:v48+s21+$0x0] =	vst.idx.msk vm0, v51  }
0x74: {  	[tilespmem:v59+s22+$0x0] =	vst.idx.msk vm1, v51  }
0x75: {  	v60 =	vld [tilespmem:$0x1490]  }
0x76: {  	v48 =	vld.idx.msk [tilespmem:v44+s16+$0x0], $0xffff  }
0x77: {  	v49 =	vld.idx.msk [tilespmem:v45+s16+$0x0], $0xffff;
	_ =	sdelay $0x1  }
0x78: {  	v50 =	vld.idx.msk [tilespmem:v43+s16+$0x0], $0xffff;
	_ =	sdelay $0x1  }
0x79: {  	vm0 =	vgt.s32 v60, $0x1;
	v48 =	vshll.u32 v48, $0x3  }
0x7a: {  	v49 =	vshll.u32 v49, $0x6;
	v48 =	vnsel vm0, $0x0, v48;
	vm0 =	vgt.s32 v60, $0x2  }
0x7b: {  	v61 =	vmul.u32 $0x3, v60;
	v49 =	vnsel vm0, $0x0, v49;
	vm0 =	veq.s32 v60, $0x1  }
0x7c: {  	v51 =	vld [tilespmem:$0x1510];
	vm1 =	veq.s32 v60, $0x2;
	v48 =	vadd.s32 v50, v48;
	v50 =	vand.u32 $0x7, v50  }
0x7d: {  	vm15 =	veq.s32 v60, $0x3;
	v49 =	vadd.s32 v49, v48;
	v48 =	vand.u32 $0x3F, v48  }
0x7e: {  	v62 =	vshll.u32 v42, v61;
	v63 =	vand.u32 $0x1FF, v49  }
.Ltmp0:
0x7f: {  	v47 =	vxor.u32 $0xFFFFFFFF, v62;
	[tilespmem:$0x1390] =	vst v49;
	(pc) =	sbr.rel @p0 .LBB2_7-.Ltmp0, $4  }
0x80: {  	[tilespmem:$0x1410] =	vst v47  }
0x81: {  	[tilespmem:v50+s20+$0x0] =	vst.idx.msk vm0, v51  }
0x82: {  	[tilespmem:v48+s21+$0x0] =	vst.idx.msk vm1, v51  }
0x83: {  	s0 =	simm.s32 $0x0;
	[tilespmem:v63+s22+$0x0] =	vst.idx.msk vm15, v51  }
.Ltmp1:
0x84: {  	(pc) =	sbr.rel @p1 .LBB2_12-.Ltmp1, $2  }
0x85: {  	_ =	sdelay $0x2  }
0x86: {  	s0 =	smov.u32 s30  }
.LBB2_3:
0x87: {  	v47 =	vor.u32 s0, v0;
	_ =	sdelay $0x1  }
0x88: {  	v48 =	vadd.s32 s0, v4  }
0x89: {  	vm0 =	vgt.s32 v48, $0x0  }
0x8a: {  	v48 =	vnsel vm0, $0x0, v48  }
0x8b: {  	v49 =	vld.idx.msk [tilespmem:v47+s6+$0x0], $0xffff;
	_ =	sdelay $0x1  }
0x8c: {  	v50 =	vadd.s32 $0xFFFFFFFE, v0  }
0x8d: {  	v50 =	vadd.s32 s0, v50  }
0x8e: {  	vm0 =	vgt.s32 v50, $0x0;
	v48 =	vld.idx.msk [tilespmem:v48+s6+$0x0], $0xffff  }
0x8f: {  	v50 =	vnsel vm0, $0x0, v50;
	_ =	sdelay $0x2  }
0x90: {  	v52 =	vshll.u32 v49, $0x3;
	v51 =	vld.idx.msk [tilespmem:v49+s20+$0x0], $0xffff  }
0x91: {  	v52 =	vadd.s32 v48, v52  }
0x92: {  	v50 =	vld.idx.msk [tilespmem:v50+s6+$0x0], $0xffff;
	_ =	sdelay $0x2  }
0x93: {  	[tilespmem:v47+s23+$0x0] =	vst.idx.msk $0xffff, v51  }
0x94: {  	v48 =	vshll.u32 v48, $0x3;
	v51 =	vld.idx.msk [tilespmem:v52+s21+$0x0], $0xffff  }
0x95: {  	v48 =	vadd.s32 v50, v48;
	v49 =	vshll.u32 v49, $0x6  }
0x96: {  	v48 =	vadd.s32 v49, v48  }
0x97: {  	v63 =	vmov s0  }
0x98: {  	vm0 =	veq.s32 v63, v0  }
0x99: {  	v49 =	vsel vm0, $0xFF800000, v51  }
0x9a: {  	[tilespmem:v47+s24+$0x0] =	vst.idx.msk $0xffff, v49  }
0x9b: {  	v48 =	vld.idx.msk [tilespmem:v48+s22+$0x0], $0xffff  }
0x9c: {  	p2 =	sne.s32 s0, $0xFF0  }
.Ltmp2:
0x9d: {  	_ = 	snop;
	(pc) =	sbr.rel @p2 .LBB2_3-.Ltmp2, $4  }
0x9e: {  	_ = 	snop  }
0x9f: {  	vm0 =	vgt.u32 v47, $0x1  }
0xa0: {  	v48 =	vnsel vm0, $0xFF800000, v48  }
0xa1: {  	s0 =	sadd.s32 $0x10, s0;
	[tilespmem:v47+s25+$0x0] =	vst.idx.msk $0xffff, v48  }
0xa2: {  	s13 =	smov.u32 s12  }
0xa3: {  	s12 =	smov.u32 s11;
	s11 =	smov.u32 s30;
	s30 =	smov.u32 s10  }
0xa4: {  	s10 =	smov.u32 s9;
	s9 =	smov.u32 s8;
	s8 =	smov.u32 s7  }
0xa5: {  	s7 =	smov.u32 s14;
	s14 =	smov.u32 s2;
	v60 =	vimm.f32 $-Inf;
	v49 =	vimm.f32 $0.0e+00;
	s0 =	simm.s32 $0xF;
	v61 =	vimm.f32 $-Inf  }
.LBB2_5:
0xa6: {  	s1 =	sadd.s32 $0xFFFFFFF1, s0  }
0xa7: {  	v47 =	vmov s1;
	_ =	sdelay $0x4  }
0xa8: {  	v48 =	vld.idx.msk [tilespmem:v47+s24+$0x0], $0xffff  }
0xa9: {  	v50 =	vld.idx.msk [tilespmem:v47+s25+$0x0], $0xffff  }
0xaa: {  	v47 =	vld.idx.msk [tilespmem:v47+s23+$0x0], $0xffff;
	_ =	sdelay $0x3  }
0xab: {  	v48 =	vadd.f32 v48, v61;
	v50 =	vadd.f32 v50, v60  }
0xac: {  	v47 =	vadd.f32 v47, v49  }
0xad: {  	v51 =	vmax.f32 v48, v50  }
0xae: {  	v51 =	vmax.f32 v47, v51  }
0xaf: {  	v47 =	vsub.f32 v47, v51;
	v48 =	vsub.f32 v48, v51;
	_ =	sdelay $0x1  }
0xb0: {  	v50 =	vsub.f32 v50, v51;
	v47 =	vmul.f32 $1.442695020e+00, v47;
	v48 =	vmax.f32 v48, $-8.700000000e+01  }
0xb1: {  	v48 =	vmul.f32 $1.442695020e+00, v48  }
0xb2: {  	v58 =	vmax.f32 v50, $-8.700000000e+01;
	(erf) = vpow2.f32 v47  }
0xb3: {  	v47 =	vmul.f32 $1.442695020e+00, v58;
	(erf) = vpow2.f32 v48;
	_ =	sdelay $0x1  }
0xb4: {  	(erf) = vpow2.f32 v47;
	_ =	sdelay $0x5  }
0xb5: {  	v59 =	vpop (erf)  }
0xb6: {  	v48 =	vpop (erf)  }
0xb7: {  	v47 =	vadd.f32 v48, v59  }
0xb8: {  	v60 =	vpop (erf)  }
0xb9: {  	v47 =	vadd.f32 v47, v60;
	_ =	sdelay $0x1  }
0xba: {  	v48 =	vadd.s32 $0xC1800000, v47  }
0xbb: {  	v48 =	vshrl.u32 v48, $0x10  }
0xbc: {  	v62 =	vadd.s32 $0x100, v48  }
0xbd: {  	v52 =	vand.u32 $0x7F, v48;
	v53 =	vadd.s32 $0x200, v48;
	v50 =	vand.u32 $0x1FF80, v62  }
0xbe: {  	v53 =	vand.u32 $0x1FF80, v53;
	v50 =	vor.u32 v52, v50  }
0xbf: {  	v52 =	vor.u32 v52, v53;
	_ =	sdelay $0x1  }
0xc0: {  	s2 =	sadd.s32 $0xFFFFFFF2, s0  }
0xc1: {  	v63 =	vmov s2  }
0xc2: {  	v53 =	vand.u32 $0xFFFFFFF1, v63;
	v50 =	vld.idx.msk [tilespmem:v50+s19+$0x0], $0xffff  }
0xc3: {  	v53 =	vbroadcast v53, $0x0;
	v52 =	vld.idx.msk [tilespmem:v52+s19+$0x0], $0xffff  }
0xc4: {  	v54 =	vand.u32 $0xFFFF0000, v47  }
0xc5: {  	v54 =	vor.u32 $0x8000, v54;
	v48 =	vld.idx.msk [tilespmem:v48+s19+$0x0], $0xffff  }
0xc6: {  	v47 =	vsub.f32 v47, v54;
	_ =	sdelay $0x1  }
0xc7: {  	v52 =	vmul.f32 v47, v52;
	v50 =	vmul.f32 v47, v50  }
0xc8: {  	v38 =	vld.idx.msk [tilespmem:v53+s24+$0x0], $0xffff  }
0xc9: {  	v56 =	vld.idx.msk [tilespmem:v53+s25+$0x0], $0xffff;
	v47 =	vmul.f32 v52, v47;
	v48 =	vadd.f32 v50, v48  }
0xca: {  	v57 =	vld.idx.msk [tilespmem:v53+s23+$0x0], $0xffff  }
0xcb: {  	v47 =	vadd.f32 v48, v47;
	_ =	sdelay $0x1  }
0xcc: {  	v47 =	vadd.f32 v47, v51  }
0xcd: {  	v58 =	vadd.f32 v38, v49;
	v50 =	vadd.f32 v56, v61  }
0xce: {  	v51 =	vadd.f32 v47, v57  }
0xcf: {  	v59 =	vmax.f32 v58, v50  }
0xd0: {  	v52 =	vmax.f32 v51, v59  }
0xd1: {  	v51 =	vsub.f32 v51, v52;
	v48 =	vsub.f32 v58, v52;
	_ =	sdelay $0x1  }
0xd2: {  	v50 =	vsub.f32 v50, v52;
	v51 =	vmul.f32 $1.442695020e+00, v51;
	v48 =	vmax.f32 v48, $-8.700000000e+01  }
0xd3: {  	v48 =	vmul.f32 $1.442695020e+00, v48  }
0xd4: {  	v50 =	vmax.f32 v50, $-8.700000000e+01;
	(erf) = vpow2.f32 v51  }
0xd5: {  	v60 =	vmul.f32 $1.442695020e+00, v50;
	(erf) = vpow2.f32 v48;
	_ =	sdelay $0x1  }
0xd6: {  	(erf) = vpow2.f32 v60;
	_ =	sdelay $0x5  }
0xd7: {  	v61 =	vpop (erf)  }
0xd8: {  	v62 =	vpop (erf)  }
0xd9: {  	v48 =	vadd.f32 v62, v61  }
0xda: {  	v63 =	vpop (erf)  }
0xdb: {  	v48 =	vadd.f32 v48, v63;
	_ =	sdelay $0x1  }
0xdc: {  	v50 =	vadd.s32 $0xC1800000, v48  }
0xdd: {  	v50 =	vshrl.u32 v50, $0x10  }
0xde: {  	v38 =	vadd.s32 $0x100, v50  }
0xdf: {  	v46 =	vand.u32 $0x7F, v50;
	v57 =	vadd.s32 $0x200, v50;
	v51 =	vand.u32 $0x1FF80, v38  }
0xe0: {  	v54 =	vand.u32 $0x1FF80, v57;
	v51 =	vor.u32 v46, v51  }
0xe1: {  	v53 =	vor.u32 v46, v54;
	_ =	sdelay $0x1  }
0xe2: {  	s2 =	sadd.s32 $0xFFFFFFF3, s0  }
0xe3: {  	v58 =	vmov s2  }
0xe4: {  	v54 =	vand.u32 $0xFFFFFFF2, v58;
	v51 =	vld.idx.msk [tilespmem:v51+s19+$0x0], $0xffff  }
0xe5: {  	v54 =	vbroadcast v54, $0x0;
	v53 =	vld.idx.msk [tilespmem:v53+s19+$0x0], $0xffff  }
0xe6: {  	v55 =	vand.u32 $0xFFFF0000, v48  }
0xe7: {  	v55 =	vor.u32 $0x8000, v55;
	v50 =	vld.idx.msk [tilespmem:v50+s19+$0x0], $0xffff  }
0xe8: {  	v48 =	vsub.f32 v48, v55;
	_ =	sdelay $0x1  }
0xe9: {  	v53 =	vmul.f32 v48, v53;
	v51 =	vmul.f32 v48, v51  }
0xea: {  	v59 =	vld.idx.msk [tilespmem:v54+s24+$0x0], $0xffff  }
0xeb: {  	v60 =	vld.idx.msk [tilespmem:v54+s25+$0x0], $0xffff;
	v48 =	vmul.f32 v53, v48;
	v50 =	vadd.f32 v51, v50  }
0xec: {  	v61 =	vld.idx.msk [tilespmem:v54+s23+$0x0], $0xffff  }
0xed: {  	v48 =	vadd.f32 v50, v48;
	_ =	sdelay $0x1  }
0xee: {  	v48 =	vadd.f32 v48, v52  }
0xef: {  	v62 =	vadd.f32 v47, v59;
	v63 =	vadd.f32 v60, v49  }
0xf0: {  	v38 =	vadd.f32 v48, v61  }
0xf1: {  	v46 =	vmax.f32 v62, v63  }
0xf2: {  	v52 =	vmax.f32 v38, v46  }
0xf3: {  	v51 =	vsub.f32 v38, v52;
	v50 =	vsub.f32 v62, v52;
	_ =	sdelay $0x1  }
0xf4: {  	v49 =	vsub.f32 v63, v52;
	v51 =	vmul.f32 $1.442695020e+00, v51;
	v50 =	vmax.f32 v50, $-8.700000000e+01  }
0xf5: {  	v50 =	vmul.f32 $1.442695020e+00, v50  }
0xf6: {  	v49 =	vmax.f32 v49, $-8.700000000e+01;
	(erf) = vpow2.f32 v51  }
0xf7: {  	v49 =	vmul.f32 $1.442695020e+00, v49;
	(erf) = vpow2.f32 v50;
	_ =	sdelay $0x1  }
0xf8: {  	(erf) = vpow2.f32 v49;
	_ =	sdelay $0x5  }
0xf9: {  	v54 =	vpop (erf)  }
0xfa: {  	v50 =	vpop (erf)  }
0xfb: {  	v49 =	vadd.f32 v50, v54  }
0xfc: {  	v55 =	vpop (erf)  }
0xfd: {  	v49 =	vadd.f32 v49, v55;
	_ =	sdelay $0x1  }
0xfe: {  	v50 =	vadd.s32 $0xC1800000, v49  }
0xff: {  	v50 =	vshrl.u32 v50, $0x10  }
0x100: {  	v56 =	vadd.s32 $0x100, v50  }
0x101: {  	v57 =	vand.u32 $0x7F, v50;
	v58 =	vadd.s32 $0x200, v50;
	v51 =	vand.u32 $0x1FF80, v56  }
0x102: {  	v54 =	vand.u32 $0x1FF80, v58;
	v51 =	vor.u32 v57, v51  }
0x103: {  	v53 =	vor.u32 v57, v54;
	_ =	sdelay $0x1  }
0x104: {  	s2 =	sadd.s32 $0xFFFFFFF4, s0  }
0x105: {  	v59 =	vmov s2  }
0x106: {  	v54 =	vand.u32 $0xFFFFFFF3, v59;
	v51 =	vld.idx.msk [tilespmem:v51+s19+$0x0], $0xffff  }
0x107: {  	v54 =	vbroadcast v54, $0x0;
	v53 =	vld.idx.msk [tilespmem:v53+s19+$0x0], $0xffff  }
0x108: {  	v60 =	vand.u32 $0xFFFF0000, v49  }
0x109: {  	v55 =	vor.u32 $0x8000, v60;
	v50 =	vld.idx.msk [tilespmem:v50+s19+$0x0], $0xffff  }
0x10a: {  	v49 =	vsub.f32 v49, v55;
	_ =	sdelay $0x1  }
0x10b: {  	v53 =	vmul.f32 v49, v53;
	v51 =	vmul.f32 v49, v51  }
0x10c: {  	v61 =	vld.idx.msk [tilespmem:v54+s24+$0x0], $0xffff  }
0x10d: {  	v62 =	vld.idx.msk [tilespmem:v54+s25+$0x0], $0xffff;
	v49 =	vmul.f32 v53, v49;
	v50 =	vadd.f32 v51, v50  }
0x10e: {  	v63 =	vld.idx.msk [tilespmem:v54+s23+$0x0], $0xffff  }
0x10f: {  	v49 =	vadd.f32 v50, v49;
	_ =	sdelay $0x1  }
0x110: {  	v49 =	vadd.f32 v49, v52  }
0x111: {  	v38 =	vadd.f32 v48, v61;
	v51 =	vadd.f32 v62, v47  }
0x112: {  	v52 =	vadd.f32 v49, v63  }
0x113: {  	v46 =	vmax.f32 v38, v51  }
0x114: {  	v53 =	vmax.f32 v52, v46  }
0x115: {  	v52 =	vsub.f32 v52, v53;
	v50 =	vsub.f32 v38, v53;
	_ =	sdelay $0x1  }
0x116: {  	v51 =	vsub.f32 v51, v53;
	v52 =	vmul.f32 $1.442695020e+00, v52;
	v50 =	vmax.f32 v50, $-8.700000000e+01  }
0x117: {  	v50 =	vmul.f32 $1.442695020e+00, v50  }
0x118: {  	v51 =	vmax.f32 v51, $-8.700000000e+01;
	(erf) = vpow2.f32 v52  }
0x119: {  	v52 =	vmul.f32 $1.442695020e+00, v51;
	(erf) = vpow2.f32 v50;
	_ =	sdelay $0x1  }
0x11a: {  	(erf) = vpow2.f32 v52;
	_ =	sdelay $0x5  }
0x11b: {  	v54 =	vpop (erf)  }
0x11c: {  	v55 =	vpop (erf)  }
0x11d: {  	v50 =	vadd.f32 v55, v54  }
0x11e: {  	v56 =	vpop (erf)  }
0x11f: {  	v50 =	vadd.f32 v50, v56;
	_ =	sdelay $0x1  }
0x120: {  	v51 =	vadd.s32 $0xC1800000, v50  }
0x121: {  	v51 =	vshrl.u32 v51, $0x10  }
0x122: {  	v57 =	vadd.s32 $0x100, v51  }
0x123: {  	v58 =	vand.u32 $0x7F, v51;
	v59 =	vadd.s32 $0x200, v51;
	v52 =	vand.u32 $0x1FF80, v57  }
0x124: {  	v55 =	vand.u32 $0x1FF80, v59;
	v52 =	vor.u32 v58, v52  }
0x125: {  	v54 =	vor.u32 v58, v55;
	_ =	sdelay $0x1  }
0x126: {  	s2 =	sadd.s32 $0xFFFFFFF5, s0  }
0x127: {  	v60 =	vmov s2  }
0x128: {  	v55 =	vand.u32 $0xFFFFFFF4, v60;
	v52 =	vld.idx.msk [tilespmem:v52+s19+$0x0], $0xffff  }
0x129: {  	v55 =	vbroadcast v55, $0x0;
	v54 =	vld.idx.msk [tilespmem:v54+s19+$0x0], $0xffff  }
0x12a: {  	v56 =	vand.u32 $0xFFFF0000, v50  }
0x12b: {  	v56 =	vor.u32 $0x8000, v56;
	v51 =	vld.idx.msk [tilespmem:v51+s19+$0x0], $0xffff  }
0x12c: {  	v50 =	vsub.f32 v50, v56;
	_ =	sdelay $0x1  }
0x12d: {  	v54 =	vmul.f32 v50, v54;
	v52 =	vmul.f32 v50, v52  }
0x12e: {  	v61 =	vld.idx.msk [tilespmem:v55+s24+$0x0], $0xffff  }
0x12f: {  	v62 =	vld.idx.msk [tilespmem:v55+s25+$0x0], $0xffff;
	v50 =	vmul.f32 v54, v50;
	v51 =	vadd.f32 v52, v51  }
0x130: {  	v63 =	vld.idx.msk [tilespmem:v55+s23+$0x0], $0xffff  }
0x131: {  	v50 =	vadd.f32 v51, v50;
	_ =	sdelay $0x1  }
0x132: {  	v50 =	vadd.f32 v50, v53  }
0x133: {  	v38 =	vadd.f32 v49, v61;
	v52 =	vadd.f32 v48, v62  }
0x134: {  	v53 =	vadd.f32 v50, v63  }
0x135: {  	v46 =	vmax.f32 v38, v52  }
0x136: {  	v54 =	vmax.f32 v53, v46  }
0x137: {  	v53 =	vsub.f32 v53, v54;
	v51 =	vsub.f32 v38, v54;
	_ =	sdelay $0x1  }
0x138: {  	v52 =	vsub.f32 v52, v54;
	v53 =	vmul.f32 $1.442695020e+00, v53;
	v51 =	vmax.f32 v51, $-8.700000000e+01  }
0x139: {  	v51 =	vmul.f32 $1.442695020e+00, v51  }
0x13a: {  	v52 =	vmax.f32 v52, $-8.700000000e+01;
	(erf) = vpow2.f32 v53  }
0x13b: {  	v55 =	vmul.f32 $1.442695020e+00, v52;
	(erf) = vpow2.f32 v51;
	_ =	sdelay $0x1  }
0x13c: {  	(erf) = vpow2.f32 v55;
	_ =	sdelay $0x5  }
0x13d: {  	v56 =	vpop (erf)  }
0x13e: {  	v57 =	vpop (erf)  }
0x13f: {  	v51 =	vadd.f32 v57, v56  }
0x140: {  	v58 =	vpop (erf)  }
0x141: {  	v51 =	vadd.f32 v51, v58;
	_ =	sdelay $0x1  }
0x142: {  	v52 =	vadd.s32 $0xC1800000, v51  }
0x143: {  	v52 =	vshrl.u32 v52, $0x10  }
0x144: {  	v59 =	vadd.s32 $0x100, v52  }
0x145: {  	v60 =	vand.u32 $0x7F, v52;
	v61 =	vadd.s32 $0x200, v52;
	v53 =	vand.u32 $0x1FF80, v59  }
0x146: {  	v56 =	vand.u32 $0x1FF80, v61;
	v53 =	vor.u32 v60, v53  }
0x147: {  	v55 =	vor.u32 v60, v56;
	_ =	sdelay $0x1  }
0x148: {  	s2 =	sadd.s32 $0xFFFFFFF6, s0  }
0x149: {  	v62 =	vmov s2  }
0x14a: {  	v56 =	vand.u32 $0xFFFFFFF5, v62;
	v53 =	vld.idx.msk [tilespmem:v53+s19+$0x0], $0xffff  }
0x14b: {  	v56 =	vbroadcast v56, $0x0;
	v55 =	vld.idx.msk [tilespmem:v55+s19+$0x0], $0xffff  }
0x14c: {  	v57 =	vand.u32 $0xFFFF0000, v51  }
0x14d: {  	v57 =	vor.u32 $0x8000, v57;
	v52 =	vld.idx.msk [tilespmem:v52+s19+$0x0], $0xffff  }
0x14e: {  	v51 =	vsub.f32 v51, v57;
	_ =	sdelay $0x1  }
0x14f: {  	v55 =	vmul.f32 v51, v55;
	v53 =	vmul.f32 v51, v53  }
0x150: {  	v63 =	vld.idx.msk [tilespmem:v56+s24+$0x0], $0xffff  }
0x151: {  	v38 =	vld.idx.msk [tilespmem:v56+s25+$0x0], $0xffff;
	v51 =	vmul.f32 v55, v51;
	v52 =	vadd.f32 v53, v52  }
0x152: {  	v46 =	vld.idx.msk [tilespmem:v56+s23+$0x0], $0xffff  }
0x153: {  	v51 =	vadd.f32 v52, v51;
	_ =	sdelay $0x1  }
0x154: {  	v51 =	vadd.f32 v51, v54  }
0x155: {  	v57 =	vadd.f32 v50, v63;
	v53 =	vadd.f32 v49, v38  }
0x156: {  	v54 =	vadd.f32 v51, v46  }
0x157: {  	v58 =	vmax.f32 v57, v53  }
0x158: {  	v55 =	vmax.f32 v54, v58  }
0x159: {  	v54 =	vsub.f32 v54, v55;
	v52 =	vsub.f32 v57, v55;
	_ =	sdelay $0x1  }
0x15a: {  	v53 =	vsub.f32 v53, v55;
	v54 =	vmul.f32 $1.442695020e+00, v54;
	v52 =	vmax.f32 v52, $-8.700000000e+01  }
0x15b: {  	v52 =	vmul.f32 $1.442695020e+00, v52  }
0x15c: {  	v53 =	vmax.f32 v53, $-8.700000000e+01;
	(erf) = vpow2.f32 v54  }
0x15d: {  	v59 =	vmul.f32 $1.442695020e+00, v53;
	(erf) = vpow2.f32 v52;
	_ =	sdelay $0x1  }
0x15e: {  	(erf) = vpow2.f32 v59;
	_ =	sdelay $0x5  }
0x15f: {  	v60 =	vpop (erf)  }
0x160: {  	v61 =	vpop (erf)  }
0x161: {  	v52 =	vadd.f32 v61, v60  }
0x162: {  	v62 =	vpop (erf)  }
0x163: {  	v52 =	vadd.f32 v52, v62;
	_ =	sdelay $0x1  }
0x164: {  	v53 =	vadd.s32 $0xC1800000, v52  }
0x165: {  	v53 =	vshrl.u32 v53, $0x10  }
0x166: {  	v63 =	vadd.s32 $0x100, v53  }
0x167: {  	v38 =	vand.u32 $0x7F, v53;
	v46 =	vadd.s32 $0x200, v53;
	v54 =	vand.u32 $0x1FF80, v63  }
0x168: {  	v57 =	vand.u32 $0x1FF80, v46;
	v54 =	vor.u32 v38, v54  }
0x169: {  	v56 =	vor.u32 v38, v57;
	_ =	sdelay $0x1  }
0x16a: {  	s2 =	sadd.s32 $0xFFFFFFF7, s0  }
0x16b: {  	v60 =	vmov s2  }
0x16c: {  	v57 =	vand.u32 $0xFFFFFFF6, v60;
	v54 =	vld.idx.msk [tilespmem:v54+s19+$0x0], $0xffff  }
0x16d: {  	v57 =	vbroadcast v57, $0x0;
	v56 =	vld.idx.msk [tilespmem:v56+s19+$0x0], $0xffff  }
0x16e: {  	v58 =	vand.u32 $0xFFFF0000, v52  }
0x16f: {  	v58 =	vor.u32 $0x8000, v58;
	v53 =	vld.idx.msk [tilespmem:v53+s19+$0x0], $0xffff  }
0x170: {  	v52 =	vsub.f32 v52, v58;
	_ =	sdelay $0x1  }
0x171: {  	v56 =	vmul.f32 v52, v56;
	v54 =	vmul.f32 v52, v54  }
0x172: {  	v61 =	vld.idx.msk [tilespmem:v57+s24+$0x0], $0xffff  }
0x173: {  	v62 =	vld.idx.msk [tilespmem:v57+s25+$0x0], $0xffff;
	v52 =	vmul.f32 v56, v52;
	v53 =	vadd.f32 v54, v53  }
0x174: {  	v63 =	vld.idx.msk [tilespmem:v57+s23+$0x0], $0xffff  }
0x175: {  	v52 =	vadd.f32 v53, v52;
	_ =	sdelay $0x1  }
0x176: {  	v52 =	vadd.f32 v52, v55  }
0x177: {  	v38 =	vadd.f32 v51, v61;
	v54 =	vadd.f32 v50, v62  }
0x178: {  	v55 =	vadd.f32 v52, v63  }
0x179: {  	v46 =	vmax.f32 v38, v54  }
0x17a: {  	v56 =	vmax.f32 v55, v46  }
0x17b: {  	v55 =	vsub.f32 v55, v56;
	v53 =	vsub.f32 v38, v56;
	_ =	sdelay $0x1  }
0x17c: {  	v54 =	vsub.f32 v54, v56;
	v55 =	vmul.f32 $1.442695020e+00, v55;
	v53 =	vmax.f32 v53, $-8.700000000e+01  }
0x17d: {  	v53 =	vmul.f32 $1.442695020e+00, v53  }
0x17e: {  	v54 =	vmax.f32 v54, $-8.700000000e+01;
	(erf) = vpow2.f32 v55  }
0x17f: {  	v57 =	vmul.f32 $1.442695020e+00, v54;
	(erf) = vpow2.f32 v53;
	_ =	sdelay $0x1  }
0x180: {  	(erf) = vpow2.f32 v57;
	_ =	sdelay $0x5  }
0x181: {  	v58 =	vpop (erf)  }
0x182: {  	v59 =	vpop (erf)  }
0x183: {  	v53 =	vadd.f32 v59, v58  }
0x184: {  	v60 =	vpop (erf)  }
0x185: {  	v53 =	vadd.f32 v53, v60;
	_ =	sdelay $0x1  }
0x186: {  	v54 =	vadd.s32 $0xC1800000, v53  }
0x187: {  	v54 =	vshrl.u32 v54, $0x10  }
0x188: {  	v61 =	vadd.s32 $0x100, v54  }
0x189: {  	v62 =	vand.u32 $0x7F, v54;
	v63 =	vadd.s32 $0x200, v54;
	v55 =	vand.u32 $0x1FF80, v61  }
0x18a: {  	v58 =	vand.u32 $0x1FF80, v63;
	v55 =	vor.u32 v62, v55  }
0x18b: {  	v57 =	vor.u32 v62, v58;
	_ =	sdelay $0x1  }
0x18c: {  	s2 =	sadd.s32 $0xFFFFFFF8, s0  }
0x18d: {  	v38 =	vmov s2  }
0x18e: {  	v58 =	vand.u32 $0xFFFFFFF7, v38;
	v55 =	vld.idx.msk [tilespmem:v55+s19+$0x0], $0xffff  }
0x18f: {  	v58 =	vbroadcast v58, $0x0;
	v57 =	vld.idx.msk [tilespmem:v57+s19+$0x0], $0xffff  }
0x190: {  	v59 =	vand.u32 $0xFFFF0000, v53  }
0x191: {  	v59 =	vor.u32 $0x8000, v59;
	v54 =	vld.idx.msk [tilespmem:v54+s19+$0x0], $0xffff  }
0x192: {  	v53 =	vsub.f32 v53, v59;
	_ =	sdelay $0x1  }
0x193: {  	v57 =	vmul.f32 v53, v57;
	v55 =	vmul.f32 v53, v55  }
0x194: {  	v46 =	vld.idx.msk [tilespmem:v58+s24+$0x0], $0xffff  }
0x195: {  	v60 =	vld.idx.msk [tilespmem:v58+s25+$0x0], $0xffff;
	v53 =	vmul.f32 v57, v53;
	v54 =	vadd.f32 v55, v54  }
0x196: {  	v61 =	vld.idx.msk [tilespmem:v58+s23+$0x0], $0xffff  }
0x197: {  	v53 =	vadd.f32 v54, v53;
	_ =	sdelay $0x1  }
0x198: {  	v53 =	vadd.f32 v53, v56  }
0x199: {  	v62 =	vadd.f32 v52, v46;
	v55 =	vadd.f32 v51, v60  }
0x19a: {  	v56 =	vadd.f32 v53, v61  }
0x19b: {  	v63 =	vmax.f32 v62, v55  }
0x19c: {  	v57 =	vmax.f32 v56, v63  }
0x19d: {  	v56 =	vsub.f32 v56, v57;
	v54 =	vsub.f32 v62, v57;
	_ =	sdelay $0x1  }
0x19e: {  	v55 =	vsub.f32 v55, v57;
	v56 =	vmul.f32 $1.442695020e+00, v56;
	v54 =	vmax.f32 v54, $-8.700000000e+01  }
0x19f: {  	v54 =	vmul.f32 $1.442695020e+00, v54  }
0x1a0: {  	v55 =	vmax.f32 v55, $-8.700000000e+01;
	(erf) = vpow2.f32 v56  }
0x1a1: {  	v38 =	vmul.f32 $1.442695020e+00, v55;
	(erf) = vpow2.f32 v54;
	_ =	sdelay $0x1  }
0x1a2: {  	(erf) = vpow2.f32 v38;
	_ =	sdelay $0x5  }
0x1a3: {  	v46 =	vpop (erf)  }
0x1a4: {  	v58 =	vpop (erf)  }
0x1a5: {  	v54 =	vadd.f32 v58, v46  }
0x1a6: {  	v59 =	vpop (erf)  }
0x1a7: {  	v54 =	vadd.f32 v54, v59;
	_ =	sdelay $0x1  }
0x1a8: {  	v55 =	vadd.s32 $0xC1800000, v54  }
0x1a9: {  	v55 =	vshrl.u32 v55, $0x10  }
0x1aa: {  	v60 =	vadd.s32 $0x100, v55  }
0x1ab: {  	v61 =	vand.u32 $0x7F, v55;
	v62 =	vadd.s32 $0x200, v55;
	v56 =	vand.u32 $0x1FF80, v60  }
0x1ac: {  	v59 =	vand.u32 $0x1FF80, v62;
	v56 =	vor.u32 v61, v56  }
0x1ad: {  	v58 =	vor.u32 v61, v59;
	_ =	sdelay $0x1  }
0x1ae: {  	s2 =	sadd.s32 $0xFFFFFFF9, s0  }
0x1af: {  	v63 =	vmov s2  }
0x1b0: {  	v59 =	vand.u32 $0xFFFFFFF8, v63;
	v56 =	vld.idx.msk [tilespmem:v56+s19+$0x0], $0xffff  }
0x1b1: {  	v59 =	vbroadcast v59, $0x0;
	v58 =	vld.idx.msk [tilespmem:v58+s19+$0x0], $0xffff  }
0x1b2: {  	v38 =	vand.u32 $0xFFFF0000, v54  }
0x1b3: {  	v60 =	vor.u32 $0x8000, v38;
	v55 =	vld.idx.msk [tilespmem:v55+s19+$0x0], $0xffff  }
0x1b4: {  	v54 =	vsub.f32 v54, v60;
	_ =	sdelay $0x1  }
0x1b5: {  	v58 =	vmul.f32 v54, v58;
	v56 =	vmul.f32 v54, v56  }
0x1b6: {  	v46 =	vld.idx.msk [tilespmem:v59+s24+$0x0], $0xffff  }
0x1b7: {  	v62 =	vld.idx.msk [tilespmem:v59+s25+$0x0], $0xffff;
	v54 =	vmul.f32 v58, v54;
	v55 =	vadd.f32 v56, v55  }
0x1b8: {  	v63 =	vld.idx.msk [tilespmem:v59+s23+$0x0], $0xffff  }
0x1b9: {  	v54 =	vadd.f32 v55, v54;
	_ =	sdelay $0x1  }
0x1ba: {  	v54 =	vadd.f32 v54, v57  }
0x1bb: {  	v38 =	vadd.f32 v53, v46;
	v56 =	vadd.f32 v52, v62  }
0x1bc: {  	v57 =	vadd.f32 v54, v63  }
0x1bd: {  	v46 =	vmax.f32 v38, v56  }
0x1be: {  	v58 =	vmax.f32 v57, v46  }
0x1bf: {  	v57 =	vsub.f32 v57, v58;
	v55 =	vsub.f32 v38, v58;
	_ =	sdelay $0x1  }
0x1c0: {  	v56 =	vsub.f32 v56, v58;
	v57 =	vmul.f32 $1.442695020e+00, v57;
	v55 =	vmax.f32 v55, $-8.700000000e+01  }
0x1c1: {  	v55 =	vmul.f32 $1.442695020e+00, v55  }
0x1c2: {  	v56 =	vmax.f32 v56, $-8.700000000e+01;
	(erf) = vpow2.f32 v57  }
0x1c3: {  	v60 =	vmul.f32 $1.442695020e+00, v56;
	(erf) = vpow2.f32 v55;
	_ =	sdelay $0x1  }
0x1c4: {  	(erf) = vpow2.f32 v60;
	_ =	sdelay $0x5  }
0x1c5: {  	v61 =	vpop (erf)  }
0x1c6: {  	v62 =	vpop (erf)  }
0x1c7: {  	v55 =	vadd.f32 v62, v61  }
0x1c8: {  	v63 =	vpop (erf)  }
0x1c9: {  	v55 =	vadd.f32 v55, v63;
	_ =	sdelay $0x1  }
0x1ca: {  	v56 =	vadd.s32 $0xC1800000, v55  }
0x1cb: {  	v56 =	vshrl.u32 v56, $0x10  }
0x1cc: {  	v38 =	vadd.s32 $0x100, v56  }
0x1cd: {  	v46 =	vand.u32 $0x7F, v56;
	v57 =	vand.u32 $0x1FF80, v38;
	v38 =	vadd.s32 $0x200, v56  }
0x1ce: {  	v57 =	vor.u32 v46, v57;
	v60 =	vand.u32 $0x1FF80, v38  }
0x1cf: {  	v59 =	vor.u32 v46, v60;
	_ =	sdelay $0x1  }
0x1d0: {  	s2 =	sadd.s32 $0xFFFFFFFA, s0  }
0x1d1: {  	v46 =	vmov s2  }
0x1d2: {  	v60 =	vand.u32 $0xFFFFFFF9, v46;
	v57 =	vld.idx.msk [tilespmem:v57+s19+$0x0], $0xffff  }
0x1d3: {  	v60 =	vbroadcast v60, $0x0;
	v59 =	vld.idx.msk [tilespmem:v59+s19+$0x0], $0xffff  }
0x1d4: {  	v38 =	vand.u32 $0xFFFF0000, v55  }
0x1d5: {  	v61 =	vor.u32 $0x8000, v38;
	v56 =	vld.idx.msk [tilespmem:v56+s19+$0x0], $0xffff  }
0x1d6: {  	v55 =	vsub.f32 v55, v61;
	_ =	sdelay $0x1  }
0x1d7: {  	v57 =	vmul.f32 v55, v57;
	v59 =	vmul.f32 v55, v59  }
0x1d8: {  	v46 =	vld.idx.msk [tilespmem:v60+s24+$0x0], $0xffff  }
0x1d9: {  	v63 =	vld.idx.msk [tilespmem:v60+s25+$0x0], $0xffff;
	v56 =	vadd.f32 v57, v56;
	v55 =	vmul.f32 v59, v55  }
0x1da: {  	v38 =	vld.idx.msk [tilespmem:v60+s23+$0x0], $0xffff  }
0x1db: {  	v55 =	vadd.f32 v56, v55;
	_ =	sdelay $0x1  }
0x1dc: {  	v55 =	vadd.f32 v55, v58  }
0x1dd: {  	v46 =	vadd.f32 v54, v46;
	v57 =	vadd.f32 v53, v63  }
0x1de: {  	v58 =	vadd.f32 v55, v38  }
0x1df: {  	v60 =	vmax.f32 v46, v57  }
0x1e0: {  	v59 =	vmax.f32 v58, v60  }
0x1e1: {  	v58 =	vsub.f32 v58, v59;
	v56 =	vsub.f32 v46, v59;
	_ =	sdelay $0x1  }
0x1e2: {  	v57 =	vsub.f32 v57, v59;
	v58 =	vmul.f32 $1.442695020e+00, v58;
	v56 =	vmax.f32 v56, $-8.700000000e+01  }
0x1e3: {  	v56 =	vmul.f32 $1.442695020e+00, v56  }
0x1e4: {  	v57 =	vmax.f32 v57, $-8.700000000e+01;
	(erf) = vpow2.f32 v58  }
0x1e5: {  	v61 =	vmul.f32 $1.442695020e+00, v57;
	(erf) = vpow2.f32 v56;
	_ =	sdelay $0x1  }
0x1e6: {  	(erf) = vpow2.f32 v61;
	_ =	sdelay $0x5  }
0x1e7: {  	v62 =	vpop (erf)  }
0x1e8: {  	v63 =	vpop (erf)  }
0x1e9: {  	v56 =	vadd.f32 v63, v62  }
0x1ea: {  	v38 =	vpop (erf)  }
0x1eb: {  	v56 =	vadd.f32 v56, v38;
	_ =	sdelay $0x1  }
0x1ec: {  	v57 =	vadd.s32 $0xC1800000, v56  }
0x1ed: {  	v57 =	vshrl.u32 v57, $0x10  }
0x1ee: {  	v46 =	vadd.s32 $0x100, v57  }
0x1ef: {  	v38 =	vand.u32 $0x7F, v57;
	v58 =	vand.u32 $0x1FF80, v46;
	v46 =	vadd.s32 $0x200, v57  }
0x1f0: {  	v58 =	vor.u32 v38, v58;
	v61 =	vand.u32 $0x1FF80, v46  }
0x1f1: {  	v60 =	vor.u32 v38, v61;
	_ =	sdelay $0x1  }
0x1f2: {  	s2 =	sadd.s32 $0xFFFFFFFB, s0  }
0x1f3: {  	v38 =	vmov s2  }
0x1f4: {  	v61 =	vand.u32 $0xFFFFFFFA, v38;
	v58 =	vld.idx.msk [tilespmem:v58+s19+$0x0], $0xffff  }
0x1f5: {  	v61 =	vbroadcast v61, $0x0;
	v60 =	vld.idx.msk [tilespmem:v60+s19+$0x0], $0xffff  }
0x1f6: {  	v62 =	vand.u32 $0xFFFF0000, v56  }
0x1f7: {  	v62 =	vor.u32 $0x8000, v62;
	v57 =	vld.idx.msk [tilespmem:v57+s19+$0x0], $0xffff  }
0x1f8: {  	v56 =	vsub.f32 v56, v62;
	_ =	sdelay $0x1  }
0x1f9: {  	v58 =	vmul.f32 v56, v58;
	v60 =	vmul.f32 v56, v60  }
0x1fa: {  	v46 =	vld.idx.msk [tilespmem:v61+s24+$0x0], $0xffff  }
0x1fb: {  	v57 =	vadd.f32 v58, v57;
	v58 =	vld.idx.msk [tilespmem:v61+s25+$0x0], $0xffff;
	v56 =	vmul.f32 v60, v56  }
0x1fc: {  	v38 =	vld.idx.msk [tilespmem:v61+s23+$0x0], $0xffff  }
0x1fd: {  	v56 =	vadd.f32 v57, v56;
	_ =	sdelay $0x1  }
0x1fe: {  	v56 =	vadd.f32 v56, v59  }
0x1ff: {  	v46 =	vadd.f32 v55, v46;
	v58 =	vadd.f32 v54, v58  }
0x200: {  	v59 =	vadd.f32 v56, v38  }
0x201: {  	v38 =	vmax.f32 v46, v58  }
0x202: {  	v60 =	vmax.f32 v59, v38  }
0x203: {  	v59 =	vsub.f32 v59, v60;
	v57 =	vsub.f32 v46, v60;
	_ =	sdelay $0x1  }
0x204: {  	v58 =	vsub.f32 v58, v60;
	v59 =	vmul.f32 $1.442695020e+00, v59;
	v57 =	vmax.f32 v57, $-8.700000000e+01  }
0x205: {  	v57 =	vmul.f32 $1.442695020e+00, v57  }
0x206: {  	v58 =	vmax.f32 v58, $-8.700000000e+01;
	(erf) = vpow2.f32 v59  }
0x207: {  	v46 =	vmul.f32 $1.442695020e+00, v58;
	(erf) = vpow2.f32 v57;
	_ =	sdelay $0x1  }
0x208: {  	(erf) = vpow2.f32 v46;
	_ =	sdelay $0x5  }
0x209: {  	v61 =	vpop (erf)  }
0x20a: {  	v62 =	vpop (erf)  }
0x20b: {  	v57 =	vadd.f32 v62, v61  }
0x20c: {  	v63 =	vpop (erf)  }
0x20d: {  	v57 =	vadd.f32 v57, v63;
	_ =	sdelay $0x1  }
0x20e: {  	v58 =	vadd.s32 $0xC1800000, v57  }
0x20f: {  	v58 =	vshrl.u32 v58, $0x10  }
0x210: {  	v38 =	vadd.s32 $0x100, v58  }
0x211: {  	v46 =	vand.u32 $0x7F, v58;
	v59 =	vand.u32 $0x1FF80, v38;
	v38 =	vadd.s32 $0x200, v58  }
0x212: {  	v59 =	vor.u32 v46, v59;
	v62 =	vand.u32 $0x1FF80, v38  }
0x213: {  	v61 =	vor.u32 v46, v62;
	_ =	sdelay $0x1  }
0x214: {  	s2 =	sadd.s32 $0xFFFFFFFC, s0  }
0x215: {  	v46 =	vmov s2  }
0x216: {  	v62 =	vand.u32 $0xFFFFFFFB, v46;
	v59 =	vld.idx.msk [tilespmem:v59+s19+$0x0], $0xffff  }
0x217: {  	v62 =	vbroadcast v62, $0x0;
	v61 =	vld.idx.msk [tilespmem:v61+s19+$0x0], $0xffff  }
0x218: {  	v63 =	vand.u32 $0xFFFF0000, v57  }
0x219: {  	v63 =	vor.u32 $0x8000, v63;
	v58 =	vld.idx.msk [tilespmem:v58+s19+$0x0], $0xffff  }
0x21a: {  	v57 =	vsub.f32 v57, v63;
	_ =	sdelay $0x1  }
0x21b: {  	v59 =	vmul.f32 v57, v59;
	v61 =	vmul.f32 v57, v61  }
0x21c: {  	v38 =	vld.idx.msk [tilespmem:v62+s24+$0x0], $0xffff  }
0x21d: {  	v58 =	vadd.f32 v59, v58;
	v59 =	vld.idx.msk [tilespmem:v62+s25+$0x0], $0xffff;
	v57 =	vmul.f32 v61, v57  }
0x21e: {  	v46 =	vld.idx.msk [tilespmem:v62+s23+$0x0], $0xffff  }
0x21f: {  	v57 =	vadd.f32 v58, v57;
	_ =	sdelay $0x1  }
0x220: {  	v57 =	vadd.f32 v57, v60  }
0x221: {  	v38 =	vadd.f32 v56, v38;
	v59 =	vadd.f32 v55, v59  }
0x222: {  	v60 =	vadd.f32 v57, v46  }
0x223: {  	v46 =	vmax.f32 v38, v59  }
0x224: {  	v61 =	vmax.f32 v60, v46  }
0x225: {  	v60 =	vsub.f32 v60, v61;
	v58 =	vsub.f32 v38, v61;
	_ =	sdelay $0x1  }
0x226: {  	v59 =	vsub.f32 v59, v61;
	v60 =	vmul.f32 $1.442695020e+00, v60;
	v58 =	vmax.f32 v58, $-8.700000000e+01  }
0x227: {  	v58 =	vmul.f32 $1.442695020e+00, v58  }
0x228: {  	v59 =	vmax.f32 v59, $-8.700000000e+01;
	(erf) = vpow2.f32 v60  }
0x229: {  	v60 =	vmul.f32 $1.442695020e+00, v59;
	(erf) = vpow2.f32 v58;
	_ =	sdelay $0x1  }
0x22a: {  	(erf) = vpow2.f32 v60;
	_ =	sdelay $0x5  }
0x22b: {  	v62 =	vpop (erf)  }
0x22c: {  	v63 =	vpop (erf)  }
0x22d: {  	v58 =	vadd.f32 v63, v62  }
0x22e: {  	v38 =	vpop (erf)  }
0x22f: {  	v58 =	vadd.f32 v58, v38;
	_ =	sdelay $0x1  }
0x230: {  	v59 =	vadd.s32 $0xC1800000, v58  }
0x231: {  	v59 =	vshrl.u32 v59, $0x10  }
0x232: {  	v46 =	vadd.s32 $0x100, v59  }
0x233: {  	v38 =	vand.u32 $0x7F, v59;
	v60 =	vand.u32 $0x1FF80, v46;
	v46 =	vadd.s32 $0x200, v59  }
0x234: {  	v60 =	vor.u32 v38, v60;
	v63 =	vand.u32 $0x1FF80, v46  }
0x235: {  	v62 =	vor.u32 v38, v63;
	_ =	sdelay $0x1  }
0x236: {  	s2 =	sadd.s32 $0xFFFFFFFD, s0  }
0x237: {  	v38 =	vmov s2  }
0x238: {  	v63 =	vand.u32 $0xFFFFFFFC, v38;
	v60 =	vld.idx.msk [tilespmem:v60+s19+$0x0], $0xffff  }
0x239: {  	v63 =	vbroadcast v63, $0x0;
	v62 =	vld.idx.msk [tilespmem:v62+s19+$0x0], $0xffff  }
0x23a: {  	v38 =	vand.u32 $0xFFFF0000, v58  }
0x23b: {  	v59 =	vld.idx.msk [tilespmem:v59+s19+$0x0], $0xffff;
	v38 =	vor.u32 $0x8000, v38  }
0x23c: {  	v38 =	vsub.f32 v58, v38;
	_ =	sdelay $0x1  }
0x23d: {  	v60 =	vmul.f32 v38, v60;
	v58 =	vmul.f32 v38, v62  }
0x23e: {  	v62 =	vld.idx.msk [tilespmem:v63+s24+$0x0], $0xffff  }
0x23f: {  	v38 =	vmul.f32 v58, v38;
	v58 =	vadd.f32 v60, v59;
	v59 =	vld.idx.msk [tilespmem:v63+s25+$0x0], $0xffff  }
0x240: {  	v46 =	vld.idx.msk [tilespmem:v63+s23+$0x0], $0xffff  }
0x241: {  	v38 =	vadd.f32 v58, v38;
	_ =	sdelay $0x1  }
0x242: {  	v58 =	vadd.f32 v38, v61  }
0x243: {  	v38 =	vadd.f32 v57, v62;
	v59 =	vadd.f32 v56, v59  }
0x244: {  	v60 =	vadd.f32 v58, v46  }
0x245: {  	v46 =	vmax.f32 v38, v59  }
0x246: {  	v61 =	vmax.f32 v60, v46  }
0x247: {  	v60 =	vsub.f32 v60, v61;
	v38 =	vsub.f32 v38, v61;
	_ =	sdelay $0x1  }
0x248: {  	v59 =	vsub.f32 v59, v61;
	v60 =	vmul.f32 $1.442695020e+00, v60;
	v38 =	vmax.f32 v38, $-8.700000000e+01  }
0x249: {  	v38 =	vmul.f32 $1.442695020e+00, v38  }
0x24a: {  	v59 =	vmax.f32 v59, $-8.700000000e+01;
	(erf) = vpow2.f32 v60  }
0x24b: {  	v59 =	vmul.f32 $1.442695020e+00, v59;
	(erf) = vpow2.f32 v38;
	_ =	sdelay $0x1  }
0x24c: {  	(erf) = vpow2.f32 v59;
	_ =	sdelay $0x5  }
0x24d: {  	v60 =	vpop (erf)  }
0x24e: {  	v62 =	vpop (erf)  }
0x24f: {  	v38 =	vadd.f32 v62, v60  }
0x250: {  	v63 =	vpop (erf)  }
0x251: {  	v38 =	vadd.f32 v38, v63;
	_ =	sdelay $0x1  }
0x252: {  	v59 =	vadd.s32 $0xC1800000, v38  }
0x253: {  	v59 =	vshrl.u32 v59, $0x10  }
0x254: {  	v46 =	vadd.s32 $0x100, v59  }
0x255: {  	v62 =	vand.u32 $0x7F, v59;
	v60 =	vand.u32 $0x1FF80, v46;
	v46 =	vadd.s32 $0x200, v59  }
0x256: {  	v60 =	vor.u32 v62, v60;
	v63 =	vand.u32 $0x1FF80, v46  }
0x257: {  	v62 =	vor.u32 v62, v63;
	_ =	sdelay $0x1  }
0x258: {  	s2 =	sadd.s32 $0xFFFFFFFE, s0  }
0x259: {  	v46 =	vmov s2  }
0x25a: {  	v63 =	vand.u32 $0xFFFFFFFD, v46;
	v60 =	vld.idx.msk [tilespmem:v60+s19+$0x0], $0xffff  }
0x25b: {  	v63 =	vbroadcast v63, $0x0;
	v62 =	vld.idx.msk [tilespmem:v62+s19+$0x0], $0xffff  }
0x25c: {  	v46 =	vand.u32 $0xFFFF0000, v38  }
0x25d: {  	v46 =	vor.u32 $0x8000, v46;
	v59 =	vld.idx.msk [tilespmem:v59+s19+$0x0], $0xffff  }
0x25e: {  	v38 =	vsub.f32 v38, v46;
	_ =	sdelay $0x1  }
0x25f: {  	v60 =	vmul.f32 v38, v60;
	v46 =	vmul.f32 v38, v62  }
0x260: {  	v62 =	vld.idx.msk [tilespmem:v63+s24+$0x0], $0xffff  }
0x261: {  	v59 =	vadd.f32 v60, v59;
	v60 =	vld.idx.msk [tilespmem:v63+s25+$0x0], $0xffff;
	v38 =	vmul.f32 v46, v38  }
0x262: {  	v63 =	vld.idx.msk [tilespmem:v63+s23+$0x0], $0xffff  }
0x263: {  	v38 =	vadd.f32 v59, v38;
	_ =	sdelay $0x1  }
0x264: {  	v59 =	vadd.f32 v38, v61  }
0x265: {  	v38 =	vadd.f32 v58, v62;
	v46 =	vadd.f32 v57, v60  }
0x266: {  	v60 =	vadd.f32 v59, v63  }
0x267: {  	v61 =	vmax.f32 v38, v46  }
0x268: {  	v61 =	vmax.f32 v60, v61  }
0x269: {  	v60 =	vsub.f32 v60, v61;
	v38 =	vsub.f32 v38, v61;
	_ =	sdelay $0x1  }
0x26a: {  	v46 =	vsub.f32 v46, v61;
	v60 =	vmul.f32 $1.442695020e+00, v60;
	v38 =	vmax.f32 v38, $-8.700000000e+01  }
0x26b: {  	v38 =	vmul.f32 $1.442695020e+00, v38  }
0x26c: {  	v46 =	vmax.f32 v46, $-8.700000000e+01;
	(erf) = vpow2.f32 v60  }
0x26d: {  	v46 =	vmul.f32 $1.442695020e+00, v46;
	(erf) = vpow2.f32 v38;
	_ =	sdelay $0x1  }
0x26e: {  	(erf) = vpow2.f32 v46;
	_ =	sdelay $0x5  }
0x26f: {  	v60 =	vpop (erf)  }
0x270: {  	v62 =	vpop (erf)  }
0x271: {  	v38 =	vadd.f32 v62, v60  }
0x272: {  	v63 =	vpop (erf)  }
0x273: {  	v38 =	vadd.f32 v38, v63;
	_ =	sdelay $0x1  }
0x274: {  	v46 =	vadd.s32 $0xC1800000, v38  }
0x275: {  	v46 =	vshrl.u32 v46, $0x10  }
0x276: {  	v60 =	vadd.s32 $0x100, v46  }
0x277: {  	v62 =	vand.u32 $0x7F, v46;
	v63 =	vadd.s32 $0x200, v46;
	v60 =	vand.u32 $0x1FF80, v60  }
0x278: {  	v63 =	vand.u32 $0x1FF80, v63;
	v60 =	vor.u32 v62, v60  }
0x279: {  	v62 =	vor.u32 v62, v63;
	_ =	sdelay $0x1  }
0x27a: {  	s2 =	sadd.s32 $0xFFFFFFFF, s0  }
0x27b: {  	v63 =	vmov s2  }
0x27c: {  	v63 =	vand.u32 $0xFFFFFFFE, v63;
	v60 =	vld.idx.msk [tilespmem:v60+s19+$0x0], $0xffff  }
0x27d: {  	v63 =	vbroadcast v63, $0x0;
	v62 =	vld.idx.msk [tilespmem:v62+s19+$0x0], $0xffff  }
0x27e: {  	v5 =	vand.u32 $0xFFFF0000, v38  }
0x27f: {  	v5 =	vor.u32 $0x8000, v5;
	v46 =	vld.idx.msk [tilespmem:v46+s19+$0x0], $0xffff  }
0x280: {  	v5 =	vsub.f32 v38, v5;
	_ =	sdelay $0x1  }
0x281: {  	v38 =	vmul.f32 v5, v62;
	v60 =	vmul.f32 v5, v60  }
0x282: {  	v62 =	vld.idx.msk [tilespmem:v63+s24+$0x0], $0xffff  }
0x283: {  	v5 =	vmul.f32 v38, v5;
	v38 =	vadd.f32 v60, v46;
	v46 =	vld.idx.msk [tilespmem:v63+s25+$0x0], $0xffff  }
0x284: {  	v63 =	vld.idx.msk [tilespmem:v63+s23+$0x0], $0xffff  }
0x285: {  	v5 =	vadd.f32 v38, v5;
	_ =	sdelay $0x1  }
0x286: {  	v60 =	vadd.f32 v5, v61  }
0x287: {  	v5 =	vadd.f32 v59, v62;
	v38 =	vadd.f32 v58, v46  }
0x288: {  	v46 =	vadd.f32 v60, v63  }
0x289: {  	v61 =	vmax.f32 v5, v38  }
0x28a: {  	v61 =	vmax.f32 v46, v61  }
0x28b: {  	v46 =	vsub.f32 v46, v61;
	v5 =	vsub.f32 v5, v61;
	_ =	sdelay $0x1  }
0x28c: {  	v38 =	vsub.f32 v38, v61;
	v46 =	vmul.f32 $1.442695020e+00, v46;
	v5 =	vmax.f32 v5, $-8.700000000e+01  }
0x28d: {  	v5 =	vmul.f32 $1.442695020e+00, v5  }
0x28e: {  	v38 =	vmax.f32 v38, $-8.700000000e+01;
	(erf) = vpow2.f32 v46  }
0x28f: {  	(erf) = vpow2.f32 v5;
	v5 =	vmul.f32 $1.442695020e+00, v38;
	_ =	sdelay $0x1  }
0x290: {  	(erf) = vpow2.f32 v5;
	_ =	sdelay $0x5  }
0x291: {  	v5 =	vpop (erf)  }
0x292: {  	v46 =	vpop (erf)  }
0x293: {  	v5 =	vadd.f32 v46, v5  }
0x294: {  	v62 =	vpop (erf)  }
0x295: {  	v5 =	vadd.f32 v5, v62;
	_ =	sdelay $0x1  }
0x296: {  	v38 =	vadd.s32 $0xC1800000, v5  }
0x297: {  	v38 =	vshrl.u32 v38, $0x10  }
0x298: {  	v46 =	vadd.s32 $0x100, v38  }
0x299: {  	v62 =	vand.u32 $0x7F, v38;
	v63 =	vadd.s32 $0x200, v38;
	v46 =	vand.u32 $0x1FF80, v46  }
0x29a: {  	v63 =	vand.u32 $0x1FF80, v63;
	v46 =	vor.u32 v62, v46  }
0x29b: {  	v62 =	vor.u32 v62, v63;
	_ =	sdelay $0x3  }
0x29c: {  	v46 =	vld.idx.msk [tilespmem:v46+s19+$0x0], $0xffff  }
0x29d: {  	v62 =	vld.idx.msk [tilespmem:v62+s19+$0x0], $0xffff  }
0x29e: {  	v7 =	vmov s0;
	v63 =	vand.u32 $0xFFFF0000, v5  }
0x29f: {  	v63 =	vor.u32 $0x8000, v63;
	v38 =	vld.idx.msk [tilespmem:v38+s19+$0x0], $0xffff  }
0x2a0: {  	v5 =	vsub.f32 v5, v63;
	_ =	sdelay $0x1  }
0x2a1: {  	v62 =	vmul.f32 v5, v62;
	v46 =	vmul.f32 v5, v46  }
0x2a2: {  	v63 =	vld.idx.msk [tilespmem:v7+s24+$0x0], $0xffff  }
0x2a3: {  	v5 =	vmul.f32 v62, v5;
	v38 =	vadd.f32 v46, v38;
	v46 =	vld.idx.msk [tilespmem:v7+s25+$0x0], $0xffff  }
0x2a4: {  	v7 =	vld.idx.msk [tilespmem:v7+s23+$0x0], $0xffff  }
0x2a5: {  	v5 =	vadd.f32 v38, v5;
	_ =	sdelay $0x1  }
0x2a6: {  	v61 =	vadd.f32 v5, v61  }
0x2a7: {  	v5 =	vadd.f32 v60, v63;
	v63 =	vadd.f32 v59, v46  }
0x2a8: {  	v7 =	vadd.f32 v61, v7  }
0x2a9: {  	v46 =	vmax.f32 v5, v63  }
0x2aa: {  	v46 =	vmax.f32 v7, v46  }
0x2ab: {  	v7 =	vsub.f32 v7, v46;
	v5 =	vsub.f32 v5, v46;
	_ =	sdelay $0x1  }
0x2ac: {  	v38 =	vsub.f32 v63, v46;
	v7 =	vmul.f32 $1.442695020e+00, v7;
	v5 =	vmax.f32 v5, $-8.700000000e+01  }
0x2ad: {  	v5 =	vmul.f32 $1.442695020e+00, v5  }
0x2ae: {  	(erf) = vpow2.f32 v7;
	v7 =	vmax.f32 v38, $-8.700000000e+01  }
0x2af: {  	(erf) = vpow2.f32 v5;
	v5 =	vmul.f32 $1.442695020e+00, v7;
	_ =	sdelay $0x1  }
0x2b0: {  	(erf) = vpow2.f32 v5;
	_ =	sdelay $0x5  }
0x2b1: {  	v5 =	vpop (erf)  }
0x2b2: {  	v7 =	vpop (erf)  }
0x2b3: {  	v5 =	vadd.f32 v7, v5  }
0x2b4: {  	v7 =	vpop (erf)  }
0x2b5: {  	v5 =	vadd.f32 v5, v7;
	_ =	sdelay $0x1  }
0x2b6: {  	v7 =	vadd.s32 $0xC1800000, v5  }
0x2b7: {  	v7 =	vshrl.u32 v7, $0x10  }
0x2b8: {  	v38 =	vadd.s32 $0x100, v7  }
0x2b9: {  	v62 =	vand.u32 $0x7F, v7;
	v63 =	vadd.s32 $0x200, v7;
	v38 =	vand.u32 $0x1FF80, v38  }
0x2ba: {  	v63 =	vand.u32 $0x1FF80, v63;
	v38 =	vor.u32 v62, v38  }
0x2bb: {  	v62 =	vor.u32 v62, v63  }
0x2bc: {  	vm0 =	vmmov $0x3;
	v47 =	vsel vm14, v47, v48  }
0x2bd: {  	v47 =	vsel vm0, v47, v49;
	vm0 =	vmmov $0x7  }
0x2be: {  	v47 =	vsel vm0, v47, v50;
	vm0 =	vmmov $0xf  }
0x2bf: {  	v47 =	vsel vm0, v47, v51;
	vm0 =	vmmov $0x1f;
	v38 =	vld.idx.msk [tilespmem:v38+s19+$0x0], $0xffff  }
0x2c0: {  	v47 =	vsel vm0, v47, v52;
	vm0 =	vmmov $0x3f;
	v52 =	vld.idx.msk [tilespmem:v62+s19+$0x0], $0xffff  }
0x2c1: {  	v47 =	vsel vm0, v47, v53;
	vm0 =	vmmov $0x7f;
	v62 =	vand.u32 $0xFFFF0000, v5  }
0x2c2: {  	v47 =	vsel vm0, v47, v54;
	vm0 =	vmmov $0xff;
	v7 =	vld.idx.msk [tilespmem:v7+s19+$0x0], $0xffff;
	v49 =	vor.u32 $0x8000, v62  }
0x2c3: {  	v47 =	vsel vm0, v47, v55;
	vm0 =	vmmov $0x1ff;
	v5 =	vsub.f32 v5, v49  }
0x2c4: {  	v47 =	vsel vm0, v47, v56  }
0x2c5: {  	vm0 =	vmmov $0x3ff;
	v48 =	vmul.f32 v5, v52;
	v38 =	vmul.f32 v5, v38  }
0x2c6: {  	v47 =	vsel vm0, v47, v57  }
0x2c7: {  	vm0 =	vmmov $0x7ff;
	v5 =	vmul.f32 v48, v5;
	v7 =	vadd.f32 v38, v7  }
0x2c8: {  	v63 =	vsel vm0, v47, v58  }
0x2c9: {  	p2 =	seq.s32 s0, $0xFFF;
	vm0 =	vmmov $0xfff;
	v5 =	vadd.f32 v7, v5;
	v7 =	vor.u32 s1, v0  }
.Ltmp3:
0x2ca: {  	v38 =	vsel vm0, v63, v59;
	vm0 =	vmmov $0x1fff;
	(pc) =	sbr.rel @!p2 .LBB2_5-.Ltmp3, $4  }
0x2cb: {  	v38 =	vsel vm0, v38, v60;
	vm0 =	vmmov $0x3fff;
	v49 =	vadd.f32 v5, v46  }
0x2cc: {  	v5 =	vsel vm0, v38, v61;
	vm0 =	vmmov $0x7fff  }
0x2cd: {  	v5 =	vsel vm0, v5, v49  }
0x2ce: {  	s0 =	sadd.s32 $0x10, s0;
	[tilespmem:v7+s26+$0x0] =	vst.idx.msk $0xffff, v5  }
.Ltmp4:
0x2cf: {  	(pc) =	sbr.rel .LBB2_11-.Ltmp4, $4  }
0x2d0: {  	s0 =	rddreg [dreg:$0x5];
	s2 =	smov.u32 s14  }
0x2d1: {  	s14 =	smov.u32 s7;
	s7 =	smov.u32 s8;
	s8 =	smov.u32 s9  }
0x2d2: {  	s9 =	smov.u32 s10;
	s10 =	smov.u32 s30;
	s30 =	smov.u32 s11  }
0x2d3: {  	s11 =	smov.u32 s12;
	s12 =	smov.u32 s13;
	s13 =	rddreg [dreg:$0x9]  }
.LBB2_7:
0x2d4: {  	v5 =	vor.u32 s0, v0;
	_ =	sdelay $0x2  }
0x2d5: {  	v7 =	vadd.s32 s0, v3;
	_ =	sdelay $0x1  }
0x2d6: {  	v38 =	vld.idx.msk [tilespmem:v5+s6+$0x0], $0xffff;
	_ =	sdelay $0x2  }
0x2d7: {  	v7 =	vld.idx.msk [tilespmem:v7+s6+$0x0], $0xffff;
	_ =	sdelay $0x1  }
0x2d8: {  	v46 =	vadd.s32 s0, v6;
	_ =	sdelay $0x2  }
0x2d9: {  	v7 =	vshll.u32 v7, $0x3;
	v47 =	vld.idx.msk [tilespmem:v38+s20+$0x0], $0xffff  }
0x2da: {  	v7 =	vadd.s32 v38, v7  }
0x2db: {  	v61 =	vld.idx.msk [tilespmem:v46+s6+$0x0], $0xffff;
	_ =	sdelay $0x2  }
0x2dc: {  	[tilespmem:v5+s23+$0x0] =	vst.idx.msk $0xffff, v47  }
0x2dd: {  	v62 =	vld.idx.msk [tilespmem:v7+s21+$0x0], $0xffff  }
0x2de: {  	v38 =	vshll.u32 v61, $0x6  }
0x2df: {  	v7 =	vadd.s32 v38, v7;
	_ =	sdelay $0x1  }
0x2e0: {  	vm0 =	vlt.u32 v5, $0xFFF  }
0x2e1: {  	v63 =	vnsel vm0, $0xFF800000, v62  }
0x2e2: {  	[tilespmem:v5+s24+$0x0] =	vst.idx.msk $0xffff, v63  }
0x2e3: {  	v7 =	vld.idx.msk [tilespmem:v7+s22+$0x0], $0xffff  }
0x2e4: {  	p2 =	sne.s32 s0, $0xFF0  }
.Ltmp5:
0x2e5: {  	_ = 	snop;
	(pc) =	sbr.rel @p2 .LBB2_7-.Ltmp5, $4  }
0x2e6: {  	_ = 	snop  }
0x2e7: {  	vm0 =	vlt.u32 v5, $0xFFE  }
0x2e8: {  	v7 =	vnsel vm0, $0xFF800000, v7  }
0x2e9: {  	s0 =	sadd.s32 $0x10, s0;
	[tilespmem:v5+s25+$0x0] =	vst.idx.msk $0xffff, v7  }
0x2ea: {  	v60 =	vimm.f32 $-Inf;
	v49 =	vimm.f32 $0.0e+00  }
0x2eb: {  	s0 =	simm.s32 $0xFF0;
	v61 =	vimm.f32 $-Inf;
	vm0 =	vcmask $0x3F3C;
	vm1 =	vcmask $0x3F38  }
.LBB2_9:
0x2ec: {  	s1 =	sadd.s32 $0xF, s0  }
0x2ed: {  	v5 =	vmov s1;
	_ =	sdelay $0x4  }
0x2ee: {  	v7 =	vld.idx.msk [tilespmem:v5+s24+$0x0], $0xffff  }
0x2ef: {  	v38 =	vld.idx.msk [tilespmem:v5+s25+$0x0], $0xffff  }
0x2f0: {  	v5 =	vld.idx.msk [tilespmem:v5+s23+$0x0], $0xffff;
	_ =	sdelay $0x3  }
0x2f1: {  	v7 =	vadd.f32 v7, v61;
	v38 =	vadd.f32 v38, v60  }
0x2f2: {  	v5 =	vadd.f32 v5, v49  }
0x2f3: {  	v46 =	vmax.f32 v7, v38  }
0x2f4: {  	v46 =	vmax.f32 v5, v46  }
0x2f5: {  	v5 =	vsub.f32 v5, v46;
	v7 =	vsub.f32 v7, v46;
	_ =	sdelay $0x1  }
0x2f6: {  	v38 =	vsub.f32 v38, v46;
	v5 =	vmul.f32 $1.442695020e+00, v5;
	v7 =	vmax.f32 v7, $-8.700000000e+01  }
0x2f7: {  	v7 =	vmul.f32 $1.442695020e+00, v7  }
0x2f8: {  	(erf) = vpow2.f32 v5;
	v5 =	vmax.f32 v38, $-8.700000000e+01  }
0x2f9: {  	(erf) = vpow2.f32 v7;
	v5 =	vmul.f32 $1.442695020e+00, v5;
	_ =	sdelay $0x1  }
0x2fa: {  	(erf) = vpow2.f32 v5;
	_ =	sdelay $0x5  }
0x2fb: {  	v5 =	vpop (erf)  }
0x2fc: {  	v7 =	vpop (erf)  }
0x2fd: {  	v5 =	vadd.f32 v7, v5  }
0x2fe: {  	v7 =	vpop (erf)  }
0x2ff: {  	v5 =	vadd.f32 v5, v7;
	_ =	sdelay $0x1  }
0x300: {  	v7 =	vadd.s32 $0xC1800000, v5  }
0x301: {  	v7 =	vshrl.u32 v7, $0x10  }
0x302: {  	v59 =	vadd.s32 $0x100, v7  }
0x303: {  	v47 =	vand.u32 $0x7F, v7;
	v48 =	vadd.s32 $0x200, v7;
	v38 =	vand.u32 $0x1FF80, v59  }
0x304: {  	v48 =	vand.u32 $0x1FF80, v48;
	v38 =	vor.u32 v47, v38  }
0x305: {  	v47 =	vor.u32 v47, v48;
	_ =	sdelay $0x1  }
0x306: {  	s1 =	sadd.s32 $0xE, s0  }
0x307: {  	v60 =	vmov s1  }
0x308: {  	v48 =	vand.u32 $0xFFFFFFFE, v60;
	v38 =	vld.idx.msk [tilespmem:v38+s19+$0x0], $0xffff  }
0x309: {  	v48 =	vbroadcast v48, $0x0;
	v47 =	vld.idx.msk [tilespmem:v47+s19+$0x0], $0xffff  }
0x30a: {  	v50 =	vand.u32 $0xFFFF0000, v5  }
0x30b: {  	v50 =	vor.u32 $0x8000, v50;
	v7 =	vld.idx.msk [tilespmem:v7+s19+$0x0], $0xffff  }
0x30c: {  	v5 =	vsub.f32 v5, v50;
	_ =	sdelay $0x1  }
0x30d: {  	v47 =	vmul.f32 v5, v47;
	v38 =	vmul.f32 v5, v38  }
0x30e: {  	v62 =	vld.idx.msk [tilespmem:v48+s24+$0x0], $0xffff  }
0x30f: {  	v63 =	vld.idx.msk [tilespmem:v48+s25+$0x0], $0xffff;
	v5 =	vmul.f32 v47, v5;
	v7 =	vadd.f32 v38, v7  }
0x310: {  	v48 =	vld.idx.msk [tilespmem:v48+s23+$0x0], $0xffff  }
0x311: {  	v5 =	vadd.f32 v7, v5;
	_ =	sdelay $0x1  }
0x312: {  	v47 =	vadd.f32 v5, v46  }
0x313: {  	v7 =	vadd.f32 v63, v61;
	v5 =	vadd.f32 v62, v49  }
0x314: {  	v52 =	vadd.f32 v47, v48  }
0x315: {  	v53 =	vmax.f32 v5, v7  }
0x316: {  	v46 =	vmax.f32 v52, v53  }
0x317: {  	v38 =	vsub.f32 v52, v46;
	v5 =	vsub.f32 v5, v46;
	_ =	sdelay $0x1  }
0x318: {  	v7 =	vsub.f32 v7, v46;
	v38 =	vmul.f32 $1.442695020e+00, v38;
	v5 =	vmax.f32 v5, $-8.700000000e+01  }
0x319: {  	v5 =	vmul.f32 $1.442695020e+00, v5  }
0x31a: {  	v7 =	vmax.f32 v7, $-8.700000000e+01;
	(erf) = vpow2.f32 v38  }
0x31b: {  	(erf) = vpow2.f32 v5;
	v5 =	vmul.f32 $1.442695020e+00, v7;
	_ =	sdelay $0x1  }
0x31c: {  	(erf) = vpow2.f32 v5;
	_ =	sdelay $0x5  }
0x31d: {  	v5 =	vpop (erf)  }
0x31e: {  	v7 =	vpop (erf)  }
0x31f: {  	v5 =	vadd.f32 v7, v5  }
0x320: {  	v7 =	vpop (erf)  }
0x321: {  	v5 =	vadd.f32 v5, v7;
	_ =	sdelay $0x1  }
0x322: {  	v7 =	vadd.s32 $0xC1800000, v5  }
0x323: {  	v7 =	vshrl.u32 v7, $0x10  }
0x324: {  	v54 =	vadd.s32 $0x100, v7  }
0x325: {  	v55 =	vand.u32 $0x7F, v7;
	v56 =	vadd.s32 $0x200, v7;
	v38 =	vand.u32 $0x1FF80, v54  }
0x326: {  	v50 =	vand.u32 $0x1FF80, v56;
	v38 =	vor.u32 v55, v38  }
0x327: {  	v48 =	vor.u32 v55, v50;
	_ =	sdelay $0x1  }
0x328: {  	s1 =	sadd.s32 $0xD, s0  }
0x329: {  	v57 =	vmov s1  }
0x32a: {  	v50 =	vand.u32 $0xFFFFFFFD, v57;
	v38 =	vld.idx.msk [tilespmem:v38+s19+$0x0], $0xffff  }
0x32b: {  	v50 =	vbroadcast v50, $0x0;
	v48 =	vld.idx.msk [tilespmem:v48+s19+$0x0], $0xffff  }
0x32c: {  	v51 =	vand.u32 $0xFFFF0000, v5  }
0x32d: {  	v51 =	vor.u32 $0x8000, v51;
	v7 =	vld.idx.msk [tilespmem:v7+s19+$0x0], $0xffff  }
0x32e: {  	v5 =	vsub.f32 v5, v51;
	_ =	sdelay $0x1  }
0x32f: {  	v48 =	vmul.f32 v5, v48;
	v38 =	vmul.f32 v5, v38  }
0x330: {  	v58 =	vld.idx.msk [tilespmem:v50+s24+$0x0], $0xffff  }
0x331: {  	v59 =	vld.idx.msk [tilespmem:v50+s25+$0x0], $0xffff;
	v5 =	vmul.f32 v48, v5;
	v7 =	vadd.f32 v38, v7  }
0x332: {  	v50 =	vld.idx.msk [tilespmem:v50+s23+$0x0], $0xffff  }
0x333: {  	v5 =	vadd.f32 v7, v5;
	_ =	sdelay $0x1  }
0x334: {  	v48 =	vadd.f32 v5, v46  }
0x335: {  	v7 =	vadd.f32 v59, v49;
	v5 =	vadd.f32 v47, v58  }
0x336: {  	v60 =	vadd.f32 v48, v50  }
0x337: {  	v61 =	vmax.f32 v5, v7  }
0x338: {  	v46 =	vmax.f32 v60, v61  }
0x339: {  	v38 =	vsub.f32 v60, v46;
	v5 =	vsub.f32 v5, v46;
	_ =	sdelay $0x1  }
0x33a: {  	v7 =	vsub.f32 v7, v46;
	v38 =	vmul.f32 $1.442695020e+00, v38;
	v5 =	vmax.f32 v5, $-8.700000000e+01  }
0x33b: {  	v5 =	vmul.f32 $1.442695020e+00, v5  }
0x33c: {  	v7 =	vmax.f32 v7, $-8.700000000e+01;
	(erf) = vpow2.f32 v38  }
0x33d: {  	(erf) = vpow2.f32 v5;
	v5 =	vmul.f32 $1.442695020e+00, v7;
	_ =	sdelay $0x1  }
0x33e: {  	(erf) = vpow2.f32 v5;
	_ =	sdelay $0x5  }
0x33f: {  	v5 =	vpop (erf)  }
0x340: {  	v7 =	vpop (erf)  }
0x341: {  	v5 =	vadd.f32 v7, v5  }
0x342: {  	v7 =	vpop (erf)  }
0x343: {  	v5 =	vadd.f32 v5, v7;
	_ =	sdelay $0x1  }
0x344: {  	v7 =	vadd.s32 $0xC1800000, v5  }
0x345: {  	v7 =	vshrl.u32 v7, $0x10  }
0x346: {  	v62 =	vadd.s32 $0x100, v7  }
0x347: {  	v63 =	vand.u32 $0x7F, v7;
	v52 =	vadd.s32 $0x200, v7;
	v38 =	vand.u32 $0x1FF80, v62  }
0x348: {  	v50 =	vand.u32 $0x1FF80, v52;
	v38 =	vor.u32 v63, v38  }
0x349: {  	v49 =	vor.u32 v63, v50;
	_ =	sdelay $0x1  }
0x34a: {  	s1 =	sadd.s32 $0xC, s0  }
0x34b: {  	v53 =	vmov s1  }
0x34c: {  	v50 =	vand.u32 $0xFFFFFFFC, v53;
	v38 =	vld.idx.msk [tilespmem:v38+s19+$0x0], $0xffff  }
0x34d: {  	v50 =	vbroadcast v50, $0x0;
	v49 =	vld.idx.msk [tilespmem:v49+s19+$0x0], $0xffff  }
0x34e: {  	v54 =	vand.u32 $0xFFFF0000, v5  }
0x34f: {  	v51 =	vor.u32 $0x8000, v54;
	v7 =	vld.idx.msk [tilespmem:v7+s19+$0x0], $0xffff  }
0x350: {  	v5 =	vsub.f32 v5, v51;
	_ =	sdelay $0x1  }
0x351: {  	v49 =	vmul.f32 v5, v49;
	v38 =	vmul.f32 v5, v38  }
0x352: {  	v55 =	vld.idx.msk [tilespmem:v50+s24+$0x0], $0xffff  }
0x353: {  	v56 =	vld.idx.msk [tilespmem:v50+s25+$0x0], $0xffff;
	v5 =	vmul.f32 v49, v5;
	v7 =	vadd.f32 v38, v7  }
0x354: {  	v50 =	vld.idx.msk [tilespmem:v50+s23+$0x0], $0xffff  }
0x355: {  	v5 =	vadd.f32 v7, v5;
	_ =	sdelay $0x1  }
0x356: {  	v49 =	vadd.f32 v5, v46  }
0x357: {  	v7 =	vadd.f32 v47, v56;
	v5 =	vadd.f32 v48, v55  }
0x358: {  	v57 =	vadd.f32 v49, v50  }
0x359: {  	v58 =	vmax.f32 v5, v7  }
0x35a: {  	v46 =	vmax.f32 v57, v58  }
0x35b: {  	v38 =	vsub.f32 v57, v46;
	v5 =	vsub.f32 v5, v46;
	_ =	sdelay $0x1  }
0x35c: {  	v7 =	vsub.f32 v7, v46;
	v38 =	vmul.f32 $1.442695020e+00, v38;
	v5 =	vmax.f32 v5, $-8.700000000e+01  }
0x35d: {  	v5 =	vmul.f32 $1.442695020e+00, v5  }
0x35e: {  	v7 =	vmax.f32 v7, $-8.700000000e+01;
	(erf) = vpow2.f32 v38  }
0x35f: {  	(erf) = vpow2.f32 v5;
	v5 =	vmul.f32 $1.442695020e+00, v7;
	_ =	sdelay $0x1  }
0x360: {  	(erf) = vpow2.f32 v5;
	_ =	sdelay $0x5  }
0x361: {  	v5 =	vpop (erf)  }
0x362: {  	v7 =	vpop (erf)  }
0x363: {  	v5 =	vadd.f32 v7, v5  }
0x364: {  	v7 =	vpop (erf)  }
0x365: {  	v5 =	vadd.f32 v5, v7;
	_ =	sdelay $0x1  }
0x366: {  	v7 =	vadd.s32 $0xC1800000, v5  }
0x367: {  	v7 =	vshrl.u32 v7, $0x10  }
0x368: {  	v59 =	vadd.s32 $0x100, v7  }
0x369: {  	v60 =	vand.u32 $0x7F, v7;
	v61 =	vadd.s32 $0x200, v7;
	v38 =	vand.u32 $0x1FF80, v59  }
0x36a: {  	v51 =	vand.u32 $0x1FF80, v61;
	v38 =	vor.u32 v60, v38  }
0x36b: {  	v50 =	vor.u32 v60, v51;
	_ =	sdelay $0x1  }
0x36c: {  	s1 =	sadd.s32 $0xB, s0  }
0x36d: {  	v62 =	vmov s1  }
0x36e: {  	v51 =	vand.u32 $0xFFFFFFFB, v62;
	v38 =	vld.idx.msk [tilespmem:v38+s19+$0x0], $0xffff  }
0x36f: {  	v51 =	vbroadcast v51, $0x0;
	v50 =	vld.idx.msk [tilespmem:v50+s19+$0x0], $0xffff  }
0x370: {  	v52 =	vand.u32 $0xFFFF0000, v5  }
0x371: {  	v52 =	vor.u32 $0x8000, v52;
	v7 =	vld.idx.msk [tilespmem:v7+s19+$0x0], $0xffff  }
0x372: {  	v5 =	vsub.f32 v5, v52;
	_ =	sdelay $0x1  }
0x373: {  	v50 =	vmul.f32 v5, v50;
	v38 =	vmul.f32 v5, v38  }
0x374: {  	v63 =	vld.idx.msk [tilespmem:v51+s24+$0x0], $0xffff  }
0x375: {  	v55 =	vld.idx.msk [tilespmem:v51+s25+$0x0], $0xffff;
	v5 =	vmul.f32 v50, v5;
	v7 =	vadd.f32 v38, v7  }
0x376: {  	v51 =	vld.idx.msk [tilespmem:v51+s23+$0x0], $0xffff  }
0x377: {  	v5 =	vadd.f32 v7, v5;
	_ =	sdelay $0x1  }
0x378: {  	v50 =	vadd.f32 v5, v46  }
0x379: {  	v7 =	vadd.f32 v48, v55;
	v5 =	vadd.f32 v49, v63  }
0x37a: {  	v56 =	vadd.f32 v50, v51  }
0x37b: {  	v57 =	vmax.f32 v5, v7  }
0x37c: {  	v46 =	vmax.f32 v56, v57  }
0x37d: {  	v38 =	vsub.f32 v56, v46;
	v5 =	vsub.f32 v5, v46;
	_ =	sdelay $0x1  }
0x37e: {  	v7 =	vsub.f32 v7, v46;
	v38 =	vmul.f32 $1.442695020e+00, v38;
	v5 =	vmax.f32 v5, $-8.700000000e+01  }
0x37f: {  	v5 =	vmul.f32 $1.442695020e+00, v5  }
0x380: {  	v7 =	vmax.f32 v7, $-8.700000000e+01;
	(erf) = vpow2.f32 v38  }
0x381: {  	(erf) = vpow2.f32 v5;
	v5 =	vmul.f32 $1.442695020e+00, v7;
	_ =	sdelay $0x1  }
0x382: {  	(erf) = vpow2.f32 v5;
	_ =	sdelay $0x5  }
0x383: {  	v5 =	vpop (erf)  }
0x384: {  	v7 =	vpop (erf)  }
0x385: {  	v5 =	vadd.f32 v7, v5  }
0x386: {  	v7 =	vpop (erf)  }
0x387: {  	v5 =	vadd.f32 v5, v7;
	_ =	sdelay $0x1  }
0x388: {  	v7 =	vadd.s32 $0xC1800000, v5  }
0x389: {  	v7 =	vshrl.u32 v7, $0x10  }
0x38a: {  	v58 =	vadd.s32 $0x100, v7  }
0x38b: {  	v59 =	vand.u32 $0x7F, v7;
	v60 =	vadd.s32 $0x200, v7;
	v38 =	vand.u32 $0x1FF80, v58  }
0x38c: {  	v52 =	vand.u32 $0x1FF80, v60;
	v38 =	vor.u32 v59, v38  }
0x38d: {  	v51 =	vor.u32 v59, v52;
	_ =	sdelay $0x1  }
0x38e: {  	s1 =	sadd.s32 $0xA, s0  }
0x38f: {  	v61 =	vmov s1  }
0x390: {  	v52 =	vand.u32 $0xFFFFFFFA, v61;
	v38 =	vld.idx.msk [tilespmem:v38+s19+$0x0], $0xffff  }
0x391: {  	v52 =	vbroadcast v52, $0x0;
	v51 =	vld.idx.msk [tilespmem:v51+s19+$0x0], $0xffff  }
0x392: {  	v53 =	vand.u32 $0xFFFF0000, v5  }
0x393: {  	v53 =	vor.u32 $0x8000, v53;
	v7 =	vld.idx.msk [tilespmem:v7+s19+$0x0], $0xffff  }
0x394: {  	v5 =	vsub.f32 v5, v53;
	_ =	sdelay $0x1  }
0x395: {  	v51 =	vmul.f32 v5, v51;
	v38 =	vmul.f32 v5, v38  }
0x396: {  	v62 =	vld.idx.msk [tilespmem:v52+s24+$0x0], $0xffff  }
0x397: {  	v63 =	vld.idx.msk [tilespmem:v52+s25+$0x0], $0xffff;
	v5 =	vmul.f32 v51, v5;
	v7 =	vadd.f32 v38, v7  }
0x398: {  	v52 =	vld.idx.msk [tilespmem:v52+s23+$0x0], $0xffff  }
0x399: {  	v5 =	vadd.f32 v7, v5;
	_ =	sdelay $0x1  }
0x39a: {  	v51 =	vadd.f32 v5, v46  }
0x39b: {  	v7 =	vadd.f32 v49, v63;
	v5 =	vadd.f32 v50, v62  }
0x39c: {  	v56 =	vadd.f32 v51, v52  }
0x39d: {  	v57 =	vmax.f32 v5, v7  }
0x39e: {  	v46 =	vmax.f32 v56, v57  }
0x39f: {  	v38 =	vsub.f32 v56, v46;
	v5 =	vsub.f32 v5, v46;
	_ =	sdelay $0x1  }
0x3a0: {  	v7 =	vsub.f32 v7, v46;
	v38 =	vmul.f32 $1.442695020e+00, v38;
	v5 =	vmax.f32 v5, $-8.700000000e+01  }
0x3a1: {  	v5 =	vmul.f32 $1.442695020e+00, v5  }
0x3a2: {  	v7 =	vmax.f32 v7, $-8.700000000e+01;
	(erf) = vpow2.f32 v38  }
0x3a3: {  	(erf) = vpow2.f32 v5;
	v5 =	vmul.f32 $1.442695020e+00, v7;
	_ =	sdelay $0x1  }
0x3a4: {  	(erf) = vpow2.f32 v5;
	_ =	sdelay $0x5  }
0x3a5: {  	v5 =	vpop (erf)  }
0x3a6: {  	v7 =	vpop (erf)  }
0x3a7: {  	v5 =	vadd.f32 v7, v5  }
0x3a8: {  	v7 =	vpop (erf)  }
0x3a9: {  	v5 =	vadd.f32 v5, v7;
	_ =	sdelay $0x1  }
0x3aa: {  	v7 =	vadd.s32 $0xC1800000, v5  }
0x3ab: {  	v7 =	vshrl.u32 v7, $0x10  }
0x3ac: {  	v58 =	vadd.s32 $0x100, v7  }
0x3ad: {  	v59 =	vand.u32 $0x7F, v7;
	v60 =	vadd.s32 $0x200, v7;
	v38 =	vand.u32 $0x1FF80, v58  }
0x3ae: {  	v53 =	vand.u32 $0x1FF80, v60;
	v38 =	vor.u32 v59, v38  }
0x3af: {  	v52 =	vor.u32 v59, v53;
	_ =	sdelay $0x1  }
0x3b0: {  	s1 =	sadd.s32 $0x9, s0  }
0x3b1: {  	v61 =	vmov s1  }
0x3b2: {  	v53 =	vand.u32 $0xFFFFFFF9, v61;
	v38 =	vld.idx.msk [tilespmem:v38+s19+$0x0], $0xffff  }
0x3b3: {  	v53 =	vbroadcast v53, $0x0;
	v52 =	vld.idx.msk [tilespmem:v52+s19+$0x0], $0xffff  }
0x3b4: {  	v54 =	vand.u32 $0xFFFF0000, v5  }
0x3b5: {  	v54 =	vor.u32 $0x8000, v54;
	v7 =	vld.idx.msk [tilespmem:v7+s19+$0x0], $0xffff  }
0x3b6: {  	v5 =	vsub.f32 v5, v54;
	_ =	sdelay $0x1  }
0x3b7: {  	v52 =	vmul.f32 v5, v52;
	v38 =	vmul.f32 v5, v38  }
0x3b8: {  	v62 =	vld.idx.msk [tilespmem:v53+s24+$0x0], $0xffff  }
0x3b9: {  	v63 =	vld.idx.msk [tilespmem:v53+s25+$0x0], $0xffff;
	v5 =	vmul.f32 v52, v5;
	v7 =	vadd.f32 v38, v7  }
0x3ba: {  	v53 =	vld.idx.msk [tilespmem:v53+s23+$0x0], $0xffff  }
0x3bb: {  	v5 =	vadd.f32 v7, v5;
	_ =	sdelay $0x1  }
0x3bc: {  	v52 =	vadd.f32 v5, v46  }
0x3bd: {  	v7 =	vadd.f32 v50, v63;
	v5 =	vadd.f32 v51, v62  }
0x3be: {  	v56 =	vadd.f32 v52, v53  }
0x3bf: {  	v57 =	vmax.f32 v5, v7  }
0x3c0: {  	v46 =	vmax.f32 v56, v57  }
0x3c1: {  	v38 =	vsub.f32 v56, v46;
	v5 =	vsub.f32 v5, v46;
	_ =	sdelay $0x1  }
0x3c2: {  	v7 =	vsub.f32 v7, v46;
	v38 =	vmul.f32 $1.442695020e+00, v38;
	v5 =	vmax.f32 v5, $-8.700000000e+01  }
0x3c3: {  	v5 =	vmul.f32 $1.442695020e+00, v5  }
0x3c4: {  	v7 =	vmax.f32 v7, $-8.700000000e+01;
	(erf) = vpow2.f32 v38  }
0x3c5: {  	(erf) = vpow2.f32 v5;
	v5 =	vmul.f32 $1.442695020e+00, v7;
	_ =	sdelay $0x1  }
0x3c6: {  	(erf) = vpow2.f32 v5;
	_ =	sdelay $0x5  }
0x3c7: {  	v5 =	vpop (erf)  }
0x3c8: {  	v7 =	vpop (erf)  }
0x3c9: {  	v5 =	vadd.f32 v7, v5  }
0x3ca: {  	v7 =	vpop (erf)  }
0x3cb: {  	v5 =	vadd.f32 v5, v7;
	_ =	sdelay $0x1  }
0x3cc: {  	v7 =	vadd.s32 $0xC1800000, v5  }
0x3cd: {  	v7 =	vshrl.u32 v7, $0x10  }
0x3ce: {  	v58 =	vadd.s32 $0x100, v7  }
0x3cf: {  	v59 =	vand.u32 $0x7F, v7;
	v60 =	vadd.s32 $0x200, v7;
	v38 =	vand.u32 $0x1FF80, v58  }
0x3d0: {  	v54 =	vand.u32 $0x1FF80, v60;
	v38 =	vor.u32 v59, v38  }
0x3d1: {  	v53 =	vor.u32 v59, v54;
	_ =	sdelay $0x1  }
0x3d2: {  	s1 =	sadd.s32 $0x8, s0  }
0x3d3: {  	v61 =	vmov s1  }
0x3d4: {  	v54 =	vand.u32 $0xFFFFFFF8, v61;
	v38 =	vld.idx.msk [tilespmem:v38+s19+$0x0], $0xffff  }
0x3d5: {  	v54 =	vbroadcast v54, $0x0;
	v53 =	vld.idx.msk [tilespmem:v53+s19+$0x0], $0xffff  }
0x3d6: {  	v55 =	vand.u32 $0xFFFF0000, v5  }
0x3d7: {  	v55 =	vor.u32 $0x8000, v55;
	v7 =	vld.idx.msk [tilespmem:v7+s19+$0x0], $0xffff  }
0x3d8: {  	v5 =	vsub.f32 v5, v55;
	_ =	sdelay $0x1  }
0x3d9: {  	v53 =	vmul.f32 v5, v53;
	v38 =	vmul.f32 v5, v38  }
0x3da: {  	v62 =	vld.idx.msk [tilespmem:v54+s24+$0x0], $0xffff  }
0x3db: {  	v63 =	vld.idx.msk [tilespmem:v54+s25+$0x0], $0xffff;
	v5 =	vmul.f32 v53, v5;
	v7 =	vadd.f32 v38, v7  }
0x3dc: {  	v54 =	vld.idx.msk [tilespmem:v54+s23+$0x0], $0xffff  }
0x3dd: {  	v5 =	vadd.f32 v7, v5;
	_ =	sdelay $0x1  }
0x3de: {  	v53 =	vadd.f32 v5, v46  }
0x3df: {  	v7 =	vadd.f32 v51, v63;
	v5 =	vadd.f32 v52, v62  }
0x3e0: {  	v56 =	vadd.f32 v53, v54  }
0x3e1: {  	v57 =	vmax.f32 v5, v7  }
0x3e2: {  	v46 =	vmax.f32 v56, v57  }
0x3e3: {  	v38 =	vsub.f32 v56, v46;
	v5 =	vsub.f32 v5, v46;
	_ =	sdelay $0x1  }
0x3e4: {  	v7 =	vsub.f32 v7, v46;
	v38 =	vmul.f32 $1.442695020e+00, v38;
	v5 =	vmax.f32 v5, $-8.700000000e+01  }
0x3e5: {  	v5 =	vmul.f32 $1.442695020e+00, v5  }
0x3e6: {  	v7 =	vmax.f32 v7, $-8.700000000e+01;
	(erf) = vpow2.f32 v38  }
0x3e7: {  	(erf) = vpow2.f32 v5;
	v5 =	vmul.f32 $1.442695020e+00, v7;
	_ =	sdelay $0x1  }
0x3e8: {  	(erf) = vpow2.f32 v5;
	_ =	sdelay $0x5  }
0x3e9: {  	v5 =	vpop (erf)  }
0x3ea: {  	v7 =	vpop (erf)  }
0x3eb: {  	v5 =	vadd.f32 v7, v5  }
0x3ec: {  	v7 =	vpop (erf)  }
0x3ed: {  	v5 =	vadd.f32 v5, v7;
	_ =	sdelay $0x1  }
0x3ee: {  	v7 =	vadd.s32 $0xC1800000, v5  }
0x3ef: {  	v7 =	vshrl.u32 v7, $0x10  }
0x3f0: {  	v58 =	vadd.s32 $0x100, v7  }
0x3f1: {  	v59 =	vand.u32 $0x7F, v7;
	v60 =	vadd.s32 $0x200, v7;
	v38 =	vand.u32 $0x1FF80, v58  }
0x3f2: {  	v55 =	vand.u32 $0x1FF80, v60;
	v38 =	vor.u32 v59, v38  }
0x3f3: {  	v54 =	vor.u32 v59, v55;
	_ =	sdelay $0x1  }
0x3f4: {  	s1 =	sadd.s32 $0x7, s0  }
0x3f5: {  	v61 =	vmov s1  }
0x3f6: {  	v55 =	vand.u32 $0xFFFFFFF7, v61;
	v38 =	vld.idx.msk [tilespmem:v38+s19+$0x0], $0xffff  }
0x3f7: {  	v55 =	vbroadcast v55, $0x0;
	v54 =	vld.idx.msk [tilespmem:v54+s19+$0x0], $0xffff  }
0x3f8: {  	v56 =	vand.u32 $0xFFFF0000, v5  }
0x3f9: {  	v56 =	vor.u32 $0x8000, v56;
	v7 =	vld.idx.msk [tilespmem:v7+s19+$0x0], $0xffff  }
0x3fa: {  	v5 =	vsub.f32 v5, v56;
	_ =	sdelay $0x1  }
0x3fb: {  	v54 =	vmul.f32 v5, v54;
	v38 =	vmul.f32 v5, v38  }
0x3fc: {  	v62 =	vld.idx.msk [tilespmem:v55+s24+$0x0], $0xffff  }
0x3fd: {  	v63 =	vld.idx.msk [tilespmem:v55+s25+$0x0], $0xffff;
	v5 =	vmul.f32 v54, v5;
	v7 =	vadd.f32 v38, v7  }
0x3fe: {  	v55 =	vld.idx.msk [tilespmem:v55+s23+$0x0], $0xffff  }
0x3ff: {  	v5 =	vadd.f32 v7, v5;
	_ =	sdelay $0x1  }
0x400: {  	v54 =	vadd.f32 v5, v46  }
0x401: {  	v7 =	vadd.f32 v52, v63;
	v5 =	vadd.f32 v53, v62  }
0x402: {  	v57 =	vadd.f32 v54, v55  }
0x403: {  	v58 =	vmax.f32 v5, v7  }
0x404: {  	v46 =	vmax.f32 v57, v58  }
0x405: {  	v38 =	vsub.f32 v57, v46;
	v5 =	vsub.f32 v5, v46;
	_ =	sdelay $0x1  }
0x406: {  	v7 =	vsub.f32 v7, v46;
	v38 =	vmul.f32 $1.442695020e+00, v38;
	v5 =	vmax.f32 v5, $-8.700000000e+01  }
0x407: {  	v5 =	vmul.f32 $1.442695020e+00, v5  }
0x408: {  	v7 =	vmax.f32 v7, $-8.700000000e+01;
	(erf) = vpow2.f32 v38  }
0x409: {  	(erf) = vpow2.f32 v5;
	v5 =	vmul.f32 $1.442695020e+00, v7;
	_ =	sdelay $0x1  }
0x40a: {  	(erf) = vpow2.f32 v5;
	_ =	sdelay $0x5  }
0x40b: {  	v5 =	vpop (erf)  }
0x40c: {  	v7 =	vpop (erf)  }
0x40d: {  	v5 =	vadd.f32 v7, v5  }
0x40e: {  	v7 =	vpop (erf)  }
0x40f: {  	v5 =	vadd.f32 v5, v7;
	_ =	sdelay $0x1  }
0x410: {  	v7 =	vadd.s32 $0xC1800000, v5  }
0x411: {  	v7 =	vshrl.u32 v7, $0x10  }
0x412: {  	v59 =	vadd.s32 $0x100, v7  }
0x413: {  	v60 =	vand.u32 $0x7F, v7;
	v61 =	vadd.s32 $0x200, v7;
	v38 =	vand.u32 $0x1FF80, v59  }
0x414: {  	v56 =	vand.u32 $0x1FF80, v61;
	v38 =	vor.u32 v60, v38  }
0x415: {  	v55 =	vor.u32 v60, v56;
	_ =	sdelay $0x1  }
0x416: {  	s1 =	sadd.s32 $0x6, s0  }
0x417: {  	v62 =	vmov s1  }
0x418: {  	v56 =	vand.u32 $0xFFFFFFF6, v62;
	v38 =	vld.idx.msk [tilespmem:v38+s19+$0x0], $0xffff  }
0x419: {  	v56 =	vbroadcast v56, $0x0;
	v55 =	vld.idx.msk [tilespmem:v55+s19+$0x0], $0xffff  }
0x41a: {  	v57 =	vand.u32 $0xFFFF0000, v5  }
0x41b: {  	v57 =	vor.u32 $0x8000, v57;
	v7 =	vld.idx.msk [tilespmem:v7+s19+$0x0], $0xffff  }
0x41c: {  	v5 =	vsub.f32 v5, v57;
	_ =	sdelay $0x1  }
0x41d: {  	v55 =	vmul.f32 v5, v55;
	v38 =	vmul.f32 v5, v38  }
0x41e: {  	v63 =	vld.idx.msk [tilespmem:v56+s24+$0x0], $0xffff  }
0x41f: {  	v60 =	vld.idx.msk [tilespmem:v56+s25+$0x0], $0xffff;
	v5 =	vmul.f32 v55, v5;
	v7 =	vadd.f32 v38, v7  }
0x420: {  	v56 =	vld.idx.msk [tilespmem:v56+s23+$0x0], $0xffff  }
0x421: {  	v5 =	vadd.f32 v7, v5;
	_ =	sdelay $0x1  }
0x422: {  	v55 =	vadd.f32 v5, v46  }
0x423: {  	v7 =	vadd.f32 v53, v60;
	v5 =	vadd.f32 v54, v63  }
0x424: {  	v61 =	vadd.f32 v55, v56  }
0x425: {  	v62 =	vmax.f32 v5, v7  }
0x426: {  	v46 =	vmax.f32 v61, v62  }
0x427: {  	v38 =	vsub.f32 v61, v46;
	v5 =	vsub.f32 v5, v46;
	_ =	sdelay $0x1  }
0x428: {  	v7 =	vsub.f32 v7, v46;
	v38 =	vmul.f32 $1.442695020e+00, v38;
	v5 =	vmax.f32 v5, $-8.700000000e+01  }
0x429: {  	v5 =	vmul.f32 $1.442695020e+00, v5  }
0x42a: {  	v7 =	vmax.f32 v7, $-8.700000000e+01;
	(erf) = vpow2.f32 v38  }
0x42b: {  	(erf) = vpow2.f32 v5;
	v5 =	vmul.f32 $1.442695020e+00, v7;
	_ =	sdelay $0x1  }
0x42c: {  	(erf) = vpow2.f32 v5;
	_ =	sdelay $0x5  }
0x42d: {  	v5 =	vpop (erf)  }
0x42e: {  	v7 =	vpop (erf)  }
0x42f: {  	v5 =	vadd.f32 v7, v5  }
0x430: {  	v7 =	vpop (erf)  }
0x431: {  	v5 =	vadd.f32 v5, v7;
	_ =	sdelay $0x1  }
0x432: {  	v7 =	vadd.s32 $0xC1800000, v5  }
0x433: {  	v7 =	vshrl.u32 v7, $0x10  }
0x434: {  	v63 =	vadd.s32 $0x100, v7  }
0x435: {  	v60 =	vand.u32 $0x7F, v7;
	v61 =	vadd.s32 $0x200, v7;
	v38 =	vand.u32 $0x1FF80, v63  }
0x436: {  	v57 =	vand.u32 $0x1FF80, v61;
	v38 =	vor.u32 v60, v38  }
0x437: {  	v56 =	vor.u32 v60, v57;
	_ =	sdelay $0x1  }
0x438: {  	s1 =	sadd.s32 $0x5, s0  }
0x439: {  	v62 =	vmov s1  }
0x43a: {  	v57 =	vand.u32 $0xFFFFFFF5, v62;
	v38 =	vld.idx.msk [tilespmem:v38+s19+$0x0], $0xffff  }
0x43b: {  	v57 =	vbroadcast v57, $0x0;
	v56 =	vld.idx.msk [tilespmem:v56+s19+$0x0], $0xffff  }
0x43c: {  	v58 =	vand.u32 $0xFFFF0000, v5  }
0x43d: {  	v58 =	vor.u32 $0x8000, v58;
	v7 =	vld.idx.msk [tilespmem:v7+s19+$0x0], $0xffff  }
0x43e: {  	v5 =	vsub.f32 v5, v58;
	_ =	sdelay $0x1  }
0x43f: {  	v56 =	vmul.f32 v5, v56;
	v38 =	vmul.f32 v5, v38  }
0x440: {  	v63 =	vld.idx.msk [tilespmem:v57+s24+$0x0], $0xffff  }
0x441: {  	v60 =	vld.idx.msk [tilespmem:v57+s25+$0x0], $0xffff;
	v5 =	vmul.f32 v56, v5;
	v7 =	vadd.f32 v38, v7  }
0x442: {  	v57 =	vld.idx.msk [tilespmem:v57+s23+$0x0], $0xffff  }
0x443: {  	v5 =	vadd.f32 v7, v5;
	_ =	sdelay $0x1  }
0x444: {  	v56 =	vadd.f32 v5, v46  }
0x445: {  	v7 =	vadd.f32 v54, v60;
	v5 =	vadd.f32 v55, v63  }
0x446: {  	v61 =	vadd.f32 v56, v57  }
0x447: {  	v62 =	vmax.f32 v5, v7  }
0x448: {  	v46 =	vmax.f32 v61, v62  }
0x449: {  	v38 =	vsub.f32 v61, v46;
	v5 =	vsub.f32 v5, v46;
	_ =	sdelay $0x1  }
0x44a: {  	v7 =	vsub.f32 v7, v46;
	v38 =	vmul.f32 $1.442695020e+00, v38;
	v5 =	vmax.f32 v5, $-8.700000000e+01  }
0x44b: {  	v5 =	vmul.f32 $1.442695020e+00, v5  }
0x44c: {  	v7 =	vmax.f32 v7, $-8.700000000e+01;
	(erf) = vpow2.f32 v38  }
0x44d: {  	(erf) = vpow2.f32 v5;
	v5 =	vmul.f32 $1.442695020e+00, v7;
	_ =	sdelay $0x1  }
0x44e: {  	(erf) = vpow2.f32 v5;
	_ =	sdelay $0x5  }
0x44f: {  	v5 =	vpop (erf)  }
0x450: {  	v7 =	vpop (erf)  }
0x451: {  	v5 =	vadd.f32 v7, v5  }
0x452: {  	v7 =	vpop (erf)  }
0x453: {  	v5 =	vadd.f32 v5, v7;
	_ =	sdelay $0x1  }
0x454: {  	v7 =	vadd.s32 $0xC1800000, v5  }
0x455: {  	v7 =	vshrl.u32 v7, $0x10  }
0x456: {  	v63 =	vadd.s32 $0x100, v7  }
0x457: {  	v60 =	vand.u32 $0x7F, v7;
	v61 =	vadd.s32 $0x200, v7;
	v38 =	vand.u32 $0x1FF80, v63  }
0x458: {  	v58 =	vand.u32 $0x1FF80, v61;
	v38 =	vor.u32 v60, v38  }
0x459: {  	v57 =	vor.u32 v60, v58;
	_ =	sdelay $0x1  }
0x45a: {  	s1 =	sadd.s32 $0x4, s0  }
0x45b: {  	v62 =	vmov s1  }
0x45c: {  	v58 =	vand.u32 $0xFFFFFFF4, v62;
	v38 =	vld.idx.msk [tilespmem:v38+s19+$0x0], $0xffff  }
0x45d: {  	v58 =	vbroadcast v58, $0x0;
	v57 =	vld.idx.msk [tilespmem:v57+s19+$0x0], $0xffff  }
0x45e: {  	v59 =	vand.u32 $0xFFFF0000, v5  }
0x45f: {  	v59 =	vor.u32 $0x8000, v59;
	v7 =	vld.idx.msk [tilespmem:v7+s19+$0x0], $0xffff  }
0x460: {  	v5 =	vsub.f32 v5, v59;
	_ =	sdelay $0x1  }
0x461: {  	v57 =	vmul.f32 v5, v57;
	v38 =	vmul.f32 v5, v38  }
0x462: {  	v63 =	vld.idx.msk [tilespmem:v58+s24+$0x0], $0xffff  }
0x463: {  	v60 =	vld.idx.msk [tilespmem:v58+s25+$0x0], $0xffff;
	v5 =	vmul.f32 v57, v5;
	v7 =	vadd.f32 v38, v7  }
0x464: {  	v58 =	vld.idx.msk [tilespmem:v58+s23+$0x0], $0xffff  }
0x465: {  	v5 =	vadd.f32 v7, v5;
	_ =	sdelay $0x1  }
0x466: {  	v57 =	vadd.f32 v5, v46  }
0x467: {  	v7 =	vadd.f32 v55, v60;
	v5 =	vadd.f32 v56, v63  }
0x468: {  	v61 =	vadd.f32 v57, v58  }
0x469: {  	v62 =	vmax.f32 v5, v7  }
0x46a: {  	v46 =	vmax.f32 v61, v62  }
0x46b: {  	v38 =	vsub.f32 v61, v46;
	v5 =	vsub.f32 v5, v46;
	_ =	sdelay $0x1  }
0x46c: {  	v7 =	vsub.f32 v7, v46;
	v38 =	vmul.f32 $1.442695020e+00, v38;
	v5 =	vmax.f32 v5, $-8.700000000e+01  }
0x46d: {  	v5 =	vmul.f32 $1.442695020e+00, v5  }
0x46e: {  	v7 =	vmax.f32 v7, $-8.700000000e+01;
	(erf) = vpow2.f32 v38  }
0x46f: {  	(erf) = vpow2.f32 v5;
	v5 =	vmul.f32 $1.442695020e+00, v7;
	_ =	sdelay $0x1  }
0x470: {  	(erf) = vpow2.f32 v5;
	_ =	sdelay $0x5  }
0x471: {  	v5 =	vpop (erf)  }
0x472: {  	v7 =	vpop (erf)  }
0x473: {  	v5 =	vadd.f32 v7, v5  }
0x474: {  	v7 =	vpop (erf)  }
0x475: {  	v5 =	vadd.f32 v5, v7;
	_ =	sdelay $0x1  }
0x476: {  	v7 =	vadd.s32 $0xC1800000, v5  }
0x477: {  	v7 =	vshrl.u32 v7, $0x10  }
0x478: {  	v63 =	vadd.s32 $0x100, v7  }
0x479: {  	v60 =	vand.u32 $0x7F, v7;
	v61 =	vadd.s32 $0x200, v7;
	v38 =	vand.u32 $0x1FF80, v63  }
0x47a: {  	v59 =	vand.u32 $0x1FF80, v61;
	v38 =	vor.u32 v60, v38  }
0x47b: {  	v58 =	vor.u32 v60, v59;
	_ =	sdelay $0x1  }
0x47c: {  	s1 =	sadd.s32 $0x3, s0  }
0x47d: {  	v62 =	vmov s1  }
0x47e: {  	v59 =	vand.u32 $0xFFFFFFF3, v62;
	v38 =	vld.idx.msk [tilespmem:v38+s19+$0x0], $0xffff  }
0x47f: {  	v59 =	vbroadcast v59, $0x0;
	v58 =	vld.idx.msk [tilespmem:v58+s19+$0x0], $0xffff  }
0x480: {  	v60 =	vand.u32 $0xFFFF0000, v5  }
0x481: {  	v60 =	vor.u32 $0x8000, v60;
	v7 =	vld.idx.msk [tilespmem:v7+s19+$0x0], $0xffff  }
0x482: {  	v5 =	vsub.f32 v5, v60;
	_ =	sdelay $0x1  }
0x483: {  	v58 =	vmul.f32 v5, v58;
	v38 =	vmul.f32 v5, v38  }
0x484: {  	v60 =	vld.idx.msk [tilespmem:v59+s24+$0x0], $0xffff  }
0x485: {  	v63 =	vld.idx.msk [tilespmem:v59+s25+$0x0], $0xffff;
	v5 =	vmul.f32 v58, v5;
	v7 =	vadd.f32 v38, v7  }
0x486: {  	v59 =	vld.idx.msk [tilespmem:v59+s23+$0x0], $0xffff  }
0x487: {  	v5 =	vadd.f32 v7, v5;
	_ =	sdelay $0x1  }
0x488: {  	v58 =	vadd.f32 v5, v46  }
0x489: {  	v7 =	vadd.f32 v56, v63;
	v5 =	vadd.f32 v57, v60  }
0x48a: {  	v60 =	vadd.f32 v58, v59  }
0x48b: {  	v61 =	vmax.f32 v5, v7  }
0x48c: {  	v46 =	vmax.f32 v60, v61  }
0x48d: {  	v38 =	vsub.f32 v60, v46;
	v5 =	vsub.f32 v5, v46;
	_ =	sdelay $0x1  }
0x48e: {  	v7 =	vsub.f32 v7, v46;
	v38 =	vmul.f32 $1.442695020e+00, v38;
	v5 =	vmax.f32 v5, $-8.700000000e+01  }
0x48f: {  	v5 =	vmul.f32 $1.442695020e+00, v5  }
0x490: {  	v7 =	vmax.f32 v7, $-8.700000000e+01;
	(erf) = vpow2.f32 v38  }
0x491: {  	(erf) = vpow2.f32 v5;
	v5 =	vmul.f32 $1.442695020e+00, v7;
	_ =	sdelay $0x1  }
0x492: {  	(erf) = vpow2.f32 v5;
	_ =	sdelay $0x5  }
0x493: {  	v5 =	vpop (erf)  }
0x494: {  	v7 =	vpop (erf)  }
0x495: {  	v5 =	vadd.f32 v7, v5  }
0x496: {  	v7 =	vpop (erf)  }
0x497: {  	v5 =	vadd.f32 v5, v7;
	_ =	sdelay $0x1  }
0x498: {  	v7 =	vadd.s32 $0xC1800000, v5  }
0x499: {  	v7 =	vshrl.u32 v7, $0x10  }
0x49a: {  	v62 =	vadd.s32 $0x100, v7  }
0x49b: {  	v59 =	vand.u32 $0x7F, v7;
	v60 =	vadd.s32 $0x200, v7;
	v38 =	vand.u32 $0x1FF80, v62  }
0x49c: {  	v60 =	vand.u32 $0x1FF80, v60;
	v38 =	vor.u32 v59, v38  }
0x49d: {  	v59 =	vor.u32 v59, v60;
	_ =	sdelay $0x1  }
0x49e: {  	s1 =	sadd.s32 $0x2, s0  }
0x49f: {  	v60 =	vmov s1  }
0x4a0: {  	v60 =	vand.u32 $0xFFFFFFF2, v60;
	v38 =	vld.idx.msk [tilespmem:v38+s19+$0x0], $0xffff  }
0x4a1: {  	v60 =	vbroadcast v60, $0x0;
	v59 =	vld.idx.msk [tilespmem:v59+s19+$0x0], $0xffff  }
0x4a2: {  	v61 =	vand.u32 $0xFFFF0000, v5  }
0x4a3: {  	v61 =	vor.u32 $0x8000, v61;
	v7 =	vld.idx.msk [tilespmem:v7+s19+$0x0], $0xffff  }
0x4a4: {  	v5 =	vsub.f32 v5, v61;
	_ =	sdelay $0x1  }
0x4a5: {  	v59 =	vmul.f32 v5, v59;
	v38 =	vmul.f32 v5, v38  }
0x4a6: {  	v61 =	vld.idx.msk [tilespmem:v60+s24+$0x0], $0xffff  }
0x4a7: {  	v5 =	vmul.f32 v59, v5;
	v7 =	vadd.f32 v38, v7;
	v38 =	vld.idx.msk [tilespmem:v60+s25+$0x0], $0xffff  }
0x4a8: {  	v60 =	vld.idx.msk [tilespmem:v60+s23+$0x0], $0xffff  }
0x4a9: {  	v5 =	vadd.f32 v7, v5;
	_ =	sdelay $0x1  }
0x4aa: {  	v59 =	vadd.f32 v5, v46  }
0x4ab: {  	v5 =	vadd.f32 v58, v61;
	v7 =	vadd.f32 v57, v38  }
0x4ac: {  	v63 =	vadd.f32 v59, v60  }
0x4ad: {  	v60 =	vmax.f32 v5, v7  }
0x4ae: {  	v46 =	vmax.f32 v63, v60  }
0x4af: {  	v38 =	vsub.f32 v63, v46;
	v5 =	vsub.f32 v5, v46;
	_ =	sdelay $0x1  }
0x4b0: {  	v7 =	vsub.f32 v7, v46;
	v38 =	vmul.f32 $1.442695020e+00, v38;
	v5 =	vmax.f32 v5, $-8.700000000e+01  }
0x4b1: {  	v5 =	vmul.f32 $1.442695020e+00, v5  }
0x4b2: {  	v7 =	vmax.f32 v7, $-8.700000000e+01;
	(erf) = vpow2.f32 v38  }
0x4b3: {  	(erf) = vpow2.f32 v5;
	v5 =	vmul.f32 $1.442695020e+00, v7;
	_ =	sdelay $0x1  }
0x4b4: {  	(erf) = vpow2.f32 v5;
	_ =	sdelay $0x5  }
0x4b5: {  	v5 =	vpop (erf)  }
0x4b6: {  	v7 =	vpop (erf)  }
0x4b7: {  	v5 =	vadd.f32 v7, v5  }
0x4b8: {  	v7 =	vpop (erf)  }
0x4b9: {  	v5 =	vadd.f32 v5, v7;
	_ =	sdelay $0x1  }
0x4ba: {  	v7 =	vadd.s32 $0xC1800000, v5  }
0x4bb: {  	v7 =	vshrl.u32 v7, $0x10  }
0x4bc: {  	v38 =	vadd.s32 $0x100, v7  }
0x4bd: {  	v60 =	vand.u32 $0x7F, v7;
	v61 =	vadd.s32 $0x200, v7;
	v38 =	vand.u32 $0x1FF80, v38  }
0x4be: {  	v61 =	vand.u32 $0x1FF80, v61;
	v38 =	vor.u32 v60, v38  }
0x4bf: {  	v60 =	vor.u32 v60, v61;
	_ =	sdelay $0x1  }
0x4c0: {  	s1 =	sadd.s32 $0x1, s0  }
0x4c1: {  	v61 =	vmov s1  }
0x4c2: {  	v61 =	vand.u32 $0xFFFFFFF1, v61;
	v38 =	vld.idx.msk [tilespmem:v38+s19+$0x0], $0xffff  }
0x4c3: {  	v61 =	vbroadcast v61, $0x0;
	v60 =	vld.idx.msk [tilespmem:v60+s19+$0x0], $0xffff  }
0x4c4: {  	v62 =	vand.u32 $0xFFFF0000, v5  }
0x4c5: {  	v62 =	vor.u32 $0x8000, v62;
	v7 =	vld.idx.msk [tilespmem:v7+s19+$0x0], $0xffff  }
0x4c6: {  	v5 =	vsub.f32 v5, v62;
	_ =	sdelay $0x1  }
0x4c7: {  	v60 =	vmul.f32 v5, v60;
	v38 =	vmul.f32 v5, v38  }
0x4c8: {  	v62 =	vld.idx.msk [tilespmem:v61+s24+$0x0], $0xffff  }
0x4c9: {  	v5 =	vmul.f32 v60, v5;
	v7 =	vadd.f32 v38, v7;
	v38 =	vld.idx.msk [tilespmem:v61+s25+$0x0], $0xffff  }
0x4ca: {  	v61 =	vld.idx.msk [tilespmem:v61+s23+$0x0], $0xffff  }
0x4cb: {  	v5 =	vadd.f32 v7, v5;
	_ =	sdelay $0x1  }
0x4cc: {  	v60 =	vadd.f32 v5, v46  }
0x4cd: {  	v5 =	vadd.f32 v59, v62;
	v7 =	vadd.f32 v58, v38  }
0x4ce: {  	v61 =	vadd.f32 v60, v61  }
0x4cf: {  	v62 =	vmax.f32 v5, v7  }
0x4d0: {  	v46 =	vmax.f32 v61, v62  }
0x4d1: {  	v38 =	vsub.f32 v61, v46;
	v5 =	vsub.f32 v5, v46;
	_ =	sdelay $0x1  }
0x4d2: {  	v7 =	vsub.f32 v7, v46;
	v38 =	vmul.f32 $1.442695020e+00, v38;
	v5 =	vmax.f32 v5, $-8.700000000e+01  }
0x4d3: {  	v5 =	vmul.f32 $1.442695020e+00, v5  }
0x4d4: {  	v7 =	vmax.f32 v7, $-8.700000000e+01;
	(erf) = vpow2.f32 v38  }
0x4d5: {  	(erf) = vpow2.f32 v5;
	v5 =	vmul.f32 $1.442695020e+00, v7;
	_ =	sdelay $0x1  }
0x4d6: {  	(erf) = vpow2.f32 v5;
	_ =	sdelay $0x5  }
0x4d7: {  	v5 =	vpop (erf)  }
0x4d8: {  	v7 =	vpop (erf)  }
0x4d9: {  	v5 =	vadd.f32 v7, v5  }
0x4da: {  	v7 =	vpop (erf)  }
0x4db: {  	v5 =	vadd.f32 v5, v7;
	_ =	sdelay $0x1  }
0x4dc: {  	v7 =	vadd.s32 $0xC1800000, v5  }
0x4dd: {  	v7 =	vshrl.u32 v7, $0x10  }
0x4de: {  	v38 =	vadd.s32 $0x100, v7  }
0x4df: {  	v61 =	vand.u32 $0x7F, v7;
	v62 =	vadd.s32 $0x200, v7;
	v38 =	vand.u32 $0x1FF80, v38  }
0x4e0: {  	v62 =	vand.u32 $0x1FF80, v62;
	v38 =	vor.u32 v61, v38  }
0x4e1: {  	v61 =	vor.u32 v61, v62;
	_ =	sdelay $0x3  }
0x4e2: {  	v38 =	vld.idx.msk [tilespmem:v38+s19+$0x0], $0xffff  }
0x4e3: {  	v61 =	vld.idx.msk [tilespmem:v61+s19+$0x0], $0xffff  }
0x4e4: {  	v63 =	vmov s0;
	v62 =	vand.u32 $0xFFFF0000, v5  }
0x4e5: {  	v62 =	vor.u32 $0x8000, v62;
	v7 =	vld.idx.msk [tilespmem:v7+s19+$0x0], $0xffff  }
0x4e6: {  	v5 =	vsub.f32 v5, v62;
	_ =	sdelay $0x1  }
0x4e7: {  	v61 =	vmul.f32 v5, v61;
	v38 =	vmul.f32 v5, v38  }
0x4e8: {  	v62 =	vld.idx.msk [tilespmem:v63+s24+$0x0], $0xffff  }
0x4e9: {  	v5 =	vmul.f32 v61, v5;
	v7 =	vadd.f32 v38, v7;
	v38 =	vld.idx.msk [tilespmem:v63+s25+$0x0], $0xffff  }
0x4ea: {  	v63 =	vld.idx.msk [tilespmem:v63+s23+$0x0], $0xffff  }
0x4eb: {  	v5 =	vadd.f32 v7, v5;
	_ =	sdelay $0x1  }
0x4ec: {  	v61 =	vadd.f32 v5, v46  }
0x4ed: {  	v5 =	vadd.f32 v60, v62;
	v7 =	vadd.f32 v59, v38  }
0x4ee: {  	v63 =	vadd.f32 v61, v63  }
0x4ef: {  	v62 =	vmax.f32 v5, v7  }
0x4f0: {  	v46 =	vmax.f32 v63, v62  }
0x4f1: {  	v38 =	vsub.f32 v63, v46;
	v5 =	vsub.f32 v5, v46;
	_ =	sdelay $0x1  }
0x4f2: {  	v7 =	vsub.f32 v7, v46;
	v38 =	vmul.f32 $1.442695020e+00, v38;
	v5 =	vmax.f32 v5, $-8.700000000e+01  }
0x4f3: {  	v5 =	vmul.f32 $1.442695020e+00, v5  }
0x4f4: {  	v7 =	vmax.f32 v7, $-8.700000000e+01;
	(erf) = vpow2.f32 v38  }
0x4f5: {  	(erf) = vpow2.f32 v5;
	v5 =	vmul.f32 $1.442695020e+00, v7;
	_ =	sdelay $0x1  }
0x4f6: {  	(erf) = vpow2.f32 v5;
	_ =	sdelay $0x5  }
0x4f7: {  	v5 =	vpop (erf)  }
0x4f8: {  	v7 =	vpop (erf)  }
0x4f9: {  	v5 =	vadd.f32 v7, v5  }
0x4fa: {  	v7 =	vpop (erf)  }
0x4fb: {  	v5 =	vadd.f32 v5, v7;
	_ =	sdelay $0x1  }
0x4fc: {  	v7 =	vadd.s32 $0xC1800000, v5  }
0x4fd: {  	v7 =	vshrl.u32 v7, $0x10  }
0x4fe: {  	v38 =	vadd.s32 $0x100, v7  }
0x4ff: {  	v62 =	vand.u32 $0x7F, v7;
	v63 =	vadd.s32 $0x200, v7;
	v38 =	vand.u32 $0x1FF80, v38  }
0x500: {  	v63 =	vand.u32 $0x1FF80, v63;
	v38 =	vor.u32 v62, v38  }
0x501: {  	v62 =	vor.u32 v62, v63;
	_ =	sdelay $0x3  }
0x502: {  	v47 =	vsel vm0, v47, v48;
	v38 =	vld.idx.msk [tilespmem:v38+s19+$0x0], $0xffff  }
0x503: {  	v47 =	vsel vm1, v47, v49;
	v63 =	vld.idx.msk [tilespmem:v62+s19+$0x0], $0xffff  }
0x504: {  	v47 =	vsel vm2, v47, v50;
	v62 =	vand.u32 $0xFFFF0000, v5  }
0x505: {  	v47 =	vsel vm3, v47, v51;
	v7 =	vld.idx.msk [tilespmem:v7+s19+$0x0], $0xffff;
	v49 =	vor.u32 $0x8000, v62  }
0x506: {  	v47 =	vsel vm4, v47, v52;
	v5 =	vsub.f32 v5, v49  }
0x507: {  	v47 =	vsel vm5, v47, v53  }
0x508: {  	v47 =	vsel vm6, v47, v54;
	v48 =	vmul.f32 v5, v63;
	v38 =	vmul.f32 v5, v38  }
0x509: {  	v47 =	vsel vm7, v47, v55  }
0x50a: {  	v47 =	vsel vm8, v47, v56;
	v5 =	vmul.f32 v48, v5;
	v7 =	vadd.f32 v38, v7  }
0x50b: {  	v63 =	vsel vm9, v47, v57  }
0x50c: {  	p2 =	sne.s32 s0, $0x0;
	v38 =	vsel vm10, v63, v58;
	v5 =	vadd.f32 v7, v5;
	v7 =	vor.u32 s0, v0  }
.Ltmp6:
0x50d: {  	v38 =	vsel vm11, v38, v59;
	(pc) =	sbr.rel @p2 .LBB2_9-.Ltmp6, $4  }
0x50e: {  	v38 =	vsel vm12, v38, v60;
	v49 =	vadd.f32 v5, v46  }
0x50f: {  	v5 =	vsel vm13, v38, v61  }
0x510: {  	v5 =	vsel vm14, v49, v5  }
0x511: {  	s0 =	sadd.s32 $0xFFFFFFF0, s0;
	[tilespmem:v7+s26+$0x0] =	vst.idx.msk $0xffff, v5  }
0x512: {  	vm0 =	vcmask $0x300  }
0x513: {  	v5 =	vsel vm0, $0x0, v39  }
0x514: {  	s0 =	rddreg [dreg:$0x6];
	[tilespmem:$0x5600] =	vst v5  }
.LBB2_11:
0x515: {  	[spmem:s0] =	stream.linear.scatter [tilespmem:s26], [sflag:$0x1], $0x1080, $0x38;
	[tilespmem:$0x6F10] =	vst v63  }
0x516: {  	_ =	swait.ge [sflag:s15], $0x1080  }
0x517: {  	[sflag:s15] =	ssyncset.done $0x0  }
0x518: {  	[sflag:s15] =	ssyncadd.s32 $0xFFFFEF80  }
.LBB2_12:
0x519: {  	[bflag:$0x0] =	sbarrier.arrive $0xFFFF  }
0x51a: {  	s0 =	rddreg [dreg:$0x8]  }
0x51b: {  	[tilespmem:s28], [sflag:$0x1] =	stream.linear.gather [spmem:s0], $0xA0, $0x38;
	[tilespmem:$0x6F10] =	vst v63  }
0x51c: {  	_ =	swait.ge [sflag:s15], $0xA0  }
0x51d: {  	[sflag:s15] =	ssyncset.done $0x0  }
0x51e: {  	[sflag:s15] =	ssyncadd.s32 $0xFFFFFF60  }
0x51f: {  	[tilespmem:s29], [sflag:$0x1] =	stream.linear.gather [spmem:s10], $0xA0, $0x38;
	[tilespmem:$0x6F10] =	vst v63  }
0x520: {  	_ =	swait.ge [sflag:s15], $0xA0  }
0x521: {  	s1 =	simm.s32 $0x0;
	[sflag:s15] =	ssyncset.done $0x0  }
0x522: {  	v5 =	vmov s1;
	s0 =	simm.s32 $0x5880;
	[sflag:s15] =	ssyncadd.s32 $0xFFFFFF60  }
0x523: {  	[tilespmem:s0], [sflag:$0x1] =	stream.linear.gather [spmem:s11], $0x10, $0x38;
	[tilespmem:$0x6F10] =	vst v63  }
0x524: {  	_ =	swait.ge [sflag:s15], $0x10  }
0x525: {  	[sflag:s15] =	ssyncset.done $0x0  }
0x526: {  	[sflag:s15] =	ssyncadd.s32 $0xFFFFFFF0  }
0x527: {  	v7 =	vld.idx.msk [tilespmem:v5+s17+$0x0], $0xffff;
	_ =	sdelay $0x4  }
0x528: {  	v38 =	vadd.s32 v2, v7  }
0x529: {  	v46 =	vsub.s32 v38, v1  }
0x52a: {  	v38 =	vand.u32 $0x7F, v38;
	v46 =	vand.u32 $0xFFFFFF80, v46  }
0x52b: {  	v38 =	vor.u32 v38, v46;
	_ =	sdelay $0x1  }
0x52c: {  	v47 =	vimm.s32 $0xF;
	v61 =	vld.idx.msk [tilespmem:v8+s28+$0x0], $0xffff  }
0x52d: {  	v48 =	vld.idx.msk [tilespmem:v5+s18+$0x0], $0xffff;
	_ =	sdelay $0x1  }
0x52e: {  	v38 =	vld.idx.msk [tilespmem:v38+s29+$0x0], $0xffff  }
0x52f: {  	vm0 =	veq.s32 v1, v0  }
0x530: {  	v47 =	vld.idx.msk [tilespmem:v47+s0+$0x0], $0xffff;
	v49 =	vsel vm0, $0x0, v61  }
0x531: {  	v62 =	vld [tilespmem:$0x1FFE0];
	v46 =	vadd.f32 v48, v49  }
0x532: {  	v63 =	vld [tilespmem:$0x1FFF0]  }
0x533: {  	v38 =	vadd.f32 v38, v46;
	_ =	sdelay $0x1  }
0x534: {  	v38 =	vsub.f32 v38, v47;
	_ =	sdelay $0x1  }
0x535: {  	v38 =	vmax.f32 v38, $-8.700000000e+01  }
0x536: {  	v50 =	vld.idx.msk [tilespmem:v2+s1+$0x0], $0xffff;
	v38 =	vmul.f32 $1.442695020e+00, v38  }
0x537: {  	v48 =	vld.idx.msk [tilespmem:v62+s1+$0x0], $0xffff  }
0x538: {  	v46 =	vld.idx.msk [tilespmem:v63+s1+$0x0], $0xffff;
	(erf) = vpow2.f32 v38;
	_ =	sdelay $0x1  }
0x539: {  	v54 =	vld.idx.msk [tilespmem:v5+s4+$0x0], $0xffff  }
0x53a: {  	v53 =	vld.idx.msk [tilespmem:v5+s31+$0x0], $0xffff  }
0x53b: {  	v51 =	vshll.u32 v48, $0x3;
	v48 =	vmul.u32 $0x20, v0  }
0x53c: {  	v50 =	vadd.s32 v50, v51;
	v46 =	vshll.u32 v46, $0x6  }
0x53d: {  	s0 =	simm.s32 $0x1;
	v52 =	vor.u32 s1, v48;
	v50 =	vadd.s32 v46, v50  }
0x53e: {  	v55 =	vsub.s32 $0x1000, v7;
	v51 =	vmov s0;
	s1 =	simm.s32 $0x2;
	v54 =	vand.u32 v50, v54  }
.LBB2_13:
0x53f: {  	p2 =	sne.s32 s1, $0x1F;
	vm0 =	veq.s32 v54, v53;
	vm1 =	vle.s32 v2, v55  }
0x540: {  	vm0 =	vmand vm0, vm1;
	v5 =	vpop (erf)  }
0x541: {  	v5 =	vnsel vm0, $0x0, v5  }
0x542: {  	[tilespmem:v52+s5+$0x0] =	vst.idx.msk $0xffff, v5  }
0x543: {  	v5 =	vld.idx.msk [tilespmem:v51+s17+$0x0], $0xffff;
	_ =	sdelay $0x5  }
0x544: {  	v7 =	vadd.s32 v2, v5  }
0x545: {  	v38 =	vsub.s32 v7, v1  }
0x546: {  	v7 =	vand.u32 $0x7F, v7;
	v38 =	vand.u32 $0xFFFFFF80, v38  }
0x547: {  	v7 =	vor.u32 v7, v38;
	_ =	sdelay $0x2  }
0x548: {  	v38 =	vld.idx.msk [tilespmem:v51+s18+$0x0], $0xffff;
	_ =	sdelay $0x1  }
0x549: {  	v7 =	vld.idx.msk [tilespmem:v7+s29+$0x0], $0xffff;
	_ =	sdelay $0x3  }
0x54a: {  	v38 =	vadd.f32 v38, v49;
	_ =	sdelay $0x1  }
0x54b: {  	v7 =	vadd.f32 v7, v38;
	_ =	sdelay $0x1  }
0x54c: {  	v7 =	vsub.f32 v7, v47;
	_ =	sdelay $0x1  }
0x54d: {  	v7 =	vmax.f32 v7, $-8.700000000e+01  }
0x54e: {  	v7 =	vmul.f32 $1.442695020e+00, v7;
	_ =	sdelay $0x1  }
0x54f: {  	(erf) = vpow2.f32 v7  }
0x550: {  	v7 =	vld.idx.msk [tilespmem:v51+s4+$0x0], $0xffff  }
0x551: {  	v53 =	vld.idx.msk [tilespmem:v51+s31+$0x0], $0xffff  }
.Ltmp7:
0x552: {  	(pc) =	sbr.rel @p2 .LBB2_13-.Ltmp7, $3  }
0x553: {  	_ =	sdelay $0x1  }
0x554: {  	v52 =	vor.u32 s0, v48;
	s0 =	smov.u32 s1  }
0x555: {  	s1 =	sadd.s32 $0x1, s1;
	v55 =	vsub.s32 $0x1000, v5;
	v51 =	vmov s0;
	v54 =	vand.u32 v50, v7  }
0x556: {  	_ = 	snop  }
0x557: {  	vm0 =	veq.s32 v54, v53;
	vm1 =	vle.s32 v2, v55  }
0x558: {  	vm0 =	vmand vm0, vm1;
	v5 =	vpop (erf)  }
0x559: {  	v5 =	vnsel vm0, $0x0, v5  }
0x55a: {  	[tilespmem:v52+s5+$0x0] =	vst.idx.msk $0xffff, v5  }
0x55b: {  	v5 =	vld.idx.msk [tilespmem:v51+s17+$0x0], $0xffff;
	_ =	sdelay $0x4  }
0x55c: {  	v7 =	vadd.s32 v2, v5  }
0x55d: {  	v38 =	vsub.s32 v7, v1  }
0x55e: {  	v7 =	vand.u32 $0x7F, v7;
	v38 =	vand.u32 $0xFFFFFF80, v38  }
0x55f: {  	v7 =	vor.u32 v7, v38;
	_ =	sdelay $0x2  }
0x560: {  	v56 =	vld.idx.msk [tilespmem:v51+s18+$0x0], $0xffff;
	_ =	sdelay $0x1  }
0x561: {  	v7 =	vld.idx.msk [tilespmem:v7+s29+$0x0], $0xffff;
	_ =	sdelay $0x2  }
0x562: {  	v38 =	vadd.f32 v56, v49;
	_ =	sdelay $0x1  }
0x563: {  	v7 =	vadd.f32 v7, v38;
	_ =	sdelay $0x1  }
0x564: {  	v7 =	vsub.f32 v7, v47;
	_ =	sdelay $0x1  }
0x565: {  	v7 =	vmax.f32 v7, $-8.700000000e+01  }
0x566: {  	v7 =	vmul.f32 $1.442695020e+00, v7;
	_ =	sdelay $0x1  }
0x567: {  	(erf) = vpow2.f32 v7;
	_ =	sdelay $0x1  }
0x568: {  	v7 =	vld.idx.msk [tilespmem:v51+s4+$0x0], $0xffff  }
0x569: {  	v57 =	vld.idx.msk [tilespmem:v51+s31+$0x0], $0xffff;
	_ =	sdelay $0x2  }
0x56a: {  	v46 =	vor.u32 s0, v48;
	s1 =	simm.s32 $0x0;
	v5 =	vsub.s32 $0x1000, v5  }
0x56b: {  	v58 =	vmov s1;
	v7 =	vand.u32 v50, v7  }
0x56c: {  	vm1 =	vle.s32 v2, v5;
	vm0 =	veq.s32 v7, v57  }
0x56d: {  	vm0 =	vmand vm0, vm1;
	v5 =	vpop (erf)  }
0x56e: {  	v5 =	vnsel vm0, $0x0, v5  }
0x56f: {  	[tilespmem:v46+s5+$0x0] =	vst.idx.msk $0xffff, v5  }
0x570: {  	v5 =	vld.idx.msk [tilespmem:v58+s17+$0x0], $0xffff;
	_ =	sdelay $0x4  }
0x571: {  	v7 =	vadd.s32 v9, v5  }
0x572: {  	v59 =	vsub.s32 v7, v1  }
0x573: {  	v7 =	vand.u32 $0x7F, v7;
	v38 =	vand.u32 $0xFFFFFF80, v59  }
0x574: {  	v7 =	vor.u32 v7, v38;
	_ =	sdelay $0x1  }
0x575: {  	v49 =	vld.idx.msk [tilespmem:v12+s28+$0x0], $0xffff  }
0x576: {  	v60 =	vld.idx.msk [tilespmem:v58+s18+$0x0], $0xffff;
	_ =	sdelay $0x1  }
0x577: {  	v7 =	vld.idx.msk [tilespmem:v7+s29+$0x0], $0xffff;
	_ =	sdelay $0x2  }
0x578: {  	v38 =	vadd.f32 v60, v49;
	_ =	sdelay $0x1  }
0x579: {  	v7 =	vadd.f32 v7, v38;
	_ =	sdelay $0x1  }
0x57a: {  	v7 =	vsub.f32 v7, v47;
	_ =	sdelay $0x1  }
0x57b: {  	v7 =	vmax.f32 v7, $-8.700000000e+01  }
0x57c: {  	v46 =	vld.idx.msk [tilespmem:v9+s1+$0x0], $0xffff;
	v7 =	vmul.f32 $1.442695020e+00, v7  }
0x57d: {  	v61 =	vld.idx.msk [tilespmem:v10+s1+$0x0], $0xffff  }
0x57e: {  	v62 =	vld.idx.msk [tilespmem:v11+s1+$0x0], $0xffff;
	(erf) = vpow2.f32 v7;
	_ =	sdelay $0x1  }
0x57f: {  	v63 =	vld.idx.msk [tilespmem:v58+s4+$0x0], $0xffff  }
0x580: {  	v54 =	vld.idx.msk [tilespmem:v58+s31+$0x0], $0xffff  }
0x581: {  	v50 =	vshll.u32 v61, $0x3  }
0x582: {  	v51 =	vor.u32 $0x200, v48;
	v46 =	vadd.s32 v46, v50;
	v38 =	vshll.u32 v62, $0x6  }
0x583: {  	s0 =	simm.s32 $0x1;
	v53 =	vor.u32 s1, v51;
	v50 =	vadd.s32 v38, v46  }
0x584: {  	v52 =	vmov s0;
	s1 =	simm.s32 $0x2;
	v56 =	vsub.s32 $0x1000, v5;
	v55 =	vand.u32 v50, v63  }
.LBB2_15:
0x585: {  	p2 =	sne.s32 s1, $0x1F;
	vm0 =	veq.s32 v55, v54;
	vm1 =	vle.s32 v9, v56  }
0x586: {  	vm0 =	vmand vm0, vm1;
	v5 =	vpop (erf)  }
0x587: {  	v5 =	vnsel vm0, $0x0, v5  }
0x588: {  	[tilespmem:v53+s5+$0x0] =	vst.idx.msk $0xffff, v5  }
0x589: {  	v5 =	vld.idx.msk [tilespmem:v52+s17+$0x0], $0xffff;
	_ =	sdelay $0x5  }
0x58a: {  	v7 =	vadd.s32 v9, v5  }
0x58b: {  	v38 =	vsub.s32 v7, v1  }
0x58c: {  	v7 =	vand.u32 $0x7F, v7;
	v38 =	vand.u32 $0xFFFFFF80, v38  }
0x58d: {  	v7 =	vor.u32 v7, v38;
	_ =	sdelay $0x2  }
0x58e: {  	v38 =	vld.idx.msk [tilespmem:v52+s18+$0x0], $0xffff;
	_ =	sdelay $0x1  }
0x58f: {  	v7 =	vld.idx.msk [tilespmem:v7+s29+$0x0], $0xffff;
	_ =	sdelay $0x3  }
0x590: {  	v38 =	vadd.f32 v38, v49;
	_ =	sdelay $0x1  }
0x591: {  	v7 =	vadd.f32 v7, v38;
	_ =	sdelay $0x1  }
0x592: {  	v7 =	vsub.f32 v7, v47;
	_ =	sdelay $0x1  }
0x593: {  	v7 =	vmax.f32 v7, $-8.700000000e+01  }
0x594: {  	v7 =	vmul.f32 $1.442695020e+00, v7;
	_ =	sdelay $0x1  }
0x595: {  	(erf) = vpow2.f32 v7  }
0x596: {  	v7 =	vld.idx.msk [tilespmem:v52+s4+$0x0], $0xffff  }
0x597: {  	v54 =	vld.idx.msk [tilespmem:v52+s31+$0x0], $0xffff  }
.Ltmp8:
0x598: {  	(pc) =	sbr.rel @p2 .LBB2_15-.Ltmp8, $3  }
0x599: {  	_ =	sdelay $0x1  }
0x59a: {  	v53 =	vor.u32 s0, v51;
	s0 =	smov.u32 s1  }
0x59b: {  	s1 =	sadd.s32 $0x1, s1;
	v56 =	vsub.s32 $0x1000, v5;
	v52 =	vmov s0;
	v55 =	vand.u32 v50, v7  }
0x59c: {  	_ = 	snop  }
0x59d: {  	vm0 =	veq.s32 v55, v54;
	vm1 =	vle.s32 v9, v56  }
0x59e: {  	vm0 =	vmand vm0, vm1;
	v5 =	vpop (erf)  }
0x59f: {  	v5 =	vnsel vm0, $0x0, v5  }
0x5a0: {  	[tilespmem:v53+s5+$0x0] =	vst.idx.msk $0xffff, v5  }
0x5a1: {  	v5 =	vld.idx.msk [tilespmem:v52+s17+$0x0], $0xffff;
	_ =	sdelay $0x4  }
0x5a2: {  	v7 =	vadd.s32 v9, v5  }
0x5a3: {  	v38 =	vsub.s32 v7, v1  }
0x5a4: {  	v7 =	vand.u32 $0x7F, v7;
	v38 =	vand.u32 $0xFFFFFF80, v38  }
0x5a5: {  	v7 =	vor.u32 v7, v38;
	_ =	sdelay $0x2  }
0x5a6: {  	v56 =	vld.idx.msk [tilespmem:v52+s18+$0x0], $0xffff;
	_ =	sdelay $0x1  }
0x5a7: {  	v7 =	vld.idx.msk [tilespmem:v7+s29+$0x0], $0xffff;
	_ =	sdelay $0x2  }
0x5a8: {  	v38 =	vadd.f32 v56, v49;
	_ =	sdelay $0x1  }
0x5a9: {  	v7 =	vadd.f32 v7, v38;
	_ =	sdelay $0x1  }
0x5aa: {  	v7 =	vsub.f32 v7, v47;
	_ =	sdelay $0x1  }
0x5ab: {  	v7 =	vmax.f32 v7, $-8.700000000e+01  }
0x5ac: {  	v7 =	vmul.f32 $1.442695020e+00, v7;
	_ =	sdelay $0x1  }
0x5ad: {  	(erf) = vpow2.f32 v7;
	_ =	sdelay $0x1  }
0x5ae: {  	v7 =	vld.idx.msk [tilespmem:v52+s4+$0x0], $0xffff  }
0x5af: {  	v57 =	vld.idx.msk [tilespmem:v52+s31+$0x0], $0xffff;
	_ =	sdelay $0x2  }
0x5b0: {  	v46 =	vor.u32 s0, v51;
	s1 =	simm.s32 $0x0;
	v5 =	vsub.s32 $0x1000, v5  }
0x5b1: {  	v58 =	vmov s1;
	v7 =	vand.u32 v50, v7  }
0x5b2: {  	vm1 =	vle.s32 v9, v5;
	vm0 =	veq.s32 v7, v57  }
0x5b3: {  	vm0 =	vmand vm0, vm1;
	v5 =	vpop (erf)  }
0x5b4: {  	v5 =	vnsel vm0, $0x0, v5  }
0x5b5: {  	[tilespmem:v46+s5+$0x0] =	vst.idx.msk $0xffff, v5  }
0x5b6: {  	v5 =	vld.idx.msk [tilespmem:v58+s17+$0x0], $0xffff;
	_ =	sdelay $0x4  }
0x5b7: {  	v7 =	vadd.s32 v13, v5  }
0x5b8: {  	v59 =	vsub.s32 v7, v1  }
0x5b9: {  	v7 =	vand.u32 $0x7F, v7;
	v38 =	vand.u32 $0xFFFFFF80, v59  }
0x5ba: {  	v7 =	vor.u32 v7, v38;
	_ =	sdelay $0x1  }
0x5bb: {  	v49 =	vld.idx.msk [tilespmem:v16+s28+$0x0], $0xffff  }
0x5bc: {  	v60 =	vld.idx.msk [tilespmem:v58+s18+$0x0], $0xffff;
	_ =	sdelay $0x1  }
0x5bd: {  	v7 =	vld.idx.msk [tilespmem:v7+s29+$0x0], $0xffff;
	_ =	sdelay $0x2  }
0x5be: {  	v38 =	vadd.f32 v60, v49;
	_ =	sdelay $0x1  }
0x5bf: {  	v7 =	vadd.f32 v7, v38;
	_ =	sdelay $0x1  }
0x5c0: {  	v7 =	vsub.f32 v7, v47;
	_ =	sdelay $0x1  }
0x5c1: {  	v7 =	vmax.f32 v7, $-8.700000000e+01  }
0x5c2: {  	v46 =	vld.idx.msk [tilespmem:v13+s1+$0x0], $0xffff;
	v7 =	vmul.f32 $1.442695020e+00, v7  }
0x5c3: {  	v61 =	vld.idx.msk [tilespmem:v14+s1+$0x0], $0xffff  }
0x5c4: {  	v62 =	vld.idx.msk [tilespmem:v15+s1+$0x0], $0xffff;
	(erf) = vpow2.f32 v7;
	_ =	sdelay $0x1  }
0x5c5: {  	v63 =	vld.idx.msk [tilespmem:v58+s4+$0x0], $0xffff  }
0x5c6: {  	v54 =	vld.idx.msk [tilespmem:v58+s31+$0x0], $0xffff  }
0x5c7: {  	v50 =	vshll.u32 v61, $0x3  }
0x5c8: {  	v51 =	vor.u32 $0x400, v48;
	v46 =	vadd.s32 v46, v50;
	v38 =	vshll.u32 v62, $0x6  }
0x5c9: {  	s0 =	simm.s32 $0x1;
	v53 =	vor.u32 s1, v51;
	v50 =	vadd.s32 v38, v46  }
0x5ca: {  	v52 =	vmov s0;
	s1 =	simm.s32 $0x2;
	v56 =	vsub.s32 $0x1000, v5;
	v55 =	vand.u32 v50, v63  }
.LBB2_17:
0x5cb: {  	p2 =	sne.s32 s1, $0x1F;
	vm0 =	veq.s32 v55, v54;
	vm1 =	vle.s32 v13, v56  }
0x5cc: {  	vm0 =	vmand vm0, vm1;
	v5 =	vpop (erf)  }
0x5cd: {  	v5 =	vnsel vm0, $0x0, v5  }
0x5ce: {  	[tilespmem:v53+s5+$0x0] =	vst.idx.msk $0xffff, v5  }
0x5cf: {  	v5 =	vld.idx.msk [tilespmem:v52+s17+$0x0], $0xffff;
	_ =	sdelay $0x5  }
0x5d0: {  	v7 =	vadd.s32 v13, v5  }
0x5d1: {  	v38 =	vsub.s32 v7, v1  }
0x5d2: {  	v7 =	vand.u32 $0x7F, v7;
	v38 =	vand.u32 $0xFFFFFF80, v38  }
0x5d3: {  	v7 =	vor.u32 v7, v38;
	_ =	sdelay $0x2  }
0x5d4: {  	v38 =	vld.idx.msk [tilespmem:v52+s18+$0x0], $0xffff;
	_ =	sdelay $0x1  }
0x5d5: {  	v7 =	vld.idx.msk [tilespmem:v7+s29+$0x0], $0xffff;
	_ =	sdelay $0x3  }
0x5d6: {  	v38 =	vadd.f32 v38, v49;
	_ =	sdelay $0x1  }
0x5d7: {  	v7 =	vadd.f32 v7, v38;
	_ =	sdelay $0x1  }
0x5d8: {  	v7 =	vsub.f32 v7, v47;
	_ =	sdelay $0x1  }
0x5d9: {  	v7 =	vmax.f32 v7, $-8.700000000e+01  }
0x5da: {  	v7 =	vmul.f32 $1.442695020e+00, v7;
	_ =	sdelay $0x1  }
0x5db: {  	(erf) = vpow2.f32 v7  }
0x5dc: {  	v7 =	vld.idx.msk [tilespmem:v52+s4+$0x0], $0xffff  }
0x5dd: {  	v54 =	vld.idx.msk [tilespmem:v52+s31+$0x0], $0xffff  }
.Ltmp9:
0x5de: {  	(pc) =	sbr.rel @p2 .LBB2_17-.Ltmp9, $3  }
0x5df: {  	_ =	sdelay $0x1  }
0x5e0: {  	v53 =	vor.u32 s0, v51;
	s0 =	smov.u32 s1  }
0x5e1: {  	s1 =	sadd.s32 $0x1, s1;
	v56 =	vsub.s32 $0x1000, v5;
	v52 =	vmov s0;
	v55 =	vand.u32 v50, v7  }
0x5e2: {  	_ = 	snop  }
0x5e3: {  	vm0 =	veq.s32 v55, v54;
	vm1 =	vle.s32 v13, v56  }
0x5e4: {  	vm0 =	vmand vm0, vm1;
	v5 =	vpop (erf)  }
0x5e5: {  	v5 =	vnsel vm0, $0x0, v5  }
0x5e6: {  	[tilespmem:v53+s5+$0x0] =	vst.idx.msk $0xffff, v5  }
0x5e7: {  	v5 =	vld.idx.msk [tilespmem:v52+s17+$0x0], $0xffff;
	_ =	sdelay $0x4  }
0x5e8: {  	v7 =	vadd.s32 v13, v5  }
0x5e9: {  	v38 =	vsub.s32 v7, v1  }
0x5ea: {  	v7 =	vand.u32 $0x7F, v7;
	v38 =	vand.u32 $0xFFFFFF80, v38  }
0x5eb: {  	v7 =	vor.u32 v7, v38;
	_ =	sdelay $0x2  }
0x5ec: {  	v56 =	vld.idx.msk [tilespmem:v52+s18+$0x0], $0xffff;
	_ =	sdelay $0x1  }
0x5ed: {  	v7 =	vld.idx.msk [tilespmem:v7+s29+$0x0], $0xffff;
	_ =	sdelay $0x2  }
0x5ee: {  	v38 =	vadd.f32 v56, v49;
	_ =	sdelay $0x1  }
0x5ef: {  	v7 =	vadd.f32 v7, v38;
	_ =	sdelay $0x1  }
0x5f0: {  	v7 =	vsub.f32 v7, v47;
	_ =	sdelay $0x1  }
0x5f1: {  	v7 =	vmax.f32 v7, $-8.700000000e+01  }
0x5f2: {  	v7 =	vmul.f32 $1.442695020e+00, v7;
	_ =	sdelay $0x1  }
0x5f3: {  	(erf) = vpow2.f32 v7;
	_ =	sdelay $0x1  }
0x5f4: {  	v7 =	vld.idx.msk [tilespmem:v52+s4+$0x0], $0xffff  }
0x5f5: {  	v57 =	vld.idx.msk [tilespmem:v52+s31+$0x0], $0xffff;
	_ =	sdelay $0x2  }
0x5f6: {  	v46 =	vor.u32 s0, v51;
	s1 =	simm.s32 $0x0;
	v5 =	vsub.s32 $0x1000, v5  }
0x5f7: {  	v58 =	vmov s1;
	v7 =	vand.u32 v50, v7  }
0x5f8: {  	vm1 =	vle.s32 v13, v5;
	vm0 =	veq.s32 v7, v57  }
0x5f9: {  	vm0 =	vmand vm0, vm1;
	v5 =	vpop (erf)  }
0x5fa: {  	v5 =	vnsel vm0, $0x0, v5  }
0x5fb: {  	[tilespmem:v46+s5+$0x0] =	vst.idx.msk $0xffff, v5  }
0x5fc: {  	v5 =	vld.idx.msk [tilespmem:v58+s17+$0x0], $0xffff;
	_ =	sdelay $0x4  }
0x5fd: {  	v7 =	vadd.s32 v17, v5  }
0x5fe: {  	v59 =	vsub.s32 v7, v1  }
0x5ff: {  	v7 =	vand.u32 $0x7F, v7;
	v38 =	vand.u32 $0xFFFFFF80, v59  }
0x600: {  	v7 =	vor.u32 v7, v38;
	_ =	sdelay $0x1  }
0x601: {  	v49 =	vld.idx.msk [tilespmem:v20+s28+$0x0], $0xffff  }
0x602: {  	v60 =	vld.idx.msk [tilespmem:v58+s18+$0x0], $0xffff;
	_ =	sdelay $0x1  }
0x603: {  	v7 =	vld.idx.msk [tilespmem:v7+s29+$0x0], $0xffff;
	_ =	sdelay $0x2  }
0x604: {  	v38 =	vadd.f32 v60, v49;
	_ =	sdelay $0x1  }
0x605: {  	v7 =	vadd.f32 v7, v38;
	_ =	sdelay $0x1  }
0x606: {  	v7 =	vsub.f32 v7, v47;
	_ =	sdelay $0x1  }
0x607: {  	v7 =	vmax.f32 v7, $-8.700000000e+01  }
0x608: {  	v46 =	vld.idx.msk [tilespmem:v17+s1+$0x0], $0xffff;
	v7 =	vmul.f32 $1.442695020e+00, v7  }
0x609: {  	v61 =	vld.idx.msk [tilespmem:v18+s1+$0x0], $0xffff  }
0x60a: {  	v62 =	vld.idx.msk [tilespmem:v19+s1+$0x0], $0xffff;
	(erf) = vpow2.f32 v7;
	_ =	sdelay $0x1  }
0x60b: {  	v63 =	vld.idx.msk [tilespmem:v58+s4+$0x0], $0xffff  }
0x60c: {  	v54 =	vld.idx.msk [tilespmem:v58+s31+$0x0], $0xffff  }
0x60d: {  	v50 =	vshll.u32 v61, $0x3  }
0x60e: {  	v51 =	vor.u32 $0x600, v48;
	v46 =	vadd.s32 v46, v50;
	v38 =	vshll.u32 v62, $0x6  }
0x60f: {  	s0 =	simm.s32 $0x1;
	v53 =	vor.u32 s1, v51;
	v50 =	vadd.s32 v38, v46  }
0x610: {  	v52 =	vmov s0;
	s1 =	simm.s32 $0x2;
	v56 =	vsub.s32 $0x1000, v5;
	v55 =	vand.u32 v50, v63  }
.LBB2_19:
0x611: {  	p2 =	sne.s32 s1, $0x1F;
	vm0 =	veq.s32 v55, v54;
	vm1 =	vle.s32 v17, v56  }
0x612: {  	vm0 =	vmand vm0, vm1;
	v5 =	vpop (erf)  }
0x613: {  	v5 =	vnsel vm0, $0x0, v5  }
0x614: {  	[tilespmem:v53+s5+$0x0] =	vst.idx.msk $0xffff, v5  }
0x615: {  	v5 =	vld.idx.msk [tilespmem:v52+s17+$0x0], $0xffff;
	_ =	sdelay $0x5  }
0x616: {  	v7 =	vadd.s32 v17, v5  }
0x617: {  	v38 =	vsub.s32 v7, v1  }
0x618: {  	v7 =	vand.u32 $0x7F, v7;
	v38 =	vand.u32 $0xFFFFFF80, v38  }
0x619: {  	v7 =	vor.u32 v7, v38;
	_ =	sdelay $0x2  }
0x61a: {  	v38 =	vld.idx.msk [tilespmem:v52+s18+$0x0], $0xffff;
	_ =	sdelay $0x1  }
0x61b: {  	v7 =	vld.idx.msk [tilespmem:v7+s29+$0x0], $0xffff;
	_ =	sdelay $0x3  }
0x61c: {  	v38 =	vadd.f32 v38, v49;
	_ =	sdelay $0x1  }
0x61d: {  	v7 =	vadd.f32 v7, v38;
	_ =	sdelay $0x1  }
0x61e: {  	v7 =	vsub.f32 v7, v47;
	_ =	sdelay $0x1  }
0x61f: {  	v7 =	vmax.f32 v7, $-8.700000000e+01  }
0x620: {  	v7 =	vmul.f32 $1.442695020e+00, v7;
	_ =	sdelay $0x1  }
0x621: {  	(erf) = vpow2.f32 v7  }
0x622: {  	v7 =	vld.idx.msk [tilespmem:v52+s4+$0x0], $0xffff  }
0x623: {  	v54 =	vld.idx.msk [tilespmem:v52+s31+$0x0], $0xffff  }
.Ltmp10:
0x624: {  	(pc) =	sbr.rel @p2 .LBB2_19-.Ltmp10, $3  }
0x625: {  	_ =	sdelay $0x1  }
0x626: {  	v53 =	vor.u32 s0, v51;
	s0 =	smov.u32 s1  }
0x627: {  	s1 =	sadd.s32 $0x1, s1;
	v56 =	vsub.s32 $0x1000, v5;
	v52 =	vmov s0;
	v55 =	vand.u32 v50, v7  }
0x628: {  	_ = 	snop  }
0x629: {  	vm0 =	veq.s32 v55, v54;
	vm1 =	vle.s32 v17, v56  }
0x62a: {  	vm0 =	vmand vm0, vm1;
	v5 =	vpop (erf)  }
0x62b: {  	v5 =	vnsel vm0, $0x0, v5  }
0x62c: {  	[tilespmem:v53+s5+$0x0] =	vst.idx.msk $0xffff, v5  }
0x62d: {  	v5 =	vld.idx.msk [tilespmem:v52+s17+$0x0], $0xffff;
	_ =	sdelay $0x4  }
0x62e: {  	v7 =	vadd.s32 v17, v5  }
0x62f: {  	v38 =	vsub.s32 v7, v1  }
0x630: {  	v7 =	vand.u32 $0x7F, v7;
	v38 =	vand.u32 $0xFFFFFF80, v38  }
0x631: {  	v7 =	vor.u32 v7, v38;
	_ =	sdelay $0x2  }
0x632: {  	v56 =	vld.idx.msk [tilespmem:v52+s18+$0x0], $0xffff;
	_ =	sdelay $0x1  }
0x633: {  	v7 =	vld.idx.msk [tilespmem:v7+s29+$0x0], $0xffff;
	_ =	sdelay $0x2  }
0x634: {  	v38 =	vadd.f32 v56, v49;
	_ =	sdelay $0x1  }
0x635: {  	v7 =	vadd.f32 v7, v38;
	_ =	sdelay $0x1  }
0x636: {  	v7 =	vsub.f32 v7, v47;
	_ =	sdelay $0x1  }
0x637: {  	v7 =	vmax.f32 v7, $-8.700000000e+01  }
0x638: {  	v7 =	vmul.f32 $1.442695020e+00, v7;
	_ =	sdelay $0x1  }
0x639: {  	(erf) = vpow2.f32 v7;
	_ =	sdelay $0x1  }
0x63a: {  	v7 =	vld.idx.msk [tilespmem:v52+s4+$0x0], $0xffff  }
0x63b: {  	v57 =	vld.idx.msk [tilespmem:v52+s31+$0x0], $0xffff;
	_ =	sdelay $0x2  }
0x63c: {  	v46 =	vor.u32 s0, v51;
	s1 =	simm.s32 $0x0;
	v5 =	vsub.s32 $0x1000, v5  }
0x63d: {  	v58 =	vmov s1;
	v7 =	vand.u32 v50, v7  }
0x63e: {  	vm1 =	vle.s32 v17, v5;
	vm0 =	veq.s32 v7, v57  }
0x63f: {  	vm0 =	vmand vm0, vm1;
	v5 =	vpop (erf)  }
0x640: {  	v5 =	vnsel vm0, $0x0, v5  }
0x641: {  	[tilespmem:v46+s5+$0x0] =	vst.idx.msk $0xffff, v5  }
0x642: {  	v5 =	vld.idx.msk [tilespmem:v58+s17+$0x0], $0xffff;
	_ =	sdelay $0x4  }
0x643: {  	v7 =	vadd.s32 v21, v5  }
0x644: {  	v59 =	vsub.s32 v7, v1  }
0x645: {  	v7 =	vand.u32 $0x7F, v7;
	v38 =	vand.u32 $0xFFFFFF80, v59  }
0x646: {  	v7 =	vor.u32 v7, v38;
	_ =	sdelay $0x1  }
0x647: {  	v49 =	vld.idx.msk [tilespmem:v24+s28+$0x0], $0xffff  }
0x648: {  	v60 =	vld.idx.msk [tilespmem:v58+s18+$0x0], $0xffff;
	_ =	sdelay $0x1  }
0x649: {  	v7 =	vld.idx.msk [tilespmem:v7+s29+$0x0], $0xffff;
	_ =	sdelay $0x2  }
0x64a: {  	v38 =	vadd.f32 v60, v49;
	_ =	sdelay $0x1  }
0x64b: {  	v7 =	vadd.f32 v7, v38;
	_ =	sdelay $0x1  }
0x64c: {  	v7 =	vsub.f32 v7, v47;
	_ =	sdelay $0x1  }
0x64d: {  	v7 =	vmax.f32 v7, $-8.700000000e+01  }
0x64e: {  	v46 =	vld.idx.msk [tilespmem:v21+s1+$0x0], $0xffff;
	v7 =	vmul.f32 $1.442695020e+00, v7  }
0x64f: {  	v61 =	vld.idx.msk [tilespmem:v22+s1+$0x0], $0xffff  }
0x650: {  	v62 =	vld.idx.msk [tilespmem:v23+s1+$0x0], $0xffff;
	(erf) = vpow2.f32 v7;
	_ =	sdelay $0x1  }
0x651: {  	v63 =	vld.idx.msk [tilespmem:v58+s4+$0x0], $0xffff  }
0x652: {  	v54 =	vld.idx.msk [tilespmem:v58+s31+$0x0], $0xffff  }
0x653: {  	v50 =	vshll.u32 v61, $0x3  }
0x654: {  	v51 =	vor.u32 $0x800, v48;
	v46 =	vadd.s32 v46, v50;
	v38 =	vshll.u32 v62, $0x6  }
0x655: {  	s0 =	simm.s32 $0x1;
	v53 =	vor.u32 s1, v51;
	v50 =	vadd.s32 v38, v46  }
0x656: {  	v52 =	vmov s0;
	s1 =	simm.s32 $0x2;
	v56 =	vsub.s32 $0x1000, v5;
	v55 =	vand.u32 v50, v63  }
.LBB2_21:
0x657: {  	p2 =	sne.s32 s1, $0x1F;
	vm0 =	veq.s32 v55, v54;
	vm1 =	vle.s32 v21, v56  }
0x658: {  	vm0 =	vmand vm0, vm1;
	v5 =	vpop (erf)  }
0x659: {  	v5 =	vnsel vm0, $0x0, v5  }
0x65a: {  	[tilespmem:v53+s5+$0x0] =	vst.idx.msk $0xffff, v5  }
0x65b: {  	v5 =	vld.idx.msk [tilespmem:v52+s17+$0x0], $0xffff;
	_ =	sdelay $0x5  }
0x65c: {  	v7 =	vadd.s32 v21, v5  }
0x65d: {  	v38 =	vsub.s32 v7, v1  }
0x65e: {  	v7 =	vand.u32 $0x7F, v7;
	v38 =	vand.u32 $0xFFFFFF80, v38  }
0x65f: {  	v7 =	vor.u32 v7, v38;
	_ =	sdelay $0x2  }
0x660: {  	v38 =	vld.idx.msk [tilespmem:v52+s18+$0x0], $0xffff;
	_ =	sdelay $0x1  }
0x661: {  	v7 =	vld.idx.msk [tilespmem:v7+s29+$0x0], $0xffff;
	_ =	sdelay $0x3  }
0x662: {  	v38 =	vadd.f32 v38, v49;
	_ =	sdelay $0x1  }
0x663: {  	v7 =	vadd.f32 v7, v38;
	_ =	sdelay $0x1  }
0x664: {  	v7 =	vsub.f32 v7, v47;
	_ =	sdelay $0x1  }
0x665: {  	v7 =	vmax.f32 v7, $-8.700000000e+01  }
0x666: {  	v7 =	vmul.f32 $1.442695020e+00, v7;
	_ =	sdelay $0x1  }
0x667: {  	(erf) = vpow2.f32 v7  }
0x668: {  	v7 =	vld.idx.msk [tilespmem:v52+s4+$0x0], $0xffff  }
0x669: {  	v54 =	vld.idx.msk [tilespmem:v52+s31+$0x0], $0xffff  }
.Ltmp11:
0x66a: {  	(pc) =	sbr.rel @p2 .LBB2_21-.Ltmp11, $3  }
0x66b: {  	_ =	sdelay $0x1  }
0x66c: {  	v53 =	vor.u32 s0, v51;
	s0 =	smov.u32 s1  }
0x66d: {  	s1 =	sadd.s32 $0x1, s1;
	v56 =	vsub.s32 $0x1000, v5;
	v52 =	vmov s0;
	v55 =	vand.u32 v50, v7  }
0x66e: {  	_ = 	snop  }
0x66f: {  	vm0 =	veq.s32 v55, v54;
	vm1 =	vle.s32 v21, v56  }
0x670: {  	vm0 =	vmand vm0, vm1;
	v5 =	vpop (erf)  }
0x671: {  	v5 =	vnsel vm0, $0x0, v5  }
0x672: {  	[tilespmem:v53+s5+$0x0] =	vst.idx.msk $0xffff, v5  }
0x673: {  	v5 =	vld.idx.msk [tilespmem:v52+s17+$0x0], $0xffff;
	_ =	sdelay $0x4  }
0x674: {  	v7 =	vadd.s32 v21, v5  }
0x675: {  	v38 =	vsub.s32 v7, v1  }
0x676: {  	v7 =	vand.u32 $0x7F, v7;
	v38 =	vand.u32 $0xFFFFFF80, v38  }
0x677: {  	v7 =	vor.u32 v7, v38;
	_ =	sdelay $0x2  }
0x678: {  	v56 =	vld.idx.msk [tilespmem:v52+s18+$0x0], $0xffff;
	_ =	sdelay $0x1  }
0x679: {  	v7 =	vld.idx.msk [tilespmem:v7+s29+$0x0], $0xffff;
	_ =	sdelay $0x2  }
0x67a: {  	v38 =	vadd.f32 v56, v49;
	_ =	sdelay $0x1  }
0x67b: {  	v7 =	vadd.f32 v7, v38;
	_ =	sdelay $0x1  }
0x67c: {  	v7 =	vsub.f32 v7, v47;
	_ =	sdelay $0x1  }
0x67d: {  	v7 =	vmax.f32 v7, $-8.700000000e+01  }
0x67e: {  	v7 =	vmul.f32 $1.442695020e+00, v7;
	_ =	sdelay $0x1  }
0x67f: {  	(erf) = vpow2.f32 v7;
	_ =	sdelay $0x1  }
0x680: {  	v7 =	vld.idx.msk [tilespmem:v52+s4+$0x0], $0xffff  }
0x681: {  	v57 =	vld.idx.msk [tilespmem:v52+s31+$0x0], $0xffff;
	_ =	sdelay $0x2  }
0x682: {  	v46 =	vor.u32 s0, v51;
	s1 =	simm.s32 $0x0;
	v5 =	vsub.s32 $0x1000, v5  }
0x683: {  	v58 =	vmov s1;
	v7 =	vand.u32 v50, v7  }
0x684: {  	vm1 =	vle.s32 v21, v5;
	vm0 =	veq.s32 v7, v57  }
0x685: {  	vm0 =	vmand vm0, vm1;
	v5 =	vpop (erf)  }
0x686: {  	v5 =	vnsel vm0, $0x0, v5  }
0x687: {  	[tilespmem:v46+s5+$0x0] =	vst.idx.msk $0xffff, v5  }
0x688: {  	v5 =	vld.idx.msk [tilespmem:v58+s17+$0x0], $0xffff;
	_ =	sdelay $0x4  }
0x689: {  	v7 =	vadd.s32 v25, v5  }
0x68a: {  	v59 =	vsub.s32 v7, v1  }
0x68b: {  	v7 =	vand.u32 $0x7F, v7;
	v38 =	vand.u32 $0xFFFFFF80, v59  }
0x68c: {  	v7 =	vor.u32 v7, v38;
	_ =	sdelay $0x1  }
0x68d: {  	v49 =	vld.idx.msk [tilespmem:v28+s28+$0x0], $0xffff  }
0x68e: {  	v60 =	vld.idx.msk [tilespmem:v58+s18+$0x0], $0xffff;
	_ =	sdelay $0x1  }
0x68f: {  	v7 =	vld.idx.msk [tilespmem:v7+s29+$0x0], $0xffff;
	_ =	sdelay $0x2  }
0x690: {  	v38 =	vadd.f32 v60, v49;
	_ =	sdelay $0x1  }
0x691: {  	v7 =	vadd.f32 v7, v38;
	_ =	sdelay $0x1  }
0x692: {  	v7 =	vsub.f32 v7, v47;
	_ =	sdelay $0x1  }
0x693: {  	v7 =	vmax.f32 v7, $-8.700000000e+01  }
0x694: {  	v46 =	vld.idx.msk [tilespmem:v25+s1+$0x0], $0xffff;
	v7 =	vmul.f32 $1.442695020e+00, v7  }
0x695: {  	v61 =	vld.idx.msk [tilespmem:v26+s1+$0x0], $0xffff  }
0x696: {  	v62 =	vld.idx.msk [tilespmem:v27+s1+$0x0], $0xffff;
	(erf) = vpow2.f32 v7;
	_ =	sdelay $0x1  }
0x697: {  	v63 =	vld.idx.msk [tilespmem:v58+s4+$0x0], $0xffff  }
0x698: {  	v54 =	vld.idx.msk [tilespmem:v58+s31+$0x0], $0xffff  }
0x699: {  	v50 =	vshll.u32 v61, $0x3  }
0x69a: {  	v51 =	vor.u32 $0xA00, v48;
	v46 =	vadd.s32 v46, v50;
	v38 =	vshll.u32 v62, $0x6  }
0x69b: {  	s0 =	simm.s32 $0x1;
	v53 =	vor.u32 s1, v51;
	v50 =	vadd.s32 v38, v46  }
0x69c: {  	v52 =	vmov s0;
	s1 =	simm.s32 $0x2;
	v56 =	vsub.s32 $0x1000, v5;
	v55 =	vand.u32 v50, v63  }
.LBB2_23:
0x69d: {  	p2 =	sne.s32 s1, $0x1F;
	vm0 =	veq.s32 v55, v54;
	vm1 =	vle.s32 v25, v56  }
0x69e: {  	vm0 =	vmand vm0, vm1;
	v5 =	vpop (erf)  }
0x69f: {  	v5 =	vnsel vm0, $0x0, v5  }
0x6a0: {  	[tilespmem:v53+s5+$0x0] =	vst.idx.msk $0xffff, v5  }
0x6a1: {  	v5 =	vld.idx.msk [tilespmem:v52+s17+$0x0], $0xffff;
	_ =	sdelay $0x5  }
0x6a2: {  	v7 =	vadd.s32 v25, v5  }
0x6a3: {  	v38 =	vsub.s32 v7, v1  }
0x6a4: {  	v7 =	vand.u32 $0x7F, v7;
	v38 =	vand.u32 $0xFFFFFF80, v38  }
0x6a5: {  	v7 =	vor.u32 v7, v38;
	_ =	sdelay $0x2  }
0x6a6: {  	v38 =	vld.idx.msk [tilespmem:v52+s18+$0x0], $0xffff;
	_ =	sdelay $0x1  }
0x6a7: {  	v7 =	vld.idx.msk [tilespmem:v7+s29+$0x0], $0xffff;
	_ =	sdelay $0x3  }
0x6a8: {  	v38 =	vadd.f32 v38, v49;
	_ =	sdelay $0x1  }
0x6a9: {  	v7 =	vadd.f32 v7, v38;
	_ =	sdelay $0x1  }
0x6aa: {  	v7 =	vsub.f32 v7, v47;
	_ =	sdelay $0x1  }
0x6ab: {  	v7 =	vmax.f32 v7, $-8.700000000e+01  }
0x6ac: {  	v7 =	vmul.f32 $1.442695020e+00, v7;
	_ =	sdelay $0x1  }
0x6ad: {  	(erf) = vpow2.f32 v7  }
0x6ae: {  	v7 =	vld.idx.msk [tilespmem:v52+s4+$0x0], $0xffff  }
0x6af: {  	v54 =	vld.idx.msk [tilespmem:v52+s31+$0x0], $0xffff  }
.Ltmp12:
0x6b0: {  	(pc) =	sbr.rel @p2 .LBB2_23-.Ltmp12, $3  }
0x6b1: {  	_ =	sdelay $0x1  }
0x6b2: {  	v53 =	vor.u32 s0, v51;
	s0 =	smov.u32 s1  }
0x6b3: {  	s1 =	sadd.s32 $0x1, s1;
	v56 =	vsub.s32 $0x1000, v5;
	v52 =	vmov s0;
	v55 =	vand.u32 v50, v7  }
0x6b4: {  	_ = 	snop  }
0x6b5: {  	vm0 =	veq.s32 v55, v54;
	vm1 =	vle.s32 v25, v56  }
0x6b6: {  	vm0 =	vmand vm0, vm1;
	v5 =	vpop (erf)  }
0x6b7: {  	v5 =	vnsel vm0, $0x0, v5  }
0x6b8: {  	[tilespmem:v53+s5+$0x0] =	vst.idx.msk $0xffff, v5  }
0x6b9: {  	v5 =	vld.idx.msk [tilespmem:v52+s17+$0x0], $0xffff;
	_ =	sdelay $0x4  }
0x6ba: {  	v7 =	vadd.s32 v25, v5  }
0x6bb: {  	v38 =	vsub.s32 v7, v1  }
0x6bc: {  	v7 =	vand.u32 $0x7F, v7;
	v38 =	vand.u32 $0xFFFFFF80, v38  }
0x6bd: {  	v7 =	vor.u32 v7, v38;
	_ =	sdelay $0x2  }
0x6be: {  	v56 =	vld.idx.msk [tilespmem:v52+s18+$0x0], $0xffff;
	_ =	sdelay $0x1  }
0x6bf: {  	v7 =	vld.idx.msk [tilespmem:v7+s29+$0x0], $0xffff;
	_ =	sdelay $0x2  }
0x6c0: {  	v38 =	vadd.f32 v56, v49;
	_ =	sdelay $0x1  }
0x6c1: {  	v7 =	vadd.f32 v7, v38;
	_ =	sdelay $0x1  }
0x6c2: {  	v7 =	vsub.f32 v7, v47;
	_ =	sdelay $0x1  }
0x6c3: {  	v7 =	vmax.f32 v7, $-8.700000000e+01  }
0x6c4: {  	v7 =	vmul.f32 $1.442695020e+00, v7;
	_ =	sdelay $0x1  }
0x6c5: {  	(erf) = vpow2.f32 v7;
	_ =	sdelay $0x1  }
0x6c6: {  	v7 =	vld.idx.msk [tilespmem:v52+s4+$0x0], $0xffff  }
0x6c7: {  	v57 =	vld.idx.msk [tilespmem:v52+s31+$0x0], $0xffff;
	_ =	sdelay $0x2  }
0x6c8: {  	v46 =	vor.u32 s0, v51;
	s1 =	simm.s32 $0x0;
	v5 =	vsub.s32 $0x1000, v5  }
0x6c9: {  	v58 =	vmov s1;
	v7 =	vand.u32 v50, v7  }
0x6ca: {  	vm1 =	vle.s32 v25, v5;
	vm0 =	veq.s32 v7, v57  }
0x6cb: {  	vm0 =	vmand vm0, vm1;
	v5 =	vpop (erf)  }
0x6cc: {  	v5 =	vnsel vm0, $0x0, v5  }
0x6cd: {  	[tilespmem:v46+s5+$0x0] =	vst.idx.msk $0xffff, v5  }
0x6ce: {  	v5 =	vld.idx.msk [tilespmem:v58+s17+$0x0], $0xffff;
	_ =	sdelay $0x4  }
0x6cf: {  	v7 =	vadd.s32 v29, v5  }
0x6d0: {  	v59 =	vsub.s32 v7, v1  }
0x6d1: {  	v7 =	vand.u32 $0x7F, v7;
	v38 =	vand.u32 $0xFFFFFF80, v59  }
0x6d2: {  	v7 =	vor.u32 v7, v38;
	_ =	sdelay $0x1  }
0x6d3: {  	v49 =	vld.idx.msk [tilespmem:v32+s28+$0x0], $0xffff  }
0x6d4: {  	v60 =	vld.idx.msk [tilespmem:v58+s18+$0x0], $0xffff;
	_ =	sdelay $0x1  }
0x6d5: {  	v7 =	vld.idx.msk [tilespmem:v7+s29+$0x0], $0xffff;
	_ =	sdelay $0x2  }
0x6d6: {  	v38 =	vadd.f32 v60, v49;
	_ =	sdelay $0x1  }
0x6d7: {  	v7 =	vadd.f32 v7, v38;
	_ =	sdelay $0x1  }
0x6d8: {  	v7 =	vsub.f32 v7, v47;
	_ =	sdelay $0x1  }
0x6d9: {  	v7 =	vmax.f32 v7, $-8.700000000e+01  }
0x6da: {  	v46 =	vld.idx.msk [tilespmem:v29+s1+$0x0], $0xffff;
	v7 =	vmul.f32 $1.442695020e+00, v7  }
0x6db: {  	v61 =	vld.idx.msk [tilespmem:v30+s1+$0x0], $0xffff  }
0x6dc: {  	v62 =	vld.idx.msk [tilespmem:v31+s1+$0x0], $0xffff;
	(erf) = vpow2.f32 v7;
	_ =	sdelay $0x1  }
0x6dd: {  	v63 =	vld.idx.msk [tilespmem:v58+s4+$0x0], $0xffff  }
0x6de: {  	v54 =	vld.idx.msk [tilespmem:v58+s31+$0x0], $0xffff  }
0x6df: {  	v50 =	vshll.u32 v61, $0x3  }
0x6e0: {  	v51 =	vor.u32 $0xC00, v48;
	v46 =	vadd.s32 v46, v50;
	v38 =	vshll.u32 v62, $0x6  }
0x6e1: {  	s0 =	simm.s32 $0x1;
	v53 =	vor.u32 s1, v51;
	v50 =	vadd.s32 v38, v46  }
0x6e2: {  	v52 =	vmov s0;
	s1 =	simm.s32 $0x2;
	v56 =	vsub.s32 $0x1000, v5;
	v55 =	vand.u32 v50, v63  }
.LBB2_25:
0x6e3: {  	p2 =	sne.s32 s1, $0x1F;
	vm0 =	veq.s32 v55, v54;
	vm1 =	vle.s32 v29, v56  }
0x6e4: {  	vm0 =	vmand vm0, vm1;
	v5 =	vpop (erf)  }
0x6e5: {  	v5 =	vnsel vm0, $0x0, v5  }
0x6e6: {  	[tilespmem:v53+s5+$0x0] =	vst.idx.msk $0xffff, v5  }
0x6e7: {  	v5 =	vld.idx.msk [tilespmem:v52+s17+$0x0], $0xffff;
	_ =	sdelay $0x5  }
0x6e8: {  	v7 =	vadd.s32 v29, v5  }
0x6e9: {  	v38 =	vsub.s32 v7, v1  }
0x6ea: {  	v7 =	vand.u32 $0x7F, v7;
	v38 =	vand.u32 $0xFFFFFF80, v38  }
0x6eb: {  	v7 =	vor.u32 v7, v38;
	_ =	sdelay $0x2  }
0x6ec: {  	v38 =	vld.idx.msk [tilespmem:v52+s18+$0x0], $0xffff;
	_ =	sdelay $0x1  }
0x6ed: {  	v7 =	vld.idx.msk [tilespmem:v7+s29+$0x0], $0xffff;
	_ =	sdelay $0x3  }
0x6ee: {  	v38 =	vadd.f32 v38, v49;
	_ =	sdelay $0x1  }
0x6ef: {  	v7 =	vadd.f32 v7, v38;
	_ =	sdelay $0x1  }
0x6f0: {  	v7 =	vsub.f32 v7, v47;
	_ =	sdelay $0x1  }
0x6f1: {  	v7 =	vmax.f32 v7, $-8.700000000e+01  }
0x6f2: {  	v7 =	vmul.f32 $1.442695020e+00, v7;
	_ =	sdelay $0x1  }
0x6f3: {  	(erf) = vpow2.f32 v7  }
0x6f4: {  	v7 =	vld.idx.msk [tilespmem:v52+s4+$0x0], $0xffff  }
0x6f5: {  	v54 =	vld.idx.msk [tilespmem:v52+s31+$0x0], $0xffff  }
.Ltmp13:
0x6f6: {  	(pc) =	sbr.rel @p2 .LBB2_25-.Ltmp13, $3  }
0x6f7: {  	_ =	sdelay $0x1  }
0x6f8: {  	v53 =	vor.u32 s0, v51;
	s0 =	smov.u32 s1  }
0x6f9: {  	s1 =	sadd.s32 $0x1, s1;
	v56 =	vsub.s32 $0x1000, v5;
	v52 =	vmov s0;
	v55 =	vand.u32 v50, v7  }
0x6fa: {  	_ = 	snop  }
0x6fb: {  	vm0 =	veq.s32 v55, v54;
	vm1 =	vle.s32 v29, v56  }
0x6fc: {  	vm0 =	vmand vm0, vm1;
	v5 =	vpop (erf)  }
0x6fd: {  	v5 =	vnsel vm0, $0x0, v5  }
0x6fe: {  	[tilespmem:v53+s5+$0x0] =	vst.idx.msk $0xffff, v5  }
0x6ff: {  	v5 =	vld.idx.msk [tilespmem:v52+s17+$0x0], $0xffff;
	_ =	sdelay $0x4  }
0x700: {  	v7 =	vadd.s32 v29, v5  }
0x701: {  	v38 =	vsub.s32 v7, v1  }
0x702: {  	v7 =	vand.u32 $0x7F, v7;
	v38 =	vand.u32 $0xFFFFFF80, v38  }
0x703: {  	v7 =	vor.u32 v7, v38;
	_ =	sdelay $0x2  }
0x704: {  	v56 =	vld.idx.msk [tilespmem:v52+s18+$0x0], $0xffff;
	_ =	sdelay $0x1  }
0x705: {  	v7 =	vld.idx.msk [tilespmem:v7+s29+$0x0], $0xffff;
	_ =	sdelay $0x2  }
0x706: {  	v38 =	vadd.f32 v56, v49;
	_ =	sdelay $0x1  }
0x707: {  	v7 =	vadd.f32 v7, v38;
	_ =	sdelay $0x1  }
0x708: {  	v7 =	vsub.f32 v7, v47;
	_ =	sdelay $0x1  }
0x709: {  	v7 =	vmax.f32 v7, $-8.700000000e+01  }
0x70a: {  	v7 =	vmul.f32 $1.442695020e+00, v7;
	_ =	sdelay $0x1  }
0x70b: {  	(erf) = vpow2.f32 v7;
	_ =	sdelay $0x1  }
0x70c: {  	v7 =	vld.idx.msk [tilespmem:v52+s4+$0x0], $0xffff  }
0x70d: {  	v57 =	vld.idx.msk [tilespmem:v52+s31+$0x0], $0xffff;
	_ =	sdelay $0x2  }
0x70e: {  	v46 =	vor.u32 s0, v51;
	s1 =	simm.s32 $0x0;
	v5 =	vsub.s32 $0x1000, v5  }
0x70f: {  	v58 =	vmov s1;
	v7 =	vand.u32 v50, v7  }
0x710: {  	vm1 =	vle.s32 v29, v5;
	vm0 =	veq.s32 v7, v57  }
0x711: {  	vm0 =	vmand vm0, vm1;
	v5 =	vpop (erf)  }
0x712: {  	v5 =	vnsel vm0, $0x0, v5  }
0x713: {  	[tilespmem:v46+s5+$0x0] =	vst.idx.msk $0xffff, v5  }
0x714: {  	v5 =	vld.idx.msk [tilespmem:v58+s17+$0x0], $0xffff;
	_ =	sdelay $0x4  }
0x715: {  	v7 =	vadd.s32 v33, v5  }
0x716: {  	v59 =	vsub.s32 v7, v1  }
0x717: {  	v7 =	vand.u32 $0x7F, v7;
	v38 =	vand.u32 $0xFFFFFF80, v59  }
0x718: {  	v7 =	vor.u32 v7, v38;
	_ =	sdelay $0x1  }
0x719: {  	v49 =	vld.idx.msk [tilespmem:v37+s28+$0x0], $0xffff  }
0x71a: {  	v60 =	vld.idx.msk [tilespmem:v58+s18+$0x0], $0xffff;
	_ =	sdelay $0x1  }
0x71b: {  	v7 =	vld.idx.msk [tilespmem:v7+s29+$0x0], $0xffff;
	_ =	sdelay $0x2  }
0x71c: {  	v38 =	vadd.f32 v60, v49;
	_ =	sdelay $0x1  }
0x71d: {  	v7 =	vadd.f32 v7, v38;
	_ =	sdelay $0x1  }
0x71e: {  	v7 =	vsub.f32 v7, v47;
	_ =	sdelay $0x1  }
0x71f: {  	v7 =	vmax.f32 v7, $-8.700000000e+01  }
0x720: {  	v46 =	vld.idx.msk [tilespmem:v33+s1+$0x0], $0xffff;
	v7 =	vmul.f32 $1.442695020e+00, v7  }
0x721: {  	v61 =	vld.idx.msk [tilespmem:v34+s1+$0x0], $0xffff  }
0x722: {  	v62 =	vld.idx.msk [tilespmem:v36+s1+$0x0], $0xffff;
	(erf) = vpow2.f32 v7;
	_ =	sdelay $0x1  }
0x723: {  	v63 =	vld.idx.msk [tilespmem:v58+s4+$0x0], $0xffff  }
0x724: {  	v53 =	vld.idx.msk [tilespmem:v58+s31+$0x0], $0xffff  }
0x725: {  	v50 =	vshll.u32 v61, $0x3  }
0x726: {  	v46 =	vadd.s32 v46, v50;
	v50 =	vor.u32 $0xE00, v48;
	v38 =	vshll.u32 v62, $0x6  }
0x727: {  	s0 =	simm.s32 $0x1;
	v52 =	vor.u32 s1, v50;
	v48 =	vadd.s32 v38, v46  }
0x728: {  	v51 =	vmov s0;
	v55 =	vsub.s32 $0x1000, v5;
	s1 =	simm.s32 $0x2;
	v54 =	vand.u32 v48, v63  }
.LBB2_27:
0x729: {  	p2 =	sne.s32 s1, $0x1F;
	vm0 =	veq.s32 v54, v53;
	vm1 =	vle.s32 v33, v55  }
0x72a: {  	vm0 =	vmand vm0, vm1;
	v5 =	vpop (erf)  }
0x72b: {  	v5 =	vnsel vm0, $0x0, v5  }
0x72c: {  	[tilespmem:v52+s5+$0x0] =	vst.idx.msk $0xffff, v5  }
0x72d: {  	v5 =	vld.idx.msk [tilespmem:v51+s17+$0x0], $0xffff;
	_ =	sdelay $0x5  }
0x72e: {  	v7 =	vadd.s32 v33, v5  }
0x72f: {  	v38 =	vsub.s32 v7, v1  }
0x730: {  	v7 =	vand.u32 $0x7F, v7;
	v38 =	vand.u32 $0xFFFFFF80, v38  }
0x731: {  	v7 =	vor.u32 v7, v38;
	_ =	sdelay $0x2  }
0x732: {  	v38 =	vld.idx.msk [tilespmem:v51+s18+$0x0], $0xffff;
	_ =	sdelay $0x1  }
0x733: {  	v7 =	vld.idx.msk [tilespmem:v7+s29+$0x0], $0xffff;
	_ =	sdelay $0x3  }
0x734: {  	v38 =	vadd.f32 v38, v49;
	_ =	sdelay $0x1  }
0x735: {  	v7 =	vadd.f32 v7, v38;
	_ =	sdelay $0x1  }
0x736: {  	v7 =	vsub.f32 v7, v47;
	_ =	sdelay $0x1  }
0x737: {  	v7 =	vmax.f32 v7, $-8.700000000e+01  }
0x738: {  	v7 =	vmul.f32 $1.442695020e+00, v7;
	_ =	sdelay $0x1  }
0x739: {  	(erf) = vpow2.f32 v7  }
0x73a: {  	v7 =	vld.idx.msk [tilespmem:v51+s4+$0x0], $0xffff  }
0x73b: {  	v53 =	vld.idx.msk [tilespmem:v51+s31+$0x0], $0xffff  }
.Ltmp14:
0x73c: {  	(pc) =	sbr.rel @p2 .LBB2_27-.Ltmp14, $3  }
0x73d: {  	_ =	sdelay $0x1  }
0x73e: {  	v52 =	vor.u32 s0, v50;
	s0 =	smov.u32 s1  }
0x73f: {  	s1 =	sadd.s32 $0x1, s1;
	v55 =	vsub.s32 $0x1000, v5;
	v51 =	vmov s0;
	v54 =	vand.u32 v48, v7  }
0x740: {  	_ = 	snop  }
0x741: {  	vm0 =	veq.s32 v54, v53;
	vm1 =	vle.s32 v33, v55  }
0x742: {  	vm0 =	vmand vm0, vm1;
	v5 =	vpop (erf)  }
0x743: {  	v5 =	vnsel vm0, $0x0, v5  }
0x744: {  	[tilespmem:v52+s5+$0x0] =	vst.idx.msk $0xffff, v5  }
0x745: {  	v5 =	vld.idx.msk [tilespmem:v51+s17+$0x0], $0xffff;
	_ =	sdelay $0x4  }
0x746: {  	v7 =	vadd.s32 v33, v5  }
0x747: {  	v38 =	vsub.s32 v7, v1  }
0x748: {  	v7 =	vand.u32 $0x7F, v7;
	v38 =	vand.u32 $0xFFFFFF80, v38  }
0x749: {  	v7 =	vor.u32 v7, v38;
	_ =	sdelay $0x2  }
0x74a: {  	v62 =	vld.idx.msk [tilespmem:v51+s18+$0x0], $0xffff;
	_ =	sdelay $0x1  }
0x74b: {  	v7 =	vld.idx.msk [tilespmem:v7+s29+$0x0], $0xffff;
	_ =	sdelay $0x2  }
0x74c: {  	v38 =	vadd.f32 v62, v49;
	_ =	sdelay $0x1  }
0x74d: {  	v7 =	vadd.f32 v7, v38;
	_ =	sdelay $0x1  }
0x74e: {  	v7 =	vsub.f32 v7, v47;
	_ =	sdelay $0x1  }
0x74f: {  	v7 =	vmax.f32 v7, $-8.700000000e+01  }
0x750: {  	v7 =	vmul.f32 $1.442695020e+00, v7;
	_ =	sdelay $0x1  }
0x751: {  	(erf) = vpow2.f32 v7;
	_ =	sdelay $0x1  }
0x752: {  	v7 =	vld.idx.msk [tilespmem:v51+s4+$0x0], $0xffff  }
0x753: {  	v63 =	vld.idx.msk [tilespmem:v51+s31+$0x0], $0xffff;
	_ =	sdelay $0x2  }
0x754: {  	v46 =	vor.u32 s0, v50;
	v5 =	vsub.s32 $0x1000, v5  }
0x755: {  	v7 =	vand.u32 v48, v7  }
0x756: {  	vm1 =	vle.s32 v33, v5;
	vm0 =	veq.s32 v7, v63  }
0x757: {  	s3 =	sadd.s32 $0x1, s3;
	vm0 =	vmand vm0, vm1;
	v5 =	vpop (erf)  }
0x758: {  	p2 =	sne.s32 s3, s13;
	v5 =	vnsel vm0, $0x0, v5  }
.Ltmp15:
0x759: {  	[tilespmem:v46+s5+$0x0] =	vst.idx.msk $0xffff, v5;
	(pc) =	sbr.rel @p2 .LBB2_1-.Ltmp15, $4  }
0x75a: {  	[hbm4b:s12+s6] =	stream.linear.scatter [tilespmem:s5], [sflag:$0x1], $0x1000, $0x38;
	[tilespmem:$0x6F10] =	vst v63  }
0x75b: {  	_ =	swait.ge [sflag:s15], $0x1000  }
0x75c: {  	[sflag:s15] =	ssyncset.done $0x0  }
0x75d: {  	[sflag:s15] =	ssyncadd.s32 $0xFFFFF000  }
0x75e: {  	_ =	sfence.sel $0x180000  }
0x75f: {  	[bflag:$0x0] =	sbarrier.arrive $0xFFFF  }
0x760: {  	_ =	strace $0x90000047  }
0x761: {  	[bflag:$0x2] =	sbarrier.arrive $0xFFFF  }
0x762: {  	s0 =	rddreg [dreg:$0x7]  }
0x763: {  	s0 =	sadd.s32 @!p1 $0x100000, s0  }
0x764: {  	[sflag:s0] =	ssyncadd.tile.s32 @!p1 $0x1;
	_ =	shalt  }
.Lfunc_end2:
_tile_overlayer_lowered:
.L_overlay_start_2:
0x765: {  	(tag) =	ssettag $0x2  }
0x766: {  	s0 =	rddreg [dreg:$0x0];
	s2 =	stileid.u32  }
0x767: {  	s1 =	rddreg [dreg:$0x1];
	p0 =	sne.s32 s2, $0x0  }
0x768: {  	s3 =	rddreg [dreg:$0x2];
	[bflag:$0x3] =	sbarrier.arrive $0xFFFF;
	s2 =	simm.s32 @!p0 $0x1C01  }
0x769: {  	[timem:s3], [sflag:s2] =	dma.local @!p0 [hbm:s0], s1  }
0x76a: {  	s0 =	simm.s32 @!p0 $0x1  }
0x76b: {  	_ =	swait.ge @!p0 [sflag:s0], s1  }
0x76c: {  	s1 =	ssub.s32 @!p0 $0x0, s1;
	[sflag:s0] =	ssyncset.done @!p0 $0x0  }
0x76d: {  	[sflag:s0] =	ssyncadd.s32 @!p0 s1  }
0x76e: {  	[bflag:$0x3] =	sbarrier.arrive $0xFFFF  }
0x76f: {  	_ =	shalt  }

</sc_bundles>
